<compile_context>
chip_gen: v7x
topology: tpu7x:2x2x1
jax: 0.10.2.dev20260603
libtpu: 0.0.44.dev20260713+nightly
codegen_flags: <defaults>
</compile_context>

<pallas_src>
import functools
import math

import jax
import jax.numpy as jnp
from jax import lax
from jax.experimental import pallas as pl
from jax.experimental.pallas import tpu as pltpu
from jax.experimental.pallas import tpu_sc as plsc

N = 10000
E = 160000
D = 256
HD = 128
ACC_W = 144
NB = 10
RB = N // NB

NUM_TILES = 16
NP = N + 8
CHUNK = 32
EPT = 10048
EP = EPT * NUM_TILES
NCH = EPT // CHUNK
ROWS_PER_TILE = N // NUM_TILES


def _proj_body(h_ref, wq, bq, wk, bk, wv, bv, wm, bm, wat, bat,
               q0, q1, k0, k1, v0, v1):
    hb = h_ref[:, :]
    f32 = jnp.float32
    q = jnp.dot(hb, wq[:, :], preferred_element_type=f32) + bq[:, :]
    kt = jnp.dot(hb, wk[:, :], preferred_element_type=f32) + bk[:, :]
    k = jnp.dot(kt, wat[:, :], preferred_element_type=f32) + bat[:, :]
    vt = jnp.dot(hb, wv[:, :], preferred_element_type=f32) + bv[:, :]
    v = jnp.dot(vt, wm[:, :], preferred_element_type=f32) + bm[:, :]
    q0[:, :] = q[:, :HD]
    q1[:, :] = q[:, HD:]
    k0[:, :] = k[:, :HD]
    k1[:, :] = k[:, HD:]
    v0[:, :] = v[:, :HD]
    v1[:, :] = v[:, HD:]


def _project(h, Wq, bq, Wk, bk, Wv, bv, Wm, bm, Wat, bat):
    wspec = pl.BlockSpec((D, D), lambda i: (0, 0))
    bspec = pl.BlockSpec((1, D), lambda i: (0, 0))
    hspec = pl.BlockSpec((RB, D), lambda i: (i, 0))
    ospec = pl.BlockSpec((RB, HD), lambda i: (i, 0))
    out = jax.ShapeDtypeStruct((N, HD), jnp.float32)
    return pl.pallas_call(
        _proj_body,
        grid=(NB,),
        in_specs=[hspec, wspec, bspec, wspec, bspec, wspec, bspec,
                  wspec, bspec, wspec, bspec],
        out_specs=[ospec] * 6,
        out_shape=[out] * 6,
    )(h, Wq, bq.reshape(1, D), Wk, bk.reshape(1, D), Wv, bv.reshape(1, D),
      Wm, bm.reshape(1, D), Wat, bat.reshape(1, D))


def _sc_half(k_hbm, q_hbm, v_hbm, src_hbm, dst_hbm, outv_hbm, outd_hbm,
             accv, accd, src_i, dst_i, dst_s, kb, qb, vb, exb, kp, qp,
             gsem, vsem, ssem, isem):
    sid = lax.axis_index("s")
    zeros16 = jnp.zeros((16,), jnp.float32)
    lanes = jnp.arange(16, dtype=jnp.int32)

    def zrow(e, _):
        for j in range(HD // 16):
            vb[0][e, pl.ds(j * 16, 16)] = zeros16
        exb[0][e, :] = zeros16
        return _
    lax.fori_loop(0, CHUNK, zrow, None)

    row0 = sid * ROWS_PER_TILE
    def zacc(j, _):
        pltpu.sync_copy(vb[0].at[pl.ds(0, CHUNK)],
                        accv.at[pl.ds(row0 + j * CHUNK, CHUNK)])
        pltpu.sync_copy(exb[0].at[pl.ds(0, CHUNK)],
                        accd.at[pl.ds(row0 + j * CHUNK, CHUNK)])
        return _
    lax.fori_loop(0, 19, zacc, None)
    pltpu.sync_copy(vb[0].at[pl.ds(0, 17)], accv.at[pl.ds(row0 + 608, 17)])
    pltpu.sync_copy(exb[0].at[pl.ds(0, 17)], accd.at[pl.ds(row0 + 608, 17)])

    ebase = sid * EPT

    pltpu.sync_copy(src_hbm.at[pl.ds(ebase, CHUNK)], src_i[0])
    pltpu.sync_copy(dst_hbm.at[pl.ds(ebase, CHUNK)], dst_i[0])
    pltpu.async_copy(k_hbm.at[src_i[0]], kb[0], gsem[0])
    pltpu.async_copy(q_hbm.at[dst_i[0]], qb[0], gsem[0])
    pltpu.async_copy(v_hbm.at[src_i[0]], vb[0], vsem[0])
    pltpu.async_copy(src_hbm.at[pl.ds(ebase + CHUNK, CHUNK)], src_i[1], isem[1])
    pltpu.async_copy(dst_hbm.at[pl.ds(ebase + CHUNK, CHUNK)], dst_i[1], isem[1])
    plsc.subcore_barrier()

    def pair_body(p, _):
        for b in (0, 1):
            o = 1 - b
            g = 2 * p + b

            @pl.when(g < NCH - 1)
            def _():
                nbase = ebase + (g + 1) * CHUNK
                pltpu.make_async_copy(src_hbm.at[pl.ds(nbase, CHUNK)],
                                      src_i[o], isem[o]).wait()
                pltpu.make_async_copy(dst_hbm.at[pl.ds(nbase, CHUNK)],
                                      dst_i[o], isem[o]).wait()
                pltpu.async_copy(k_hbm.at[src_i[o]], kb[o], gsem[o])
                pltpu.async_copy(q_hbm.at[dst_i[o]], qb[o], gsem[o])

            pltpu.make_async_copy(k_hbm.at[src_i[b]], kb[b], gsem[b]).wait()
            pltpu.make_async_copy(q_hbm.at[dst_i[b]], qb[b], gsem[b]).wait()
            def rs_body(e, _):
                for j in range(8):
                    kp[pl.ds(e * 129 + j * 16, 16)] = kb[b][e, pl.ds(j * 16, 16)]
                    qp[pl.ds(e * 129 + j * 16, 16)] = qb[b][e, pl.ds(j * 16, 16)]
                return _
            lax.fori_loop(0, CHUNK, rs_body, None)

            for gg in range(CHUNK // 16):
                eidx = gg * 16 + lanes

                eidx129 = eidx * 129

                def d_body(d, accs):
                    new_accs = []
                    for h in range(8):
                        flat = eidx129 + (h * 16) + d
                        kv = plsc.load_gather(kp, [flat])
                        qv = plsc.load_gather(qp, [flat])
                        new_accs.append(accs[h] + kv * qv)
                    return tuple(new_accs)
                accs = lax.fori_loop(0, 16, d_body, (zeros16,) * 8)
                for h in range(8):
                    ex = jnp.exp(accs[h] * 0.25)
                    plsc.store_scatter(
                        exb[b], [eidx, jnp.full((16,), h, jnp.int32)], ex)

            @pl.when(g >= 1)
            def _():
                pltpu.make_async_copy(vb[o], accv.at[dst_s[o]], ssem[o]).wait()
                pltpu.make_async_copy(exb[o], accd.at[dst_s[o]], ssem[o]).wait()

            @pl.when(g < NCH - 1)
            def _():
                pltpu.async_copy(v_hbm.at[src_i[o]], vb[o], vsem[o])

            pltpu.make_async_copy(v_hbm.at[src_i[b]], vb[b], vsem[b]).wait()

            def wt_body(e, _):
                ev = exb[b][e, :]
                for h in range(8):
                    x = ev[h]
                    vb[b][e, pl.ds(h * 16, 16)] = vb[b][e, pl.ds(h * 16, 16)] * x
                return _
            lax.fori_loop(0, CHUNK, wt_body, None)

            for j in range(CHUNK // 16):
                dst_s[b][pl.ds(j * 16, 16)] = dst_i[b][pl.ds(j * 16, 16)]

            pltpu.async_copy(vb[b], accv.at[dst_s[b]], ssem[b], add=True)
            pltpu.async_copy(exb[b], accd.at[dst_s[b]], ssem[b], add=True)

            @pl.when(g + 2 < NCH)
            def _():
                pbase = ebase + (g + 2) * CHUNK
                pltpu.async_copy(src_hbm.at[pl.ds(pbase, CHUNK)], src_i[b], isem[b])
                pltpu.async_copy(dst_hbm.at[pl.ds(pbase, CHUNK)], dst_i[b], isem[b])
        return _

    lax.fori_loop(0, NCH // 2, pair_body, None)

    pltpu.make_async_copy(vb[1], accv.at[dst_s[1]], ssem[1]).wait()
    pltpu.make_async_copy(exb[1], accd.at[dst_s[1]], ssem[1]).wait()
    plsc.subcore_barrier()

    pltpu.sync_copy(accv.at[pl.ds(row0, ROWS_PER_TILE)],
                    outv_hbm.at[pl.ds(row0, ROWS_PER_TILE)])
    pltpu.sync_copy(accd.at[pl.ds(row0, ROWS_PER_TILE)],
                    outd_hbm.at[pl.ds(row0, ROWS_PER_TILE)])


def _sc_body(k0, q0, v0, k1, q1, v1, src_hbm, dst_hbm,
             numv0, numd0, numv1, numd1,
             accv, accd,
             src_i0, src_i1, dst_i0, dst_i1, dst_s0, dst_s1,
             kb0, kb1, qb0, qb1, vb0, vb1, exb0, exb1, kp, qp,
             gsem0, gsem1, vsem0, vsem1, ssem0, ssem1, isem0, isem1):
    cid = lax.axis_index("c")
    args = (accv, accd, (src_i0, src_i1), (dst_i0, dst_i1), (dst_s0, dst_s1),
            (kb0, kb1), (qb0, qb1), (vb0, vb1), (exb0, exb1), kp, qp,
            (gsem0, gsem1), (vsem0, vsem1), (ssem0, ssem1), (isem0, isem1))

    @pl.when(cid == 0)
    def _():
        _sc_half(k0, q0, v0, src_hbm, dst_hbm, numv0, numd0, *args)

    @pl.when(cid == 1)
    def _():
        _sc_half(k1, q1, v1, src_hbm, dst_hbm, numv1, numd1, *args)


def _sc_edges(k0, q0, v0, k1, q1, v1, src, dst):
    mesh = plsc.VectorSubcoreMesh(core_axis_name="c", subcore_axis_name="s")
    outv = jax.ShapeDtypeStruct((N, HD), jnp.float32)
    outd = jax.ShapeDtypeStruct((N, 16), jnp.float32)
    idx_t = pltpu.VMEM((CHUNK,), jnp.int32)
    row_t = pltpu.VMEM((CHUNK, HD), jnp.float32)
    pad_t = pltpu.VMEM((CHUNK * (HD + 1),), jnp.float32)
    ex_t = pltpu.VMEM((CHUNK, 16), jnp.float32)
    sem_t = pltpu.SemaphoreType.DMA
    fn = pl.kernel(
        _sc_body,
        mesh=mesh,
        out_type=[outv, outd, outv, outd],
        compiler_params=pltpu.CompilerParams(use_tc_tiling_on_sc=False,
                                             needs_layout_passes=False),
        scratch_types=[
            pltpu.VMEM_SHARED((NP, HD), jnp.float32),
            pltpu.VMEM_SHARED((NP, 16), jnp.float32),
            idx_t, idx_t, idx_t, idx_t, idx_t, idx_t,
            row_t, row_t, row_t, row_t, row_t, row_t, ex_t, ex_t, pad_t, pad_t,
            sem_t, sem_t, sem_t, sem_t, sem_t, sem_t, sem_t, sem_t,
        ],
    )
    return fn(k0, q0, v0, k1, q1, v1, src, dst)


def _out_body(nv0_ref, nd0_ref, nv1_ref, nd1_ref, wa, ba, out_ref):
    f32 = jnp.float32
    row = lax.broadcasted_iota(jnp.int32, (8, HD), 0)
    col = lax.broadcasted_iota(jnp.int32, (8, HD), 1)
    expand = (col // 16 == row).astype(f32)
    r0 = 1.0 / jnp.maximum(nd0_ref[:, :8], 1e-30)
    r1 = 1.0 / jnp.maximum(nd1_ref[:, :8], 1e-30)
    att0 = nv0_ref[:, :] * jnp.dot(r0, expand, preferred_element_type=f32)
    att1 = nv1_ref[:, :] * jnp.dot(r1, expand, preferred_element_type=f32)
    out = (jnp.dot(att0, wa[:HD, :], preferred_element_type=f32)
           + jnp.dot(att1, wa[HD:, :], preferred_element_type=f32)
           + ba[:, :])
    out_ref[:, :] = out


def _output(nv0, nd0, nv1, nd1, Wa, ba):
    vspec = pl.BlockSpec((RB, HD), lambda i: (i, 0))
    dspec = pl.BlockSpec((RB, 16), lambda i: (i, 0))
    return pl.pallas_call(
        _out_body,
        grid=(NB,),
        in_specs=[vspec, dspec, vspec, dspec,
                  pl.BlockSpec((D, D), lambda i: (0, 0)),
                  pl.BlockSpec((1, D), lambda i: (0, 0))],
        out_specs=pl.BlockSpec((RB, D), lambda i: (i, 0)),
        out_shape=jax.ShapeDtypeStruct((N, D), jnp.float32),
    )(nv0, nd0, nv1, nd1, Wa, ba.reshape(1, D))


def kernel(h, edge_index, Wq, bq, Wk, bk, Wv, bv, Wm, bm, Wat, bat, Wa, ba):
    pad = jnp.full((EP - E,), N, jnp.int32)
    src = jnp.concatenate([edge_index[0], pad])
    dst = jnp.concatenate([edge_index[1], pad])
    q0, q1, k0, k1, v0, v1 = _project(h, Wq, bq, Wk, bk, Wv, bv,
                                      Wm, bm, Wat, bat)
    zrows = jnp.zeros((NP - N, HD), jnp.float32)
    q0, q1, k0, k1, v0, v1 = (jnp.concatenate([a, zrows])
                              for a in (q0, q1, k0, k1, v0, v1))
    nv0, nd0, nv1, nd1 = _sc_edges(k0, q0, v0, k1, q1, v1, src, dst)
    return _output(nv0, nd0, nv1, nd1, Wa, ba)

# --- scband reference (transcript-rebuilt; emitter-appended) ---
"""Pipeline reference for scband-hgt-1864015807111 (READ-ONLY COPY).

The authoritative reference and input builder live on the scoring server;
editing this copy changes nothing except your own understanding.
"""

import jax, jax.numpy as jnp
import numpy as np
import math

N = 10000
E = 160000
IN_DIM = 256
OUT_DIM = 256
H = 16
DK = OUT_DIM // H

def setup_inputs(seed: int = 0) -> dict:
    key = jax.random.key(seed)
    ks = jax.random.split(key, 16)
    s_in = 1.0 / math.sqrt(IN_DIM)
    s_out = 1.0 / math.sqrt(OUT_DIM)
    inp = {}
    inp['h'] = jax.random.normal(ks[0], (N, IN_DIM), dtype=jnp.float32)
    inp['edge_index'] = jax.random.randint(ks[1], (2, E), 0, N, dtype=jnp.int32)
    # Linear params stored as [in, out]; y = x @ W + b (equivalent to torch nn.Linear)
    inp['Wq'] = jax.random.uniform(ks[2], (IN_DIM, OUT_DIM), dtype=jnp.float32, minval=-s_in, maxval=s_in)
    inp['bq'] = jax.random.uniform(ks[3], (OUT_DIM,), dtype=jnp.float32, minval=-s_in, maxval=s_in)
    inp['Wk'] = jax.random.uniform(ks[4], (IN_DIM, OUT_DIM), dtype=jnp.float32, minval=-s_in, maxval=s_in)
    inp['bk'] = jax.random.uniform(ks[5], (OUT_DIM,), dtype=jnp.float32, minval=-s_in, maxval=s_in)
    inp['Wv'] = jax.random.uniform(ks[6], (IN_DIM, OUT_DIM), dtype=jnp.float32, minval=-s_in, maxval=s_in)
    inp['bv'] = jax.random.uniform(ks[7], (OUT_DIM,), dtype=jnp.float32, minval=-s_in, maxval=s_in)
    inp['Wm'] = jax.random.uniform(ks[8], (OUT_DIM, OUT_DIM), dtype=jnp.float32, minval=-s_out, maxval=s_out)
    inp['bm'] = jax.random.uniform(ks[9], (OUT_DIM,), dtype=jnp.float32, minval=-s_out, maxval=s_out)
    inp['Wat'] = jax.random.uniform(ks[10], (OUT_DIM, OUT_DIM), dtype=jnp.float32, minval=-s_out, maxval=s_out)
    inp['bat'] = jax.random.uniform(ks[11], (OUT_DIM,), dtype=jnp.float32, minval=-s_out, maxval=s_out)
    inp['Wa'] = jax.random.uniform(ks[12], (OUT_DIM, OUT_DIM), dtype=jnp.float32, minval=-s_out, maxval=s_out)
    inp['ba'] = jax.random.uniform(ks[13], (OUT_DIM,), dtype=jnp.float32, minval=-s_out, maxval=s_out)
    return inp

def reference(h, edge_index, Wq, bq, Wk, bk, Wv, bv, Wm, bm, Wat, bat, Wa, ba):
    n = h.shape[0]
    sqrt_dk = math.sqrt(DK)
    # k = attn_linear(k_linear(h))
    k = h @ Wk + bk
    k = (k @ Wat + bat).reshape(n, H, DK)
    # v = msg_linear(v_linear(h))
    v = ((h @ Wv + bv) @ Wm + bm).reshape(n, H, DK)
    q = (h @ Wq + bq).reshape(n, H, DK)
    src = edge_index[0]
    dst = edge_index[1]
    # u_dot_v: per-edge dot of src key with dst query, per head
    t = jnp.sum(k[src] * q[dst], axis=-1) / sqrt_dk  # [E, H]
    # edge_softmax normalized by dst
    m = jax.ops.segment_max(t, dst, num_segments=n)  # [N, H]
    m = jnp.where(jnp.isfinite(m), m, 0.0)
    ex = jnp.exp(t - m[dst])
    den = jax.ops.segment_sum(ex, dst, num_segments=n)
    attn = ex / den[dst]  # [E, H]
    # u_mul_e_sum: aggregate src values weighted by edge attention at dst
    out = jax.ops.segment_sum(v[src] * attn[:, :, None], dst, num_segments=n)  # [N, H, DK]
    out = out.reshape(n, H * DK) @ Wa + ba
    return out

if __name__ == "__main__":
    import jax
    _d = setup_inputs()
    print(jax.jit(kernel)(*tuple(_d.values())))

</pallas_src>

<mosaic_0001>
#map = affine_map<(d0, d1) -> (0, 0)>
#map1 = affine_map<(d0, d1) -> (0)>
module attributes {stable_mosaic.version = 14 : i64} {
  func.func @_sc_body(%arg0: i32, %arg1: i32, %arg2: memref<10008x128xf32, #tpu.memory_space<hbm>>, %arg3: memref<10008x128xf32, #tpu.memory_space<hbm>>, %arg4: memref<10008x128xf32, #tpu.memory_space<hbm>>, %arg5: memref<10008x128xf32, #tpu.memory_space<hbm>>, %arg6: memref<10008x128xf32, #tpu.memory_space<hbm>>, %arg7: memref<10008x128xf32, #tpu.memory_space<hbm>>, %arg8: memref<160768xi32, #tpu.memory_space<hbm>>, %arg9: memref<160768xi32, #tpu.memory_space<hbm>>, %arg10: memref<10000x128xf32, #tpu.memory_space<hbm>>, %arg11: memref<10000x16xf32, #tpu.memory_space<hbm>>, %arg12: memref<10000x128xf32, #tpu.memory_space<hbm>>, %arg13: memref<10000x16xf32, #tpu.memory_space<hbm>>, %arg14: memref<10008x128xf32, #tpu.memory_space<vmem_shared>>, %arg15: memref<10008x16xf32, #tpu.memory_space<vmem_shared>>, %arg16: memref<32xi32, #tpu.memory_space<vmem>>, %arg17: memref<32xi32, #tpu.memory_space<vmem>>, %arg18: memref<32xi32, #tpu.memory_space<vmem>>, %arg19: memref<32xi32, #tpu.memory_space<vmem>>, %arg20: memref<32xi32, #tpu.memory_space<vmem>>, %arg21: memref<32xi32, #tpu.memory_space<vmem>>, %arg22: memref<32x128xf32, #tpu.memory_space<vmem>>, %arg23: memref<32x128xf32, #tpu.memory_space<vmem>>, %arg24: memref<32x128xf32, #tpu.memory_space<vmem>>, %arg25: memref<32x128xf32, #tpu.memory_space<vmem>>, %arg26: memref<32x128xf32, #tpu.memory_space<vmem>>, %arg27: memref<32x128xf32, #tpu.memory_space<vmem>>, %arg28: memref<32x16xf32, #tpu.memory_space<vmem>>, %arg29: memref<32x16xf32, #tpu.memory_space<vmem>>, %arg30: memref<4128xf32, #tpu.memory_space<vmem>>, %arg31: memref<4128xf32, #tpu.memory_space<vmem>>, %arg32: memref<!tpu.dma_semaphore, #tpu.memory_space<semaphore_mem>>, %arg33: memref<!tpu.dma_semaphore, #tpu.memory_space<semaphore_mem>>, %arg34: memref<!tpu.dma_semaphore, #tpu.memory_space<semaphore_mem>>, %arg35: memref<!tpu.dma_semaphore, #tpu.memory_space<semaphore_mem>>, %arg36: memref<!tpu.dma_semaphore, #tpu.memory_space<semaphore_mem>>, %arg37: memref<!tpu.dma_semaphore, #tpu.memory_space<semaphore_mem>>, %arg38: memref<!tpu.dma_semaphore, #tpu.memory_space<semaphore_mem>>, %arg39: memref<!tpu.dma_semaphore, #tpu.memory_space<semaphore_mem>>) attributes {dimension_semantics = [#tpu.dimension_semantics<core_parallel>, #tpu.dimension_semantics<subcore_parallel>], iteration_bounds = array<i64: 2, 16>, scalar_prefetch = 0 : i64, scratch_operands = 26 : i64, tpu.core_type = #tpu.core_type<sc_vector_subcore>, window_params = [{transform_indices = #map}, {transform_indices = #map}, {transform_indices = #map}, {transform_indices = #map}, {transform_indices = #map}, {transform_indices = #map}, {transform_indices = #map1}, {transform_indices = #map1}, {transform_indices = #map}, {transform_indices = #map}, {transform_indices = #map}, {transform_indices = #map}]} {
    %eq3A = arith.constant 0 : i32
    %eq3A_0 = arith.cmpi eq, %arg0, %eq3A : i32
    %convert_element_type3A = arith.extui %eq3A_0 : i1 to i32
    %cond3A = arith.constant 0 : i32
    %cond3A_1 = arith.cmpi ne, %convert_element_type3A, %cond3A : i32
    scf.if %cond3A_1 {
      %broadcast_in_dim3A = arith.constant 0.000000e+00 : f32
      %broadcast_in_dim3A_7 = vector.broadcast %broadcast_in_dim3A : f32 to vector<16xf32>
      %iota3A = tpu.iota {dimensions = array<i32: 0>} : vector<16xi32>
      %scan3A = arith.constant 0 : i32
      %scan3A_8 = arith.constant 32 : i32
      %scan3A_9 = arith.addi %scan3A, %scan3A_8 : i32
      %scan3A_10 = arith.constant 1 : i32
      scf.for %scan3A_50 = %scan3A to %scan3A_9 step %scan3A_10  : i32 {
        %swap3A = arith.index_cast %scan3A_50 : i32 to index
        %swap3A_51 = arith.constant 0 : index
        %swap3A_52 = tpu.vector_load %arg26[%swap3A, %swap3A_51] {strides = array<i32>} : memref<32x128xf32, #tpu.memory_space<vmem>>, vector<16xf32>,
        tpu.vector_store %arg26[%swap3A, %swap3A_51], %broadcast_in_dim3A_7 {strides = array<i32>} : memref<32x128xf32, #tpu.memory_space<vmem>>, vector<16xf32>,
        %swap3A_53 = arith.index_cast %scan3A_50 : i32 to index
        %swap3A_54 = arith.constant 16 : index
        %swap3A_55 = tpu.vector_load %arg26[%swap3A_53, %swap3A_54] {strides = array<i32>} : memref<32x128xf32, #tpu.memory_space<vmem>>, vector<16xf32>,
        tpu.vector_store %arg26[%swap3A_53, %swap3A_54], %broadcast_in_dim3A_7 {strides = array<i32>} : memref<32x128xf32, #tpu.memory_space<vmem>>, vector<16xf32>,
        %swap3A_56 = arith.index_cast %scan3A_50 : i32 to index
        %swap3A_57 = arith.constant 32 : index
        %swap3A_58 = tpu.vector_load %arg26[%swap3A_56, %swap3A_57] {strides = array<i32>} : memref<32x128xf32, #tpu.memory_space<vmem>>, vector<16xf32>,
        tpu.vector_store %arg26[%swap3A_56, %swap3A_57], %broadcast_in_dim3A_7 {strides = array<i32>} : memref<32x128xf32, #tpu.memory_space<vmem>>, vector<16xf32>,
        %swap3A_59 = arith.index_cast %scan3A_50 : i32 to index
        %swap3A_60 = arith.constant 48 : index
        %swap3A_61 = tpu.vector_load %arg26[%swap3A_59, %swap3A_60] {strides = array<i32>} : memref<32x128xf32, #tpu.memory_space<vmem>>, vector<16xf32>,
        tpu.vector_store %arg26[%swap3A_59, %swap3A_60], %broadcast_in_dim3A_7 {strides = array<i32>} : memref<32x128xf32, #tpu.memory_space<vmem>>, vector<16xf32>,
        %swap3A_62 = arith.index_cast %scan3A_50 : i32 to index
        %swap3A_63 = arith.constant 64 : index
        %swap3A_64 = tpu.vector_load %arg26[%swap3A_62, %swap3A_63] {strides = array<i32>} : memref<32x128xf32, #tpu.memory_space<vmem>>, vector<16xf32>,
        tpu.vector_store %arg26[%swap3A_62, %swap3A_63], %broadcast_in_dim3A_7 {strides = array<i32>} : memref<32x128xf32, #tpu.memory_space<vmem>>, vector<16xf32>,
        %swap3A_65 = arith.index_cast %scan3A_50 : i32 to index
        %swap3A_66 = arith.constant 80 : index
        %swap3A_67 = tpu.vector_load %arg26[%swap3A_65, %swap3A_66] {strides = array<i32>} : memref<32x128xf32, #tpu.memory_space<vmem>>, vector<16xf32>,
        tpu.vector_store %arg26[%swap3A_65, %swap3A_66], %broadcast_in_dim3A_7 {strides = array<i32>} : memref<32x128xf32, #tpu.memory_space<vmem>>, vector<16xf32>,
        %swap3A_68 = arith.index_cast %scan3A_50 : i32 to index
        %swap3A_69 = arith.constant 96 : index
        %swap3A_70 = tpu.vector_load %arg26[%swap3A_68, %swap3A_69] {strides = array<i32>} : memref<32x128xf32, #tpu.memory_space<vmem>>, vector<16xf32>,
        tpu.vector_store %arg26[%swap3A_68, %swap3A_69], %broadcast_in_dim3A_7 {strides = array<i32>} : memref<32x128xf32, #tpu.memory_space<vmem>>, vector<16xf32>,
        %swap3A_71 = arith.index_cast %scan3A_50 : i32 to index
        %swap3A_72 = arith.constant 112 : index
        %swap3A_73 = tpu.vector_load %arg26[%swap3A_71, %swap3A_72] {strides = array<i32>} : memref<32x128xf32, #tpu.memory_space<vmem>>, vector<16xf32>,
        tpu.vector_store %arg26[%swap3A_71, %swap3A_72], %broadcast_in_dim3A_7 {strides = array<i32>} : memref<32x128xf32, #tpu.memory_space<vmem>>, vector<16xf32>,
        %swap3A_74 = arith.index_cast %scan3A_50 : i32 to index
        %swap3A_75 = arith.constant 0 : index
        %swap3A_76 = tpu.vector_load %arg28[%swap3A_74, %swap3A_75] {strides = array<i32>} : memref<32x16xf32, #tpu.memory_space<vmem>>, vector<16xf32>,
        tpu.vector_store %arg28[%swap3A_74, %swap3A_75], %broadcast_in_dim3A_7 {strides = array<i32>} : memref<32x16xf32, #tpu.memory_space<vmem>>, vector<16xf32>,
      }
      %scan3A_11 = arith.constant 32 : i32
      %mul3A = arith.constant 625 : i32
      %mul3A_12 = arith.muli %arg1, %mul3A : i32
      %scan3A_13 = arith.constant 0 : i32
      %scan3A_14 = arith.constant 19 : i32
      %scan3A_15 = arith.addi %scan3A_13, %scan3A_14 : i32
      %scan3A_16 = arith.constant 1 : i32
      scf.for %scan3A_50 = %scan3A_13 to %scan3A_15 step %scan3A_16  : i32 {
        %mul3A_51 = arith.constant 32 : i32
        %mul3A_52 = arith.muli %scan3A_50, %mul3A_51 : i32
        %add3A_53 = arith.addi %mul3A_12, %mul3A_52 : i32
        "tpu.region"() ({
          %run_scoped3A = tpu.sem_alloc : memref<!tpu.dma_semaphore, #tpu.memory_space<semaphore_mem>>
          %dma_start3A_57 = arith.constant 0 : i32
          %dma_start3A_58 = arith.constant 0 : i32
          %dma_start3A_59 = tpu.memref_slice %arg26[%dma_start3A_57, %dma_start3A_58] : memref<32x128xf32, #tpu.memory_space<vmem>> -> memref<32x128xf32, #tpu.memory_space<vmem>>
          %dma_start3A_60 = arith.constant 0 : i32
          %dma_start3A_61 = tpu.memref_slice %arg14[%add3A_53, %dma_start3A_60] : memref<10008x128xf32, #tpu.memory_space<vmem_shared>> -> memref<32x128xf32, #tpu.memory_space<vmem_shared>>
          %dma_start3A_62 = arith.constant 0 : i32
          %dma_start3A_63 = tpu.memref_slice %arg14[%add3A_53, %dma_start3A_62] : memref<10008x128xf32, #tpu.memory_space<vmem_shared>> -> memref<32x128xf32, #tpu.memory_space<vmem_shared>>
          %dma_start3A_64 = arith.constant 0 : i32
          %dma_start3A_65 = arith.constant 0 : i32
          %dma_start3A_66 = tpu.memref_slice %arg26[%dma_start3A_64, %dma_start3A_65] : memref<32x128xf32, #tpu.memory_space<vmem>> -> memref<32x128xf32, #tpu.memory_space<vmem>>
          tpu.enqueue_dma source(%dma_start3A_66 : memref<32x128xf32, #tpu.memory_space<vmem>>) target(%dma_start3A_63 : memref<32x128xf32, #tpu.memory_space<vmem_shared>>) target_semaphore(%run_scoped3A : memref<!tpu.dma_semaphore, #tpu.memory_space<semaphore_mem>>)
          %dma_wait3A_67 = arith.constant 0 : i32
          %dma_wait3A_68 = arith.constant 0 : i32
          %dma_wait3A_69 = tpu.memref_slice %arg26[%dma_wait3A_67, %dma_wait3A_68] : memref<32x128xf32, #tpu.memory_space<vmem>> -> memref<32x128xf32, #tpu.memory_space<vmem>>
          %dma_wait3A_70 = arith.constant 0 : i32
          %dma_wait3A_71 = tpu.memref_slice %arg14[%add3A_53, %dma_wait3A_70] : memref<10008x128xf32, #tpu.memory_space<vmem_shared>> -> memref<32x128xf32, #tpu.memory_space<vmem_shared>>
          %dma_wait3A_72 = arith.constant 0 : i32
          %dma_wait3A_73 = tpu.memref_slice %arg14[%add3A_53, %dma_wait3A_72] : memref<10008x128xf32, #tpu.memory_space<vmem_shared>> -> memref<32x128xf32, #tpu.memory_space<vmem_shared>>
          %dma_wait3A_74 = arith.constant 0 : i32
          %dma_wait3A_75 = arith.constant 0 : i32
          %dma_wait3A_76 = tpu.memref_slice %arg26[%dma_wait3A_74, %dma_wait3A_75] : memref<32x128xf32, #tpu.memory_space<vmem>> -> memref<32x128xf32, #tpu.memory_space<vmem>>
          tpu.wait_dma2 semaphore(%run_scoped3A : memref<!tpu.dma_semaphore, #tpu.memory_space<semaphore_mem>>) src(%dma_wait3A_76 : memref<32x128xf32, #tpu.memory_space<vmem>>) dst(%dma_wait3A_73 : memref<32x128xf32, #tpu.memory_space<vmem_shared>>)
          tpu.yield
        }) : () -> ()
        %mul3A_54 = arith.constant 32 : i32
        %mul3A_55 = arith.muli %scan3A_50, %mul3A_54 : i32
        %add3A_56 = arith.addi %mul3A_12, %mul3A_55 : i32
        "tpu.region"() ({
          %run_scoped3A = tpu.sem_alloc : memref<!tpu.dma_semaphore, #tpu.memory_space<semaphore_mem>>
          %dma_start3A_57 = arith.constant 0 : i32
          %dma_start3A_58 = arith.constant 0 : i32
          %dma_start3A_59 = tpu.memref_slice %arg28[%dma_start3A_57, %dma_start3A_58] : memref<32x16xf32, #tpu.memory_space<vmem>> -> memref<32x16xf32, #tpu.memory_space<vmem>>
          %dma_start3A_60 = arith.constant 0 : i32
          %dma_start3A_61 = tpu.memref_slice %arg15[%add3A_56, %dma_start3A_60] : memref<10008x16xf32, #tpu.memory_space<vmem_shared>> -> memref<32x16xf32, #tpu.memory_space<vmem_shared>>
          %dma_start3A_62 = arith.constant 0 : i32
          %dma_start3A_63 = tpu.memref_slice %arg15[%add3A_56, %dma_start3A_62] : memref<10008x16xf32, #tpu.memory_space<vmem_shared>> -> memref<32x16xf32, #tpu.memory_space<vmem_shared>>
          %dma_start3A_64 = arith.constant 0 : i32
          %dma_start3A_65 = arith.constant 0 : i32
          %dma_start3A_66 = tpu.memref_slice %arg28[%dma_start3A_64, %dma_start3A_65] : memref<32x16xf32, #tpu.memory_space<vmem>> -> memref<32x16xf32, #tpu.memory_space<vmem>>
          tpu.enqueue_dma source(%dma_start3A_66 : memref<32x16xf32, #tpu.memory_space<vmem>>) target(%dma_start3A_63 : memref<32x16xf32, #tpu.memory_space<vmem_shared>>) target_semaphore(%run_scoped3A : memref<!tpu.dma_semaphore, #tpu.memory_space<semaphore_mem>>)
          %dma_wait3A_67 = arith.constant 0 : i32
          %dma_wait3A_68 = arith.constant 0 : i32
          %dma_wait3A_69 = tpu.memref_slice %arg28[%dma_wait3A_67, %dma_wait3A_68] : memref<32x16xf32, #tpu.memory_space<vmem>> -> memref<32x16xf32, #tpu.memory_space<vmem>>
          %dma_wait3A_70 = arith.constant 0 : i32
          %dma_wait3A_71 = tpu.memref_slice %arg15[%add3A_56, %dma_wait3A_70] : memref<10008x16xf32, #tpu.memory_space<vmem_shared>> -> memref<32x16xf32, #tpu.memory_space<vmem_shared>>
          %dma_wait3A_72 = arith.constant 0 : i32
          %dma_wait3A_73 = tpu.memref_slice %arg15[%add3A_56, %dma_wait3A_72] : memref<10008x16xf32, #tpu.memory_space<vmem_shared>> -> memref<32x16xf32, #tpu.memory_space<vmem_shared>>
          %dma_wait3A_74 = arith.constant 0 : i32
          %dma_wait3A_75 = arith.constant 0 : i32
          %dma_wait3A_76 = tpu.memref_slice %arg28[%dma_wait3A_74, %dma_wait3A_75] : memref<32x16xf32, #tpu.memory_space<vmem>> -> memref<32x16xf32, #tpu.memory_space<vmem>>
          tpu.wait_dma2 semaphore(%run_scoped3A : memref<!tpu.dma_semaphore, #tpu.memory_space<semaphore_mem>>) src(%dma_wait3A_76 : memref<32x16xf32, #tpu.memory_space<vmem>>) dst(%dma_wait3A_73 : memref<32x16xf32, #tpu.memory_space<vmem_shared>>)
          tpu.yield
        }) : () -> ()
      }
      %scan3A_17 = arith.constant 19 : i32
      %add3A = arith.constant 608 : i32
      %add3A_18 = arith.addi %mul3A_12, %add3A : i32
      "tpu.region"() ({
        %run_scoped3A = tpu.sem_alloc : memref<!tpu.dma_semaphore, #tpu.memory_space<semaphore_mem>>
        %dma_start3A_50 = arith.constant 0 : i32
        %dma_start3A_51 = arith.constant 0 : i32
        %dma_start3A_52 = tpu.memref_slice %arg26[%dma_start3A_50, %dma_start3A_51] : memref<32x128xf32, #tpu.memory_space<vmem>> -> memref<17x128xf32, #tpu.memory_space<vmem>>
        %dma_start3A_53 = arith.constant 0 : i32
        %dma_start3A_54 = tpu.memref_slice %arg14[%add3A_18, %dma_start3A_53] : memref<10008x128xf32, #tpu.memory_space<vmem_shared>> -> memref<17x128xf32, #tpu.memory_space<vmem_shared>>
        %dma_start3A_55 = arith.constant 0 : i32
        %dma_start3A_56 = tpu.memref_slice %arg14[%add3A_18, %dma_start3A_55] : memref<10008x128xf32, #tpu.memory_space<vmem_shared>> -> memref<17x128xf32, #tpu.memory_space<vmem_shared>>
        %dma_start3A_57 = arith.constant 0 : i32
        %dma_start3A_58 = arith.constant 0 : i32
        %dma_start3A_59 = tpu.memref_slice %arg26[%dma_start3A_57, %dma_start3A_58] : memref<32x128xf32, #tpu.memory_space<vmem>> -> memref<17x128xf32, #tpu.memory_space<vmem>>
        tpu.enqueue_dma source(%dma_start3A_59 : memref<17x128xf32, #tpu.memory_space<vmem>>) target(%dma_start3A_56 : memref<17x128xf32, #tpu.memory_space<vmem_shared>>) target_semaphore(%run_scoped3A : memref<!tpu.dma_semaphore, #tpu.memory_space<semaphore_mem>>)
        %dma_wait3A_60 = arith.constant 0 : i32
        %dma_wait3A_61 = arith.constant 0 : i32
        %dma_wait3A_62 = tpu.memref_slice %arg26[%dma_wait3A_60, %dma_wait3A_61] : memref<32x128xf32, #tpu.memory_space<vmem>> -> memref<17x128xf32, #tpu.memory_space<vmem>>
        %dma_wait3A_63 = arith.constant 0 : i32
        %dma_wait3A_64 = tpu.memref_slice %arg14[%add3A_18, %dma_wait3A_63] : memref<10008x128xf32, #tpu.memory_space<vmem_shared>> -> memref<17x128xf32, #tpu.memory_space<vmem_shared>>
        %dma_wait3A_65 = arith.constant 0 : i32
        %dma_wait3A_66 = tpu.memref_slice %arg14[%add3A_18, %dma_wait3A_65] : memref<10008x128xf32, #tpu.memory_space<vmem_shared>> -> memref<17x128xf32, #tpu.memory_space<vmem_shared>>
        %dma_wait3A_67 = arith.constant 0 : i32
        %dma_wait3A_68 = arith.constant 0 : i32
        %dma_wait3A_69 = tpu.memref_slice %arg26[%dma_wait3A_67, %dma_wait3A_68] : memref<32x128xf32, #tpu.memory_space<vmem>> -> memref<17x128xf32, #tpu.memory_space<vmem>>
        tpu.wait_dma2 semaphore(%run_scoped3A : memref<!tpu.dma_semaphore, #tpu.memory_space<semaphore_mem>>) src(%dma_wait3A_69 : memref<17x128xf32, #tpu.memory_space<vmem>>) dst(%dma_wait3A_66 : memref<17x128xf32, #tpu.memory_space<vmem_shared>>)
        tpu.yield
      }) : () -> ()
      %add3A_19 = arith.constant 608 : i32
      %add3A_20 = arith.addi %mul3A_12, %add3A_19 : i32
      "tpu.region"() ({
        %run_scoped3A = tpu.sem_alloc : memref<!tpu.dma_semaphore, #tpu.memory_space<semaphore_mem>>
        %dma_start3A_50 = arith.constant 0 : i32
        %dma_start3A_51 = arith.constant 0 : i32
        %dma_start3A_52 = tpu.memref_slice %arg28[%dma_start3A_50, %dma_start3A_51] : memref<32x16xf32, #tpu.memory_space<vmem>> -> memref<17x16xf32, #tpu.memory_space<vmem>>
        %dma_start3A_53 = arith.constant 0 : i32
        %dma_start3A_54 = tpu.memref_slice %arg15[%add3A_20, %dma_start3A_53] : memref<10008x16xf32, #tpu.memory_space<vmem_shared>> -> memref<17x16xf32, #tpu.memory_space<vmem_shared>>
        %dma_start3A_55 = arith.constant 0 : i32
        %dma_start3A_56 = tpu.memref_slice %arg15[%add3A_20, %dma_start3A_55] : memref<10008x16xf32, #tpu.memory_space<vmem_shared>> -> memref<17x16xf32, #tpu.memory_space<vmem_shared>>
        %dma_start3A_57 = arith.constant 0 : i32
        %dma_start3A_58 = arith.constant 0 : i32
        %dma_start3A_59 = tpu.memref_slice %arg28[%dma_start3A_57, %dma_start3A_58] : memref<32x16xf32, #tpu.memory_space<vmem>> -> memref<17x16xf32, #tpu.memory_space<vmem>>
        tpu.enqueue_dma source(%dma_start3A_59 : memref<17x16xf32, #tpu.memory_space<vmem>>) target(%dma_start3A_56 : memref<17x16xf32, #tpu.memory_space<vmem_shared>>) target_semaphore(%run_scoped3A : memref<!tpu.dma_semaphore, #tpu.memory_space<semaphore_mem>>)
        %dma_wait3A_60 = arith.constant 0 : i32
        %dma_wait3A_61 = arith.constant 0 : i32
        %dma_wait3A_62 = tpu.memref_slice %arg28[%dma_wait3A_60, %dma_wait3A_61] : memref<32x16xf32, #tpu.memory_space<vmem>> -> memref<17x16xf32, #tpu.memory_space<vmem>>
        %dma_wait3A_63 = arith.constant 0 : i32
        %dma_wait3A_64 = tpu.memref_slice %arg15[%add3A_20, %dma_wait3A_63] : memref<10008x16xf32, #tpu.memory_space<vmem_shared>> -> memref<17x16xf32, #tpu.memory_space<vmem_shared>>
        %dma_wait3A_65 = arith.constant 0 : i32
        %dma_wait3A_66 = tpu.memref_slice %arg15[%add3A_20, %dma_wait3A_65] : memref<10008x16xf32, #tpu.memory_space<vmem_shared>> -> memref<17x16xf32, #tpu.memory_space<vmem_shared>>
        %dma_wait3A_67 = arith.constant 0 : i32
        %dma_wait3A_68 = arith.constant 0 : i32
        %dma_wait3A_69 = tpu.memref_slice %arg28[%dma_wait3A_67, %dma_wait3A_68] : memref<32x16xf32, #tpu.memory_space<vmem>> -> memref<17x16xf32, #tpu.memory_space<vmem>>
        tpu.wait_dma2 semaphore(%run_scoped3A : memref<!tpu.dma_semaphore, #tpu.memory_space<semaphore_mem>>) src(%dma_wait3A_69 : memref<17x16xf32, #tpu.memory_space<vmem>>) dst(%dma_wait3A_66 : memref<17x16xf32, #tpu.memory_space<vmem_shared>>)
        tpu.yield
      }) : () -> ()
      %mul3A_21 = arith.constant 10048 : i32
      %mul3A_22 = arith.muli %arg1, %mul3A_21 : i32
      "tpu.region"() ({
        %run_scoped3A = tpu.sem_alloc : memref<!tpu.dma_semaphore, #tpu.memory_space<semaphore_mem>>
        %dma_start3A_50 = tpu.memref_slice %arg8[%mul3A_22] : memref<160768xi32, #tpu.memory_space<hbm>> -> memref<32xi32, #tpu.memory_space<hbm>>
        %dma_start3A_51 = tpu.memref_slice %arg8[%mul3A_22] : memref<160768xi32, #tpu.memory_space<hbm>> -> memref<32xi32, #tpu.memory_space<hbm>>
        tpu.enqueue_dma source(%dma_start3A_51 : memref<32xi32, #tpu.memory_space<hbm>>) target(%arg16 : memref<32xi32, #tpu.memory_space<vmem>>) target_semaphore(%run_scoped3A : memref<!tpu.dma_semaphore, #tpu.memory_space<semaphore_mem>>)
        %dma_wait3A_52 = tpu.memref_slice %arg8[%mul3A_22] : memref<160768xi32, #tpu.memory_space<hbm>> -> memref<32xi32, #tpu.memory_space<hbm>>
        %dma_wait3A_53 = tpu.memref_slice %arg8[%mul3A_22] : memref<160768xi32, #tpu.memory_space<hbm>> -> memref<32xi32, #tpu.memory_space<hbm>>
        tpu.wait_dma2 semaphore(%run_scoped3A : memref<!tpu.dma_semaphore, #tpu.memory_space<semaphore_mem>>) src(%dma_wait3A_53 : memref<32xi32, #tpu.memory_space<hbm>>) dst(%arg16 : memref<32xi32, #tpu.memory_space<vmem>>)
        tpu.yield
      }) : () -> ()
      "tpu.region"() ({
        %run_scoped3A = tpu.sem_alloc : memref<!tpu.dma_semaphore, #tpu.memory_space<semaphore_mem>>
        %dma_start3A_50 = tpu.memref_slice %arg9[%mul3A_22] : memref<160768xi32, #tpu.memory_space<hbm>> -> memref<32xi32, #tpu.memory_space<hbm>>
        %dma_start3A_51 = tpu.memref_slice %arg9[%mul3A_22] : memref<160768xi32, #tpu.memory_space<hbm>> -> memref<32xi32, #tpu.memory_space<hbm>>
        tpu.enqueue_dma source(%dma_start3A_51 : memref<32xi32, #tpu.memory_space<hbm>>) target(%arg18 : memref<32xi32, #tpu.memory_space<vmem>>) target_semaphore(%run_scoped3A : memref<!tpu.dma_semaphore, #tpu.memory_space<semaphore_mem>>)
        %dma_wait3A_52 = tpu.memref_slice %arg9[%mul3A_22] : memref<160768xi32, #tpu.memory_space<hbm>> -> memref<32xi32, #tpu.memory_space<hbm>>
        %dma_wait3A_53 = tpu.memref_slice %arg9[%mul3A_22] : memref<160768xi32, #tpu.memory_space<hbm>> -> memref<32xi32, #tpu.memory_space<hbm>>
        tpu.wait_dma2 semaphore(%run_scoped3A : memref<!tpu.dma_semaphore, #tpu.memory_space<semaphore_mem>>) src(%dma_wait3A_53 : memref<32xi32, #tpu.memory_space<hbm>>) dst(%arg18 : memref<32xi32, #tpu.memory_space<vmem>>)
        tpu.yield
      }) : () -> ()
      %dma_start3A = arith.constant 0 : i32
      %dma_start3A_23 = arith.constant 0 : i32
      %dma_start3A_24 = tpu.memref_slice %arg2[%dma_start3A, %dma_start3A_23] : memref<10008x128xf32, #tpu.memory_space<hbm>> -> memref<10008x128xf32, #tpu.memory_space<hbm>>
      tpu.enqueue_indirect_dma source(%dma_start3A_24 : memref<10008x128xf32, #tpu.memory_space<hbm>>) target(%arg22 : memref<32x128xf32, #tpu.memory_space<vmem>>) offsets(%arg16 : memref<32xi32, #tpu.memory_space<vmem>>) semaphore(%arg32 : memref<!tpu.dma_semaphore, #tpu.memory_space<semaphore_mem>>)
      %dma_start3A_25 = arith.constant 0 : i32
      %dma_start3A_26 = arith.constant 0 : i32
      %dma_start3A_27 = tpu.memref_slice %arg3[%dma_start3A_25, %dma_start3A_26] : memref<10008x128xf32, #tpu.memory_space<hbm>> -> memref<10008x128xf32, #tpu.memory_space<hbm>>
      tpu.enqueue_indirect_dma source(%dma_start3A_27 : memref<10008x128xf32, #tpu.memory_space<hbm>>) target(%arg24 : memref<32x128xf32, #tpu.memory_space<vmem>>) offsets(%arg18 : memref<32xi32, #tpu.memory_space<vmem>>) semaphore(%arg32 : memref<!tpu.dma_semaphore, #tpu.memory_space<semaphore_mem>>)
      %dma_start3A_28 = arith.constant 0 : i32
      %dma_start3A_29 = arith.constant 0 : i32
      %dma_start3A_30 = tpu.memref_slice %arg4[%dma_start3A_28, %dma_start3A_29] : memref<10008x128xf32, #tpu.memory_space<hbm>> -> memref<10008x128xf32, #tpu.memory_space<hbm>>
      tpu.enqueue_indirect_dma source(%dma_start3A_30 : memref<10008x128xf32, #tpu.memory_space<hbm>>) target(%arg26 : memref<32x128xf32, #tpu.memory_space<vmem>>) offsets(%arg16 : memref<32xi32, #tpu.memory_space<vmem>>) semaphore(%arg34 : memref<!tpu.dma_semaphore, #tpu.memory_space<semaphore_mem>>)
      %add3A_31 = arith.constant 32 : i32
      %add3A_32 = arith.addi %mul3A_22, %add3A_31 : i32
      %dma_start3A_33 = tpu.memref_slice %arg8[%add3A_32] : memref<160768xi32, #tpu.memory_space<hbm>> -> memref<32xi32, #tpu.memory_space<hbm>>
      %dma_start3A_34 = tpu.memref_slice %arg8[%add3A_32] : memref<160768xi32, #tpu.memory_space<hbm>> -> memref<32xi32, #tpu.memory_space<hbm>>
      tpu.enqueue_dma source(%dma_start3A_34 : memref<32xi32, #tpu.memory_space<hbm>>) target(%arg17 : memref<32xi32, #tpu.memory_space<vmem>>) target_semaphore(%arg39 : memref<!tpu.dma_semaphore, #tpu.memory_space<semaphore_mem>>)
      %add3A_35 = arith.constant 32 : i32
      %add3A_36 = arith.addi %mul3A_22, %add3A_35 : i32
      %dma_start3A_37 = tpu.memref_slice %arg9[%add3A_36] : memref<160768xi32, #tpu.memory_space<hbm>> -> memref<32xi32, #tpu.memory_space<hbm>>
      %dma_start3A_38 = tpu.memref_slice %arg9[%add3A_36] : memref<160768xi32, #tpu.memory_space<hbm>> -> memref<32xi32, #tpu.memory_space<hbm>>
      tpu.enqueue_dma source(%dma_start3A_38 : memref<32xi32, #tpu.memory_space<hbm>>) target(%arg19 : memref<32xi32, #tpu.memory_space<vmem>>) target_semaphore(%arg39 : memref<!tpu.dma_semaphore, #tpu.memory_space<semaphore_mem>>)
      %barrier3A = arith.constant 0 : index
      tpu.barrier barrier_id(%barrier3A)
      %scan3A_39 = arith.constant 0 : i32
      %scan3A_40 = arith.constant 157 : i32
      %scan3A_41 = arith.addi %scan3A_39, %scan3A_40 : i32
      %scan3A_42 = arith.constant 1 : i32
      scf.for %scan3A_50 = %scan3A_39 to %scan3A_41 step %scan3A_42  : i32 {
        %mul3A_51 = arith.constant 2 : i32
        %mul3A_52 = arith.muli %mul3A_51, %scan3A_50 : i32
        %add3A_53 = arith.constant 0 : i32
        %add3A_54 = arith.addi %mul3A_52, %add3A_53 : i32
        %lt3A = arith.constant 313 : i32
        %lt3A_55 = arith.cmpi slt, %add3A_54, %lt3A : i32
        %convert_element_type3A_56 = arith.extui %lt3A_55 : i1 to i32
        %cond3A_57 = arith.constant 0 : i32
        %cond3A_58 = arith.cmpi ne, %convert_element_type3A_56, %cond3A_57 : i32
        scf.if %cond3A_58 {
          %add3A_404 = arith.constant 1 : i32
          %add3A_405 = arith.addi %add3A_54, %add3A_404 : i32
          %mul3A_406 = arith.constant 32 : i32
          %mul3A_407 = arith.muli %add3A_405, %mul3A_406 : i32
          %add3A_408 = arith.addi %mul3A_22, %mul3A_407 : i32
          %dma_wait3A_409 = tpu.memref_slice %arg8[%add3A_408] : memref<160768xi32, #tpu.memory_space<hbm>> -> memref<32xi32, #tpu.memory_space<hbm>>
          %dma_wait3A_410 = tpu.memref_slice %arg8[%add3A_408] : memref<160768xi32, #tpu.memory_space<hbm>> -> memref<32xi32, #tpu.memory_space<hbm>>
          tpu.wait_dma2 semaphore(%arg39 : memref<!tpu.dma_semaphore, #tpu.memory_space<semaphore_mem>>) src(%dma_wait3A_410 : memref<32xi32, #tpu.memory_space<hbm>>) dst(%arg17 : memref<32xi32, #tpu.memory_space<vmem>>)
          %dma_wait3A_411 = tpu.memref_slice %arg9[%add3A_408] : memref<160768xi32, #tpu.memory_space<hbm>> -> memref<32xi32, #tpu.memory_space<hbm>>
          %dma_wait3A_412 = tpu.memref_slice %arg9[%add3A_408] : memref<160768xi32, #tpu.memory_space<hbm>> -> memref<32xi32, #tpu.memory_space<hbm>>
          tpu.wait_dma2 semaphore(%arg39 : memref<!tpu.dma_semaphore, #tpu.memory_space<semaphore_mem>>) src(%dma_wait3A_412 : memref<32xi32, #tpu.memory_space<hbm>>) dst(%arg19 : memref<32xi32, #tpu.memory_space<vmem>>)
          %dma_start3A_413 = arith.constant 0 : i32
          %dma_start3A_414 = arith.constant 0 : i32
          %dma_start3A_415 = tpu.memref_slice %arg2[%dma_start3A_413, %dma_start3A_414] : memref<10008x128xf32, #tpu.memory_space<hbm>> -> memref<10008x128xf32, #tpu.memory_space<hbm>>
          tpu.enqueue_indirect_dma source(%dma_start3A_415 : memref<10008x128xf32, #tpu.memory_space<hbm>>) target(%arg23 : memref<32x128xf32, #tpu.memory_space<vmem>>) offsets(%arg17 : memref<32xi32, #tpu.memory_space<vmem>>) semaphore(%arg33 : memref<!tpu.dma_semaphore, #tpu.memory_space<semaphore_mem>>)
          %dma_start3A_416 = arith.constant 0 : i32
          %dma_start3A_417 = arith.constant 0 : i32
          %dma_start3A_418 = tpu.memref_slice %arg3[%dma_start3A_416, %dma_start3A_417] : memref<10008x128xf32, #tpu.memory_space<hbm>> -> memref<10008x128xf32, #tpu.memory_space<hbm>>
          tpu.enqueue_indirect_dma source(%dma_start3A_418 : memref<10008x128xf32, #tpu.memory_space<hbm>>) target(%arg25 : memref<32x128xf32, #tpu.memory_space<vmem>>) offsets(%arg19 : memref<32xi32, #tpu.memory_space<vmem>>) semaphore(%arg33 : memref<!tpu.dma_semaphore, #tpu.memory_space<semaphore_mem>>)
        } else {
        }
        %dma_wait3A_59 = arith.constant 0 : i32
        %dma_wait3A_60 = arith.constant 0 : i32
        %dma_wait3A_61 = tpu.memref_slice %arg2[%dma_wait3A_59, %dma_wait3A_60] : memref<10008x128xf32, #tpu.memory_space<hbm>> -> memref<10008x128xf32, #tpu.memory_space<hbm>>
        tpu.wait_indirect_dma semaphore(%arg32 : memref<!tpu.dma_semaphore, #tpu.memory_space<semaphore_mem>>) src(%dma_wait3A_61 : memref<10008x128xf32, #tpu.memory_space<hbm>>) dst(%arg22 : memref<32x128xf32, #tpu.memory_space<vmem>>)
        %dma_wait3A_62 = arith.constant 0 : i32
        %dma_wait3A_63 = arith.constant 0 : i32
        %dma_wait3A_64 = tpu.memref_slice %arg3[%dma_wait3A_62, %dma_wait3A_63] : memref<10008x128xf32, #tpu.memory_space<hbm>> -> memref<10008x128xf32, #tpu.memory_space<hbm>>
        tpu.wait_indirect_dma semaphore(%arg32 : memref<!tpu.dma_semaphore, #tpu.memory_space<semaphore_mem>>) src(%dma_wait3A_64 : memref<10008x128xf32, #tpu.memory_space<hbm>>) dst(%arg24 : memref<32x128xf32, #tpu.memory_space<vmem>>)
        %scan3A_65 = arith.constant 0 : i32
        %scan3A_66 = arith.constant 32 : i32
        %scan3A_67 = arith.addi %scan3A_65, %scan3A_66 : i32
        %scan3A_68 = arith.constant 1 : i32
        scf.for %scan3A_404 = %scan3A_65 to %scan3A_67 step %scan3A_68  : i32 {
          %get3A_405 = arith.index_cast %scan3A_404 : i32 to index
          %get3A_406 = arith.constant 0 : index
          %get3A_407 = tpu.vector_load %arg22[%get3A_405, %get3A_406] {strides = array<i32>} : memref<32x128xf32, #tpu.memory_space<vmem>>, vector<16xf32>,
          %mul3A_408 = arith.constant 129 : i32
          %mul3A_409 = arith.muli %scan3A_404, %mul3A_408 : i32
          %add3A_410 = arith.constant 0 : i32
          %add3A_411 = arith.addi %mul3A_409, %add3A_410 : i32
          %swap3A_412 = arith.index_cast %add3A_411 : i32 to index
          %swap3A_413 = tpu.vector_load %arg30[%swap3A_412] {strides = array<i32>} : memref<4128xf32, #tpu.memory_space<vmem>>, vector<16xf32>,
          tpu.vector_store %arg30[%swap3A_412], %get3A_407 {strides = array<i32>} : memref<4128xf32, #tpu.memory_space<vmem>>, vector<16xf32>,
          %get3A_414 = arith.index_cast %scan3A_404 : i32 to index
          %get3A_415 = arith.constant 0 : index
          %get3A_416 = tpu.vector_load %arg24[%get3A_414, %get3A_415] {strides = array<i32>} : memref<32x128xf32, #tpu.memory_space<vmem>>, vector<16xf32>,
          %mul3A_417 = arith.constant 129 : i32
          %mul3A_418 = arith.muli %scan3A_404, %mul3A_417 : i32
          %add3A_419 = arith.constant 0 : i32
          %add3A_420 = arith.addi %mul3A_418, %add3A_419 : i32
          %swap3A_421 = arith.index_cast %add3A_420 : i32 to index
          %swap3A_422 = tpu.vector_load %arg31[%swap3A_421] {strides = array<i32>} : memref<4128xf32, #tpu.memory_space<vmem>>, vector<16xf32>,
          tpu.vector_store %arg31[%swap3A_421], %get3A_416 {strides = array<i32>} : memref<4128xf32, #tpu.memory_space<vmem>>, vector<16xf32>,
          %get3A_423 = arith.index_cast %scan3A_404 : i32 to index
          %get3A_424 = arith.constant 16 : index
          %get3A_425 = tpu.vector_load %arg22[%get3A_423, %get3A_424] {strides = array<i32>} : memref<32x128xf32, #tpu.memory_space<vmem>>, vector<16xf32>,
          %mul3A_426 = arith.constant 129 : i32
          %mul3A_427 = arith.muli %scan3A_404, %mul3A_426 : i32
          %add3A_428 = arith.constant 16 : i32
          %add3A_429 = arith.addi %mul3A_427, %add3A_428 : i32
          %swap3A_430 = arith.index_cast %add3A_429 : i32 to index
          %swap3A_431 = tpu.vector_load %arg30[%swap3A_430] {strides = array<i32>} : memref<4128xf32, #tpu.memory_space<vmem>>, vector<16xf32>,
          tpu.vector_store %arg30[%swap3A_430], %get3A_425 {strides = array<i32>} : memref<4128xf32, #tpu.memory_space<vmem>>, vector<16xf32>,
          %get3A_432 = arith.index_cast %scan3A_404 : i32 to index
          %get3A_433 = arith.constant 16 : index
          %get3A_434 = tpu.vector_load %arg24[%get3A_432, %get3A_433] {strides = array<i32>} : memref<32x128xf32, #tpu.memory_space<vmem>>, vector<16xf32>,
          %mul3A_435 = arith.constant 129 : i32
          %mul3A_436 = arith.muli %scan3A_404, %mul3A_435 : i32
          %add3A_437 = arith.constant 16 : i32
          %add3A_438 = arith.addi %mul3A_436, %add3A_437 : i32
          %swap3A_439 = arith.index_cast %add3A_438 : i32 to index
          %swap3A_440 = tpu.vector_load %arg31[%swap3A_439] {strides = array<i32>} : memref<4128xf32, #tpu.memory_space<vmem>>, vector<16xf32>,
          tpu.vector_store %arg31[%swap3A_439], %get3A_434 {strides = array<i32>} : memref<4128xf32, #tpu.memory_space<vmem>>, vector<16xf32>,
          %get3A_441 = arith.index_cast %scan3A_404 : i32 to index
          %get3A_442 = arith.constant 32 : index
          %get3A_443 = tpu.vector_load %arg22[%get3A_441, %get3A_442] {strides = array<i32>} : memref<32x128xf32, #tpu.memory_space<vmem>>, vector<16xf32>,
          %mul3A_444 = arith.constant 129 : i32
          %mul3A_445 = arith.muli %scan3A_404, %mul3A_444 : i32
          %add3A_446 = arith.constant 32 : i32
          %add3A_447 = arith.addi %mul3A_445, %add3A_446 : i32
          %swap3A_448 = arith.index_cast %add3A_447 : i32 to index
          %swap3A_449 = tpu.vector_load %arg30[%swap3A_448] {strides = array<i32>} : memref<4128xf32, #tpu.memory_space<vmem>>, vector<16xf32>,
          tpu.vector_store %arg30[%swap3A_448], %get3A_443 {strides = array<i32>} : memref<4128xf32, #tpu.memory_space<vmem>>, vector<16xf32>,
          %get3A_450 = arith.index_cast %scan3A_404 : i32 to index
          %get3A_451 = arith.constant 32 : index
          %get3A_452 = tpu.vector_load %arg24[%get3A_450, %get3A_451] {strides = array<i32>} : memref<32x128xf32, #tpu.memory_space<vmem>>, vector<16xf32>,
          %mul3A_453 = arith.constant 129 : i32
          %mul3A_454 = arith.muli %scan3A_404, %mul3A_453 : i32
          %add3A_455 = arith.constant 32 : i32
          %add3A_456 = arith.addi %mul3A_454, %add3A_455 : i32
          %swap3A_457 = arith.index_cast %add3A_456 : i32 to index
          %swap3A_458 = tpu.vector_load %arg31[%swap3A_457] {strides = array<i32>} : memref<4128xf32, #tpu.memory_space<vmem>>, vector<16xf32>,
          tpu.vector_store %arg31[%swap3A_457], %get3A_452 {strides = array<i32>} : memref<4128xf32, #tpu.memory_space<vmem>>, vector<16xf32>,
          %get3A_459 = arith.index_cast %scan3A_404 : i32 to index
          %get3A_460 = arith.constant 48 : index
          %get3A_461 = tpu.vector_load %arg22[%get3A_459, %get3A_460] {strides = array<i32>} : memref<32x128xf32, #tpu.memory_space<vmem>>, vector<16xf32>,
          %mul3A_462 = arith.constant 129 : i32
          %mul3A_463 = arith.muli %scan3A_404, %mul3A_462 : i32
          %add3A_464 = arith.constant 48 : i32
          %add3A_465 = arith.addi %mul3A_463, %add3A_464 : i32
          %swap3A_466 = arith.index_cast %add3A_465 : i32 to index
          %swap3A_467 = tpu.vector_load %arg30[%swap3A_466] {strides = array<i32>} : memref<4128xf32, #tpu.memory_space<vmem>>, vector<16xf32>,
          tpu.vector_store %arg30[%swap3A_466], %get3A_461 {strides = array<i32>} : memref<4128xf32, #tpu.memory_space<vmem>>, vector<16xf32>,
          %get3A_468 = arith.index_cast %scan3A_404 : i32 to index
          %get3A_469 = arith.constant 48 : index
          %get3A_470 = tpu.vector_load %arg24[%get3A_468, %get3A_469] {strides = array<i32>} : memref<32x128xf32, #tpu.memory_space<vmem>>, vector<16xf32>,
          %mul3A_471 = arith.constant 129 : i32
          %mul3A_472 = arith.muli %scan3A_404, %mul3A_471 : i32
          %add3A_473 = arith.constant 48 : i32
          %add3A_474 = arith.addi %mul3A_472, %add3A_473 : i32
          %swap3A_475 = arith.index_cast %add3A_474 : i32 to index
          %swap3A_476 = tpu.vector_load %arg31[%swap3A_475] {strides = array<i32>} : memref<4128xf32, #tpu.memory_space<vmem>>, vector<16xf32>,
          tpu.vector_store %arg31[%swap3A_475], %get3A_470 {strides = array<i32>} : memref<4128xf32, #tpu.memory_space<vmem>>, vector<16xf32>,
          %get3A_477 = arith.index_cast %scan3A_404 : i32 to index
          %get3A_478 = arith.constant 64 : index
          %get3A_479 = tpu.vector_load %arg22[%get3A_477, %get3A_478] {strides = array<i32>} : memref<32x128xf32, #tpu.memory_space<vmem>>, vector<16xf32>,
          %mul3A_480 = arith.constant 129 : i32
          %mul3A_481 = arith.muli %scan3A_404, %mul3A_480 : i32
          %add3A_482 = arith.constant 64 : i32
          %add3A_483 = arith.addi %mul3A_481, %add3A_482 : i32
          %swap3A_484 = arith.index_cast %add3A_483 : i32 to index
          %swap3A_485 = tpu.vector_load %arg30[%swap3A_484] {strides = array<i32>} : memref<4128xf32, #tpu.memory_space<vmem>>, vector<16xf32>,
          tpu.vector_store %arg30[%swap3A_484], %get3A_479 {strides = array<i32>} : memref<4128xf32, #tpu.memory_space<vmem>>, vector<16xf32>,
          %get3A_486 = arith.index_cast %scan3A_404 : i32 to index
          %get3A_487 = arith.constant 64 : index
          %get3A_488 = tpu.vector_load %arg24[%get3A_486, %get3A_487] {strides = array<i32>} : memref<32x128xf32, #tpu.memory_space<vmem>>, vector<16xf32>,
          %mul3A_489 = arith.constant 129 : i32
          %mul3A_490 = arith.muli %scan3A_404, %mul3A_489 : i32
          %add3A_491 = arith.constant 64 : i32
          %add3A_492 = arith.addi %mul3A_490, %add3A_491 : i32
          %swap3A_493 = arith.index_cast %add3A_492 : i32 to index
          %swap3A_494 = tpu.vector_load %arg31[%swap3A_493] {strides = array<i32>} : memref<4128xf32, #tpu.memory_space<vmem>>, vector<16xf32>,
          tpu.vector_store %arg31[%swap3A_493], %get3A_488 {strides = array<i32>} : memref<4128xf32, #tpu.memory_space<vmem>>, vector<16xf32>,
          %get3A_495 = arith.index_cast %scan3A_404 : i32 to index
          %get3A_496 = arith.constant 80 : index
          %get3A_497 = tpu.vector_load %arg22[%get3A_495, %get3A_496] {strides = array<i32>} : memref<32x128xf32, #tpu.memory_space<vmem>>, vector<16xf32>,
          %mul3A_498 = arith.constant 129 : i32
          %mul3A_499 = arith.muli %scan3A_404, %mul3A_498 : i32
          %add3A_500 = arith.constant 80 : i32
          %add3A_501 = arith.addi %mul3A_499, %add3A_500 : i32
          %swap3A_502 = arith.index_cast %add3A_501 : i32 to index
          %swap3A_503 = tpu.vector_load %arg30[%swap3A_502] {strides = array<i32>} : memref<4128xf32, #tpu.memory_space<vmem>>, vector<16xf32>,
          tpu.vector_store %arg30[%swap3A_502], %get3A_497 {strides = array<i32>} : memref<4128xf32, #tpu.memory_space<vmem>>, vector<16xf32>,
          %get3A_504 = arith.index_cast %scan3A_404 : i32 to index
          %get3A_505 = arith.constant 80 : index
          %get3A_506 = tpu.vector_load %arg24[%get3A_504, %get3A_505] {strides = array<i32>} : memref<32x128xf32, #tpu.memory_space<vmem>>, vector<16xf32>,
          %mul3A_507 = arith.constant 129 : i32
          %mul3A_508 = arith.muli %scan3A_404, %mul3A_507 : i32
          %add3A_509 = arith.constant 80 : i32
          %add3A_510 = arith.addi %mul3A_508, %add3A_509 : i32
          %swap3A_511 = arith.index_cast %add3A_510 : i32 to index
          %swap3A_512 = tpu.vector_load %arg31[%swap3A_511] {strides = array<i32>} : memref<4128xf32, #tpu.memory_space<vmem>>, vector<16xf32>,
          tpu.vector_store %arg31[%swap3A_511], %get3A_506 {strides = array<i32>} : memref<4128xf32, #tpu.memory_space<vmem>>, vector<16xf32>,
          %get3A_513 = arith.index_cast %scan3A_404 : i32 to index
          %get3A_514 = arith.constant 96 : index
          %get3A_515 = tpu.vector_load %arg22[%get3A_513, %get3A_514] {strides = array<i32>} : memref<32x128xf32, #tpu.memory_space<vmem>>, vector<16xf32>,
          %mul3A_516 = arith.constant 129 : i32
          %mul3A_517 = arith.muli %scan3A_404, %mul3A_516 : i32
          %add3A_518 = arith.constant 96 : i32
          %add3A_519 = arith.addi %mul3A_517, %add3A_518 : i32
          %swap3A_520 = arith.index_cast %add3A_519 : i32 to index
          %swap3A_521 = tpu.vector_load %arg30[%swap3A_520] {strides = array<i32>} : memref<4128xf32, #tpu.memory_space<vmem>>, vector<16xf32>,
          tpu.vector_store %arg30[%swap3A_520], %get3A_515 {strides = array<i32>} : memref<4128xf32, #tpu.memory_space<vmem>>, vector<16xf32>,
          %get3A_522 = arith.index_cast %scan3A_404 : i32 to index
          %get3A_523 = arith.constant 96 : index
          %get3A_524 = tpu.vector_load %arg24[%get3A_522, %get3A_523] {strides = array<i32>} : memref<32x128xf32, #tpu.memory_space<vmem>>, vector<16xf32>,
          %mul3A_525 = arith.constant 129 : i32
          %mul3A_526 = arith.muli %scan3A_404, %mul3A_525 : i32
          %add3A_527 = arith.constant 96 : i32
          %add3A_528 = arith.addi %mul3A_526, %add3A_527 : i32
          %swap3A_529 = arith.index_cast %add3A_528 : i32 to index
          %swap3A_530 = tpu.vector_load %arg31[%swap3A_529] {strides = array<i32>} : memref<4128xf32, #tpu.memory_space<vmem>>, vector<16xf32>,
          tpu.vector_store %arg31[%swap3A_529], %get3A_524 {strides = array<i32>} : memref<4128xf32, #tpu.memory_space<vmem>>, vector<16xf32>,
          %get3A_531 = arith.index_cast %scan3A_404 : i32 to index
          %get3A_532 = arith.constant 112 : index
          %get3A_533 = tpu.vector_load %arg22[%get3A_531, %get3A_532] {strides = array<i32>} : memref<32x128xf32, #tpu.memory_space<vmem>>, vector<16xf32>,
          %mul3A_534 = arith.constant 129 : i32
          %mul3A_535 = arith.muli %scan3A_404, %mul3A_534 : i32
          %add3A_536 = arith.constant 112 : i32
          %add3A_537 = arith.addi %mul3A_535, %add3A_536 : i32
          %swap3A_538 = arith.index_cast %add3A_537 : i32 to index
          %swap3A_539 = tpu.vector_load %arg30[%swap3A_538] {strides = array<i32>} : memref<4128xf32, #tpu.memory_space<vmem>>, vector<16xf32>,
          tpu.vector_store %arg30[%swap3A_538], %get3A_533 {strides = array<i32>} : memref<4128xf32, #tpu.memory_space<vmem>>, vector<16xf32>,
          %get3A_540 = arith.index_cast %scan3A_404 : i32 to index
          %get3A_541 = arith.constant 112 : index
          %get3A_542 = tpu.vector_load %arg24[%get3A_540, %get3A_541] {strides = array<i32>} : memref<32x128xf32, #tpu.memory_space<vmem>>, vector<16xf32>,
          %mul3A_543 = arith.constant 129 : i32
          %mul3A_544 = arith.muli %scan3A_404, %mul3A_543 : i32
          %add3A_545 = arith.constant 112 : i32
          %add3A_546 = arith.addi %mul3A_544, %add3A_545 : i32
          %swap3A_547 = arith.index_cast %add3A_546 : i32 to index
          %swap3A_548 = tpu.vector_load %arg31[%swap3A_547] {strides = array<i32>} : memref<4128xf32, #tpu.memory_space<vmem>>, vector<16xf32>,
          tpu.vector_store %arg31[%swap3A_547], %get3A_542 {strides = array<i32>} : memref<4128xf32, #tpu.memory_space<vmem>>, vector<16xf32>,
        }
        %scan3A_69 = arith.constant 32 : i32
        %add3A_70 = arith.constant 0 : i32
        %add3A_71 = vector.broadcast %add3A_70 : i32 to vector<16xi32>
        %add3A_72 = arith.addi %add3A_71, %iota3A : vector<16xi32>
        %mul3A_73 = arith.constant 129 : i32
        %mul3A_74 = vector.broadcast %mul3A_73 : i32 to vector<16xi32>
        %mul3A_75 = arith.muli %add3A_72, %mul3A_74 : vector<16xi32>
        %scan3A_76 = arith.constant 0 : i32
        %scan3A_77 = arith.constant 16 : i32
        %scan3A_78 = arith.addi %scan3A_76, %scan3A_77 : i32
        %scan3A_79 = arith.constant 1 : i32
        %scan3A_80:8 = scf.for %scan3A_404 = %scan3A_76 to %scan3A_78 step %scan3A_79 iter_args(%scan3A_405 = %broadcast_in_dim3A_7, %scan3A_406 = %broadcast_in_dim3A_7, %scan3A_407 = %broadcast_in_dim3A_7, %scan3A_408 = %broadcast_in_dim3A_7, %scan3A_409 = %broadcast_in_dim3A_7, %scan3A_410 = %broadcast_in_dim3A_7, %scan3A_411 = %broadcast_in_dim3A_7, %scan3A_412 = %broadcast_in_dim3A_7) -> (vector<16xf32>, vector<16xf32>, vector<16xf32>, vector<16xf32>, vector<16xf32>, vector<16xf32>, vector<16xf32>, vector<16xf32>)  : i32 {
          %add3A_413 = arith.constant 0 : i32
          %add3A_414 = vector.broadcast %add3A_413 : i32 to vector<16xi32>
          %add3A_415 = arith.addi %mul3A_75, %add3A_414 : vector<16xi32>
          %add3A_416 = vector.broadcast %scan3A_404 : i32 to vector<16xi32>
          %add3A_417 = arith.addi %add3A_415, %add3A_416 : vector<16xi32>
          %gather3A = tpu.vector_load_idx %arg30[%add3A_417] : memref<4128xf32, #tpu.memory_space<vmem>>[vector<16xi32>], vector<16xf32>,
          %gather3A_418 = tpu.vector_load_idx %arg31[%add3A_417] : memref<4128xf32, #tpu.memory_space<vmem>>[vector<16xi32>], vector<16xf32>,
          %mul3A_419 = arith.mulf %gather3A, %gather3A_418 : vector<16xf32>
          %add3A_420 = arith.addf %scan3A_405, %mul3A_419 : vector<16xf32>
          %add3A_421 = arith.constant 16 : i32
          %add3A_422 = vector.broadcast %add3A_421 : i32 to vector<16xi32>
          %add3A_423 = arith.addi %mul3A_75, %add3A_422 : vector<16xi32>
          %add3A_424 = vector.broadcast %scan3A_404 : i32 to vector<16xi32>
          %add3A_425 = arith.addi %add3A_423, %add3A_424 : vector<16xi32>
          %gather3A_426 = tpu.vector_load_idx %arg30[%add3A_425] : memref<4128xf32, #tpu.memory_space<vmem>>[vector<16xi32>], vector<16xf32>,
          %gather3A_427 = tpu.vector_load_idx %arg31[%add3A_425] : memref<4128xf32, #tpu.memory_space<vmem>>[vector<16xi32>], vector<16xf32>,
          %mul3A_428 = arith.mulf %gather3A_426, %gather3A_427 : vector<16xf32>
          %add3A_429 = arith.addf %scan3A_406, %mul3A_428 : vector<16xf32>
          %add3A_430 = arith.constant 32 : i32
          %add3A_431 = vector.broadcast %add3A_430 : i32 to vector<16xi32>
          %add3A_432 = arith.addi %mul3A_75, %add3A_431 : vector<16xi32>
          %add3A_433 = vector.broadcast %scan3A_404 : i32 to vector<16xi32>
          %add3A_434 = arith.addi %add3A_432, %add3A_433 : vector<16xi32>
          %gather3A_435 = tpu.vector_load_idx %arg30[%add3A_434] : memref<4128xf32, #tpu.memory_space<vmem>>[vector<16xi32>], vector<16xf32>,
          %gather3A_436 = tpu.vector_load_idx %arg31[%add3A_434] : memref<4128xf32, #tpu.memory_space<vmem>>[vector<16xi32>], vector<16xf32>,
          %mul3A_437 = arith.mulf %gather3A_435, %gather3A_436 : vector<16xf32>
          %add3A_438 = arith.addf %scan3A_407, %mul3A_437 : vector<16xf32>
          %add3A_439 = arith.constant 48 : i32
          %add3A_440 = vector.broadcast %add3A_439 : i32 to vector<16xi32>
          %add3A_441 = arith.addi %mul3A_75, %add3A_440 : vector<16xi32>
          %add3A_442 = vector.broadcast %scan3A_404 : i32 to vector<16xi32>
          %add3A_443 = arith.addi %add3A_441, %add3A_442 : vector<16xi32>
          %gather3A_444 = tpu.vector_load_idx %arg30[%add3A_443] : memref<4128xf32, #tpu.memory_space<vmem>>[vector<16xi32>], vector<16xf32>,
          %gather3A_445 = tpu.vector_load_idx %arg31[%add3A_443] : memref<4128xf32, #tpu.memory_space<vmem>>[vector<16xi32>], vector<16xf32>,
          %mul3A_446 = arith.mulf %gather3A_444, %gather3A_445 : vector<16xf32>
          %add3A_447 = arith.addf %scan3A_408, %mul3A_446 : vector<16xf32>
          %add3A_448 = arith.constant 64 : i32
          %add3A_449 = vector.broadcast %add3A_448 : i32 to vector<16xi32>
          %add3A_450 = arith.addi %mul3A_75, %add3A_449 : vector<16xi32>
          %add3A_451 = vector.broadcast %scan3A_404 : i32 to vector<16xi32>
          %add3A_452 = arith.addi %add3A_450, %add3A_451 : vector<16xi32>
          %gather3A_453 = tpu.vector_load_idx %arg30[%add3A_452] : memref<4128xf32, #tpu.memory_space<vmem>>[vector<16xi32>], vector<16xf32>,
          %gather3A_454 = tpu.vector_load_idx %arg31[%add3A_452] : memref<4128xf32, #tpu.memory_space<vmem>>[vector<16xi32>], vector<16xf32>,
          %mul3A_455 = arith.mulf %gather3A_453, %gather3A_454 : vector<16xf32>
          %add3A_456 = arith.addf %scan3A_409, %mul3A_455 : vector<16xf32>
          %add3A_457 = arith.constant 80 : i32
          %add3A_458 = vector.broadcast %add3A_457 : i32 to vector<16xi32>
          %add3A_459 = arith.addi %mul3A_75, %add3A_458 : vector<16xi32>
          %add3A_460 = vector.broadcast %scan3A_404 : i32 to vector<16xi32>
          %add3A_461 = arith.addi %add3A_459, %add3A_460 : vector<16xi32>
          %gather3A_462 = tpu.vector_load_idx %arg30[%add3A_461] : memref<4128xf32, #tpu.memory_space<vmem>>[vector<16xi32>], vector<16xf32>,
          %gather3A_463 = tpu.vector_load_idx %arg31[%add3A_461] : memref<4128xf32, #tpu.memory_space<vmem>>[vector<16xi32>], vector<16xf32>,
          %mul3A_464 = arith.mulf %gather3A_462, %gather3A_463 : vector<16xf32>
          %add3A_465 = arith.addf %scan3A_410, %mul3A_464 : vector<16xf32>
          %add3A_466 = arith.constant 96 : i32
          %add3A_467 = vector.broadcast %add3A_466 : i32 to vector<16xi32>
          %add3A_468 = arith.addi %mul3A_75, %add3A_467 : vector<16xi32>
          %add3A_469 = vector.broadcast %scan3A_404 : i32 to vector<16xi32>
          %add3A_470 = arith.addi %add3A_468, %add3A_469 : vector<16xi32>
          %gather3A_471 = tpu.vector_load_idx %arg30[%add3A_470] : memref<4128xf32, #tpu.memory_space<vmem>>[vector<16xi32>], vector<16xf32>,
          %gather3A_472 = tpu.vector_load_idx %arg31[%add3A_470] : memref<4128xf32, #tpu.memory_space<vmem>>[vector<16xi32>], vector<16xf32>,
          %mul3A_473 = arith.mulf %gather3A_471, %gather3A_472 : vector<16xf32>
          %add3A_474 = arith.addf %scan3A_411, %mul3A_473 : vector<16xf32>
          %add3A_475 = arith.constant 112 : i32
          %add3A_476 = vector.broadcast %add3A_475 : i32 to vector<16xi32>
          %add3A_477 = arith.addi %mul3A_75, %add3A_476 : vector<16xi32>
          %add3A_478 = vector.broadcast %scan3A_404 : i32 to vector<16xi32>
          %add3A_479 = arith.addi %add3A_477, %add3A_478 : vector<16xi32>
          %gather3A_480 = tpu.vector_load_idx %arg30[%add3A_479] : memref<4128xf32, #tpu.memory_space<vmem>>[vector<16xi32>], vector<16xf32>,
          %gather3A_481 = tpu.vector_load_idx %arg31[%add3A_479] : memref<4128xf32, #tpu.memory_space<vmem>>[vector<16xi32>], vector<16xf32>,
          %mul3A_482 = arith.mulf %gather3A_480, %gather3A_481 : vector<16xf32>
          %add3A_483 = arith.addf %scan3A_412, %mul3A_482 : vector<16xf32>
          scf.yield %add3A_420, %add3A_429, %add3A_438, %add3A_447, %add3A_456, %add3A_465, %add3A_474, %add3A_483 : vector<16xf32>, vector<16xf32>, vector<16xf32>, vector<16xf32>, vector<16xf32>, vector<16xf32>, vector<16xf32>, vector<16xf32>
        }
        %scan3A_81 = arith.constant 16 : i32
        %mul3A_82 = arith.constant 2.500000e-01 : f32
        %mul3A_83 = vector.broadcast %mul3A_82 : f32 to vector<16xf32>
        %mul3A_84 = arith.mulf %scan3A_80#0, %mul3A_83 : vector<16xf32>
        %exp3A = math.exp %mul3A_84 : vector<16xf32>
        %broadcast_in_dim3A_85 = arith.constant 0 : i32
        %broadcast_in_dim3A_86 = vector.broadcast %broadcast_in_dim3A_85 : i32 to vector<16xi32>
        tpu.vector_store_idx %arg28[%add3A_72, %broadcast_in_dim3A_86], %exp3A : memref<32x16xf32, #tpu.memory_space<vmem>>[vector<16xi32>, vector<16xi32>], vector<16xf32>,
        %mul3A_87 = arith.constant 2.500000e-01 : f32
        %mul3A_88 = vector.broadcast %mul3A_87 : f32 to vector<16xf32>
        %mul3A_89 = arith.mulf %scan3A_80#1, %mul3A_88 : vector<16xf32>
        %exp3A_90 = math.exp %mul3A_89 : vector<16xf32>
        %broadcast_in_dim3A_91 = arith.constant 1 : i32
        %broadcast_in_dim3A_92 = vector.broadcast %broadcast_in_dim3A_91 : i32 to vector<16xi32>
        tpu.vector_store_idx %arg28[%add3A_72, %broadcast_in_dim3A_92], %exp3A_90 : memref<32x16xf32, #tpu.memory_space<vmem>>[vector<16xi32>, vector<16xi32>], vector<16xf32>,
        %mul3A_93 = arith.constant 2.500000e-01 : f32
        %mul3A_94 = vector.broadcast %mul3A_93 : f32 to vector<16xf32>
        %mul3A_95 = arith.mulf %scan3A_80#2, %mul3A_94 : vector<16xf32>
        %exp3A_96 = math.exp %mul3A_95 : vector<16xf32>
        %broadcast_in_dim3A_97 = arith.constant 2 : i32
        %broadcast_in_dim3A_98 = vector.broadcast %broadcast_in_dim3A_97 : i32 to vector<16xi32>
        tpu.vector_store_idx %arg28[%add3A_72, %broadcast_in_dim3A_98], %exp3A_96 : memref<32x16xf32, #tpu.memory_space<vmem>>[vector<16xi32>, vector<16xi32>], vector<16xf32>,
        %mul3A_99 = arith.constant 2.500000e-01 : f32
        %mul3A_100 = vector.broadcast %mul3A_99 : f32 to vector<16xf32>
        %mul3A_101 = arith.mulf %scan3A_80#3, %mul3A_100 : vector<16xf32>
        %exp3A_102 = math.exp %mul3A_101 : vector<16xf32>
        %broadcast_in_dim3A_103 = arith.constant 3 : i32
        %broadcast_in_dim3A_104 = vector.broadcast %broadcast_in_dim3A_103 : i32 to vector<16xi32>
        tpu.vector_store_idx %arg28[%add3A_72, %broadcast_in_dim3A_104], %exp3A_102 : memref<32x16xf32, #tpu.memory_space<vmem>>[vector<16xi32>, vector<16xi32>], vector<16xf32>,
        %mul3A_105 = arith.constant 2.500000e-01 : f32
        %mul3A_106 = vector.broadcast %mul3A_105 : f32 to vector<16xf32>
        %mul3A_107 = arith.mulf %scan3A_80#4, %mul3A_106 : vector<16xf32>
        %exp3A_108 = math.exp %mul3A_107 : vector<16xf32>
        %broadcast_in_dim3A_109 = arith.constant 4 : i32
        %broadcast_in_dim3A_110 = vector.broadcast %broadcast_in_dim3A_109 : i32 to vector<16xi32>
        tpu.vector_store_idx %arg28[%add3A_72, %broadcast_in_dim3A_110], %exp3A_108 : memref<32x16xf32, #tpu.memory_space<vmem>>[vector<16xi32>, vector<16xi32>], vector<16xf32>,
        %mul3A_111 = arith.constant 2.500000e-01 : f32
        %mul3A_112 = vector.broadcast %mul3A_111 : f32 to vector<16xf32>
        %mul3A_113 = arith.mulf %scan3A_80#5, %mul3A_112 : vector<16xf32>
        %exp3A_114 = math.exp %mul3A_113 : vector<16xf32>
        %broadcast_in_dim3A_115 = arith.constant 5 : i32
        %broadcast_in_dim3A_116 = vector.broadcast %broadcast_in_dim3A_115 : i32 to vector<16xi32>
        tpu.vector_store_idx %arg28[%add3A_72, %broadcast_in_dim3A_116], %exp3A_114 : memref<32x16xf32, #tpu.memory_space<vmem>>[vector<16xi32>, vector<16xi32>], vector<16xf32>,
        %mul3A_117 = arith.constant 2.500000e-01 : f32
        %mul3A_118 = vector.broadcast %mul3A_117 : f32 to vector<16xf32>
        %mul3A_119 = arith.mulf %scan3A_80#6, %mul3A_118 : vector<16xf32>
        %exp3A_120 = math.exp %mul3A_119 : vector<16xf32>
        %broadcast_in_dim3A_121 = arith.constant 6 : i32
        %broadcast_in_dim3A_122 = vector.broadcast %broadcast_in_dim3A_121 : i32 to vector<16xi32>
        tpu.vector_store_idx %arg28[%add3A_72, %broadcast_in_dim3A_122], %exp3A_120 : memref<32x16xf32, #tpu.memory_space<vmem>>[vector<16xi32>, vector<16xi32>], vector<16xf32>,
        %mul3A_123 = arith.constant 2.500000e-01 : f32
        %mul3A_124 = vector.broadcast %mul3A_123 : f32 to vector<16xf32>
        %mul3A_125 = arith.mulf %scan3A_80#7, %mul3A_124 : vector<16xf32>
        %exp3A_126 = math.exp %mul3A_125 : vector<16xf32>
        %broadcast_in_dim3A_127 = arith.constant 7 : i32
        %broadcast_in_dim3A_128 = vector.broadcast %broadcast_in_dim3A_127 : i32 to vector<16xi32>
        tpu.vector_store_idx %arg28[%add3A_72, %broadcast_in_dim3A_128], %exp3A_126 : memref<32x16xf32, #tpu.memory_space<vmem>>[vector<16xi32>, vector<16xi32>], vector<16xf32>,
        %add3A_129 = arith.constant 16 : i32
        %add3A_130 = vector.broadcast %add3A_129 : i32 to vector<16xi32>
        %add3A_131 = arith.addi %add3A_130, %iota3A : vector<16xi32>
        %mul3A_132 = arith.constant 129 : i32
        %mul3A_133 = vector.broadcast %mul3A_132 : i32 to vector<16xi32>
        %mul3A_134 = arith.muli %add3A_131, %mul3A_133 : vector<16xi32>
        %scan3A_135 = arith.constant 0 : i32
        %scan3A_136 = arith.constant 16 : i32
        %scan3A_137 = arith.addi %scan3A_135, %scan3A_136 : i32
        %scan3A_138 = arith.constant 1 : i32
        %scan3A_139:8 = scf.for %scan3A_404 = %scan3A_135 to %scan3A_137 step %scan3A_138 iter_args(%scan3A_405 = %broadcast_in_dim3A_7, %scan3A_406 = %broadcast_in_dim3A_7, %scan3A_407 = %broadcast_in_dim3A_7, %scan3A_408 = %broadcast_in_dim3A_7, %scan3A_409 = %broadcast_in_dim3A_7, %scan3A_410 = %broadcast_in_dim3A_7, %scan3A_411 = %broadcast_in_dim3A_7, %scan3A_412 = %broadcast_in_dim3A_7) -> (vector<16xf32>, vector<16xf32>, vector<16xf32>, vector<16xf32>, vector<16xf32>, vector<16xf32>, vector<16xf32>, vector<16xf32>)  : i32 {
          %add3A_413 = arith.constant 0 : i32
          %add3A_414 = vector.broadcast %add3A_413 : i32 to vector<16xi32>
          %add3A_415 = arith.addi %mul3A_134, %add3A_414 : vector<16xi32>
          %add3A_416 = vector.broadcast %scan3A_404 : i32 to vector<16xi32>
          %add3A_417 = arith.addi %add3A_415, %add3A_416 : vector<16xi32>
          %gather3A = tpu.vector_load_idx %arg30[%add3A_417] : memref<4128xf32, #tpu.memory_space<vmem>>[vector<16xi32>], vector<16xf32>,
          %gather3A_418 = tpu.vector_load_idx %arg31[%add3A_417] : memref<4128xf32, #tpu.memory_space<vmem>>[vector<16xi32>], vector<16xf32>,
          %mul3A_419 = arith.mulf %gather3A, %gather3A_418 : vector<16xf32>
          %add3A_420 = arith.addf %scan3A_405, %mul3A_419 : vector<16xf32>
          %add3A_421 = arith.constant 16 : i32
          %add3A_422 = vector.broadcast %add3A_421 : i32 to vector<16xi32>
          %add3A_423 = arith.addi %mul3A_134, %add3A_422 : vector<16xi32>
          %add3A_424 = vector.broadcast %scan3A_404 : i32 to vector<16xi32>
          %add3A_425 = arith.addi %add3A_423, %add3A_424 : vector<16xi32>
          %gather3A_426 = tpu.vector_load_idx %arg30[%add3A_425] : memref<4128xf32, #tpu.memory_space<vmem>>[vector<16xi32>], vector<16xf32>,
          %gather3A_427 = tpu.vector_load_idx %arg31[%add3A_425] : memref<4128xf32, #tpu.memory_space<vmem>>[vector<16xi32>], vector<16xf32>,
          %mul3A_428 = arith.mulf %gather3A_426, %gather3A_427 : vector<16xf32>
          %add3A_429 = arith.addf %scan3A_406, %mul3A_428 : vector<16xf32>
          %add3A_430 = arith.constant 32 : i32
          %add3A_431 = vector.broadcast %add3A_430 : i32 to vector<16xi32>
          %add3A_432 = arith.addi %mul3A_134, %add3A_431 : vector<16xi32>
          %add3A_433 = vector.broadcast %scan3A_404 : i32 to vector<16xi32>
          %add3A_434 = arith.addi %add3A_432, %add3A_433 : vector<16xi32>
          %gather3A_435 = tpu.vector_load_idx %arg30[%add3A_434] : memref<4128xf32, #tpu.memory_space<vmem>>[vector<16xi32>], vector<16xf32>,
          %gather3A_436 = tpu.vector_load_idx %arg31[%add3A_434] : memref<4128xf32, #tpu.memory_space<vmem>>[vector<16xi32>], vector<16xf32>,
          %mul3A_437 = arith.mulf %gather3A_435, %gather3A_436 : vector<16xf32>
          %add3A_438 = arith.addf %scan3A_407, %mul3A_437 : vector<16xf32>
          %add3A_439 = arith.constant 48 : i32
          %add3A_440 = vector.broadcast %add3A_439 : i32 to vector<16xi32>
          %add3A_441 = arith.addi %mul3A_134, %add3A_440 : vector<16xi32>
          %add3A_442 = vector.broadcast %scan3A_404 : i32 to vector<16xi32>
          %add3A_443 = arith.addi %add3A_441, %add3A_442 : vector<16xi32>
          %gather3A_444 = tpu.vector_load_idx %arg30[%add3A_443] : memref<4128xf32, #tpu.memory_space<vmem>>[vector<16xi32>], vector<16xf32>,
          %gather3A_445 = tpu.vector_load_idx %arg31[%add3A_443] : memref<4128xf32, #tpu.memory_space<vmem>>[vector<16xi32>], vector<16xf32>,
          %mul3A_446 = arith.mulf %gather3A_444, %gather3A_445 : vector<16xf32>
          %add3A_447 = arith.addf %scan3A_408, %mul3A_446 : vector<16xf32>
          %add3A_448 = arith.constant 64 : i32
          %add3A_449 = vector.broadcast %add3A_448 : i32 to vector<16xi32>
          %add3A_450 = arith.addi %mul3A_134, %add3A_449 : vector<16xi32>
          %add3A_451 = vector.broadcast %scan3A_404 : i32 to vector<16xi32>
          %add3A_452 = arith.addi %add3A_450, %add3A_451 : vector<16xi32>
          %gather3A_453 = tpu.vector_load_idx %arg30[%add3A_452] : memref<4128xf32, #tpu.memory_space<vmem>>[vector<16xi32>], vector<16xf32>,
          %gather3A_454 = tpu.vector_load_idx %arg31[%add3A_452] : memref<4128xf32, #tpu.memory_space<vmem>>[vector<16xi32>], vector<16xf32>,
          %mul3A_455 = arith.mulf %gather3A_453, %gather3A_454 : vector<16xf32>
          %add3A_456 = arith.addf %scan3A_409, %mul3A_455 : vector<16xf32>
          %add3A_457 = arith.constant 80 : i32
          %add3A_458 = vector.broadcast %add3A_457 : i32 to vector<16xi32>
          %add3A_459 = arith.addi %mul3A_134, %add3A_458 : vector<16xi32>
          %add3A_460 = vector.broadcast %scan3A_404 : i32 to vector<16xi32>
          %add3A_461 = arith.addi %add3A_459, %add3A_460 : vector<16xi32>
          %gather3A_462 = tpu.vector_load_idx %arg30[%add3A_461] : memref<4128xf32, #tpu.memory_space<vmem>>[vector<16xi32>], vector<16xf32>,
          %gather3A_463 = tpu.vector_load_idx %arg31[%add3A_461] : memref<4128xf32, #tpu.memory_space<vmem>>[vector<16xi32>], vector<16xf32>,
          %mul3A_464 = arith.mulf %gather3A_462, %gather3A_463 : vector<16xf32>
          %add3A_465 = arith.addf %scan3A_410, %mul3A_464 : vector<16xf32>
          %add3A_466 = arith.constant 96 : i32
          %add3A_467 = vector.broadcast %add3A_466 : i32 to vector<16xi32>
          %add3A_468 = arith.addi %mul3A_134, %add3A_467 : vector<16xi32>
          %add3A_469 = vector.broadcast %scan3A_404 : i32 to vector<16xi32>
          %add3A_470 = arith.addi %add3A_468, %add3A_469 : vector<16xi32>
          %gather3A_471 = tpu.vector_load_idx %arg30[%add3A_470] : memref<4128xf32, #tpu.memory_space<vmem>>[vector<16xi32>], vector<16xf32>,
          %gather3A_472 = tpu.vector_load_idx %arg31[%add3A_470] : memref<4128xf32, #tpu.memory_space<vmem>>[vector<16xi32>], vector<16xf32>,
          %mul3A_473 = arith.mulf %gather3A_471, %gather3A_472 : vector<16xf32>
          %add3A_474 = arith.addf %scan3A_411, %mul3A_473 : vector<16xf32>
          %add3A_475 = arith.constant 112 : i32
          %add3A_476 = vector.broadcast %add3A_475 : i32 to vector<16xi32>
          %add3A_477 = arith.addi %mul3A_134, %add3A_476 : vector<16xi32>
          %add3A_478 = vector.broadcast %scan3A_404 : i32 to vector<16xi32>
          %add3A_479 = arith.addi %add3A_477, %add3A_478 : vector<16xi32>
          %gather3A_480 = tpu.vector_load_idx %arg30[%add3A_479] : memref<4128xf32, #tpu.memory_space<vmem>>[vector<16xi32>], vector<16xf32>,
          %gather3A_481 = tpu.vector_load_idx %arg31[%add3A_479] : memref<4128xf32, #tpu.memory_space<vmem>>[vector<16xi32>], vector<16xf32>,
          %mul3A_482 = arith.mulf %gather3A_480, %gather3A_481 : vector<16xf32>
          %add3A_483 = arith.addf %scan3A_412, %mul3A_482 : vector<16xf32>
          scf.yield %add3A_420, %add3A_429, %add3A_438, %add3A_447, %add3A_456, %add3A_465, %add3A_474, %add3A_483 : vector<16xf32>, vector<16xf32>, vector<16xf32>, vector<16xf32>, vector<16xf32>, vector<16xf32>, vector<16xf32>, vector<16xf32>
        }
        %scan3A_140 = arith.constant 16 : i32
        %mul3A_141 = arith.constant 2.500000e-01 : f32
        %mul3A_142 = vector.broadcast %mul3A_141 : f32 to vector<16xf32>
        %mul3A_143 = arith.mulf %scan3A_139#0, %mul3A_142 : vector<16xf32>
        %exp3A_144 = math.exp %mul3A_143 : vector<16xf32>
        %broadcast_in_dim3A_145 = arith.constant 0 : i32
        %broadcast_in_dim3A_146 = vector.broadcast %broadcast_in_dim3A_145 : i32 to vector<16xi32>
        tpu.vector_store_idx %arg28[%add3A_131, %broadcast_in_dim3A_146], %exp3A_144 : memref<32x16xf32, #tpu.memory_space<vmem>>[vector<16xi32>, vector<16xi32>], vector<16xf32>,
        %mul3A_147 = arith.constant 2.500000e-01 : f32
        %mul3A_148 = vector.broadcast %mul3A_147 : f32 to vector<16xf32>
        %mul3A_149 = arith.mulf %scan3A_139#1, %mul3A_148 : vector<16xf32>
        %exp3A_150 = math.exp %mul3A_149 : vector<16xf32>
        %broadcast_in_dim3A_151 = arith.constant 1 : i32
        %broadcast_in_dim3A_152 = vector.broadcast %broadcast_in_dim3A_151 : i32 to vector<16xi32>
        tpu.vector_store_idx %arg28[%add3A_131, %broadcast_in_dim3A_152], %exp3A_150 : memref<32x16xf32, #tpu.memory_space<vmem>>[vector<16xi32>, vector<16xi32>], vector<16xf32>,
        %mul3A_153 = arith.constant 2.500000e-01 : f32
        %mul3A_154 = vector.broadcast %mul3A_153 : f32 to vector<16xf32>
        %mul3A_155 = arith.mulf %scan3A_139#2, %mul3A_154 : vector<16xf32>
        %exp3A_156 = math.exp %mul3A_155 : vector<16xf32>
        %broadcast_in_dim3A_157 = arith.constant 2 : i32
        %broadcast_in_dim3A_158 = vector.broadcast %broadcast_in_dim3A_157 : i32 to vector<16xi32>
        tpu.vector_store_idx %arg28[%add3A_131, %broadcast_in_dim3A_158], %exp3A_156 : memref<32x16xf32, #tpu.memory_space<vmem>>[vector<16xi32>, vector<16xi32>], vector<16xf32>,
        %mul3A_159 = arith.constant 2.500000e-01 : f32
        %mul3A_160 = vector.broadcast %mul3A_159 : f32 to vector<16xf32>
        %mul3A_161 = arith.mulf %scan3A_139#3, %mul3A_160 : vector<16xf32>
        %exp3A_162 = math.exp %mul3A_161 : vector<16xf32>
        %broadcast_in_dim3A_163 = arith.constant 3 : i32
        %broadcast_in_dim3A_164 = vector.broadcast %broadcast_in_dim3A_163 : i32 to vector<16xi32>
        tpu.vector_store_idx %arg28[%add3A_131, %broadcast_in_dim3A_164], %exp3A_162 : memref<32x16xf32, #tpu.memory_space<vmem>>[vector<16xi32>, vector<16xi32>], vector<16xf32>,
        %mul3A_165 = arith.constant 2.500000e-01 : f32
        %mul3A_166 = vector.broadcast %mul3A_165 : f32 to vector<16xf32>
        %mul3A_167 = arith.mulf %scan3A_139#4, %mul3A_166 : vector<16xf32>
        %exp3A_168 = math.exp %mul3A_167 : vector<16xf32>
        %broadcast_in_dim3A_169 = arith.constant 4 : i32
        %broadcast_in_dim3A_170 = vector.broadcast %broadcast_in_dim3A_169 : i32 to vector<16xi32>
        tpu.vector_store_idx %arg28[%add3A_131, %broadcast_in_dim3A_170], %exp3A_168 : memref<32x16xf32, #tpu.memory_space<vmem>>[vector<16xi32>, vector<16xi32>], vector<16xf32>,
        %mul3A_171 = arith.constant 2.500000e-01 : f32
        %mul3A_172 = vector.broadcast %mul3A_171 : f32 to vector<16xf32>
        %mul3A_173 = arith.mulf %scan3A_139#5, %mul3A_172 : vector<16xf32>
        %exp3A_174 = math.exp %mul3A_173 : vector<16xf32>
        %broadcast_in_dim3A_175 = arith.constant 5 : i32
        %broadcast_in_dim3A_176 = vector.broadcast %broadcast_in_dim3A_175 : i32 to vector<16xi32>
        tpu.vector_store_idx %arg28[%add3A_131, %broadcast_in_dim3A_176], %exp3A_174 : memref<32x16xf32, #tpu.memory_space<vmem>>[vector<16xi32>, vector<16xi32>], vector<16xf32>,
        %mul3A_177 = arith.constant 2.500000e-01 : f32
        %mul3A_178 = vector.broadcast %mul3A_177 : f32 to vector<16xf32>
        %mul3A_179 = arith.mulf %scan3A_139#6, %mul3A_178 : vector<16xf32>
        %exp3A_180 = math.exp %mul3A_179 : vector<16xf32>
        %broadcast_in_dim3A_181 = arith.constant 6 : i32
        %broadcast_in_dim3A_182 = vector.broadcast %broadcast_in_dim3A_181 : i32 to vector<16xi32>
        tpu.vector_store_idx %arg28[%add3A_131, %broadcast_in_dim3A_182], %exp3A_180 : memref<32x16xf32, #tpu.memory_space<vmem>>[vector<16xi32>, vector<16xi32>], vector<16xf32>,
        %mul3A_183 = arith.constant 2.500000e-01 : f32
        %mul3A_184 = vector.broadcast %mul3A_183 : f32 to vector<16xf32>
        %mul3A_185 = arith.mulf %scan3A_139#7, %mul3A_184 : vector<16xf32>
        %exp3A_186 = math.exp %mul3A_185 : vector<16xf32>
        %broadcast_in_dim3A_187 = arith.constant 7 : i32
        %broadcast_in_dim3A_188 = vector.broadcast %broadcast_in_dim3A_187 : i32 to vector<16xi32>
        tpu.vector_store_idx %arg28[%add3A_131, %broadcast_in_dim3A_188], %exp3A_186 : memref<32x16xf32, #tpu.memory_space<vmem>>[vector<16xi32>, vector<16xi32>], vector<16xf32>,
        %ge3A = arith.constant 1 : i32
        %ge3A_189 = arith.cmpi sge, %add3A_54, %ge3A : i32
        %convert_element_type3A_190 = arith.extui %ge3A_189 : i1 to i32
        %cond3A_191 = arith.constant 0 : i32
        %cond3A_192 = arith.cmpi ne, %convert_element_type3A_190, %cond3A_191 : i32
        scf.if %cond3A_192 {
          %dma_wait3A_404 = arith.constant 0 : i32
          %dma_wait3A_405 = arith.constant 0 : i32
          %dma_wait3A_406 = tpu.memref_slice %arg14[%dma_wait3A_404, %dma_wait3A_405] : memref<10008x128xf32, #tpu.memory_space<vmem_shared>> -> memref<10008x128xf32, #tpu.memory_space<vmem_shared>>
          tpu.wait_indirect_dma semaphore(%arg37 : memref<!tpu.dma_semaphore, #tpu.memory_space<semaphore_mem>>) src(%arg27 : memref<32x128xf32, #tpu.memory_space<vmem>>) dst(%dma_wait3A_406 : memref<10008x128xf32, #tpu.memory_space<vmem_shared>>)
          %dma_wait3A_407 = arith.constant 0 : i32
          %dma_wait3A_408 = arith.constant 0 : i32
          %dma_wait3A_409 = tpu.memref_slice %arg15[%dma_wait3A_407, %dma_wait3A_408] : memref<10008x16xf32, #tpu.memory_space<vmem_shared>> -> memref<10008x16xf32, #tpu.memory_space<vmem_shared>>
          tpu.wait_indirect_dma semaphore(%arg37 : memref<!tpu.dma_semaphore, #tpu.memory_space<semaphore_mem>>) src(%arg29 : memref<32x16xf32, #tpu.memory_space<vmem>>) dst(%dma_wait3A_409 : memref<10008x16xf32, #tpu.memory_space<vmem_shared>>)
        } else {
        }
        %lt3A_193 = arith.constant 313 : i32
        %lt3A_194 = arith.cmpi slt, %add3A_54, %lt3A_193 : i32
        %convert_element_type3A_195 = arith.extui %lt3A_194 : i1 to i32
        %cond3A_196 = arith.constant 0 : i32
        %cond3A_197 = arith.cmpi ne, %convert_element_type3A_195, %cond3A_196 : i32
        scf.if %cond3A_197 {
          %dma_start3A_404 = arith.constant 0 : i32
          %dma_start3A_405 = arith.constant 0 : i32
          %dma_start3A_406 = tpu.memref_slice %arg4[%dma_start3A_404, %dma_start3A_405] : memref<10008x128xf32, #tpu.memory_space<hbm>> -> memref<10008x128xf32, #tpu.memory_space<hbm>>
          tpu.enqueue_indirect_dma source(%dma_start3A_406 : memref<10008x128xf32, #tpu.memory_space<hbm>>) target(%arg27 : memref<32x128xf32, #tpu.memory_space<vmem>>) offsets(%arg17 : memref<32xi32, #tpu.memory_space<vmem>>) semaphore(%arg35 : memref<!tpu.dma_semaphore, #tpu.memory_space<semaphore_mem>>)
        } else {
        }
        %dma_wait3A_198 = arith.constant 0 : i32
        %dma_wait3A_199 = arith.constant 0 : i32
        %dma_wait3A_200 = tpu.memref_slice %arg4[%dma_wait3A_198, %dma_wait3A_199] : memref<10008x128xf32, #tpu.memory_space<hbm>> -> memref<10008x128xf32, #tpu.memory_space<hbm>>
        tpu.wait_indirect_dma semaphore(%arg34 : memref<!tpu.dma_semaphore, #tpu.memory_space<semaphore_mem>>) src(%dma_wait3A_200 : memref<10008x128xf32, #tpu.memory_space<hbm>>) dst(%arg26 : memref<32x128xf32, #tpu.memory_space<vmem>>)
        %scan3A_201 = arith.constant 0 : i32
        %scan3A_202 = arith.constant 32 : i32
        %scan3A_203 = arith.addi %scan3A_201, %scan3A_202 : i32
        %scan3A_204 = arith.constant 1 : i32
        scf.for %scan3A_404 = %scan3A_201 to %scan3A_203 step %scan3A_204  : i32 {
          %get3A_405 = arith.index_cast %scan3A_404 : i32 to index
          %get3A_406 = arith.constant 0 : index
          %get3A_407 = tpu.vector_load %arg28[%get3A_405, %get3A_406] {strides = array<i32>} : memref<32x16xf32, #tpu.memory_space<vmem>>, vector<16xf32>,
          %slice3A = vector.extract_strided_slice %get3A_407 {offsets = [0], sizes = [1], strides = [1]} : vector<16xf32> to vector<1xf32>
          %squeeze3A = vector.extract %slice3A[0] : f32 from vector<1xf32>
          %get3A_408 = arith.index_cast %scan3A_404 : i32 to index
          %get3A_409 = arith.constant 0 : index
          %get3A_410 = tpu.vector_load %arg26[%get3A_408, %get3A_409] {strides = array<i32>} : memref<32x128xf32, #tpu.memory_space<vmem>>, vector<16xf32>,
          %mul3A_411 = vector.broadcast %squeeze3A : f32 to vector<16xf32>
          %mul3A_412 = arith.mulf %get3A_410, %mul3A_411 : vector<16xf32>
          %swap3A_413 = arith.index_cast %scan3A_404 : i32 to index
          %swap3A_414 = arith.constant 0 : index
          %swap3A_415 = tpu.vector_load %arg26[%swap3A_413, %swap3A_414] {strides = array<i32>} : memref<32x128xf32, #tpu.memory_space<vmem>>, vector<16xf32>,
          tpu.vector_store %arg26[%swap3A_413, %swap3A_414], %mul3A_412 {strides = array<i32>} : memref<32x128xf32, #tpu.memory_space<vmem>>, vector<16xf32>,
          %slice3A_416 = vector.extract_strided_slice %get3A_407 {offsets = [1], sizes = [1], strides = [1]} : vector<16xf32> to vector<1xf32>
          %squeeze3A_417 = vector.extract %slice3A_416[0] : f32 from vector<1xf32>
          %get3A_418 = arith.index_cast %scan3A_404 : i32 to index
          %get3A_419 = arith.constant 16 : index
          %get3A_420 = tpu.vector_load %arg26[%get3A_418, %get3A_419] {strides = array<i32>} : memref<32x128xf32, #tpu.memory_space<vmem>>, vector<16xf32>,
          %mul3A_421 = vector.broadcast %squeeze3A_417 : f32 to vector<16xf32>
          %mul3A_422 = arith.mulf %get3A_420, %mul3A_421 : vector<16xf32>
          %swap3A_423 = arith.index_cast %scan3A_404 : i32 to index
          %swap3A_424 = arith.constant 16 : index
          %swap3A_425 = tpu.vector_load %arg26[%swap3A_423, %swap3A_424] {strides = array<i32>} : memref<32x128xf32, #tpu.memory_space<vmem>>, vector<16xf32>,
          tpu.vector_store %arg26[%swap3A_423, %swap3A_424], %mul3A_422 {strides = array<i32>} : memref<32x128xf32, #tpu.memory_space<vmem>>, vector<16xf32>,
          %slice3A_426 = vector.extract_strided_slice %get3A_407 {offsets = [2], sizes = [1], strides = [1]} : vector<16xf32> to vector<1xf32>
          %squeeze3A_427 = vector.extract %slice3A_426[0] : f32 from vector<1xf32>
          %get3A_428 = arith.index_cast %scan3A_404 : i32 to index
          %get3A_429 = arith.constant 32 : index
          %get3A_430 = tpu.vector_load %arg26[%get3A_428, %get3A_429] {strides = array<i32>} : memref<32x128xf32, #tpu.memory_space<vmem>>, vector<16xf32>,
          %mul3A_431 = vector.broadcast %squeeze3A_427 : f32 to vector<16xf32>
          %mul3A_432 = arith.mulf %get3A_430, %mul3A_431 : vector<16xf32>
          %swap3A_433 = arith.index_cast %scan3A_404 : i32 to index
          %swap3A_434 = arith.constant 32 : index
          %swap3A_435 = tpu.vector_load %arg26[%swap3A_433, %swap3A_434] {strides = array<i32>} : memref<32x128xf32, #tpu.memory_space<vmem>>, vector<16xf32>,
          tpu.vector_store %arg26[%swap3A_433, %swap3A_434], %mul3A_432 {strides = array<i32>} : memref<32x128xf32, #tpu.memory_space<vmem>>, vector<16xf32>,
          %slice3A_436 = vector.extract_strided_slice %get3A_407 {offsets = [3], sizes = [1], strides = [1]} : vector<16xf32> to vector<1xf32>
          %squeeze3A_437 = vector.extract %slice3A_436[0] : f32 from vector<1xf32>
          %get3A_438 = arith.index_cast %scan3A_404 : i32 to index
          %get3A_439 = arith.constant 48 : index
          %get3A_440 = tpu.vector_load %arg26[%get3A_438, %get3A_439] {strides = array<i32>} : memref<32x128xf32, #tpu.memory_space<vmem>>, vector<16xf32>,
          %mul3A_441 = vector.broadcast %squeeze3A_437 : f32 to vector<16xf32>
          %mul3A_442 = arith.mulf %get3A_440, %mul3A_441 : vector<16xf32>
          %swap3A_443 = arith.index_cast %scan3A_404 : i32 to index
          %swap3A_444 = arith.constant 48 : index
          %swap3A_445 = tpu.vector_load %arg26[%swap3A_443, %swap3A_444] {strides = array<i32>} : memref<32x128xf32, #tpu.memory_space<vmem>>, vector<16xf32>,
          tpu.vector_store %arg26[%swap3A_443, %swap3A_444], %mul3A_442 {strides = array<i32>} : memref<32x128xf32, #tpu.memory_space<vmem>>, vector<16xf32>,
          %slice3A_446 = vector.extract_strided_slice %get3A_407 {offsets = [4], sizes = [1], strides = [1]} : vector<16xf32> to vector<1xf32>
          %squeeze3A_447 = vector.extract %slice3A_446[0] : f32 from vector<1xf32>
          %get3A_448 = arith.index_cast %scan3A_404 : i32 to index
          %get3A_449 = arith.constant 64 : index
          %get3A_450 = tpu.vector_load %arg26[%get3A_448, %get3A_449] {strides = array<i32>} : memref<32x128xf32, #tpu.memory_space<vmem>>, vector<16xf32>,
          %mul3A_451 = vector.broadcast %squeeze3A_447 : f32 to vector<16xf32>
          %mul3A_452 = arith.mulf %get3A_450, %mul3A_451 : vector<16xf32>
          %swap3A_453 = arith.index_cast %scan3A_404 : i32 to index
          %swap3A_454 = arith.constant 64 : index
          %swap3A_455 = tpu.vector_load %arg26[%swap3A_453, %swap3A_454] {strides = array<i32>} : memref<32x128xf32, #tpu.memory_space<vmem>>, vector<16xf32>,
          tpu.vector_store %arg26[%swap3A_453, %swap3A_454], %mul3A_452 {strides = array<i32>} : memref<32x128xf32, #tpu.memory_space<vmem>>, vector<16xf32>,
          %slice3A_456 = vector.extract_strided_slice %get3A_407 {offsets = [5], sizes = [1], strides = [1]} : vector<16xf32> to vector<1xf32>
          %squeeze3A_457 = vector.extract %slice3A_456[0] : f32 from vector<1xf32>
          %get3A_458 = arith.index_cast %scan3A_404 : i32 to index
          %get3A_459 = arith.constant 80 : index
          %get3A_460 = tpu.vector_load %arg26[%get3A_458, %get3A_459] {strides = array<i32>} : memref<32x128xf32, #tpu.memory_space<vmem>>, vector<16xf32>,
          %mul3A_461 = vector.broadcast %squeeze3A_457 : f32 to vector<16xf32>
          %mul3A_462 = arith.mulf %get3A_460, %mul3A_461 : vector<16xf32>
          %swap3A_463 = arith.index_cast %scan3A_404 : i32 to index
          %swap3A_464 = arith.constant 80 : index
          %swap3A_465 = tpu.vector_load %arg26[%swap3A_463, %swap3A_464] {strides = array<i32>} : memref<32x128xf32, #tpu.memory_space<vmem>>, vector<16xf32>,
          tpu.vector_store %arg26[%swap3A_463, %swap3A_464], %mul3A_462 {strides = array<i32>} : memref<32x128xf32, #tpu.memory_space<vmem>>, vector<16xf32>,
          %slice3A_466 = vector.extract_strided_slice %get3A_407 {offsets = [6], sizes = [1], strides = [1]} : vector<16xf32> to vector<1xf32>
          %squeeze3A_467 = vector.extract %slice3A_466[0] : f32 from vector<1xf32>
          %get3A_468 = arith.index_cast %scan3A_404 : i32 to index
          %get3A_469 = arith.constant 96 : index
          %get3A_470 = tpu.vector_load %arg26[%get3A_468, %get3A_469] {strides = array<i32>} : memref<32x128xf32, #tpu.memory_space<vmem>>, vector<16xf32>,
          %mul3A_471 = vector.broadcast %squeeze3A_467 : f32 to vector<16xf32>
          %mul3A_472 = arith.mulf %get3A_470, %mul3A_471 : vector<16xf32>
          %swap3A_473 = arith.index_cast %scan3A_404 : i32 to index
          %swap3A_474 = arith.constant 96 : index
          %swap3A_475 = tpu.vector_load %arg26[%swap3A_473, %swap3A_474] {strides = array<i32>} : memref<32x128xf32, #tpu.memory_space<vmem>>, vector<16xf32>,
          tpu.vector_store %arg26[%swap3A_473, %swap3A_474], %mul3A_472 {strides = array<i32>} : memref<32x128xf32, #tpu.memory_space<vmem>>, vector<16xf32>,
          %slice3A_476 = vector.extract_strided_slice %get3A_407 {offsets = [7], sizes = [1], strides = [1]} : vector<16xf32> to vector<1xf32>
          %squeeze3A_477 = vector.extract %slice3A_476[0] : f32 from vector<1xf32>
          %get3A_478 = arith.index_cast %scan3A_404 : i32 to index
          %get3A_479 = arith.constant 112 : index
          %get3A_480 = tpu.vector_load %arg26[%get3A_478, %get3A_479] {strides = array<i32>} : memref<32x128xf32, #tpu.memory_space<vmem>>, vector<16xf32>,
          %mul3A_481 = vector.broadcast %squeeze3A_477 : f32 to vector<16xf32>
          %mul3A_482 = arith.mulf %get3A_480, %mul3A_481 : vector<16xf32>
          %swap3A_483 = arith.index_cast %scan3A_404 : i32 to index
          %swap3A_484 = arith.constant 112 : index
          %swap3A_485 = tpu.vector_load %arg26[%swap3A_483, %swap3A_484] {strides = array<i32>} : memref<32x128xf32, #tpu.memory_space<vmem>>, vector<16xf32>,
          tpu.vector_store %arg26[%swap3A_483, %swap3A_484], %mul3A_482 {strides = array<i32>} : memref<32x128xf32, #tpu.memory_space<vmem>>, vector<16xf32>,
        }
        %scan3A_205 = arith.constant 32 : i32
        %get3A = arith.constant 0 : index
        %get3A_206 = tpu.vector_load %arg18[%get3A] {strides = array<i32>} : memref<32xi32, #tpu.memory_space<vmem>>, vector<16xi32>,
        %swap3A = arith.constant 0 : index
        %swap3A_207 = tpu.vector_load %arg20[%swap3A] {strides = array<i32>} : memref<32xi32, #tpu.memory_space<vmem>>, vector<16xi32>,
        tpu.vector_store %arg20[%swap3A], %get3A_206 {strides = array<i32>} : memref<32xi32, #tpu.memory_space<vmem>>, vector<16xi32>,
        %get3A_208 = arith.constant 16 : index
        %get3A_209 = tpu.vector_load %arg18[%get3A_208] {strides = array<i32>} : memref<32xi32, #tpu.memory_space<vmem>>, vector<16xi32>,
        %swap3A_210 = arith.constant 16 : index
        %swap3A_211 = tpu.vector_load %arg20[%swap3A_210] {strides = array<i32>} : memref<32xi32, #tpu.memory_space<vmem>>, vector<16xi32>,
        tpu.vector_store %arg20[%swap3A_210], %get3A_209 {strides = array<i32>} : memref<32xi32, #tpu.memory_space<vmem>>, vector<16xi32>,
        %dma_start3A_212 = arith.constant 0 : i32
        %dma_start3A_213 = arith.constant 0 : i32
        %dma_start3A_214 = tpu.memref_slice %arg14[%dma_start3A_212, %dma_start3A_213] : memref<10008x128xf32, #tpu.memory_space<vmem_shared>> -> memref<10008x128xf32, #tpu.memory_space<vmem_shared>>
        tpu.enqueue_indirect_dma source(%arg26 : memref<32x128xf32, #tpu.memory_space<vmem>>) target(%dma_start3A_214 : memref<10008x128xf32, #tpu.memory_space<vmem_shared>>) offsets(%arg20 : memref<32xi32, #tpu.memory_space<vmem>>) semaphore(%arg36 : memref<!tpu.dma_semaphore, #tpu.memory_space<semaphore_mem>>) {add = true}
        %dma_start3A_215 = arith.constant 0 : i32
        %dma_start3A_216 = arith.constant 0 : i32
        %dma_start3A_217 = tpu.memref_slice %arg15[%dma_start3A_215, %dma_start3A_216] : memref<10008x16xf32, #tpu.memory_space<vmem_shared>> -> memref<10008x16xf32, #tpu.memory_space<vmem_shared>>
        tpu.enqueue_indirect_dma source(%arg28 : memref<32x16xf32, #tpu.memory_space<vmem>>) target(%dma_start3A_217 : memref<10008x16xf32, #tpu.memory_space<vmem_shared>>) offsets(%arg20 : memref<32xi32, #tpu.memory_space<vmem>>) semaphore(%arg36 : memref<!tpu.dma_semaphore, #tpu.memory_space<semaphore_mem>>) {add = true}
        %add3A_218 = arith.constant 2 : i32
        %add3A_219 = arith.addi %add3A_54, %add3A_218 : i32
        %lt3A_220 = arith.constant 314 : i32
        %lt3A_221 = arith.cmpi slt, %add3A_219, %lt3A_220 : i32
        %convert_element_type3A_222 = arith.extui %lt3A_221 : i1 to i32
        %cond3A_223 = arith.constant 0 : i32
        %cond3A_224 = arith.cmpi ne, %convert_element_type3A_222, %cond3A_223 : i32
        scf.if %cond3A_224 {
          %add3A_404 = arith.constant 2 : i32
          %add3A_405 = arith.addi %add3A_54, %add3A_404 : i32
          %mul3A_406 = arith.constant 32 : i32
          %mul3A_407 = arith.muli %add3A_405, %mul3A_406 : i32
          %add3A_408 = arith.addi %mul3A_22, %mul3A_407 : i32
          %dma_start3A_409 = tpu.memref_slice %arg8[%add3A_408] : memref<160768xi32, #tpu.memory_space<hbm>> -> memref<32xi32, #tpu.memory_space<hbm>>
          %dma_start3A_410 = tpu.memref_slice %arg8[%add3A_408] : memref<160768xi32, #tpu.memory_space<hbm>> -> memref<32xi32, #tpu.memory_space<hbm>>
          tpu.enqueue_dma source(%dma_start3A_410 : memref<32xi32, #tpu.memory_space<hbm>>) target(%arg16 : memref<32xi32, #tpu.memory_space<vmem>>) target_semaphore(%arg38 : memref<!tpu.dma_semaphore, #tpu.memory_space<semaphore_mem>>)
          %dma_start3A_411 = tpu.memref_slice %arg9[%add3A_408] : memref<160768xi32, #tpu.memory_space<hbm>> -> memref<32xi32, #tpu.memory_space<hbm>>
          %dma_start3A_412 = tpu.memref_slice %arg9[%add3A_408] : memref<160768xi32, #tpu.memory_space<hbm>> -> memref<32xi32, #tpu.memory_space<hbm>>
          tpu.enqueue_dma source(%dma_start3A_412 : memref<32xi32, #tpu.memory_space<hbm>>) target(%arg18 : memref<32xi32, #tpu.memory_space<vmem>>) target_semaphore(%arg38 : memref<!tpu.dma_semaphore, #tpu.memory_space<semaphore_mem>>)
        } else {
        }
        %mul3A_225 = arith.constant 2 : i32
        %mul3A_226 = arith.muli %mul3A_225, %scan3A_50 : i32
        %add3A_227 = arith.constant 1 : i32
        %add3A_228 = arith.addi %mul3A_226, %add3A_227 : i32
        %lt3A_229 = arith.constant 313 : i32
        %lt3A_230 = arith.cmpi slt, %add3A_228, %lt3A_229 : i32
        %convert_element_type3A_231 = arith.extui %lt3A_230 : i1 to i32
        %cond3A_232 = arith.constant 0 : i32
        %cond3A_233 = arith.cmpi ne, %convert_element_type3A_231, %cond3A_232 : i32
        scf.if %cond3A_233 {
          %add3A_404 = arith.constant 1 : i32
          %add3A_405 = arith.addi %add3A_228, %add3A_404 : i32
          %mul3A_406 = arith.constant 32 : i32
          %mul3A_407 = arith.muli %add3A_405, %mul3A_406 : i32
          %add3A_408 = arith.addi %mul3A_22, %mul3A_407 : i32
          %dma_wait3A_409 = tpu.memref_slice %arg8[%add3A_408] : memref<160768xi32, #tpu.memory_space<hbm>> -> memref<32xi32, #tpu.memory_space<hbm>>
          %dma_wait3A_410 = tpu.memref_slice %arg8[%add3A_408] : memref<160768xi32, #tpu.memory_space<hbm>> -> memref<32xi32, #tpu.memory_space<hbm>>
          tpu.wait_dma2 semaphore(%arg38 : memref<!tpu.dma_semaphore, #tpu.memory_space<semaphore_mem>>) src(%dma_wait3A_410 : memref<32xi32, #tpu.memory_space<hbm>>) dst(%arg16 : memref<32xi32, #tpu.memory_space<vmem>>)
          %dma_wait3A_411 = tpu.memref_slice %arg9[%add3A_408] : memref<160768xi32, #tpu.memory_space<hbm>> -> memref<32xi32, #tpu.memory_space<hbm>>
          %dma_wait3A_412 = tpu.memref_slice %arg9[%add3A_408] : memref<160768xi32, #tpu.memory_space<hbm>> -> memref<32xi32, #tpu.memory_space<hbm>>
          tpu.wait_dma2 semaphore(%arg38 : memref<!tpu.dma_semaphore, #tpu.memory_space<semaphore_mem>>) src(%dma_wait3A_412 : memref<32xi32, #tpu.memory_space<hbm>>) dst(%arg18 : memref<32xi32, #tpu.memory_space<vmem>>)
          %dma_start3A_413 = arith.constant 0 : i32
          %dma_start3A_414 = arith.constant 0 : i32
          %dma_start3A_415 = tpu.memref_slice %arg2[%dma_start3A_413, %dma_start3A_414] : memref<10008x128xf32, #tpu.memory_space<hbm>> -> memref<10008x128xf32, #tpu.memory_space<hbm>>
          tpu.enqueue_indirect_dma source(%dma_start3A_415 : memref<10008x128xf32, #tpu.memory_space<hbm>>) target(%arg22 : memref<32x128xf32, #tpu.memory_space<vmem>>) offsets(%arg16 : memref<32xi32, #tpu.memory_space<vmem>>) semaphore(%arg32 : memref<!tpu.dma_semaphore, #tpu.memory_space<semaphore_mem>>)
          %dma_start3A_416 = arith.constant 0 : i32
          %dma_start3A_417 = arith.constant 0 : i32
          %dma_start3A_418 = tpu.memref_slice %arg3[%dma_start3A_416, %dma_start3A_417] : memref<10008x128xf32, #tpu.memory_space<hbm>> -> memref<10008x128xf32, #tpu.memory_space<hbm>>
          tpu.enqueue_indirect_dma source(%dma_start3A_418 : memref<10008x128xf32, #tpu.memory_space<hbm>>) target(%arg24 : memref<32x128xf32, #tpu.memory_space<vmem>>) offsets(%arg18 : memref<32xi32, #tpu.memory_space<vmem>>) semaphore(%arg32 : memref<!tpu.dma_semaphore, #tpu.memory_space<semaphore_mem>>)
        } else {
        }
        %dma_wait3A_234 = arith.constant 0 : i32
        %dma_wait3A_235 = arith.constant 0 : i32
        %dma_wait3A_236 = tpu.memref_slice %arg2[%dma_wait3A_234, %dma_wait3A_235] : memref<10008x128xf32, #tpu.memory_space<hbm>> -> memref<10008x128xf32, #tpu.memory_space<hbm>>
        tpu.wait_indirect_dma semaphore(%arg33 : memref<!tpu.dma_semaphore, #tpu.memory_space<semaphore_mem>>) src(%dma_wait3A_236 : memref<10008x128xf32, #tpu.memory_space<hbm>>) dst(%arg23 : memref<32x128xf32, #tpu.memory_space<vmem>>)
        %dma_wait3A_237 = arith.constant 0 : i32
        %dma_wait3A_238 = arith.constant 0 : i32
        %dma_wait3A_239 = tpu.memref_slice %arg3[%dma_wait3A_237, %dma_wait3A_238] : memref<10008x128xf32, #tpu.memory_space<hbm>> -> memref<10008x128xf32, #tpu.memory_space<hbm>>
        tpu.wait_indirect_dma semaphore(%arg33 : memref<!tpu.dma_semaphore, #tpu.memory_space<semaphore_mem>>) src(%dma_wait3A_239 : memref<10008x128xf32, #tpu.memory_space<hbm>>) dst(%arg25 : memref<32x128xf32, #tpu.memory_space<vmem>>)
        %scan3A_240 = arith.constant 0 : i32
        %scan3A_241 = arith.constant 32 : i32
        %scan3A_242 = arith.addi %scan3A_240, %scan3A_241 : i32
        %scan3A_243 = arith.constant 1 : i32
        scf.for %scan3A_404 = %scan3A_240 to %scan3A_242 step %scan3A_243  : i32 {
          %get3A_405 = arith.index_cast %scan3A_404 : i32 to index
          %get3A_406 = arith.constant 0 : index
          %get3A_407 = tpu.vector_load %arg23[%get3A_405, %get3A_406] {strides = array<i32>} : memref<32x128xf32, #tpu.memory_space<vmem>>, vector<16xf32>,
          %mul3A_408 = arith.constant 129 : i32
          %mul3A_409 = arith.muli %scan3A_404, %mul3A_408 : i32
          %add3A_410 = arith.constant 0 : i32
          %add3A_411 = arith.addi %mul3A_409, %add3A_410 : i32
          %swap3A_412 = arith.index_cast %add3A_411 : i32 to index
          %swap3A_413 = tpu.vector_load %arg30[%swap3A_412] {strides = array<i32>} : memref<4128xf32, #tpu.memory_space<vmem>>, vector<16xf32>,
          tpu.vector_store %arg30[%swap3A_412], %get3A_407 {strides = array<i32>} : memref<4128xf32, #tpu.memory_space<vmem>>, vector<16xf32>,
          %get3A_414 = arith.index_cast %scan3A_404 : i32 to index
          %get3A_415 = arith.constant 0 : index
          %get3A_416 = tpu.vector_load %arg25[%get3A_414, %get3A_415] {strides = array<i32>} : memref<32x128xf32, #tpu.memory_space<vmem>>, vector<16xf32>,
          %mul3A_417 = arith.constant 129 : i32
          %mul3A_418 = arith.muli %scan3A_404, %mul3A_417 : i32
          %add3A_419 = arith.constant 0 : i32
          %add3A_420 = arith.addi %mul3A_418, %add3A_419 : i32
          %swap3A_421 = arith.index_cast %add3A_420 : i32 to index
          %swap3A_422 = tpu.vector_load %arg31[%swap3A_421] {strides = array<i32>} : memref<4128xf32, #tpu.memory_space<vmem>>, vector<16xf32>,
          tpu.vector_store %arg31[%swap3A_421], %get3A_416 {strides = array<i32>} : memref<4128xf32, #tpu.memory_space<vmem>>, vector<16xf32>,
          %get3A_423 = arith.index_cast %scan3A_404 : i32 to index
          %get3A_424 = arith.constant 16 : index
          %get3A_425 = tpu.vector_load %arg23[%get3A_423, %get3A_424] {strides = array<i32>} : memref<32x128xf32, #tpu.memory_space<vmem>>, vector<16xf32>,
          %mul3A_426 = arith.constant 129 : i32
          %mul3A_427 = arith.muli %scan3A_404, %mul3A_426 : i32
          %add3A_428 = arith.constant 16 : i32
          %add3A_429 = arith.addi %mul3A_427, %add3A_428 : i32
          %swap3A_430 = arith.index_cast %add3A_429 : i32 to index
          %swap3A_431 = tpu.vector_load %arg30[%swap3A_430] {strides = array<i32>} : memref<4128xf32, #tpu.memory_space<vmem>>, vector<16xf32>,
          tpu.vector_store %arg30[%swap3A_430], %get3A_425 {strides = array<i32>} : memref<4128xf32, #tpu.memory_space<vmem>>, vector<16xf32>,
          %get3A_432 = arith.index_cast %scan3A_404 : i32 to index
          %get3A_433 = arith.constant 16 : index
          %get3A_434 = tpu.vector_load %arg25[%get3A_432, %get3A_433] {strides = array<i32>} : memref<32x128xf32, #tpu.memory_space<vmem>>, vector<16xf32>,
          %mul3A_435 = arith.constant 129 : i32
          %mul3A_436 = arith.muli %scan3A_404, %mul3A_435 : i32
          %add3A_437 = arith.constant 16 : i32
          %add3A_438 = arith.addi %mul3A_436, %add3A_437 : i32
          %swap3A_439 = arith.index_cast %add3A_438 : i32 to index
          %swap3A_440 = tpu.vector_load %arg31[%swap3A_439] {strides = array<i32>} : memref<4128xf32, #tpu.memory_space<vmem>>, vector<16xf32>,
          tpu.vector_store %arg31[%swap3A_439], %get3A_434 {strides = array<i32>} : memref<4128xf32, #tpu.memory_space<vmem>>, vector<16xf32>,
          %get3A_441 = arith.index_cast %scan3A_404 : i32 to index
          %get3A_442 = arith.constant 32 : index
          %get3A_443 = tpu.vector_load %arg23[%get3A_441, %get3A_442] {strides = array<i32>} : memref<32x128xf32, #tpu.memory_space<vmem>>, vector<16xf32>,
          %mul3A_444 = arith.constant 129 : i32
          %mul3A_445 = arith.muli %scan3A_404, %mul3A_444 : i32
          %add3A_446 = arith.constant 32 : i32
          %add3A_447 = arith.addi %mul3A_445, %add3A_446 : i32
          %swap3A_448 = arith.index_cast %add3A_447 : i32 to index
          %swap3A_449 = tpu.vector_load %arg30[%swap3A_448] {strides = array<i32>} : memref<4128xf32, #tpu.memory_space<vmem>>, vector<16xf32>,
          tpu.vector_store %arg30[%swap3A_448], %get3A_443 {strides = array<i32>} : memref<4128xf32, #tpu.memory_space<vmem>>, vector<16xf32>,
          %get3A_450 = arith.index_cast %scan3A_404 : i32 to index
          %get3A_451 = arith.constant 32 : index
          %get3A_452 = tpu.vector_load %arg25[%get3A_450, %get3A_451] {strides = array<i32>} : memref<32x128xf32, #tpu.memory_space<vmem>>, vector<16xf32>,
          %mul3A_453 = arith.constant 129 : i32
          %mul3A_454 = arith.muli %scan3A_404, %mul3A_453 : i32
          %add3A_455 = arith.constant 32 : i32
          %add3A_456 = arith.addi %mul3A_454, %add3A_455 : i32
          %swap3A_457 = arith.index_cast %add3A_456 : i32 to index
          %swap3A_458 = tpu.vector_load %arg31[%swap3A_457] {strides = array<i32>} : memref<4128xf32, #tpu.memory_space<vmem>>, vector<16xf32>,
          tpu.vector_store %arg31[%swap3A_457], %get3A_452 {strides = array<i32>} : memref<4128xf32, #tpu.memory_space<vmem>>, vector<16xf32>,
          %get3A_459 = arith.index_cast %scan3A_404 : i32 to index
          %get3A_460 = arith.constant 48 : index
          %get3A_461 = tpu.vector_load %arg23[%get3A_459, %get3A_460] {strides = array<i32>} : memref<32x128xf32, #tpu.memory_space<vmem>>, vector<16xf32>,
          %mul3A_462 = arith.constant 129 : i32
          %mul3A_463 = arith.muli %scan3A_404, %mul3A_462 : i32
          %add3A_464 = arith.constant 48 : i32
          %add3A_465 = arith.addi %mul3A_463, %add3A_464 : i32
          %swap3A_466 = arith.index_cast %add3A_465 : i32 to index
          %swap3A_467 = tpu.vector_load %arg30[%swap3A_466] {strides = array<i32>} : memref<4128xf32, #tpu.memory_space<vmem>>, vector<16xf32>,
          tpu.vector_store %arg30[%swap3A_466], %get3A_461 {strides = array<i32>} : memref<4128xf32, #tpu.memory_space<vmem>>, vector<16xf32>,
          %get3A_468 = arith.index_cast %scan3A_404 : i32 to index
          %get3A_469 = arith.constant 48 : index
          %get3A_470 = tpu.vector_load %arg25[%get3A_468, %get3A_469] {strides = array<i32>} : memref<32x128xf32, #tpu.memory_space<vmem>>, vector<16xf32>,
          %mul3A_471 = arith.constant 129 : i32
          %mul3A_472 = arith.muli %scan3A_404, %mul3A_471 : i32
          %add3A_473 = arith.constant 48 : i32
          %add3A_474 = arith.addi %mul3A_472, %add3A_473 : i32
          %swap3A_475 = arith.index_cast %add3A_474 : i32 to index
          %swap3A_476 = tpu.vector_load %arg31[%swap3A_475] {strides = array<i32>} : memref<4128xf32, #tpu.memory_space<vmem>>, vector<16xf32>,
          tpu.vector_store %arg31[%swap3A_475], %get3A_470 {strides = array<i32>} : memref<4128xf32, #tpu.memory_space<vmem>>, vector<16xf32>,
          %get3A_477 = arith.index_cast %scan3A_404 : i32 to index
          %get3A_478 = arith.constant 64 : index
          %get3A_479 = tpu.vector_load %arg23[%get3A_477, %get3A_478] {strides = array<i32>} : memref<32x128xf32, #tpu.memory_space<vmem>>, vector<16xf32>,
          %mul3A_480 = arith.constant 129 : i32
          %mul3A_481 = arith.muli %scan3A_404, %mul3A_480 : i32
          %add3A_482 = arith.constant 64 : i32
          %add3A_483 = arith.addi %mul3A_481, %add3A_482 : i32
          %swap3A_484 = arith.index_cast %add3A_483 : i32 to index
          %swap3A_485 = tpu.vector_load %arg30[%swap3A_484] {strides = array<i32>} : memref<4128xf32, #tpu.memory_space<vmem>>, vector<16xf32>,
          tpu.vector_store %arg30[%swap3A_484], %get3A_479 {strides = array<i32>} : memref<4128xf32, #tpu.memory_space<vmem>>, vector<16xf32>,
          %get3A_486 = arith.index_cast %scan3A_404 : i32 to index
          %get3A_487 = arith.constant 64 : index
          %get3A_488 = tpu.vector_load %arg25[%get3A_486, %get3A_487] {strides = array<i32>} : memref<32x128xf32, #tpu.memory_space<vmem>>, vector<16xf32>,
          %mul3A_489 = arith.constant 129 : i32
          %mul3A_490 = arith.muli %scan3A_404, %mul3A_489 : i32
          %add3A_491 = arith.constant 64 : i32
          %add3A_492 = arith.addi %mul3A_490, %add3A_491 : i32
          %swap3A_493 = arith.index_cast %add3A_492 : i32 to index
          %swap3A_494 = tpu.vector_load %arg31[%swap3A_493] {strides = array<i32>} : memref<4128xf32, #tpu.memory_space<vmem>>, vector<16xf32>,
          tpu.vector_store %arg31[%swap3A_493], %get3A_488 {strides = array<i32>} : memref<4128xf32, #tpu.memory_space<vmem>>, vector<16xf32>,
          %get3A_495 = arith.index_cast %scan3A_404 : i32 to index
          %get3A_496 = arith.constant 80 : index
          %get3A_497 = tpu.vector_load %arg23[%get3A_495, %get3A_496] {strides = array<i32>} : memref<32x128xf32, #tpu.memory_space<vmem>>, vector<16xf32>,
          %mul3A_498 = arith.constant 129 : i32
          %mul3A_499 = arith.muli %scan3A_404, %mul3A_498 : i32
          %add3A_500 = arith.constant 80 : i32
          %add3A_501 = arith.addi %mul3A_499, %add3A_500 : i32
          %swap3A_502 = arith.index_cast %add3A_501 : i32 to index
          %swap3A_503 = tpu.vector_load %arg30[%swap3A_502] {strides = array<i32>} : memref<4128xf32, #tpu.memory_space<vmem>>, vector<16xf32>,
          tpu.vector_store %arg30[%swap3A_502], %get3A_497 {strides = array<i32>} : memref<4128xf32, #tpu.memory_space<vmem>>, vector<16xf32>,
          %get3A_504 = arith.index_cast %scan3A_404 : i32 to index
          %get3A_505 = arith.constant 80 : index
          %get3A_506 = tpu.vector_load %arg25[%get3A_504, %get3A_505] {strides = array<i32>} : memref<32x128xf32, #tpu.memory_space<vmem>>, vector<16xf32>,
          %mul3A_507 = arith.constant 129 : i32
          %mul3A_508 = arith.muli %scan3A_404, %mul3A_507 : i32
          %add3A_509 = arith.constant 80 : i32
          %add3A_510 = arith.addi %mul3A_508, %add3A_509 : i32
          %swap3A_511 = arith.index_cast %add3A_510 : i32 to index
          %swap3A_512 = tpu.vector_load %arg31[%swap3A_511] {strides = array<i32>} : memref<4128xf32, #tpu.memory_space<vmem>>, vector<16xf32>,
          tpu.vector_store %arg31[%swap3A_511], %get3A_506 {strides = array<i32>} : memref<4128xf32, #tpu.memory_space<vmem>>, vector<16xf32>,
          %get3A_513 = arith.index_cast %scan3A_404 : i32 to index
          %get3A_514 = arith.constant 96 : index
          %get3A_515 = tpu.vector_load %arg23[%get3A_513, %get3A_514] {strides = array<i32>} : memref<32x128xf32, #tpu.memory_space<vmem>>, vector<16xf32>,
          %mul3A_516 = arith.constant 129 : i32
          %mul3A_517 = arith.muli %scan3A_404, %mul3A_516 : i32
          %add3A_518 = arith.constant 96 : i32
          %add3A_519 = arith.addi %mul3A_517, %add3A_518 : i32
          %swap3A_520 = arith.index_cast %add3A_519 : i32 to index
          %swap3A_521 = tpu.vector_load %arg30[%swap3A_520] {strides = array<i32>} : memref<4128xf32, #tpu.memory_space<vmem>>, vector<16xf32>,
          tpu.vector_store %arg30[%swap3A_520], %get3A_515 {strides = array<i32>} : memref<4128xf32, #tpu.memory_space<vmem>>, vector<16xf32>,
          %get3A_522 = arith.index_cast %scan3A_404 : i32 to index
          %get3A_523 = arith.constant 96 : index
          %get3A_524 = tpu.vector_load %arg25[%get3A_522, %get3A_523] {strides = array<i32>} : memref<32x128xf32, #tpu.memory_space<vmem>>, vector<16xf32>,
          %mul3A_525 = arith.constant 129 : i32
          %mul3A_526 = arith.muli %scan3A_404, %mul3A_525 : i32
          %add3A_527 = arith.constant 96 : i32
          %add3A_528 = arith.addi %mul3A_526, %add3A_527 : i32
          %swap3A_529 = arith.index_cast %add3A_528 : i32 to index
          %swap3A_530 = tpu.vector_load %arg31[%swap3A_529] {strides = array<i32>} : memref<4128xf32, #tpu.memory_space<vmem>>, vector<16xf32>,
          tpu.vector_store %arg31[%swap3A_529], %get3A_524 {strides = array<i32>} : memref<4128xf32, #tpu.memory_space<vmem>>, vector<16xf32>,
          %get3A_531 = arith.index_cast %scan3A_404 : i32 to index
          %get3A_532 = arith.constant 112 : index
          %get3A_533 = tpu.vector_load %arg23[%get3A_531, %get3A_532] {strides = array<i32>} : memref<32x128xf32, #tpu.memory_space<vmem>>, vector<16xf32>,
          %mul3A_534 = arith.constant 129 : i32
          %mul3A_535 = arith.muli %scan3A_404, %mul3A_534 : i32
          %add3A_536 = arith.constant 112 : i32
          %add3A_537 = arith.addi %mul3A_535, %add3A_536 : i32
          %swap3A_538 = arith.index_cast %add3A_537 : i32 to index
          %swap3A_539 = tpu.vector_load %arg30[%swap3A_538] {strides = array<i32>} : memref<4128xf32, #tpu.memory_space<vmem>>, vector<16xf32>,
          tpu.vector_store %arg30[%swap3A_538], %get3A_533 {strides = array<i32>} : memref<4128xf32, #tpu.memory_space<vmem>>, vector<16xf32>,
          %get3A_540 = arith.index_cast %scan3A_404 : i32 to index
          %get3A_541 = arith.constant 112 : index
          %get3A_542 = tpu.vector_load %arg25[%get3A_540, %get3A_541] {strides = array<i32>} : memref<32x128xf32, #tpu.memory_space<vmem>>, vector<16xf32>,
          %mul3A_543 = arith.constant 129 : i32
          %mul3A_544 = arith.muli %scan3A_404, %mul3A_543 : i32
          %add3A_545 = arith.constant 112 : i32
          %add3A_546 = arith.addi %mul3A_544, %add3A_545 : i32
          %swap3A_547 = arith.index_cast %add3A_546 : i32 to index
          %swap3A_548 = tpu.vector_load %arg31[%swap3A_547] {strides = array<i32>} : memref<4128xf32, #tpu.memory_space<vmem>>, vector<16xf32>,
          tpu.vector_store %arg31[%swap3A_547], %get3A_542 {strides = array<i32>} : memref<4128xf32, #tpu.memory_space<vmem>>, vector<16xf32>,
        }
        %scan3A_244 = arith.constant 32 : i32
        %add3A_245 = arith.constant 0 : i32
        %add3A_246 = vector.broadcast %add3A_245 : i32 to vector<16xi32>
        %add3A_247 = arith.addi %add3A_246, %iota3A : vector<16xi32>
        %mul3A_248 = arith.constant 129 : i32
        %mul3A_249 = vector.broadcast %mul3A_248 : i32 to vector<16xi32>
        %mul3A_250 = arith.muli %add3A_247, %mul3A_249 : vector<16xi32>
        %scan3A_251 = arith.constant 0 : i32
        %scan3A_252 = arith.constant 16 : i32
        %scan3A_253 = arith.addi %scan3A_251, %scan3A_252 : i32
        %scan3A_254 = arith.constant 1 : i32
        %scan3A_255:8 = scf.for %scan3A_404 = %scan3A_251 to %scan3A_253 step %scan3A_254 iter_args(%scan3A_405 = %broadcast_in_dim3A_7, %scan3A_406 = %broadcast_in_dim3A_7, %scan3A_407 = %broadcast_in_dim3A_7, %scan3A_408 = %broadcast_in_dim3A_7, %scan3A_409 = %broadcast_in_dim3A_7, %scan3A_410 = %broadcast_in_dim3A_7, %scan3A_411 = %broadcast_in_dim3A_7, %scan3A_412 = %broadcast_in_dim3A_7) -> (vector<16xf32>, vector<16xf32>, vector<16xf32>, vector<16xf32>, vector<16xf32>, vector<16xf32>, vector<16xf32>, vector<16xf32>)  : i32 {
          %add3A_413 = arith.constant 0 : i32
          %add3A_414 = vector.broadcast %add3A_413 : i32 to vector<16xi32>
          %add3A_415 = arith.addi %mul3A_250, %add3A_414 : vector<16xi32>
          %add3A_416 = vector.broadcast %scan3A_404 : i32 to vector<16xi32>
          %add3A_417 = arith.addi %add3A_415, %add3A_416 : vector<16xi32>
          %gather3A = tpu.vector_load_idx %arg30[%add3A_417] : memref<4128xf32, #tpu.memory_space<vmem>>[vector<16xi32>], vector<16xf32>,
          %gather3A_418 = tpu.vector_load_idx %arg31[%add3A_417] : memref<4128xf32, #tpu.memory_space<vmem>>[vector<16xi32>], vector<16xf32>,
          %mul3A_419 = arith.mulf %gather3A, %gather3A_418 : vector<16xf32>
          %add3A_420 = arith.addf %scan3A_405, %mul3A_419 : vector<16xf32>
          %add3A_421 = arith.constant 16 : i32
          %add3A_422 = vector.broadcast %add3A_421 : i32 to vector<16xi32>
          %add3A_423 = arith.addi %mul3A_250, %add3A_422 : vector<16xi32>
          %add3A_424 = vector.broadcast %scan3A_404 : i32 to vector<16xi32>
          %add3A_425 = arith.addi %add3A_423, %add3A_424 : vector<16xi32>
          %gather3A_426 = tpu.vector_load_idx %arg30[%add3A_425] : memref<4128xf32, #tpu.memory_space<vmem>>[vector<16xi32>], vector<16xf32>,
          %gather3A_427 = tpu.vector_load_idx %arg31[%add3A_425] : memref<4128xf32, #tpu.memory_space<vmem>>[vector<16xi32>], vector<16xf32>,
          %mul3A_428 = arith.mulf %gather3A_426, %gather3A_427 : vector<16xf32>
          %add3A_429 = arith.addf %scan3A_406, %mul3A_428 : vector<16xf32>
          %add3A_430 = arith.constant 32 : i32
          %add3A_431 = vector.broadcast %add3A_430 : i32 to vector<16xi32>
          %add3A_432 = arith.addi %mul3A_250, %add3A_431 : vector<16xi32>
          %add3A_433 = vector.broadcast %scan3A_404 : i32 to vector<16xi32>
          %add3A_434 = arith.addi %add3A_432, %add3A_433 : vector<16xi32>
          %gather3A_435 = tpu.vector_load_idx %arg30[%add3A_434] : memref<4128xf32, #tpu.memory_space<vmem>>[vector<16xi32>], vector<16xf32>,
          %gather3A_436 = tpu.vector_load_idx %arg31[%add3A_434] : memref<4128xf32, #tpu.memory_space<vmem>>[vector<16xi32>], vector<16xf32>,
          %mul3A_437 = arith.mulf %gather3A_435, %gather3A_436 : vector<16xf32>
          %add3A_438 = arith.addf %scan3A_407, %mul3A_437 : vector<16xf32>
          %add3A_439 = arith.constant 48 : i32
          %add3A_440 = vector.broadcast %add3A_439 : i32 to vector<16xi32>
          %add3A_441 = arith.addi %mul3A_250, %add3A_440 : vector<16xi32>
          %add3A_442 = vector.broadcast %scan3A_404 : i32 to vector<16xi32>
          %add3A_443 = arith.addi %add3A_441, %add3A_442 : vector<16xi32>
          %gather3A_444 = tpu.vector_load_idx %arg30[%add3A_443] : memref<4128xf32, #tpu.memory_space<vmem>>[vector<16xi32>], vector<16xf32>,
          %gather3A_445 = tpu.vector_load_idx %arg31[%add3A_443] : memref<4128xf32, #tpu.memory_space<vmem>>[vector<16xi32>], vector<16xf32>,
          %mul3A_446 = arith.mulf %gather3A_444, %gather3A_445 : vector<16xf32>
          %add3A_447 = arith.addf %scan3A_408, %mul3A_446 : vector<16xf32>
          %add3A_448 = arith.constant 64 : i32
          %add3A_449 = vector.broadcast %add3A_448 : i32 to vector<16xi32>
          %add3A_450 = arith.addi %mul3A_250, %add3A_449 : vector<16xi32>
          %add3A_451 = vector.broadcast %scan3A_404 : i32 to vector<16xi32>
          %add3A_452 = arith.addi %add3A_450, %add3A_451 : vector<16xi32>
          %gather3A_453 = tpu.vector_load_idx %arg30[%add3A_452] : memref<4128xf32, #tpu.memory_space<vmem>>[vector<16xi32>], vector<16xf32>,
          %gather3A_454 = tpu.vector_load_idx %arg31[%add3A_452] : memref<4128xf32, #tpu.memory_space<vmem>>[vector<16xi32>], vector<16xf32>,
          %mul3A_455 = arith.mulf %gather3A_453, %gather3A_454 : vector<16xf32>
          %add3A_456 = arith.addf %scan3A_409, %mul3A_455 : vector<16xf32>
          %add3A_457 = arith.constant 80 : i32
          %add3A_458 = vector.broadcast %add3A_457 : i32 to vector<16xi32>
          %add3A_459 = arith.addi %mul3A_250, %add3A_458 : vector<16xi32>
          %add3A_460 = vector.broadcast %scan3A_404 : i32 to vector<16xi32>
          %add3A_461 = arith.addi %add3A_459, %add3A_460 : vector<16xi32>
          %gather3A_462 = tpu.vector_load_idx %arg30[%add3A_461] : memref<4128xf32, #tpu.memory_space<vmem>>[vector<16xi32>], vector<16xf32>,
          %gather3A_463 = tpu.vector_load_idx %arg31[%add3A_461] : memref<4128xf32, #tpu.memory_space<vmem>>[vector<16xi32>], vector<16xf32>,
          %mul3A_464 = arith.mulf %gather3A_462, %gather3A_463 : vector<16xf32>
          %add3A_465 = arith.addf %scan3A_410, %mul3A_464 : vector<16xf32>
          %add3A_466 = arith.constant 96 : i32
          %add3A_467 = vector.broadcast %add3A_466 : i32 to vector<16xi32>
          %add3A_468 = arith.addi %mul3A_250, %add3A_467 : vector<16xi32>
          %add3A_469 = vector.broadcast %scan3A_404 : i32 to vector<16xi32>
          %add3A_470 = arith.addi %add3A_468, %add3A_469 : vector<16xi32>
          %gather3A_471 = tpu.vector_load_idx %arg30[%add3A_470] : memref<4128xf32, #tpu.memory_space<vmem>>[vector<16xi32>], vector<16xf32>,
          %gather3A_472 = tpu.vector_load_idx %arg31[%add3A_470] : memref<4128xf32, #tpu.memory_space<vmem>>[vector<16xi32>], vector<16xf32>,
          %mul3A_473 = arith.mulf %gather3A_471, %gather3A_472 : vector<16xf32>
          %add3A_474 = arith.addf %scan3A_411, %mul3A_473 : vector<16xf32>
          %add3A_475 = arith.constant 112 : i32
          %add3A_476 = vector.broadcast %add3A_475 : i32 to vector<16xi32>
          %add3A_477 = arith.addi %mul3A_250, %add3A_476 : vector<16xi32>
          %add3A_478 = vector.broadcast %scan3A_404 : i32 to vector<16xi32>
          %add3A_479 = arith.addi %add3A_477, %add3A_478 : vector<16xi32>
          %gather3A_480 = tpu.vector_load_idx %arg30[%add3A_479] : memref<4128xf32, #tpu.memory_space<vmem>>[vector<16xi32>], vector<16xf32>,
          %gather3A_481 = tpu.vector_load_idx %arg31[%add3A_479] : memref<4128xf32, #tpu.memory_space<vmem>>[vector<16xi32>], vector<16xf32>,
          %mul3A_482 = arith.mulf %gather3A_480, %gather3A_481 : vector<16xf32>
          %add3A_483 = arith.addf %scan3A_412, %mul3A_482 : vector<16xf32>
          scf.yield %add3A_420, %add3A_429, %add3A_438, %add3A_447, %add3A_456, %add3A_465, %add3A_474, %add3A_483 : vector<16xf32>, vector<16xf32>, vector<16xf32>, vector<16xf32>, vector<16xf32>, vector<16xf32>, vector<16xf32>, vector<16xf32>
        }
        %scan3A_256 = arith.constant 16 : i32
        %mul3A_257 = arith.constant 2.500000e-01 : f32
        %mul3A_258 = vector.broadcast %mul3A_257 : f32 to vector<16xf32>
        %mul3A_259 = arith.mulf %scan3A_255#0, %mul3A_258 : vector<16xf32>
        %exp3A_260 = math.exp %mul3A_259 : vector<16xf32>
        %broadcast_in_dim3A_261 = arith.constant 0 : i32
        %broadcast_in_dim3A_262 = vector.broadcast %broadcast_in_dim3A_261 : i32 to vector<16xi32>
        tpu.vector_store_idx %arg29[%add3A_247, %broadcast_in_dim3A_262], %exp3A_260 : memref<32x16xf32, #tpu.memory_space<vmem>>[vector<16xi32>, vector<16xi32>], vector<16xf32>,
        %mul3A_263 = arith.constant 2.500000e-01 : f32
        %mul3A_264 = vector.broadcast %mul3A_263 : f32 to vector<16xf32>
        %mul3A_265 = arith.mulf %scan3A_255#1, %mul3A_264 : vector<16xf32>
        %exp3A_266 = math.exp %mul3A_265 : vector<16xf32>
        %broadcast_in_dim3A_267 = arith.constant 1 : i32
        %broadcast_in_dim3A_268 = vector.broadcast %broadcast_in_dim3A_267 : i32 to vector<16xi32>
        tpu.vector_store_idx %arg29[%add3A_247, %broadcast_in_dim3A_268], %exp3A_266 : memref<32x16xf32, #tpu.memory_space<vmem>>[vector<16xi32>, vector<16xi32>], vector<16xf32>,
        %mul3A_269 = arith.constant 2.500000e-01 : f32
        %mul3A_270 = vector.broadcast %mul3A_269 : f32 to vector<16xf32>
        %mul3A_271 = arith.mulf %scan3A_255#2, %mul3A_270 : vector<16xf32>
        %exp3A_272 = math.exp %mul3A_271 : vector<16xf32>
        %broadcast_in_dim3A_273 = arith.constant 2 : i32
        %broadcast_in_dim3A_274 = vector.broadcast %broadcast_in_dim3A_273 : i32 to vector<16xi32>
        tpu.vector_store_idx %arg29[%add3A_247, %broadcast_in_dim3A_274], %exp3A_272 : memref<32x16xf32, #tpu.memory_space<vmem>>[vector<16xi32>, vector<16xi32>], vector<16xf32>,
        %mul3A_275 = arith.constant 2.500000e-01 : f32
        %mul3A_276 = vector.broadcast %mul3A_275 : f32 to vector<16xf32>
        %mul3A_277 = arith.mulf %scan3A_255#3, %mul3A_276 : vector<16xf32>
        %exp3A_278 = math.exp %mul3A_277 : vector<16xf32>
        %broadcast_in_dim3A_279 = arith.constant 3 : i32
        %broadcast_in_dim3A_280 = vector.broadcast %broadcast_in_dim3A_279 : i32 to vector<16xi32>
        tpu.vector_store_idx %arg29[%add3A_247, %broadcast_in_dim3A_280], %exp3A_278 : memref<32x16xf32, #tpu.memory_space<vmem>>[vector<16xi32>, vector<16xi32>], vector<16xf32>,
        %mul3A_281 = arith.constant 2.500000e-01 : f32
        %mul3A_282 = vector.broadcast %mul3A_281 : f32 to vector<16xf32>
        %mul3A_283 = arith.mulf %scan3A_255#4, %mul3A_282 : vector<16xf32>
        %exp3A_284 = math.exp %mul3A_283 : vector<16xf32>
        %broadcast_in_dim3A_285 = arith.constant 4 : i32
        %broadcast_in_dim3A_286 = vector.broadcast %broadcast_in_dim3A_285 : i32 to vector<16xi32>
        tpu.vector_store_idx %arg29[%add3A_247, %broadcast_in_dim3A_286], %exp3A_284 : memref<32x16xf32, #tpu.memory_space<vmem>>[vector<16xi32>, vector<16xi32>], vector<16xf32>,
        %mul3A_287 = arith.constant 2.500000e-01 : f32
        %mul3A_288 = vector.broadcast %mul3A_287 : f32 to vector<16xf32>
        %mul3A_289 = arith.mulf %scan3A_255#5, %mul3A_288 : vector<16xf32>
        %exp3A_290 = math.exp %mul3A_289 : vector<16xf32>
        %broadcast_in_dim3A_291 = arith.constant 5 : i32
        %broadcast_in_dim3A_292 = vector.broadcast %broadcast_in_dim3A_291 : i32 to vector<16xi32>
        tpu.vector_store_idx %arg29[%add3A_247, %broadcast_in_dim3A_292], %exp3A_290 : memref<32x16xf32, #tpu.memory_space<vmem>>[vector<16xi32>, vector<16xi32>], vector<16xf32>,
        %mul3A_293 = arith.constant 2.500000e-01 : f32
        %mul3A_294 = vector.broadcast %mul3A_293 : f32 to vector<16xf32>
        %mul3A_295 = arith.mulf %scan3A_255#6, %mul3A_294 : vector<16xf32>
        %exp3A_296 = math.exp %mul3A_295 : vector<16xf32>
        %broadcast_in_dim3A_297 = arith.constant 6 : i32
        %broadcast_in_dim3A_298 = vector.broadcast %broadcast_in_dim3A_297 : i32 to vector<16xi32>
        tpu.vector_store_idx %arg29[%add3A_247, %broadcast_in_dim3A_298], %exp3A_296 : memref<32x16xf32, #tpu.memory_space<vmem>>[vector<16xi32>, vector<16xi32>], vector<16xf32>,
        %mul3A_299 = arith.constant 2.500000e-01 : f32
        %mul3A_300 = vector.broadcast %mul3A_299 : f32 to vector<16xf32>
        %mul3A_301 = arith.mulf %scan3A_255#7, %mul3A_300 : vector<16xf32>
        %exp3A_302 = math.exp %mul3A_301 : vector<16xf32>
        %broadcast_in_dim3A_303 = arith.constant 7 : i32
        %broadcast_in_dim3A_304 = vector.broadcast %broadcast_in_dim3A_303 : i32 to vector<16xi32>
        tpu.vector_store_idx %arg29[%add3A_247, %broadcast_in_dim3A_304], %exp3A_302 : memref<32x16xf32, #tpu.memory_space<vmem>>[vector<16xi32>, vector<16xi32>], vector<16xf32>,
        %add3A_305 = arith.constant 16 : i32
        %add3A_306 = vector.broadcast %add3A_305 : i32 to vector<16xi32>
        %add3A_307 = arith.addi %add3A_306, %iota3A : vector<16xi32>
        %mul3A_308 = arith.constant 129 : i32
        %mul3A_309 = vector.broadcast %mul3A_308 : i32 to vector<16xi32>
        %mul3A_310 = arith.muli %add3A_307, %mul3A_309 : vector<16xi32>
        %scan3A_311 = arith.constant 0 : i32
        %scan3A_312 = arith.constant 16 : i32
        %scan3A_313 = arith.addi %scan3A_311, %scan3A_312 : i32
        %scan3A_314 = arith.constant 1 : i32
        %scan3A_315:8 = scf.for %scan3A_404 = %scan3A_311 to %scan3A_313 step %scan3A_314 iter_args(%scan3A_405 = %broadcast_in_dim3A_7, %scan3A_406 = %broadcast_in_dim3A_7, %scan3A_407 = %broadcast_in_dim3A_7, %scan3A_408 = %broadcast_in_dim3A_7, %scan3A_409 = %broadcast_in_dim3A_7, %scan3A_410 = %broadcast_in_dim3A_7, %scan3A_411 = %broadcast_in_dim3A_7, %scan3A_412 = %broadcast_in_dim3A_7) -> (vector<16xf32>, vector<16xf32>, vector<16xf32>, vector<16xf32>, vector<16xf32>, vector<16xf32>, vector<16xf32>, vector<16xf32>)  : i32 {
          %add3A_413 = arith.constant 0 : i32
          %add3A_414 = vector.broadcast %add3A_413 : i32 to vector<16xi32>
          %add3A_415 = arith.addi %mul3A_310, %add3A_414 : vector<16xi32>
          %add3A_416 = vector.broadcast %scan3A_404 : i32 to vector<16xi32>
          %add3A_417 = arith.addi %add3A_415, %add3A_416 : vector<16xi32>
          %gather3A = tpu.vector_load_idx %arg30[%add3A_417] : memref<4128xf32, #tpu.memory_space<vmem>>[vector<16xi32>], vector<16xf32>,
          %gather3A_418 = tpu.vector_load_idx %arg31[%add3A_417] : memref<4128xf32, #tpu.memory_space<vmem>>[vector<16xi32>], vector<16xf32>,
          %mul3A_419 = arith.mulf %gather3A, %gather3A_418 : vector<16xf32>
          %add3A_420 = arith.addf %scan3A_405, %mul3A_419 : vector<16xf32>
          %add3A_421 = arith.constant 16 : i32
          %add3A_422 = vector.broadcast %add3A_421 : i32 to vector<16xi32>
          %add3A_423 = arith.addi %mul3A_310, %add3A_422 : vector<16xi32>
          %add3A_424 = vector.broadcast %scan3A_404 : i32 to vector<16xi32>
          %add3A_425 = arith.addi %add3A_423, %add3A_424 : vector<16xi32>
          %gather3A_426 = tpu.vector_load_idx %arg30[%add3A_425] : memref<4128xf32, #tpu.memory_space<vmem>>[vector<16xi32>], vector<16xf32>,
          %gather3A_427 = tpu.vector_load_idx %arg31[%add3A_425] : memref<4128xf32, #tpu.memory_space<vmem>>[vector<16xi32>], vector<16xf32>,
          %mul3A_428 = arith.mulf %gather3A_426, %gather3A_427 : vector<16xf32>
          %add3A_429 = arith.addf %scan3A_406, %mul3A_428 : vector<16xf32>
          %add3A_430 = arith.constant 32 : i32
          %add3A_431 = vector.broadcast %add3A_430 : i32 to vector<16xi32>
          %add3A_432 = arith.addi %mul3A_310, %add3A_431 : vector<16xi32>
          %add3A_433 = vector.broadcast %scan3A_404 : i32 to vector<16xi32>
          %add3A_434 = arith.addi %add3A_432, %add3A_433 : vector<16xi32>
          %gather3A_435 = tpu.vector_load_idx %arg30[%add3A_434] : memref<4128xf32, #tpu.memory_space<vmem>>[vector<16xi32>], vector<16xf32>,
          %gather3A_436 = tpu.vector_load_idx %arg31[%add3A_434] : memref<4128xf32, #tpu.memory_space<vmem>>[vector<16xi32>], vector<16xf32>,
          %mul3A_437 = arith.mulf %gather3A_435, %gather3A_436 : vector<16xf32>
          %add3A_438 = arith.addf %scan3A_407, %mul3A_437 : vector<16xf32>
          %add3A_439 = arith.constant 48 : i32
          %add3A_440 = vector.broadcast %add3A_439 : i32 to vector<16xi32>
          %add3A_441 = arith.addi %mul3A_310, %add3A_440 : vector<16xi32>
          %add3A_442 = vector.broadcast %scan3A_404 : i32 to vector<16xi32>
          %add3A_443 = arith.addi %add3A_441, %add3A_442 : vector<16xi32>
          %gather3A_444 = tpu.vector_load_idx %arg30[%add3A_443] : memref<4128xf32, #tpu.memory_space<vmem>>[vector<16xi32>], vector<16xf32>,
          %gather3A_445 = tpu.vector_load_idx %arg31[%add3A_443] : memref<4128xf32, #tpu.memory_space<vmem>>[vector<16xi32>], vector<16xf32>,
          %mul3A_446 = arith.mulf %gather3A_444, %gather3A_445 : vector<16xf32>
          %add3A_447 = arith.addf %scan3A_408, %mul3A_446 : vector<16xf32>
          %add3A_448 = arith.constant 64 : i32
          %add3A_449 = vector.broadcast %add3A_448 : i32 to vector<16xi32>
          %add3A_450 = arith.addi %mul3A_310, %add3A_449 : vector<16xi32>
          %add3A_451 = vector.broadcast %scan3A_404 : i32 to vector<16xi32>
          %add3A_452 = arith.addi %add3A_450, %add3A_451 : vector<16xi32>
          %gather3A_453 = tpu.vector_load_idx %arg30[%add3A_452] : memref<4128xf32, #tpu.memory_space<vmem>>[vector<16xi32>], vector<16xf32>,
          %gather3A_454 = tpu.vector_load_idx %arg31[%add3A_452] : memref<4128xf32, #tpu.memory_space<vmem>>[vector<16xi32>], vector<16xf32>,
          %mul3A_455 = arith.mulf %gather3A_453, %gather3A_454 : vector<16xf32>
          %add3A_456 = arith.addf %scan3A_409, %mul3A_455 : vector<16xf32>
          %add3A_457 = arith.constant 80 : i32
          %add3A_458 = vector.broadcast %add3A_457 : i32 to vector<16xi32>
          %add3A_459 = arith.addi %mul3A_310, %add3A_458 : vector<16xi32>
          %add3A_460 = vector.broadcast %scan3A_404 : i32 to vector<16xi32>
          %add3A_461 = arith.addi %add3A_459, %add3A_460 : vector<16xi32>
          %gather3A_462 = tpu.vector_load_idx %arg30[%add3A_461] : memref<4128xf32, #tpu.memory_space<vmem>>[vector<16xi32>], vector<16xf32>,
          %gather3A_463 = tpu.vector_load_idx %arg31[%add3A_461] : memref<4128xf32, #tpu.memory_space<vmem>>[vector<16xi32>], vector<16xf32>,
          %mul3A_464 = arith.mulf %gather3A_462, %gather3A_463 : vector<16xf32>
          %add3A_465 = arith.addf %scan3A_410, %mul3A_464 : vector<16xf32>
          %add3A_466 = arith.constant 96 : i32
          %add3A_467 = vector.broadcast %add3A_466 : i32 to vector<16xi32>
          %add3A_468 = arith.addi %mul3A_310, %add3A_467 : vector<16xi32>
          %add3A_469 = vector.broadcast %scan3A_404 : i32 to vector<16xi32>
          %add3A_470 = arith.addi %add3A_468, %add3A_469 : vector<16xi32>
          %gather3A_471 = tpu.vector_load_idx %arg30[%add3A_470] : memref<4128xf32, #tpu.memory_space<vmem>>[vector<16xi32>], vector<16xf32>,
          %gather3A_472 = tpu.vector_load_idx %arg31[%add3A_470] : memref<4128xf32, #tpu.memory_space<vmem>>[vector<16xi32>], vector<16xf32>,
          %mul3A_473 = arith.mulf %gather3A_471, %gather3A_472 : vector<16xf32>
          %add3A_474 = arith.addf %scan3A_411, %mul3A_473 : vector<16xf32>
          %add3A_475 = arith.constant 112 : i32
          %add3A_476 = vector.broadcast %add3A_475 : i32 to vector<16xi32>
          %add3A_477 = arith.addi %mul3A_310, %add3A_476 : vector<16xi32>
          %add3A_478 = vector.broadcast %scan3A_404 : i32 to vector<16xi32>
          %add3A_479 = arith.addi %add3A_477, %add3A_478 : vector<16xi32>
          %gather3A_480 = tpu.vector_load_idx %arg30[%add3A_479] : memref<4128xf32, #tpu.memory_space<vmem>>[vector<16xi32>], vector<16xf32>,
          %gather3A_481 = tpu.vector_load_idx %arg31[%add3A_479] : memref<4128xf32, #tpu.memory_space<vmem>>[vector<16xi32>], vector<16xf32>,
          %mul3A_482 = arith.mulf %gather3A_480, %gather3A_481 : vector<16xf32>
          %add3A_483 = arith.addf %scan3A_412, %mul3A_482 : vector<16xf32>
          scf.yield %add3A_420, %add3A_429, %add3A_438, %add3A_447, %add3A_456, %add3A_465, %add3A_474, %add3A_483 : vector<16xf32>, vector<16xf32>, vector<16xf32>, vector<16xf32>, vector<16xf32>, vector<16xf32>, vector<16xf32>, vector<16xf32>
        }
        %scan3A_316 = arith.constant 16 : i32
        %mul3A_317 = arith.constant 2.500000e-01 : f32
        %mul3A_318 = vector.broadcast %mul3A_317 : f32 to vector<16xf32>
        %mul3A_319 = arith.mulf %scan3A_315#0, %mul3A_318 : vector<16xf32>
        %exp3A_320 = math.exp %mul3A_319 : vector<16xf32>
        %broadcast_in_dim3A_321 = arith.constant 0 : i32
        %broadcast_in_dim3A_322 = vector.broadcast %broadcast_in_dim3A_321 : i32 to vector<16xi32>
        tpu.vector_store_idx %arg29[%add3A_307, %broadcast_in_dim3A_322], %exp3A_320 : memref<32x16xf32, #tpu.memory_space<vmem>>[vector<16xi32>, vector<16xi32>], vector<16xf32>,
        %mul3A_323 = arith.constant 2.500000e-01 : f32
        %mul3A_324 = vector.broadcast %mul3A_323 : f32 to vector<16xf32>
        %mul3A_325 = arith.mulf %scan3A_315#1, %mul3A_324 : vector<16xf32>
        %exp3A_326 = math.exp %mul3A_325 : vector<16xf32>
        %broadcast_in_dim3A_327 = arith.constant 1 : i32
        %broadcast_in_dim3A_328 = vector.broadcast %broadcast_in_dim3A_327 : i32 to vector<16xi32>
        tpu.vector_store_idx %arg29[%add3A_307, %broadcast_in_dim3A_328], %exp3A_326 : memref<32x16xf32, #tpu.memory_space<vmem>>[vector<16xi32>, vector<16xi32>], vector<16xf32>,
        %mul3A_329 = arith.constant 2.500000e-01 : f32
        %mul3A_330 = vector.broadcast %mul3A_329 : f32 to vector<16xf32>
        %mul3A_331 = arith.mulf %scan3A_315#2, %mul3A_330 : vector<16xf32>
        %exp3A_332 = math.exp %mul3A_331 : vector<16xf32>
        %broadcast_in_dim3A_333 = arith.constant 2 : i32
        %broadcast_in_dim3A_334 = vector.broadcast %broadcast_in_dim3A_333 : i32 to vector<16xi32>
        tpu.vector_store_idx %arg29[%add3A_307, %broadcast_in_dim3A_334], %exp3A_332 : memref<32x16xf32, #tpu.memory_space<vmem>>[vector<16xi32>, vector<16xi32>], vector<16xf32>,
        %mul3A_335 = arith.constant 2.500000e-01 : f32
        %mul3A_336 = vector.broadcast %mul3A_335 : f32 to vector<16xf32>
        %mul3A_337 = arith.mulf %scan3A_315#3, %mul3A_336 : vector<16xf32>
        %exp3A_338 = math.exp %mul3A_337 : vector<16xf32>
        %broadcast_in_dim3A_339 = arith.constant 3 : i32
        %broadcast_in_dim3A_340 = vector.broadcast %broadcast_in_dim3A_339 : i32 to vector<16xi32>
        tpu.vector_store_idx %arg29[%add3A_307, %broadcast_in_dim3A_340], %exp3A_338 : memref<32x16xf32, #tpu.memory_space<vmem>>[vector<16xi32>, vector<16xi32>], vector<16xf32>,
        %mul3A_341 = arith.constant 2.500000e-01 : f32
        %mul3A_342 = vector.broadcast %mul3A_341 : f32 to vector<16xf32>
        %mul3A_343 = arith.mulf %scan3A_315#4, %mul3A_342 : vector<16xf32>
        %exp3A_344 = math.exp %mul3A_343 : vector<16xf32>
        %broadcast_in_dim3A_345 = arith.constant 4 : i32
        %broadcast_in_dim3A_346 = vector.broadcast %broadcast_in_dim3A_345 : i32 to vector<16xi32>
        tpu.vector_store_idx %arg29[%add3A_307, %broadcast_in_dim3A_346], %exp3A_344 : memref<32x16xf32, #tpu.memory_space<vmem>>[vector<16xi32>, vector<16xi32>], vector<16xf32>,
        %mul3A_347 = arith.constant 2.500000e-01 : f32
        %mul3A_348 = vector.broadcast %mul3A_347 : f32 to vector<16xf32>
        %mul3A_349 = arith.mulf %scan3A_315#5, %mul3A_348 : vector<16xf32>
        %exp3A_350 = math.exp %mul3A_349 : vector<16xf32>
        %broadcast_in_dim3A_351 = arith.constant 5 : i32
        %broadcast_in_dim3A_352 = vector.broadcast %broadcast_in_dim3A_351 : i32 to vector<16xi32>
        tpu.vector_store_idx %arg29[%add3A_307, %broadcast_in_dim3A_352], %exp3A_350 : memref<32x16xf32, #tpu.memory_space<vmem>>[vector<16xi32>, vector<16xi32>], vector<16xf32>,
        %mul3A_353 = arith.constant 2.500000e-01 : f32
        %mul3A_354 = vector.broadcast %mul3A_353 : f32 to vector<16xf32>
        %mul3A_355 = arith.mulf %scan3A_315#6, %mul3A_354 : vector<16xf32>
        %exp3A_356 = math.exp %mul3A_355 : vector<16xf32>
        %broadcast_in_dim3A_357 = arith.constant 6 : i32
        %broadcast_in_dim3A_358 = vector.broadcast %broadcast_in_dim3A_357 : i32 to vector<16xi32>
        tpu.vector_store_idx %arg29[%add3A_307, %broadcast_in_dim3A_358], %exp3A_356 : memref<32x16xf32, #tpu.memory_space<vmem>>[vector<16xi32>, vector<16xi32>], vector<16xf32>,
        %mul3A_359 = arith.constant 2.500000e-01 : f32
        %mul3A_360 = vector.broadcast %mul3A_359 : f32 to vector<16xf32>
        %mul3A_361 = arith.mulf %scan3A_315#7, %mul3A_360 : vector<16xf32>
        %exp3A_362 = math.exp %mul3A_361 : vector<16xf32>
        %broadcast_in_dim3A_363 = arith.constant 7 : i32
        %broadcast_in_dim3A_364 = vector.broadcast %broadcast_in_dim3A_363 : i32 to vector<16xi32>
        tpu.vector_store_idx %arg29[%add3A_307, %broadcast_in_dim3A_364], %exp3A_362 : memref<32x16xf32, #tpu.memory_space<vmem>>[vector<16xi32>, vector<16xi32>], vector<16xf32>,
        %ge3A_365 = arith.constant 1 : i32
        %ge3A_366 = arith.cmpi sge, %add3A_228, %ge3A_365 : i32
        %convert_element_type3A_367 = arith.extui %ge3A_366 : i1 to i32
        %cond3A_368 = arith.constant 0 : i32
        %cond3A_369 = arith.cmpi ne, %convert_element_type3A_367, %cond3A_368 : i32
        scf.if %cond3A_369 {
          %dma_wait3A_404 = arith.constant 0 : i32
          %dma_wait3A_405 = arith.constant 0 : i32
          %dma_wait3A_406 = tpu.memref_slice %arg14[%dma_wait3A_404, %dma_wait3A_405] : memref<10008x128xf32, #tpu.memory_space<vmem_shared>> -> memref<10008x128xf32, #tpu.memory_space<vmem_shared>>
          tpu.wait_indirect_dma semaphore(%arg36 : memref<!tpu.dma_semaphore, #tpu.memory_space<semaphore_mem>>) src(%arg26 : memref<32x128xf32, #tpu.memory_space<vmem>>) dst(%dma_wait3A_406 : memref<10008x128xf32, #tpu.memory_space<vmem_shared>>)
          %dma_wait3A_407 = arith.constant 0 : i32
          %dma_wait3A_408 = arith.constant 0 : i32
          %dma_wait3A_409 = tpu.memref_slice %arg15[%dma_wait3A_407, %dma_wait3A_408] : memref<10008x16xf32, #tpu.memory_space<vmem_shared>> -> memref<10008x16xf32, #tpu.memory_space<vmem_shared>>
          tpu.wait_indirect_dma semaphore(%arg36 : memref<!tpu.dma_semaphore, #tpu.memory_space<semaphore_mem>>) src(%arg28 : memref<32x16xf32, #tpu.memory_space<vmem>>) dst(%dma_wait3A_409 : memref<10008x16xf32, #tpu.memory_space<vmem_shared>>)
        } else {
        }
        %lt3A_370 = arith.constant 313 : i32
        %lt3A_371 = arith.cmpi slt, %add3A_228, %lt3A_370 : i32
        %convert_element_type3A_372 = arith.extui %lt3A_371 : i1 to i32
        %cond3A_373 = arith.constant 0 : i32
        %cond3A_374 = arith.cmpi ne, %convert_element_type3A_372, %cond3A_373 : i32
        scf.if %cond3A_374 {
          %dma_start3A_404 = arith.constant 0 : i32
          %dma_start3A_405 = arith.constant 0 : i32
          %dma_start3A_406 = tpu.memref_slice %arg4[%dma_start3A_404, %dma_start3A_405] : memref<10008x128xf32, #tpu.memory_space<hbm>> -> memref<10008x128xf32, #tpu.memory_space<hbm>>
          tpu.enqueue_indirect_dma source(%dma_start3A_406 : memref<10008x128xf32, #tpu.memory_space<hbm>>) target(%arg26 : memref<32x128xf32, #tpu.memory_space<vmem>>) offsets(%arg16 : memref<32xi32, #tpu.memory_space<vmem>>) semaphore(%arg34 : memref<!tpu.dma_semaphore, #tpu.memory_space<semaphore_mem>>)
        } else {
        }
        %dma_wait3A_375 = arith.constant 0 : i32
        %dma_wait3A_376 = arith.constant 0 : i32
        %dma_wait3A_377 = tpu.memref_slice %arg4[%dma_wait3A_375, %dma_wait3A_376] : memref<10008x128xf32, #tpu.memory_space<hbm>> -> memref<10008x128xf32, #tpu.memory_space<hbm>>
        tpu.wait_indirect_dma semaphore(%arg35 : memref<!tpu.dma_semaphore, #tpu.memory_space<semaphore_mem>>) src(%dma_wait3A_377 : memref<10008x128xf32, #tpu.memory_space<hbm>>) dst(%arg27 : memref<32x128xf32, #tpu.memory_space<vmem>>)
        %scan3A_378 = arith.constant 0 : i32
        %scan3A_379 = arith.constant 32 : i32
        %scan3A_380 = arith.addi %scan3A_378, %scan3A_379 : i32
        %scan3A_381 = arith.constant 1 : i32
        scf.for %scan3A_404 = %scan3A_378 to %scan3A_380 step %scan3A_381  : i32 {
          %get3A_405 = arith.index_cast %scan3A_404 : i32 to index
          %get3A_406 = arith.constant 0 : index
          %get3A_407 = tpu.vector_load %arg29[%get3A_405, %get3A_406] {strides = array<i32>} : memref<32x16xf32, #tpu.memory_space<vmem>>, vector<16xf32>,
          %slice3A = vector.extract_strided_slice %get3A_407 {offsets = [0], sizes = [1], strides = [1]} : vector<16xf32> to vector<1xf32>
          %squeeze3A = vector.extract %slice3A[0] : f32 from vector<1xf32>
          %get3A_408 = arith.index_cast %scan3A_404 : i32 to index
          %get3A_409 = arith.constant 0 : index
          %get3A_410 = tpu.vector_load %arg27[%get3A_408, %get3A_409] {strides = array<i32>} : memref<32x128xf32, #tpu.memory_space<vmem>>, vector<16xf32>,
          %mul3A_411 = vector.broadcast %squeeze3A : f32 to vector<16xf32>
          %mul3A_412 = arith.mulf %get3A_410, %mul3A_411 : vector<16xf32>
          %swap3A_413 = arith.index_cast %scan3A_404 : i32 to index
          %swap3A_414 = arith.constant 0 : index
          %swap3A_415 = tpu.vector_load %arg27[%swap3A_413, %swap3A_414] {strides = array<i32>} : memref<32x128xf32, #tpu.memory_space<vmem>>, vector<16xf32>,
          tpu.vector_store %arg27[%swap3A_413, %swap3A_414], %mul3A_412 {strides = array<i32>} : memref<32x128xf32, #tpu.memory_space<vmem>>, vector<16xf32>,
          %slice3A_416 = vector.extract_strided_slice %get3A_407 {offsets = [1], sizes = [1], strides = [1]} : vector<16xf32> to vector<1xf32>
          %squeeze3A_417 = vector.extract %slice3A_416[0] : f32 from vector<1xf32>
          %get3A_418 = arith.index_cast %scan3A_404 : i32 to index
          %get3A_419 = arith.constant 16 : index
          %get3A_420 = tpu.vector_load %arg27[%get3A_418, %get3A_419] {strides = array<i32>} : memref<32x128xf32, #tpu.memory_space<vmem>>, vector<16xf32>,
          %mul3A_421 = vector.broadcast %squeeze3A_417 : f32 to vector<16xf32>
          %mul3A_422 = arith.mulf %get3A_420, %mul3A_421 : vector<16xf32>
          %swap3A_423 = arith.index_cast %scan3A_404 : i32 to index
          %swap3A_424 = arith.constant 16 : index
          %swap3A_425 = tpu.vector_load %arg27[%swap3A_423, %swap3A_424] {strides = array<i32>} : memref<32x128xf32, #tpu.memory_space<vmem>>, vector<16xf32>,
          tpu.vector_store %arg27[%swap3A_423, %swap3A_424], %mul3A_422 {strides = array<i32>} : memref<32x128xf32, #tpu.memory_space<vmem>>, vector<16xf32>,
          %slice3A_426 = vector.extract_strided_slice %get3A_407 {offsets = [2], sizes = [1], strides = [1]} : vector<16xf32> to vector<1xf32>
          %squeeze3A_427 = vector.extract %slice3A_426[0] : f32 from vector<1xf32>
          %get3A_428 = arith.index_cast %scan3A_404 : i32 to index
          %get3A_429 = arith.constant 32 : index
          %get3A_430 = tpu.vector_load %arg27[%get3A_428, %get3A_429] {strides = array<i32>} : memref<32x128xf32, #tpu.memory_space<vmem>>, vector<16xf32>,
          %mul3A_431 = vector.broadcast %squeeze3A_427 : f32 to vector<16xf32>
          %mul3A_432 = arith.mulf %get3A_430, %mul3A_431 : vector<16xf32>
          %swap3A_433 = arith.index_cast %scan3A_404 : i32 to index
          %swap3A_434 = arith.constant 32 : index
          %swap3A_435 = tpu.vector_load %arg27[%swap3A_433, %swap3A_434] {strides = array<i32>} : memref<32x128xf32, #tpu.memory_space<vmem>>, vector<16xf32>,
          tpu.vector_store %arg27[%swap3A_433, %swap3A_434], %mul3A_432 {strides = array<i32>} : memref<32x128xf32, #tpu.memory_space<vmem>>, vector<16xf32>,
          %slice3A_436 = vector.extract_strided_slice %get3A_407 {offsets = [3], sizes = [1], strides = [1]} : vector<16xf32> to vector<1xf32>
          %squeeze3A_437 = vector.extract %slice3A_436[0] : f32 from vector<1xf32>
          %get3A_438 = arith.index_cast %scan3A_404 : i32 to index
          %get3A_439 = arith.constant 48 : index
          %get3A_440 = tpu.vector_load %arg27[%get3A_438, %get3A_439] {strides = array<i32>} : memref<32x128xf32, #tpu.memory_space<vmem>>, vector<16xf32>,
          %mul3A_441 = vector.broadcast %squeeze3A_437 : f32 to vector<16xf32>
          %mul3A_442 = arith.mulf %get3A_440, %mul3A_441 : vector<16xf32>
          %swap3A_443 = arith.index_cast %scan3A_404 : i32 to index
          %swap3A_444 = arith.constant 48 : index
          %swap3A_445 = tpu.vector_load %arg27[%swap3A_443, %swap3A_444] {strides = array<i32>} : memref<32x128xf32, #tpu.memory_space<vmem>>, vector<16xf32>,
          tpu.vector_store %arg27[%swap3A_443, %swap3A_444], %mul3A_442 {strides = array<i32>} : memref<32x128xf32, #tpu.memory_space<vmem>>, vector<16xf32>,
          %slice3A_446 = vector.extract_strided_slice %get3A_407 {offsets = [4], sizes = [1], strides = [1]} : vector<16xf32> to vector<1xf32>
          %squeeze3A_447 = vector.extract %slice3A_446[0] : f32 from vector<1xf32>
          %get3A_448 = arith.index_cast %scan3A_404 : i32 to index
          %get3A_449 = arith.constant 64 : index
          %get3A_450 = tpu.vector_load %arg27[%get3A_448, %get3A_449] {strides = array<i32>} : memref<32x128xf32, #tpu.memory_space<vmem>>, vector<16xf32>,
          %mul3A_451 = vector.broadcast %squeeze3A_447 : f32 to vector<16xf32>
          %mul3A_452 = arith.mulf %get3A_450, %mul3A_451 : vector<16xf32>
          %swap3A_453 = arith.index_cast %scan3A_404 : i32 to index
          %swap3A_454 = arith.constant 64 : index
          %swap3A_455 = tpu.vector_load %arg27[%swap3A_453, %swap3A_454] {strides = array<i32>} : memref<32x128xf32, #tpu.memory_space<vmem>>, vector<16xf32>,
          tpu.vector_store %arg27[%swap3A_453, %swap3A_454], %mul3A_452 {strides = array<i32>} : memref<32x128xf32, #tpu.memory_space<vmem>>, vector<16xf32>,
          %slice3A_456 = vector.extract_strided_slice %get3A_407 {offsets = [5], sizes = [1], strides = [1]} : vector<16xf32> to vector<1xf32>
          %squeeze3A_457 = vector.extract %slice3A_456[0] : f32 from vector<1xf32>
          %get3A_458 = arith.index_cast %scan3A_404 : i32 to index
          %get3A_459 = arith.constant 80 : index
          %get3A_460 = tpu.vector_load %arg27[%get3A_458, %get3A_459] {strides = array<i32>} : memref<32x128xf32, #tpu.memory_space<vmem>>, vector<16xf32>,
          %mul3A_461 = vector.broadcast %squeeze3A_457 : f32 to vector<16xf32>
          %mul3A_462 = arith.mulf %get3A_460, %mul3A_461 : vector<16xf32>
          %swap3A_463 = arith.index_cast %scan3A_404 : i32 to index
          %swap3A_464 = arith.constant 80 : index
          %swap3A_465 = tpu.vector_load %arg27[%swap3A_463, %swap3A_464] {strides = array<i32>} : memref<32x128xf32, #tpu.memory_space<vmem>>, vector<16xf32>,
          tpu.vector_store %arg27[%swap3A_463, %swap3A_464], %mul3A_462 {strides = array<i32>} : memref<32x128xf32, #tpu.memory_space<vmem>>, vector<16xf32>,
          %slice3A_466 = vector.extract_strided_slice %get3A_407 {offsets = [6], sizes = [1], strides = [1]} : vector<16xf32> to vector<1xf32>
          %squeeze3A_467 = vector.extract %slice3A_466[0] : f32 from vector<1xf32>
          %get3A_468 = arith.index_cast %scan3A_404 : i32 to index
          %get3A_469 = arith.constant 96 : index
          %get3A_470 = tpu.vector_load %arg27[%get3A_468, %get3A_469] {strides = array<i32>} : memref<32x128xf32, #tpu.memory_space<vmem>>, vector<16xf32>,
          %mul3A_471 = vector.broadcast %squeeze3A_467 : f32 to vector<16xf32>
          %mul3A_472 = arith.mulf %get3A_470, %mul3A_471 : vector<16xf32>
          %swap3A_473 = arith.index_cast %scan3A_404 : i32 to index
          %swap3A_474 = arith.constant 96 : index
          %swap3A_475 = tpu.vector_load %arg27[%swap3A_473, %swap3A_474] {strides = array<i32>} : memref<32x128xf32, #tpu.memory_space<vmem>>, vector<16xf32>,
          tpu.vector_store %arg27[%swap3A_473, %swap3A_474], %mul3A_472 {strides = array<i32>} : memref<32x128xf32, #tpu.memory_space<vmem>>, vector<16xf32>,
          %slice3A_476 = vector.extract_strided_slice %get3A_407 {offsets = [7], sizes = [1], strides = [1]} : vector<16xf32> to vector<1xf32>
          %squeeze3A_477 = vector.extract %slice3A_476[0] : f32 from vector<1xf32>
          %get3A_478 = arith.index_cast %scan3A_404 : i32 to index
          %get3A_479 = arith.constant 112 : index
          %get3A_480 = tpu.vector_load %arg27[%get3A_478, %get3A_479] {strides = array<i32>} : memref<32x128xf32, #tpu.memory_space<vmem>>, vector<16xf32>,
          %mul3A_481 = vector.broadcast %squeeze3A_477 : f32 to vector<16xf32>
          %mul3A_482 = arith.mulf %get3A_480, %mul3A_481 : vector<16xf32>
          %swap3A_483 = arith.index_cast %scan3A_404 : i32 to index
          %swap3A_484 = arith.constant 112 : index
          %swap3A_485 = tpu.vector_load %arg27[%swap3A_483, %swap3A_484] {strides = array<i32>} : memref<32x128xf32, #tpu.memory_space<vmem>>, vector<16xf32>,
          tpu.vector_store %arg27[%swap3A_483, %swap3A_484], %mul3A_482 {strides = array<i32>} : memref<32x128xf32, #tpu.memory_space<vmem>>, vector<16xf32>,
        }
        %scan3A_382 = arith.constant 32 : i32
        %get3A_383 = arith.constant 0 : index
        %get3A_384 = tpu.vector_load %arg19[%get3A_383] {strides = array<i32>} : memref<32xi32, #tpu.memory_space<vmem>>, vector<16xi32>,
        %swap3A_385 = arith.constant 0 : index
        %swap3A_386 = tpu.vector_load %arg21[%swap3A_385] {strides = array<i32>} : memref<32xi32, #tpu.memory_space<vmem>>, vector<16xi32>,
        tpu.vector_store %arg21[%swap3A_385], %get3A_384 {strides = array<i32>} : memref<32xi32, #tpu.memory_space<vmem>>, vector<16xi32>,
        %get3A_387 = arith.constant 16 : index
        %get3A_388 = tpu.vector_load %arg19[%get3A_387] {strides = array<i32>} : memref<32xi32, #tpu.memory_space<vmem>>, vector<16xi32>,
        %swap3A_389 = arith.constant 16 : index
        %swap3A_390 = tpu.vector_load %arg21[%swap3A_389] {strides = array<i32>} : memref<32xi32, #tpu.memory_space<vmem>>, vector<16xi32>,
        tpu.vector_store %arg21[%swap3A_389], %get3A_388 {strides = array<i32>} : memref<32xi32, #tpu.memory_space<vmem>>, vector<16xi32>,
        %dma_start3A_391 = arith.constant 0 : i32
        %dma_start3A_392 = arith.constant 0 : i32
        %dma_start3A_393 = tpu.memref_slice %arg14[%dma_start3A_391, %dma_start3A_392] : memref<10008x128xf32, #tpu.memory_space<vmem_shared>> -> memref<10008x128xf32, #tpu.memory_space<vmem_shared>>
        tpu.enqueue_indirect_dma source(%arg27 : memref<32x128xf32, #tpu.memory_space<vmem>>) target(%dma_start3A_393 : memref<10008x128xf32, #tpu.memory_space<vmem_shared>>) offsets(%arg21 : memref<32xi32, #tpu.memory_space<vmem>>) semaphore(%arg37 : memref<!tpu.dma_semaphore, #tpu.memory_space<semaphore_mem>>) {add = true}
        %dma_start3A_394 = arith.constant 0 : i32
        %dma_start3A_395 = arith.constant 0 : i32
        %dma_start3A_396 = tpu.memref_slice %arg15[%dma_start3A_394, %dma_start3A_395] : memref<10008x16xf32, #tpu.memory_space<vmem_shared>> -> memref<10008x16xf32, #tpu.memory_space<vmem_shared>>
        tpu.enqueue_indirect_dma source(%arg29 : memref<32x16xf32, #tpu.memory_space<vmem>>) target(%dma_start3A_396 : memref<10008x16xf32, #tpu.memory_space<vmem_shared>>) offsets(%arg21 : memref<32xi32, #tpu.memory_space<vmem>>) semaphore(%arg37 : memref<!tpu.dma_semaphore, #tpu.memory_space<semaphore_mem>>) {add = true}
        %add3A_397 = arith.constant 2 : i32
        %add3A_398 = arith.addi %add3A_228, %add3A_397 : i32
        %lt3A_399 = arith.constant 314 : i32
        %lt3A_400 = arith.cmpi slt, %add3A_398, %lt3A_399 : i32
        %convert_element_type3A_401 = arith.extui %lt3A_400 : i1 to i32
        %cond3A_402 = arith.constant 0 : i32
        %cond3A_403 = arith.cmpi ne, %convert_element_type3A_401, %cond3A_402 : i32
        scf.if %cond3A_403 {
          %add3A_404 = arith.constant 2 : i32
          %add3A_405 = arith.addi %add3A_228, %add3A_404 : i32
          %mul3A_406 = arith.constant 32 : i32
          %mul3A_407 = arith.muli %add3A_405, %mul3A_406 : i32
          %add3A_408 = arith.addi %mul3A_22, %mul3A_407 : i32
          %dma_start3A_409 = tpu.memref_slice %arg8[%add3A_408] : memref<160768xi32, #tpu.memory_space<hbm>> -> memref<32xi32, #tpu.memory_space<hbm>>
          %dma_start3A_410 = tpu.memref_slice %arg8[%add3A_408] : memref<160768xi32, #tpu.memory_space<hbm>> -> memref<32xi32, #tpu.memory_space<hbm>>
          tpu.enqueue_dma source(%dma_start3A_410 : memref<32xi32, #tpu.memory_space<hbm>>) target(%arg17 : memref<32xi32, #tpu.memory_space<vmem>>) target_semaphore(%arg39 : memref<!tpu.dma_semaphore, #tpu.memory_space<semaphore_mem>>)
          %dma_start3A_411 = tpu.memref_slice %arg9[%add3A_408] : memref<160768xi32, #tpu.memory_space<hbm>> -> memref<32xi32, #tpu.memory_space<hbm>>
          %dma_start3A_412 = tpu.memref_slice %arg9[%add3A_408] : memref<160768xi32, #tpu.memory_space<hbm>> -> memref<32xi32, #tpu.memory_space<hbm>>
          tpu.enqueue_dma source(%dma_start3A_412 : memref<32xi32, #tpu.memory_space<hbm>>) target(%arg19 : memref<32xi32, #tpu.memory_space<vmem>>) target_semaphore(%arg39 : memref<!tpu.dma_semaphore, #tpu.memory_space<semaphore_mem>>)
        } else {
        }
      }
      %scan3A_43 = arith.constant 157 : i32
      %dma_wait3A = arith.constant 0 : i32
      %dma_wait3A_44 = arith.constant 0 : i32
      %dma_wait3A_45 = tpu.memref_slice %arg14[%dma_wait3A, %dma_wait3A_44] : memref<10008x128xf32, #tpu.memory_space<vmem_shared>> -> memref<10008x128xf32, #tpu.memory_space<vmem_shared>>
      tpu.wait_indirect_dma semaphore(%arg37 : memref<!tpu.dma_semaphore, #tpu.memory_space<semaphore_mem>>) src(%arg27 : memref<32x128xf32, #tpu.memory_space<vmem>>) dst(%dma_wait3A_45 : memref<10008x128xf32, #tpu.memory_space<vmem_shared>>)
      %dma_wait3A_46 = arith.constant 0 : i32
      %dma_wait3A_47 = arith.constant 0 : i32
      %dma_wait3A_48 = tpu.memref_slice %arg15[%dma_wait3A_46, %dma_wait3A_47] : memref<10008x16xf32, #tpu.memory_space<vmem_shared>> -> memref<10008x16xf32, #tpu.memory_space<vmem_shared>>
      tpu.wait_indirect_dma semaphore(%arg37 : memref<!tpu.dma_semaphore, #tpu.memory_space<semaphore_mem>>) src(%arg29 : memref<32x16xf32, #tpu.memory_space<vmem>>) dst(%dma_wait3A_48 : memref<10008x16xf32, #tpu.memory_space<vmem_shared>>)
      %barrier3A_49 = arith.constant 0 : index
      tpu.barrier barrier_id(%barrier3A_49)
      "tpu.region"() ({
        %run_scoped3A = tpu.sem_alloc : memref<!tpu.dma_semaphore, #tpu.memory_space<semaphore_mem>>
        %dma_start3A_50 = arith.constant 0 : i32
        %dma_start3A_51 = tpu.memref_slice %arg10[%mul3A_12, %dma_start3A_50] : memref<10000x128xf32, #tpu.memory_space<hbm>> -> memref<625x128xf32, #tpu.memory_space<hbm>>
        %dma_start3A_52 = arith.constant 0 : i32
        %dma_start3A_53 = tpu.memref_slice %arg14[%mul3A_12, %dma_start3A_52] : memref<10008x128xf32, #tpu.memory_space<vmem_shared>> -> memref<625x128xf32, #tpu.memory_space<vmem_shared>>
        tpu.enqueue_dma source(%dma_start3A_53 : memref<625x128xf32, #tpu.memory_space<vmem_shared>>) target(%dma_start3A_51 : memref<625x128xf32, #tpu.memory_space<hbm>>) target_semaphore(%run_scoped3A : memref<!tpu.dma_semaphore, #tpu.memory_space<semaphore_mem>>)
        %dma_wait3A_54 = arith.constant 0 : i32
        %dma_wait3A_55 = tpu.memref_slice %arg10[%mul3A_12, %dma_wait3A_54] : memref<10000x128xf32, #tpu.memory_space<hbm>> -> memref<625x128xf32, #tpu.memory_space<hbm>>
        %dma_wait3A_56 = arith.constant 0 : i32
        %dma_wait3A_57 = tpu.memref_slice %arg14[%mul3A_12, %dma_wait3A_56] : memref<10008x128xf32, #tpu.memory_space<vmem_shared>> -> memref<625x128xf32, #tpu.memory_space<vmem_shared>>
        tpu.wait_dma2 semaphore(%run_scoped3A : memref<!tpu.dma_semaphore, #tpu.memory_space<semaphore_mem>>) src(%dma_wait3A_57 : memref<625x128xf32, #tpu.memory_space<vmem_shared>>) dst(%dma_wait3A_55 : memref<625x128xf32, #tpu.memory_space<hbm>>)
        tpu.yield
      }) : () -> ()
      "tpu.region"() ({
        %run_scoped3A = tpu.sem_alloc : memref<!tpu.dma_semaphore, #tpu.memory_space<semaphore_mem>>
        %dma_start3A_50 = arith.constant 0 : i32
        %dma_start3A_51 = tpu.memref_slice %arg11[%mul3A_12, %dma_start3A_50] : memref<10000x16xf32, #tpu.memory_space<hbm>> -> memref<625x16xf32, #tpu.memory_space<hbm>>
        %dma_start3A_52 = arith.constant 0 : i32
        %dma_start3A_53 = tpu.memref_slice %arg15[%mul3A_12, %dma_start3A_52] : memref<10008x16xf32, #tpu.memory_space<vmem_shared>> -> memref<625x16xf32, #tpu.memory_space<vmem_shared>>
        tpu.enqueue_dma source(%dma_start3A_53 : memref<625x16xf32, #tpu.memory_space<vmem_shared>>) target(%dma_start3A_51 : memref<625x16xf32, #tpu.memory_space<hbm>>) target_semaphore(%run_scoped3A : memref<!tpu.dma_semaphore, #tpu.memory_space<semaphore_mem>>)
        %dma_wait3A_54 = arith.constant 0 : i32
        %dma_wait3A_55 = tpu.memref_slice %arg11[%mul3A_12, %dma_wait3A_54] : memref<10000x16xf32, #tpu.memory_space<hbm>> -> memref<625x16xf32, #tpu.memory_space<hbm>>
        %dma_wait3A_56 = arith.constant 0 : i32
        %dma_wait3A_57 = tpu.memref_slice %arg15[%mul3A_12, %dma_wait3A_56] : memref<10008x16xf32, #tpu.memory_space<vmem_shared>> -> memref<625x16xf32, #tpu.memory_space<vmem_shared>>
        tpu.wait_dma2 semaphore(%run_scoped3A : memref<!tpu.dma_semaphore, #tpu.memory_space<semaphore_mem>>) src(%dma_wait3A_57 : memref<625x16xf32, #tpu.memory_space<vmem_shared>>) dst(%dma_wait3A_55 : memref<625x16xf32, #tpu.memory_space<hbm>>)
        tpu.yield
      }) : () -> ()
    } else {
    }
    %eq3A_2 = arith.constant 1 : i32
    %eq3A_3 = arith.cmpi eq, %arg0, %eq3A_2 : i32
    %convert_element_type3A_4 = arith.extui %eq3A_3 : i1 to i32
    %cond3A_5 = arith.constant 0 : i32
    %cond3A_6 = arith.cmpi ne, %convert_element_type3A_4, %cond3A_5 : i32
    scf.if %cond3A_6 {
      %broadcast_in_dim3A = arith.constant 0.000000e+00 : f32
      %broadcast_in_dim3A_7 = vector.broadcast %broadcast_in_dim3A : f32 to vector<16xf32>
      %iota3A = tpu.iota {dimensions = array<i32: 0>} : vector<16xi32>
      %scan3A = arith.constant 0 : i32
      %scan3A_8 = arith.constant 32 : i32
      %scan3A_9 = arith.addi %scan3A, %scan3A_8 : i32
      %scan3A_10 = arith.constant 1 : i32
      scf.for %scan3A_50 = %scan3A to %scan3A_9 step %scan3A_10  : i32 {
        %swap3A = arith.index_cast %scan3A_50 : i32 to index
        %swap3A_51 = arith.constant 0 : index
        %swap3A_52 = tpu.vector_load %arg26[%swap3A, %swap3A_51] {strides = array<i32>} : memref<32x128xf32, #tpu.memory_space<vmem>>, vector<16xf32>,
        tpu.vector_store %arg26[%swap3A, %swap3A_51], %broadcast_in_dim3A_7 {strides = array<i32>} : memref<32x128xf32, #tpu.memory_space<vmem>>, vector<16xf32>,
        %swap3A_53 = arith.index_cast %scan3A_50 : i32 to index
        %swap3A_54 = arith.constant 16 : index
        %swap3A_55 = tpu.vector_load %arg26[%swap3A_53, %swap3A_54] {strides = array<i32>} : memref<32x128xf32, #tpu.memory_space<vmem>>, vector<16xf32>,
        tpu.vector_store %arg26[%swap3A_53, %swap3A_54], %broadcast_in_dim3A_7 {strides = array<i32>} : memref<32x128xf32, #tpu.memory_space<vmem>>, vector<16xf32>,
        %swap3A_56 = arith.index_cast %scan3A_50 : i32 to index
        %swap3A_57 = arith.constant 32 : index
        %swap3A_58 = tpu.vector_load %arg26[%swap3A_56, %swap3A_57] {strides = array<i32>} : memref<32x128xf32, #tpu.memory_space<vmem>>, vector<16xf32>,
        tpu.vector_store %arg26[%swap3A_56, %swap3A_57], %broadcast_in_dim3A_7 {strides = array<i32>} : memref<32x128xf32, #tpu.memory_space<vmem>>, vector<16xf32>,
        %swap3A_59 = arith.index_cast %scan3A_50 : i32 to index
        %swap3A_60 = arith.constant 48 : index
        %swap3A_61 = tpu.vector_load %arg26[%swap3A_59, %swap3A_60] {strides = array<i32>} : memref<32x128xf32, #tpu.memory_space<vmem>>, vector<16xf32>,
        tpu.vector_store %arg26[%swap3A_59, %swap3A_60], %broadcast_in_dim3A_7 {strides = array<i32>} : memref<32x128xf32, #tpu.memory_space<vmem>>, vector<16xf32>,
        %swap3A_62 = arith.index_cast %scan3A_50 : i32 to index
        %swap3A_63 = arith.constant 64 : index
        %swap3A_64 = tpu.vector_load %arg26[%swap3A_62, %swap3A_63] {strides = array<i32>} : memref<32x128xf32, #tpu.memory_space<vmem>>, vector<16xf32>,
        tpu.vector_store %arg26[%swap3A_62, %swap3A_63], %broadcast_in_dim3A_7 {strides = array<i32>} : memref<32x128xf32, #tpu.memory_space<vmem>>, vector<16xf32>,
        %swap3A_65 = arith.index_cast %scan3A_50 : i32 to index
        %swap3A_66 = arith.constant 80 : index
        %swap3A_67 = tpu.vector_load %arg26[%swap3A_65, %swap3A_66] {strides = array<i32>} : memref<32x128xf32, #tpu.memory_space<vmem>>, vector<16xf32>,
        tpu.vector_store %arg26[%swap3A_65, %swap3A_66], %broadcast_in_dim3A_7 {strides = array<i32>} : memref<32x128xf32, #tpu.memory_space<vmem>>, vector<16xf32>,
        %swap3A_68 = arith.index_cast %scan3A_50 : i32 to index
        %swap3A_69 = arith.constant 96 : index
        %swap3A_70 = tpu.vector_load %arg26[%swap3A_68, %swap3A_69] {strides = array<i32>} : memref<32x128xf32, #tpu.memory_space<vmem>>, vector<16xf32>,
        tpu.vector_store %arg26[%swap3A_68, %swap3A_69], %broadcast_in_dim3A_7 {strides = array<i32>} : memref<32x128xf32, #tpu.memory_space<vmem>>, vector<16xf32>,
        %swap3A_71 = arith.index_cast %scan3A_50 : i32 to index
        %swap3A_72 = arith.constant 112 : index
        %swap3A_73 = tpu.vector_load %arg26[%swap3A_71, %swap3A_72] {strides = array<i32>} : memref<32x128xf32, #tpu.memory_space<vmem>>, vector<16xf32>,
        tpu.vector_store %arg26[%swap3A_71, %swap3A_72], %broadcast_in_dim3A_7 {strides = array<i32>} : memref<32x128xf32, #tpu.memory_space<vmem>>, vector<16xf32>,
        %swap3A_74 = arith.index_cast %scan3A_50 : i32 to index
        %swap3A_75 = arith.constant 0 : index
        %swap3A_76 = tpu.vector_load %arg28[%swap3A_74, %swap3A_75] {strides = array<i32>} : memref<32x16xf32, #tpu.memory_space<vmem>>, vector<16xf32>,
        tpu.vector_store %arg28[%swap3A_74, %swap3A_75], %broadcast_in_dim3A_7 {strides = array<i32>} : memref<32x16xf32, #tpu.memory_space<vmem>>, vector<16xf32>,
      }
      %scan3A_11 = arith.constant 32 : i32
      %mul3A = arith.constant 625 : i32
      %mul3A_12 = arith.muli %arg1, %mul3A : i32
      %scan3A_13 = arith.constant 0 : i32
      %scan3A_14 = arith.constant 19 : i32
      %scan3A_15 = arith.addi %scan3A_13, %scan3A_14 : i32
      %scan3A_16 = arith.constant 1 : i32
      scf.for %scan3A_50 = %scan3A_13 to %scan3A_15 step %scan3A_16  : i32 {
        %mul3A_51 = arith.constant 32 : i32
        %mul3A_52 = arith.muli %scan3A_50, %mul3A_51 : i32
        %add3A_53 = arith.addi %mul3A_12, %mul3A_52 : i32
        "tpu.region"() ({
          %run_scoped3A = tpu.sem_alloc : memref<!tpu.dma_semaphore, #tpu.memory_space<semaphore_mem>>
          %dma_start3A_57 = arith.constant 0 : i32
          %dma_start3A_58 = arith.constant 0 : i32
          %dma_start3A_59 = tpu.memref_slice %arg26[%dma_start3A_57, %dma_start3A_58] : memref<32x128xf32, #tpu.memory_space<vmem>> -> memref<32x128xf32, #tpu.memory_space<vmem>>
          %dma_start3A_60 = arith.constant 0 : i32
          %dma_start3A_61 = tpu.memref_slice %arg14[%add3A_53, %dma_start3A_60] : memref<10008x128xf32, #tpu.memory_space<vmem_shared>> -> memref<32x128xf32, #tpu.memory_space<vmem_shared>>
          %dma_start3A_62 = arith.constant 0 : i32
          %dma_start3A_63 = tpu.memref_slice %arg14[%add3A_53, %dma_start3A_62] : memref<10008x128xf32, #tpu.memory_space<vmem_shared>> -> memref<32x128xf32, #tpu.memory_space<vmem_shared>>
          %dma_start3A_64 = arith.constant 0 : i32
          %dma_start3A_65 = arith.constant 0 : i32
          %dma_start3A_66 = tpu.memref_slice %arg26[%dma_start3A_64, %dma_start3A_65] : memref<32x128xf32, #tpu.memory_space<vmem>> -> memref<32x128xf32, #tpu.memory_space<vmem>>
          tpu.enqueue_dma source(%dma_start3A_66 : memref<32x128xf32, #tpu.memory_space<vmem>>) target(%dma_start3A_63 : memref<32x128xf32, #tpu.memory_space<vmem_shared>>) target_semaphore(%run_scoped3A : memref<!tpu.dma_semaphore, #tpu.memory_space<semaphore_mem>>)
          %dma_wait3A_67 = arith.constant 0 : i32
          %dma_wait3A_68 = arith.constant 0 : i32
          %dma_wait3A_69 = tpu.memref_slice %arg26[%dma_wait3A_67, %dma_wait3A_68] : memref<32x128xf32, #tpu.memory_space<vmem>> -> memref<32x128xf32, #tpu.memory_space<vmem>>
          %dma_wait3A_70 = arith.constant 0 : i32
          %dma_wait3A_71 = tpu.memref_slice %arg14[%add3A_53, %dma_wait3A_70] : memref<10008x128xf32, #tpu.memory_space<vmem_shared>> -> memref<32x128xf32, #tpu.memory_space<vmem_shared>>
          %dma_wait3A_72 = arith.constant 0 : i32
          %dma_wait3A_73 = tpu.memref_slice %arg14[%add3A_53, %dma_wait3A_72] : memref<10008x128xf32, #tpu.memory_space<vmem_shared>> -> memref<32x128xf32, #tpu.memory_space<vmem_shared>>
          %dma_wait3A_74 = arith.constant 0 : i32
          %dma_wait3A_75 = arith.constant 0 : i32
          %dma_wait3A_76 = tpu.memref_slice %arg26[%dma_wait3A_74, %dma_wait3A_75] : memref<32x128xf32, #tpu.memory_space<vmem>> -> memref<32x128xf32, #tpu.memory_space<vmem>>
          tpu.wait_dma2 semaphore(%run_scoped3A : memref<!tpu.dma_semaphore, #tpu.memory_space<semaphore_mem>>) src(%dma_wait3A_76 : memref<32x128xf32, #tpu.memory_space<vmem>>) dst(%dma_wait3A_73 : memref<32x128xf32, #tpu.memory_space<vmem_shared>>)
          tpu.yield
        }) : () -> ()
        %mul3A_54 = arith.constant 32 : i32
        %mul3A_55 = arith.muli %scan3A_50, %mul3A_54 : i32
        %add3A_56 = arith.addi %mul3A_12, %mul3A_55 : i32
        "tpu.region"() ({
          %run_scoped3A = tpu.sem_alloc : memref<!tpu.dma_semaphore, #tpu.memory_space<semaphore_mem>>
          %dma_start3A_57 = arith.constant 0 : i32
          %dma_start3A_58 = arith.constant 0 : i32
          %dma_start3A_59 = tpu.memref_slice %arg28[%dma_start3A_57, %dma_start3A_58] : memref<32x16xf32, #tpu.memory_space<vmem>> -> memref<32x16xf32, #tpu.memory_space<vmem>>
          %dma_start3A_60 = arith.constant 0 : i32
          %dma_start3A_61 = tpu.memref_slice %arg15[%add3A_56, %dma_start3A_60] : memref<10008x16xf32, #tpu.memory_space<vmem_shared>> -> memref<32x16xf32, #tpu.memory_space<vmem_shared>>
          %dma_start3A_62 = arith.constant 0 : i32
          %dma_start3A_63 = tpu.memref_slice %arg15[%add3A_56, %dma_start3A_62] : memref<10008x16xf32, #tpu.memory_space<vmem_shared>> -> memref<32x16xf32, #tpu.memory_space<vmem_shared>>
          %dma_start3A_64 = arith.constant 0 : i32
          %dma_start3A_65 = arith.constant 0 : i32
          %dma_start3A_66 = tpu.memref_slice %arg28[%dma_start3A_64, %dma_start3A_65] : memref<32x16xf32, #tpu.memory_space<vmem>> -> memref<32x16xf32, #tpu.memory_space<vmem>>
          tpu.enqueue_dma source(%dma_start3A_66 : memref<32x16xf32, #tpu.memory_space<vmem>>) target(%dma_start3A_63 : memref<32x16xf32, #tpu.memory_space<vmem_shared>>) target_semaphore(%run_scoped3A : memref<!tpu.dma_semaphore, #tpu.memory_space<semaphore_mem>>)
          %dma_wait3A_67 = arith.constant 0 : i32
          %dma_wait3A_68 = arith.constant 0 : i32
          %dma_wait3A_69 = tpu.memref_slice %arg28[%dma_wait3A_67, %dma_wait3A_68] : memref<32x16xf32, #tpu.memory_space<vmem>> -> memref<32x16xf32, #tpu.memory_space<vmem>>
          %dma_wait3A_70 = arith.constant 0 : i32
          %dma_wait3A_71 = tpu.memref_slice %arg15[%add3A_56, %dma_wait3A_70] : memref<10008x16xf32, #tpu.memory_space<vmem_shared>> -> memref<32x16xf32, #tpu.memory_space<vmem_shared>>
          %dma_wait3A_72 = arith.constant 0 : i32
          %dma_wait3A_73 = tpu.memref_slice %arg15[%add3A_56, %dma_wait3A_72] : memref<10008x16xf32, #tpu.memory_space<vmem_shared>> -> memref<32x16xf32, #tpu.memory_space<vmem_shared>>
          %dma_wait3A_74 = arith.constant 0 : i32
          %dma_wait3A_75 = arith.constant 0 : i32
          %dma_wait3A_76 = tpu.memref_slice %arg28[%dma_wait3A_74, %dma_wait3A_75] : memref<32x16xf32, #tpu.memory_space<vmem>> -> memref<32x16xf32, #tpu.memory_space<vmem>>
          tpu.wait_dma2 semaphore(%run_scoped3A : memref<!tpu.dma_semaphore, #tpu.memory_space<semaphore_mem>>) src(%dma_wait3A_76 : memref<32x16xf32, #tpu.memory_space<vmem>>) dst(%dma_wait3A_73 : memref<32x16xf32, #tpu.memory_space<vmem_shared>>)
          tpu.yield
        }) : () -> ()
      }
      %scan3A_17 = arith.constant 19 : i32
      %add3A = arith.constant 608 : i32
      %add3A_18 = arith.addi %mul3A_12, %add3A : i32
      "tpu.region"() ({
        %run_scoped3A = tpu.sem_alloc : memref<!tpu.dma_semaphore, #tpu.memory_space<semaphore_mem>>
        %dma_start3A_50 = arith.constant 0 : i32
        %dma_start3A_51 = arith.constant 0 : i32
        %dma_start3A_52 = tpu.memref_slice %arg26[%dma_start3A_50, %dma_start3A_51] : memref<32x128xf32, #tpu.memory_space<vmem>> -> memref<17x128xf32, #tpu.memory_space<vmem>>
        %dma_start3A_53 = arith.constant 0 : i32
        %dma_start3A_54 = tpu.memref_slice %arg14[%add3A_18, %dma_start3A_53] : memref<10008x128xf32, #tpu.memory_space<vmem_shared>> -> memref<17x128xf32, #tpu.memory_space<vmem_shared>>
        %dma_start3A_55 = arith.constant 0 : i32
        %dma_start3A_56 = tpu.memref_slice %arg14[%add3A_18, %dma_start3A_55] : memref<10008x128xf32, #tpu.memory_space<vmem_shared>> -> memref<17x128xf32, #tpu.memory_space<vmem_shared>>
        %dma_start3A_57 = arith.constant 0 : i32
        %dma_start3A_58 = arith.constant 0 : i32
        %dma_start3A_59 = tpu.memref_slice %arg26[%dma_start3A_57, %dma_start3A_58] : memref<32x128xf32, #tpu.memory_space<vmem>> -> memref<17x128xf32, #tpu.memory_space<vmem>>
        tpu.enqueue_dma source(%dma_start3A_59 : memref<17x128xf32, #tpu.memory_space<vmem>>) target(%dma_start3A_56 : memref<17x128xf32, #tpu.memory_space<vmem_shared>>) target_semaphore(%run_scoped3A : memref<!tpu.dma_semaphore, #tpu.memory_space<semaphore_mem>>)
        %dma_wait3A_60 = arith.constant 0 : i32
        %dma_wait3A_61 = arith.constant 0 : i32
        %dma_wait3A_62 = tpu.memref_slice %arg26[%dma_wait3A_60, %dma_wait3A_61] : memref<32x128xf32, #tpu.memory_space<vmem>> -> memref<17x128xf32, #tpu.memory_space<vmem>>
        %dma_wait3A_63 = arith.constant 0 : i32
        %dma_wait3A_64 = tpu.memref_slice %arg14[%add3A_18, %dma_wait3A_63] : memref<10008x128xf32, #tpu.memory_space<vmem_shared>> -> memref<17x128xf32, #tpu.memory_space<vmem_shared>>
        %dma_wait3A_65 = arith.constant 0 : i32
        %dma_wait3A_66 = tpu.memref_slice %arg14[%add3A_18, %dma_wait3A_65] : memref<10008x128xf32, #tpu.memory_space<vmem_shared>> -> memref<17x128xf32, #tpu.memory_space<vmem_shared>>
        %dma_wait3A_67 = arith.constant 0 : i32
        %dma_wait3A_68 = arith.constant 0 : i32
        %dma_wait3A_69 = tpu.memref_slice %arg26[%dma_wait3A_67, %dma_wait3A_68] : memref<32x128xf32, #tpu.memory_space<vmem>> -> memref<17x128xf32, #tpu.memory_space<vmem>>
        tpu.wait_dma2 semaphore(%run_scoped3A : memref<!tpu.dma_semaphore, #tpu.memory_space<semaphore_mem>>) src(%dma_wait3A_69 : memref<17x128xf32, #tpu.memory_space<vmem>>) dst(%dma_wait3A_66 : memref<17x128xf32, #tpu.memory_space<vmem_shared>>)
        tpu.yield
      }) : () -> ()
      %add3A_19 = arith.constant 608 : i32
      %add3A_20 = arith.addi %mul3A_12, %add3A_19 : i32
      "tpu.region"() ({
        %run_scoped3A = tpu.sem_alloc : memref<!tpu.dma_semaphore, #tpu.memory_space<semaphore_mem>>
        %dma_start3A_50 = arith.constant 0 : i32
        %dma_start3A_51 = arith.constant 0 : i32
        %dma_start3A_52 = tpu.memref_slice %arg28[%dma_start3A_50, %dma_start3A_51] : memref<32x16xf32, #tpu.memory_space<vmem>> -> memref<17x16xf32, #tpu.memory_space<vmem>>
        %dma_start3A_53 = arith.constant 0 : i32
        %dma_start3A_54 = tpu.memref_slice %arg15[%add3A_20, %dma_start3A_53] : memref<10008x16xf32, #tpu.memory_space<vmem_shared>> -> memref<17x16xf32, #tpu.memory_space<vmem_shared>>
        %dma_start3A_55 = arith.constant 0 : i32
        %dma_start3A_56 = tpu.memref_slice %arg15[%add3A_20, %dma_start3A_55] : memref<10008x16xf32, #tpu.memory_space<vmem_shared>> -> memref<17x16xf32, #tpu.memory_space<vmem_shared>>
        %dma_start3A_57 = arith.constant 0 : i32
        %dma_start3A_58 = arith.constant 0 : i32
        %dma_start3A_59 = tpu.memref_slice %arg28[%dma_start3A_57, %dma_start3A_58] : memref<32x16xf32, #tpu.memory_space<vmem>> -> memref<17x16xf32, #tpu.memory_space<vmem>>
        tpu.enqueue_dma source(%dma_start3A_59 : memref<17x16xf32, #tpu.memory_space<vmem>>) target(%dma_start3A_56 : memref<17x16xf32, #tpu.memory_space<vmem_shared>>) target_semaphore(%run_scoped3A : memref<!tpu.dma_semaphore, #tpu.memory_space<semaphore_mem>>)
        %dma_wait3A_60 = arith.constant 0 : i32
        %dma_wait3A_61 = arith.constant 0 : i32
        %dma_wait3A_62 = tpu.memref_slice %arg28[%dma_wait3A_60, %dma_wait3A_61] : memref<32x16xf32, #tpu.memory_space<vmem>> -> memref<17x16xf32, #tpu.memory_space<vmem>>
        %dma_wait3A_63 = arith.constant 0 : i32
        %dma_wait3A_64 = tpu.memref_slice %arg15[%add3A_20, %dma_wait3A_63] : memref<10008x16xf32, #tpu.memory_space<vmem_shared>> -> memref<17x16xf32, #tpu.memory_space<vmem_shared>>
        %dma_wait3A_65 = arith.constant 0 : i32
        %dma_wait3A_66 = tpu.memref_slice %arg15[%add3A_20, %dma_wait3A_65] : memref<10008x16xf32, #tpu.memory_space<vmem_shared>> -> memref<17x16xf32, #tpu.memory_space<vmem_shared>>
        %dma_wait3A_67 = arith.constant 0 : i32
        %dma_wait3A_68 = arith.constant 0 : i32
        %dma_wait3A_69 = tpu.memref_slice %arg28[%dma_wait3A_67, %dma_wait3A_68] : memref<32x16xf32, #tpu.memory_space<vmem>> -> memref<17x16xf32, #tpu.memory_space<vmem>>
        tpu.wait_dma2 semaphore(%run_scoped3A : memref<!tpu.dma_semaphore, #tpu.memory_space<semaphore_mem>>) src(%dma_wait3A_69 : memref<17x16xf32, #tpu.memory_space<vmem>>) dst(%dma_wait3A_66 : memref<17x16xf32, #tpu.memory_space<vmem_shared>>)
        tpu.yield
      }) : () -> ()
      %mul3A_21 = arith.constant 10048 : i32
      %mul3A_22 = arith.muli %arg1, %mul3A_21 : i32
      "tpu.region"() ({
        %run_scoped3A = tpu.sem_alloc : memref<!tpu.dma_semaphore, #tpu.memory_space<semaphore_mem>>
        %dma_start3A_50 = tpu.memref_slice %arg8[%mul3A_22] : memref<160768xi32, #tpu.memory_space<hbm>> -> memref<32xi32, #tpu.memory_space<hbm>>
        %dma_start3A_51 = tpu.memref_slice %arg8[%mul3A_22] : memref<160768xi32, #tpu.memory_space<hbm>> -> memref<32xi32, #tpu.memory_space<hbm>>
        tpu.enqueue_dma source(%dma_start3A_51 : memref<32xi32, #tpu.memory_space<hbm>>) target(%arg16 : memref<32xi32, #tpu.memory_space<vmem>>) target_semaphore(%run_scoped3A : memref<!tpu.dma_semaphore, #tpu.memory_space<semaphore_mem>>)
        %dma_wait3A_52 = tpu.memref_slice %arg8[%mul3A_22] : memref<160768xi32, #tpu.memory_space<hbm>> -> memref<32xi32, #tpu.memory_space<hbm>>
        %dma_wait3A_53 = tpu.memref_slice %arg8[%mul3A_22] : memref<160768xi32, #tpu.memory_space<hbm>> -> memref<32xi32, #tpu.memory_space<hbm>>
        tpu.wait_dma2 semaphore(%run_scoped3A : memref<!tpu.dma_semaphore, #tpu.memory_space<semaphore_mem>>) src(%dma_wait3A_53 : memref<32xi32, #tpu.memory_space<hbm>>) dst(%arg16 : memref<32xi32, #tpu.memory_space<vmem>>)
        tpu.yield
      }) : () -> ()
      "tpu.region"() ({
        %run_scoped3A = tpu.sem_alloc : memref<!tpu.dma_semaphore, #tpu.memory_space<semaphore_mem>>
        %dma_start3A_50 = tpu.memref_slice %arg9[%mul3A_22] : memref<160768xi32, #tpu.memory_space<hbm>> -> memref<32xi32, #tpu.memory_space<hbm>>
        %dma_start3A_51 = tpu.memref_slice %arg9[%mul3A_22] : memref<160768xi32, #tpu.memory_space<hbm>> -> memref<32xi32, #tpu.memory_space<hbm>>
        tpu.enqueue_dma source(%dma_start3A_51 : memref<32xi32, #tpu.memory_space<hbm>>) target(%arg18 : memref<32xi32, #tpu.memory_space<vmem>>) target_semaphore(%run_scoped3A : memref<!tpu.dma_semaphore, #tpu.memory_space<semaphore_mem>>)
        %dma_wait3A_52 = tpu.memref_slice %arg9[%mul3A_22] : memref<160768xi32, #tpu.memory_space<hbm>> -> memref<32xi32, #tpu.memory_space<hbm>>
        %dma_wait3A_53 = tpu.memref_slice %arg9[%mul3A_22] : memref<160768xi32, #tpu.memory_space<hbm>> -> memref<32xi32, #tpu.memory_space<hbm>>
        tpu.wait_dma2 semaphore(%run_scoped3A : memref<!tpu.dma_semaphore, #tpu.memory_space<semaphore_mem>>) src(%dma_wait3A_53 : memref<32xi32, #tpu.memory_space<hbm>>) dst(%arg18 : memref<32xi32, #tpu.memory_space<vmem>>)
        tpu.yield
      }) : () -> ()
      %dma_start3A = arith.constant 0 : i32
      %dma_start3A_23 = arith.constant 0 : i32
      %dma_start3A_24 = tpu.memref_slice %arg5[%dma_start3A, %dma_start3A_23] : memref<10008x128xf32, #tpu.memory_space<hbm>> -> memref<10008x128xf32, #tpu.memory_space<hbm>>
      tpu.enqueue_indirect_dma source(%dma_start3A_24 : memref<10008x128xf32, #tpu.memory_space<hbm>>) target(%arg22 : memref<32x128xf32, #tpu.memory_space<vmem>>) offsets(%arg16 : memref<32xi32, #tpu.memory_space<vmem>>) semaphore(%arg32 : memref<!tpu.dma_semaphore, #tpu.memory_space<semaphore_mem>>)
      %dma_start3A_25 = arith.constant 0 : i32
      %dma_start3A_26 = arith.constant 0 : i32
      %dma_start3A_27 = tpu.memref_slice %arg6[%dma_start3A_25, %dma_start3A_26] : memref<10008x128xf32, #tpu.memory_space<hbm>> -> memref<10008x128xf32, #tpu.memory_space<hbm>>
      tpu.enqueue_indirect_dma source(%dma_start3A_27 : memref<10008x128xf32, #tpu.memory_space<hbm>>) target(%arg24 : memref<32x128xf32, #tpu.memory_space<vmem>>) offsets(%arg18 : memref<32xi32, #tpu.memory_space<vmem>>) semaphore(%arg32 : memref<!tpu.dma_semaphore, #tpu.memory_space<semaphore_mem>>)
      %dma_start3A_28 = arith.constant 0 : i32
      %dma_start3A_29 = arith.constant 0 : i32
      %dma_start3A_30 = tpu.memref_slice %arg7[%dma_start3A_28, %dma_start3A_29] : memref<10008x128xf32, #tpu.memory_space<hbm>> -> memref<10008x128xf32, #tpu.memory_space<hbm>>
      tpu.enqueue_indirect_dma source(%dma_start3A_30 : memref<10008x128xf32, #tpu.memory_space<hbm>>) target(%arg26 : memref<32x128xf32, #tpu.memory_space<vmem>>) offsets(%arg16 : memref<32xi32, #tpu.memory_space<vmem>>) semaphore(%arg34 : memref<!tpu.dma_semaphore, #tpu.memory_space<semaphore_mem>>)
      %add3A_31 = arith.constant 32 : i32
      %add3A_32 = arith.addi %mul3A_22, %add3A_31 : i32
      %dma_start3A_33 = tpu.memref_slice %arg8[%add3A_32] : memref<160768xi32, #tpu.memory_space<hbm>> -> memref<32xi32, #tpu.memory_space<hbm>>
      %dma_start3A_34 = tpu.memref_slice %arg8[%add3A_32] : memref<160768xi32, #tpu.memory_space<hbm>> -> memref<32xi32, #tpu.memory_space<hbm>>
      tpu.enqueue_dma source(%dma_start3A_34 : memref<32xi32, #tpu.memory_space<hbm>>) target(%arg17 : memref<32xi32, #tpu.memory_space<vmem>>) target_semaphore(%arg39 : memref<!tpu.dma_semaphore, #tpu.memory_space<semaphore_mem>>)
      %add3A_35 = arith.constant 32 : i32
      %add3A_36 = arith.addi %mul3A_22, %add3A_35 : i32
      %dma_start3A_37 = tpu.memref_slice %arg9[%add3A_36] : memref<160768xi32, #tpu.memory_space<hbm>> -> memref<32xi32, #tpu.memory_space<hbm>>
      %dma_start3A_38 = tpu.memref_slice %arg9[%add3A_36] : memref<160768xi32, #tpu.memory_space<hbm>> -> memref<32xi32, #tpu.memory_space<hbm>>
      tpu.enqueue_dma source(%dma_start3A_38 : memref<32xi32, #tpu.memory_space<hbm>>) target(%arg19 : memref<32xi32, #tpu.memory_space<vmem>>) target_semaphore(%arg39 : memref<!tpu.dma_semaphore, #tpu.memory_space<semaphore_mem>>)
      %barrier3A = arith.constant 0 : index
      tpu.barrier barrier_id(%barrier3A)
      %scan3A_39 = arith.constant 0 : i32
      %scan3A_40 = arith.constant 157 : i32
      %scan3A_41 = arith.addi %scan3A_39, %scan3A_40 : i32
      %scan3A_42 = arith.constant 1 : i32
      scf.for %scan3A_50 = %scan3A_39 to %scan3A_41 step %scan3A_42  : i32 {
        %mul3A_51 = arith.constant 2 : i32
        %mul3A_52 = arith.muli %mul3A_51, %scan3A_50 : i32
        %add3A_53 = arith.constant 0 : i32
        %add3A_54 = arith.addi %mul3A_52, %add3A_53 : i32
        %lt3A = arith.constant 313 : i32
        %lt3A_55 = arith.cmpi slt, %add3A_54, %lt3A : i32
        %convert_element_type3A_56 = arith.extui %lt3A_55 : i1 to i32
        %cond3A_57 = arith.constant 0 : i32
        %cond3A_58 = arith.cmpi ne, %convert_element_type3A_56, %cond3A_57 : i32
        scf.if %cond3A_58 {
          %add3A_404 = arith.constant 1 : i32
          %add3A_405 = arith.addi %add3A_54, %add3A_404 : i32
          %mul3A_406 = arith.constant 32 : i32
          %mul3A_407 = arith.muli %add3A_405, %mul3A_406 : i32
          %add3A_408 = arith.addi %mul3A_22, %mul3A_407 : i32
          %dma_wait3A_409 = tpu.memref_slice %arg8[%add3A_408] : memref<160768xi32, #tpu.memory_space<hbm>> -> memref<32xi32, #tpu.memory_space<hbm>>
          %dma_wait3A_410 = tpu.memref_slice %arg8[%add3A_408] : memref<160768xi32, #tpu.memory_space<hbm>> -> memref<32xi32, #tpu.memory_space<hbm>>
          tpu.wait_dma2 semaphore(%arg39 : memref<!tpu.dma_semaphore, #tpu.memory_space<semaphore_mem>>) src(%dma_wait3A_410 : memref<32xi32, #tpu.memory_space<hbm>>) dst(%arg17 : memref<32xi32, #tpu.memory_space<vmem>>)
          %dma_wait3A_411 = tpu.memref_slice %arg9[%add3A_408] : memref<160768xi32, #tpu.memory_space<hbm>> -> memref<32xi32, #tpu.memory_space<hbm>>
          %dma_wait3A_412 = tpu.memref_slice %arg9[%add3A_408] : memref<160768xi32, #tpu.memory_space<hbm>> -> memref<32xi32, #tpu.memory_space<hbm>>
          tpu.wait_dma2 semaphore(%arg39 : memref<!tpu.dma_semaphore, #tpu.memory_space<semaphore_mem>>) src(%dma_wait3A_412 : memref<32xi32, #tpu.memory_space<hbm>>) dst(%arg19 : memref<32xi32, #tpu.memory_space<vmem>>)
          %dma_start3A_413 = arith.constant 0 : i32
          %dma_start3A_414 = arith.constant 0 : i32
          %dma_start3A_415 = tpu.memref_slice %arg5[%dma_start3A_413, %dma_start3A_414] : memref<10008x128xf32, #tpu.memory_space<hbm>> -> memref<10008x128xf32, #tpu.memory_space<hbm>>
          tpu.enqueue_indirect_dma source(%dma_start3A_415 : memref<10008x128xf32, #tpu.memory_space<hbm>>) target(%arg23 : memref<32x128xf32, #tpu.memory_space<vmem>>) offsets(%arg17 : memref<32xi32, #tpu.memory_space<vmem>>) semaphore(%arg33 : memref<!tpu.dma_semaphore, #tpu.memory_space<semaphore_mem>>)
          %dma_start3A_416 = arith.constant 0 : i32
          %dma_start3A_417 = arith.constant 0 : i32
          %dma_start3A_418 = tpu.memref_slice %arg6[%dma_start3A_416, %dma_start3A_417] : memref<10008x128xf32, #tpu.memory_space<hbm>> -> memref<10008x128xf32, #tpu.memory_space<hbm>>
          tpu.enqueue_indirect_dma source(%dma_start3A_418 : memref<10008x128xf32, #tpu.memory_space<hbm>>) target(%arg25 : memref<32x128xf32, #tpu.memory_space<vmem>>) offsets(%arg19 : memref<32xi32, #tpu.memory_space<vmem>>) semaphore(%arg33 : memref<!tpu.dma_semaphore, #tpu.memory_space<semaphore_mem>>)
        } else {
        }
        %dma_wait3A_59 = arith.constant 0 : i32
        %dma_wait3A_60 = arith.constant 0 : i32
        %dma_wait3A_61 = tpu.memref_slice %arg5[%dma_wait3A_59, %dma_wait3A_60] : memref<10008x128xf32, #tpu.memory_space<hbm>> -> memref<10008x128xf32, #tpu.memory_space<hbm>>
        tpu.wait_indirect_dma semaphore(%arg32 : memref<!tpu.dma_semaphore, #tpu.memory_space<semaphore_mem>>) src(%dma_wait3A_61 : memref<10008x128xf32, #tpu.memory_space<hbm>>) dst(%arg22 : memref<32x128xf32, #tpu.memory_space<vmem>>)
        %dma_wait3A_62 = arith.constant 0 : i32
        %dma_wait3A_63 = arith.constant 0 : i32
        %dma_wait3A_64 = tpu.memref_slice %arg6[%dma_wait3A_62, %dma_wait3A_63] : memref<10008x128xf32, #tpu.memory_space<hbm>> -> memref<10008x128xf32, #tpu.memory_space<hbm>>
        tpu.wait_indirect_dma semaphore(%arg32 : memref<!tpu.dma_semaphore, #tpu.memory_space<semaphore_mem>>) src(%dma_wait3A_64 : memref<10008x128xf32, #tpu.memory_space<hbm>>) dst(%arg24 : memref<32x128xf32, #tpu.memory_space<vmem>>)
        %scan3A_65 = arith.constant 0 : i32
        %scan3A_66 = arith.constant 32 : i32
        %scan3A_67 = arith.addi %scan3A_65, %scan3A_66 : i32
        %scan3A_68 = arith.constant 1 : i32
        scf.for %scan3A_404 = %scan3A_65 to %scan3A_67 step %scan3A_68  : i32 {
          %get3A_405 = arith.index_cast %scan3A_404 : i32 to index
          %get3A_406 = arith.constant 0 : index
          %get3A_407 = tpu.vector_load %arg22[%get3A_405, %get3A_406] {strides = array<i32>} : memref<32x128xf32, #tpu.memory_space<vmem>>, vector<16xf32>,
          %mul3A_408 = arith.constant 129 : i32
          %mul3A_409 = arith.muli %scan3A_404, %mul3A_408 : i32
          %add3A_410 = arith.constant 0 : i32
          %add3A_411 = arith.addi %mul3A_409, %add3A_410 : i32
          %swap3A_412 = arith.index_cast %add3A_411 : i32 to index
          %swap3A_413 = tpu.vector_load %arg30[%swap3A_412] {strides = array<i32>} : memref<4128xf32, #tpu.memory_space<vmem>>, vector<16xf32>,
          tpu.vector_store %arg30[%swap3A_412], %get3A_407 {strides = array<i32>} : memref<4128xf32, #tpu.memory_space<vmem>>, vector<16xf32>,
          %get3A_414 = arith.index_cast %scan3A_404 : i32 to index
          %get3A_415 = arith.constant 0 : index
          %get3A_416 = tpu.vector_load %arg24[%get3A_414, %get3A_415] {strides = array<i32>} : memref<32x128xf32, #tpu.memory_space<vmem>>, vector<16xf32>,
          %mul3A_417 = arith.constant 129 : i32
          %mul3A_418 = arith.muli %scan3A_404, %mul3A_417 : i32
          %add3A_419 = arith.constant 0 : i32
          %add3A_420 = arith.addi %mul3A_418, %add3A_419 : i32
          %swap3A_421 = arith.index_cast %add3A_420 : i32 to index
          %swap3A_422 = tpu.vector_load %arg31[%swap3A_421] {strides = array<i32>} : memref<4128xf32, #tpu.memory_space<vmem>>, vector<16xf32>,
          tpu.vector_store %arg31[%swap3A_421], %get3A_416 {strides = array<i32>} : memref<4128xf32, #tpu.memory_space<vmem>>, vector<16xf32>,
          %get3A_423 = arith.index_cast %scan3A_404 : i32 to index
          %get3A_424 = arith.constant 16 : index
          %get3A_425 = tpu.vector_load %arg22[%get3A_423, %get3A_424] {strides = array<i32>} : memref<32x128xf32, #tpu.memory_space<vmem>>, vector<16xf32>,
          %mul3A_426 = arith.constant 129 : i32
          %mul3A_427 = arith.muli %scan3A_404, %mul3A_426 : i32
          %add3A_428 = arith.constant 16 : i32
          %add3A_429 = arith.addi %mul3A_427, %add3A_428 : i32
          %swap3A_430 = arith.index_cast %add3A_429 : i32 to index
          %swap3A_431 = tpu.vector_load %arg30[%swap3A_430] {strides = array<i32>} : memref<4128xf32, #tpu.memory_space<vmem>>, vector<16xf32>,
          tpu.vector_store %arg30[%swap3A_430], %get3A_425 {strides = array<i32>} : memref<4128xf32, #tpu.memory_space<vmem>>, vector<16xf32>,
          %get3A_432 = arith.index_cast %scan3A_404 : i32 to index
          %get3A_433 = arith.constant 16 : index
          %get3A_434 = tpu.vector_load %arg24[%get3A_432, %get3A_433] {strides = array<i32>} : memref<32x128xf32, #tpu.memory_space<vmem>>, vector<16xf32>,
          %mul3A_435 = arith.constant 129 : i32
          %mul3A_436 = arith.muli %scan3A_404, %mul3A_435 : i32
          %add3A_437 = arith.constant 16 : i32
          %add3A_438 = arith.addi %mul3A_436, %add3A_437 : i32
          %swap3A_439 = arith.index_cast %add3A_438 : i32 to index
          %swap3A_440 = tpu.vector_load %arg31[%swap3A_439] {strides = array<i32>} : memref<4128xf32, #tpu.memory_space<vmem>>, vector<16xf32>,
          tpu.vector_store %arg31[%swap3A_439], %get3A_434 {strides = array<i32>} : memref<4128xf32, #tpu.memory_space<vmem>>, vector<16xf32>,
          %get3A_441 = arith.index_cast %scan3A_404 : i32 to index
          %get3A_442 = arith.constant 32 : index
          %get3A_443 = tpu.vector_load %arg22[%get3A_441, %get3A_442] {strides = array<i32>} : memref<32x128xf32, #tpu.memory_space<vmem>>, vector<16xf32>,
          %mul3A_444 = arith.constant 129 : i32
          %mul3A_445 = arith.muli %scan3A_404, %mul3A_444 : i32
          %add3A_446 = arith.constant 32 : i32
          %add3A_447 = arith.addi %mul3A_445, %add3A_446 : i32
          %swap3A_448 = arith.index_cast %add3A_447 : i32 to index
          %swap3A_449 = tpu.vector_load %arg30[%swap3A_448] {strides = array<i32>} : memref<4128xf32, #tpu.memory_space<vmem>>, vector<16xf32>,
          tpu.vector_store %arg30[%swap3A_448], %get3A_443 {strides = array<i32>} : memref<4128xf32, #tpu.memory_space<vmem>>, vector<16xf32>,
          %get3A_450 = arith.index_cast %scan3A_404 : i32 to index
          %get3A_451 = arith.constant 32 : index
          %get3A_452 = tpu.vector_load %arg24[%get3A_450, %get3A_451] {strides = array<i32>} : memref<32x128xf32, #tpu.memory_space<vmem>>, vector<16xf32>,
          %mul3A_453 = arith.constant 129 : i32
          %mul3A_454 = arith.muli %scan3A_404, %mul3A_453 : i32
          %add3A_455 = arith.constant 32 : i32
          %add3A_456 = arith.addi %mul3A_454, %add3A_455 : i32
          %swap3A_457 = arith.index_cast %add3A_456 : i32 to index
          %swap3A_458 = tpu.vector_load %arg31[%swap3A_457] {strides = array<i32>} : memref<4128xf32, #tpu.memory_space<vmem>>, vector<16xf32>,
          tpu.vector_store %arg31[%swap3A_457], %get3A_452 {strides = array<i32>} : memref<4128xf32, #tpu.memory_space<vmem>>, vector<16xf32>,
          %get3A_459 = arith.index_cast %scan3A_404 : i32 to index
          %get3A_460 = arith.constant 48 : index
          %get3A_461 = tpu.vector_load %arg22[%get3A_459, %get3A_460] {strides = array<i32>} : memref<32x128xf32, #tpu.memory_space<vmem>>, vector<16xf32>,
          %mul3A_462 = arith.constant 129 : i32
          %mul3A_463 = arith.muli %scan3A_404, %mul3A_462 : i32
          %add3A_464 = arith.constant 48 : i32
          %add3A_465 = arith.addi %mul3A_463, %add3A_464 : i32
          %swap3A_466 = arith.index_cast %add3A_465 : i32 to index
          %swap3A_467 = tpu.vector_load %arg30[%swap3A_466] {strides = array<i32>} : memref<4128xf32, #tpu.memory_space<vmem>>, vector<16xf32>,
          tpu.vector_store %arg30[%swap3A_466], %get3A_461 {strides = array<i32>} : memref<4128xf32, #tpu.memory_space<vmem>>, vector<16xf32>,
          %get3A_468 = arith.index_cast %scan3A_404 : i32 to index
          %get3A_469 = arith.constant 48 : index
          %get3A_470 = tpu.vector_load %arg24[%get3A_468, %get3A_469] {strides = array<i32>} : memref<32x128xf32, #tpu.memory_space<vmem>>, vector<16xf32>,
          %mul3A_471 = arith.constant 129 : i32
          %mul3A_472 = arith.muli %scan3A_404, %mul3A_471 : i32
          %add3A_473 = arith.constant 48 : i32
          %add3A_474 = arith.addi %mul3A_472, %add3A_473 : i32
          %swap3A_475 = arith.index_cast %add3A_474 : i32 to index
          %swap3A_476 = tpu.vector_load %arg31[%swap3A_475] {strides = array<i32>} : memref<4128xf32, #tpu.memory_space<vmem>>, vector<16xf32>,
          tpu.vector_store %arg31[%swap3A_475], %get3A_470 {strides = array<i32>} : memref<4128xf32, #tpu.memory_space<vmem>>, vector<16xf32>,
          %get3A_477 = arith.index_cast %scan3A_404 : i32 to index
          %get3A_478 = arith.constant 64 : index
          %get3A_479 = tpu.vector_load %arg22[%get3A_477, %get3A_478] {strides = array<i32>} : memref<32x128xf32, #tpu.memory_space<vmem>>, vector<16xf32>,
          %mul3A_480 = arith.constant 129 : i32
          %mul3A_481 = arith.muli %scan3A_404, %mul3A_480 : i32
          %add3A_482 = arith.constant 64 : i32
          %add3A_483 = arith.addi %mul3A_481, %add3A_482 : i32
          %swap3A_484 = arith.index_cast %add3A_483 : i32 to index
          %swap3A_485 = tpu.vector_load %arg30[%swap3A_484] {strides = array<i32>} : memref<4128xf32, #tpu.memory_space<vmem>>, vector<16xf32>,
          tpu.vector_store %arg30[%swap3A_484], %get3A_479 {strides = array<i32>} : memref<4128xf32, #tpu.memory_space<vmem>>, vector<16xf32>,
          %get3A_486 = arith.index_cast %scan3A_404 : i32 to index
          %get3A_487 = arith.constant 64 : index
          %get3A_488 = tpu.vector_load %arg24[%get3A_486, %get3A_487] {strides = array<i32>} : memref<32x128xf32, #tpu.memory_space<vmem>>, vector<16xf32>,
          %mul3A_489 = arith.constant 129 : i32
          %mul3A_490 = arith.muli %scan3A_404, %mul3A_489 : i32
          %add3A_491 = arith.constant 64 : i32
          %add3A_492 = arith.addi %mul3A_490, %add3A_491 : i32
          %swap3A_493 = arith.index_cast %add3A_492 : i32 to index
          %swap3A_494 = tpu.vector_load %arg31[%swap3A_493] {strides = array<i32>} : memref<4128xf32, #tpu.memory_space<vmem>>, vector<16xf32>,
          tpu.vector_store %arg31[%swap3A_493], %get3A_488 {strides = array<i32>} : memref<4128xf32, #tpu.memory_space<vmem>>, vector<16xf32>,
          %get3A_495 = arith.index_cast %scan3A_404 : i32 to index
          %get3A_496 = arith.constant 80 : index
          %get3A_497 = tpu.vector_load %arg22[%get3A_495, %get3A_496] {strides = array<i32>} : memref<32x128xf32, #tpu.memory_space<vmem>>, vector<16xf32>,
          %mul3A_498 = arith.constant 129 : i32
          %mul3A_499 = arith.muli %scan3A_404, %mul3A_498 : i32
          %add3A_500 = arith.constant 80 : i32
          %add3A_501 = arith.addi %mul3A_499, %add3A_500 : i32
          %swap3A_502 = arith.index_cast %add3A_501 : i32 to index
          %swap3A_503 = tpu.vector_load %arg30[%swap3A_502] {strides = array<i32>} : memref<4128xf32, #tpu.memory_space<vmem>>, vector<16xf32>,
          tpu.vector_store %arg30[%swap3A_502], %get3A_497 {strides = array<i32>} : memref<4128xf32, #tpu.memory_space<vmem>>, vector<16xf32>,
          %get3A_504 = arith.index_cast %scan3A_404 : i32 to index
          %get3A_505 = arith.constant 80 : index
          %get3A_506 = tpu.vector_load %arg24[%get3A_504, %get3A_505] {strides = array<i32>} : memref<32x128xf32, #tpu.memory_space<vmem>>, vector<16xf32>,
          %mul3A_507 = arith.constant 129 : i32
          %mul3A_508 = arith.muli %scan3A_404, %mul3A_507 : i32
          %add3A_509 = arith.constant 80 : i32
          %add3A_510 = arith.addi %mul3A_508, %add3A_509 : i32
          %swap3A_511 = arith.index_cast %add3A_510 : i32 to index
          %swap3A_512 = tpu.vector_load %arg31[%swap3A_511] {strides = array<i32>} : memref<4128xf32, #tpu.memory_space<vmem>>, vector<16xf32>,
          tpu.vector_store %arg31[%swap3A_511], %get3A_506 {strides = array<i32>} : memref<4128xf32, #tpu.memory_space<vmem>>, vector<16xf32>,
          %get3A_513 = arith.index_cast %scan3A_404 : i32 to index
          %get3A_514 = arith.constant 96 : index
          %get3A_515 = tpu.vector_load %arg22[%get3A_513, %get3A_514] {strides = array<i32>} : memref<32x128xf32, #tpu.memory_space<vmem>>, vector<16xf32>,
          %mul3A_516 = arith.constant 129 : i32
          %mul3A_517 = arith.muli %scan3A_404, %mul3A_516 : i32
          %add3A_518 = arith.constant 96 : i32
          %add3A_519 = arith.addi %mul3A_517, %add3A_518 : i32
          %swap3A_520 = arith.index_cast %add3A_519 : i32 to index
          %swap3A_521 = tpu.vector_load %arg30[%swap3A_520] {strides = array<i32>} : memref<4128xf32, #tpu.memory_space<vmem>>, vector<16xf32>,
          tpu.vector_store %arg30[%swap3A_520], %get3A_515 {strides = array<i32>} : memref<4128xf32, #tpu.memory_space<vmem>>, vector<16xf32>,
          %get3A_522 = arith.index_cast %scan3A_404 : i32 to index
          %get3A_523 = arith.constant 96 : index
          %get3A_524 = tpu.vector_load %arg24[%get3A_522, %get3A_523] {strides = array<i32>} : memref<32x128xf32, #tpu.memory_space<vmem>>, vector<16xf32>,
          %mul3A_525 = arith.constant 129 : i32
          %mul3A_526 = arith.muli %scan3A_404, %mul3A_525 : i32
          %add3A_527 = arith.constant 96 : i32
          %add3A_528 = arith.addi %mul3A_526, %add3A_527 : i32
          %swap3A_529 = arith.index_cast %add3A_528 : i32 to index
          %swap3A_530 = tpu.vector_load %arg31[%swap3A_529] {strides = array<i32>} : memref<4128xf32, #tpu.memory_space<vmem>>, vector<16xf32>,
          tpu.vector_store %arg31[%swap3A_529], %get3A_524 {strides = array<i32>} : memref<4128xf32, #tpu.memory_space<vmem>>, vector<16xf32>,
          %get3A_531 = arith.index_cast %scan3A_404 : i32 to index
          %get3A_532 = arith.constant 112 : index
          %get3A_533 = tpu.vector_load %arg22[%get3A_531, %get3A_532] {strides = array<i32>} : memref<32x128xf32, #tpu.memory_space<vmem>>, vector<16xf32>,
          %mul3A_534 = arith.constant 129 : i32
          %mul3A_535 = arith.muli %scan3A_404, %mul3A_534 : i32
          %add3A_536 = arith.constant 112 : i32
          %add3A_537 = arith.addi %mul3A_535, %add3A_536 : i32
          %swap3A_538 = arith.index_cast %add3A_537 : i32 to index
          %swap3A_539 = tpu.vector_load %arg30[%swap3A_538] {strides = array<i32>} : memref<4128xf32, #tpu.memory_space<vmem>>, vector<16xf32>,
          tpu.vector_store %arg30[%swap3A_538], %get3A_533 {strides = array<i32>} : memref<4128xf32, #tpu.memory_space<vmem>>, vector<16xf32>,
          %get3A_540 = arith.index_cast %scan3A_404 : i32 to index
          %get3A_541 = arith.constant 112 : index
          %get3A_542 = tpu.vector_load %arg24[%get3A_540, %get3A_541] {strides = array<i32>} : memref<32x128xf32, #tpu.memory_space<vmem>>, vector<16xf32>,
          %mul3A_543 = arith.constant 129 : i32
          %mul3A_544 = arith.muli %scan3A_404, %mul3A_543 : i32
          %add3A_545 = arith.constant 112 : i32
          %add3A_546 = arith.addi %mul3A_544, %add3A_545 : i32
          %swap3A_547 = arith.index_cast %add3A_546 : i32 to index
          %swap3A_548 = tpu.vector_load %arg31[%swap3A_547] {strides = array<i32>} : memref<4128xf32, #tpu.memory_space<vmem>>, vector<16xf32>,
          tpu.vector_store %arg31[%swap3A_547], %get3A_542 {strides = array<i32>} : memref<4128xf32, #tpu.memory_space<vmem>>, vector<16xf32>,
        }
        %scan3A_69 = arith.constant 32 : i32
        %add3A_70 = arith.constant 0 : i32
        %add3A_71 = vector.broadcast %add3A_70 : i32 to vector<16xi32>
        %add3A_72 = arith.addi %add3A_71, %iota3A : vector<16xi32>
        %mul3A_73 = arith.constant 129 : i32
        %mul3A_74 = vector.broadcast %mul3A_73 : i32 to vector<16xi32>
        %mul3A_75 = arith.muli %add3A_72, %mul3A_74 : vector<16xi32>
        %scan3A_76 = arith.constant 0 : i32
        %scan3A_77 = arith.constant 16 : i32
        %scan3A_78 = arith.addi %scan3A_76, %scan3A_77 : i32
        %scan3A_79 = arith.constant 1 : i32
        %scan3A_80:8 = scf.for %scan3A_404 = %scan3A_76 to %scan3A_78 step %scan3A_79 iter_args(%scan3A_405 = %broadcast_in_dim3A_7, %scan3A_406 = %broadcast_in_dim3A_7, %scan3A_407 = %broadcast_in_dim3A_7, %scan3A_408 = %broadcast_in_dim3A_7, %scan3A_409 = %broadcast_in_dim3A_7, %scan3A_410 = %broadcast_in_dim3A_7, %scan3A_411 = %broadcast_in_dim3A_7, %scan3A_412 = %broadcast_in_dim3A_7) -> (vector<16xf32>, vector<16xf32>, vector<16xf32>, vector<16xf32>, vector<16xf32>, vector<16xf32>, vector<16xf32>, vector<16xf32>)  : i32 {
          %add3A_413 = arith.constant 0 : i32
          %add3A_414 = vector.broadcast %add3A_413 : i32 to vector<16xi32>
          %add3A_415 = arith.addi %mul3A_75, %add3A_414 : vector<16xi32>
          %add3A_416 = vector.broadcast %scan3A_404 : i32 to vector<16xi32>
          %add3A_417 = arith.addi %add3A_415, %add3A_416 : vector<16xi32>
          %gather3A = tpu.vector_load_idx %arg30[%add3A_417] : memref<4128xf32, #tpu.memory_space<vmem>>[vector<16xi32>], vector<16xf32>,
          %gather3A_418 = tpu.vector_load_idx %arg31[%add3A_417] : memref<4128xf32, #tpu.memory_space<vmem>>[vector<16xi32>], vector<16xf32>,
          %mul3A_419 = arith.mulf %gather3A, %gather3A_418 : vector<16xf32>
          %add3A_420 = arith.addf %scan3A_405, %mul3A_419 : vector<16xf32>
          %add3A_421 = arith.constant 16 : i32
          %add3A_422 = vector.broadcast %add3A_421 : i32 to vector<16xi32>
          %add3A_423 = arith.addi %mul3A_75, %add3A_422 : vector<16xi32>
          %add3A_424 = vector.broadcast %scan3A_404 : i32 to vector<16xi32>
          %add3A_425 = arith.addi %add3A_423, %add3A_424 : vector<16xi32>
          %gather3A_426 = tpu.vector_load_idx %arg30[%add3A_425] : memref<4128xf32, #tpu.memory_space<vmem>>[vector<16xi32>], vector<16xf32>,
          %gather3A_427 = tpu.vector_load_idx %arg31[%add3A_425] : memref<4128xf32, #tpu.memory_space<vmem>>[vector<16xi32>], vector<16xf32>,
          %mul3A_428 = arith.mulf %gather3A_426, %gather3A_427 : vector<16xf32>
          %add3A_429 = arith.addf %scan3A_406, %mul3A_428 : vector<16xf32>
          %add3A_430 = arith.constant 32 : i32
          %add3A_431 = vector.broadcast %add3A_430 : i32 to vector<16xi32>
          %add3A_432 = arith.addi %mul3A_75, %add3A_431 : vector<16xi32>
          %add3A_433 = vector.broadcast %scan3A_404 : i32 to vector<16xi32>
          %add3A_434 = arith.addi %add3A_432, %add3A_433 : vector<16xi32>
          %gather3A_435 = tpu.vector_load_idx %arg30[%add3A_434] : memref<4128xf32, #tpu.memory_space<vmem>>[vector<16xi32>], vector<16xf32>,
          %gather3A_436 = tpu.vector_load_idx %arg31[%add3A_434] : memref<4128xf32, #tpu.memory_space<vmem>>[vector<16xi32>], vector<16xf32>,
          %mul3A_437 = arith.mulf %gather3A_435, %gather3A_436 : vector<16xf32>
          %add3A_438 = arith.addf %scan3A_407, %mul3A_437 : vector<16xf32>
          %add3A_439 = arith.constant 48 : i32
          %add3A_440 = vector.broadcast %add3A_439 : i32 to vector<16xi32>
          %add3A_441 = arith.addi %mul3A_75, %add3A_440 : vector<16xi32>
          %add3A_442 = vector.broadcast %scan3A_404 : i32 to vector<16xi32>
          %add3A_443 = arith.addi %add3A_441, %add3A_442 : vector<16xi32>
          %gather3A_444 = tpu.vector_load_idx %arg30[%add3A_443] : memref<4128xf32, #tpu.memory_space<vmem>>[vector<16xi32>], vector<16xf32>,
          %gather3A_445 = tpu.vector_load_idx %arg31[%add3A_443] : memref<4128xf32, #tpu.memory_space<vmem>>[vector<16xi32>], vector<16xf32>,
          %mul3A_446 = arith.mulf %gather3A_444, %gather3A_445 : vector<16xf32>
          %add3A_447 = arith.addf %scan3A_408, %mul3A_446 : vector<16xf32>
          %add3A_448 = arith.constant 64 : i32
          %add3A_449 = vector.broadcast %add3A_448 : i32 to vector<16xi32>
          %add3A_450 = arith.addi %mul3A_75, %add3A_449 : vector<16xi32>
          %add3A_451 = vector.broadcast %scan3A_404 : i32 to vector<16xi32>
          %add3A_452 = arith.addi %add3A_450, %add3A_451 : vector<16xi32>
          %gather3A_453 = tpu.vector_load_idx %arg30[%add3A_452] : memref<4128xf32, #tpu.memory_space<vmem>>[vector<16xi32>], vector<16xf32>,
          %gather3A_454 = tpu.vector_load_idx %arg31[%add3A_452] : memref<4128xf32, #tpu.memory_space<vmem>>[vector<16xi32>], vector<16xf32>,
          %mul3A_455 = arith.mulf %gather3A_453, %gather3A_454 : vector<16xf32>
          %add3A_456 = arith.addf %scan3A_409, %mul3A_455 : vector<16xf32>
          %add3A_457 = arith.constant 80 : i32
          %add3A_458 = vector.broadcast %add3A_457 : i32 to vector<16xi32>
          %add3A_459 = arith.addi %mul3A_75, %add3A_458 : vector<16xi32>
          %add3A_460 = vector.broadcast %scan3A_404 : i32 to vector<16xi32>
          %add3A_461 = arith.addi %add3A_459, %add3A_460 : vector<16xi32>
          %gather3A_462 = tpu.vector_load_idx %arg30[%add3A_461] : memref<4128xf32, #tpu.memory_space<vmem>>[vector<16xi32>], vector<16xf32>,
          %gather3A_463 = tpu.vector_load_idx %arg31[%add3A_461] : memref<4128xf32, #tpu.memory_space<vmem>>[vector<16xi32>], vector<16xf32>,
          %mul3A_464 = arith.mulf %gather3A_462, %gather3A_463 : vector<16xf32>
          %add3A_465 = arith.addf %scan3A_410, %mul3A_464 : vector<16xf32>
          %add3A_466 = arith.constant 96 : i32
          %add3A_467 = vector.broadcast %add3A_466 : i32 to vector<16xi32>
          %add3A_468 = arith.addi %mul3A_75, %add3A_467 : vector<16xi32>
          %add3A_469 = vector.broadcast %scan3A_404 : i32 to vector<16xi32>
          %add3A_470 = arith.addi %add3A_468, %add3A_469 : vector<16xi32>
          %gather3A_471 = tpu.vector_load_idx %arg30[%add3A_470] : memref<4128xf32, #tpu.memory_space<vmem>>[vector<16xi32>], vector<16xf32>,
          %gather3A_472 = tpu.vector_load_idx %arg31[%add3A_470] : memref<4128xf32, #tpu.memory_space<vmem>>[vector<16xi32>], vector<16xf32>,
          %mul3A_473 = arith.mulf %gather3A_471, %gather3A_472 : vector<16xf32>
          %add3A_474 = arith.addf %scan3A_411, %mul3A_473 : vector<16xf32>
          %add3A_475 = arith.constant 112 : i32
          %add3A_476 = vector.broadcast %add3A_475 : i32 to vector<16xi32>
          %add3A_477 = arith.addi %mul3A_75, %add3A_476 : vector<16xi32>
          %add3A_478 = vector.broadcast %scan3A_404 : i32 to vector<16xi32>
          %add3A_479 = arith.addi %add3A_477, %add3A_478 : vector<16xi32>
          %gather3A_480 = tpu.vector_load_idx %arg30[%add3A_479] : memref<4128xf32, #tpu.memory_space<vmem>>[vector<16xi32>], vector<16xf32>,
          %gather3A_481 = tpu.vector_load_idx %arg31[%add3A_479] : memref<4128xf32, #tpu.memory_space<vmem>>[vector<16xi32>], vector<16xf32>,
          %mul3A_482 = arith.mulf %gather3A_480, %gather3A_481 : vector<16xf32>
          %add3A_483 = arith.addf %scan3A_412, %mul3A_482 : vector<16xf32>
          scf.yield %add3A_420, %add3A_429, %add3A_438, %add3A_447, %add3A_456, %add3A_465, %add3A_474, %add3A_483 : vector<16xf32>, vector<16xf32>, vector<16xf32>, vector<16xf32>, vector<16xf32>, vector<16xf32>, vector<16xf32>, vector<16xf32>
        }
        %scan3A_81 = arith.constant 16 : i32
        %mul3A_82 = arith.constant 2.500000e-01 : f32
        %mul3A_83 = vector.broadcast %mul3A_82 : f32 to vector<16xf32>
        %mul3A_84 = arith.mulf %scan3A_80#0, %mul3A_83 : vector<16xf32>
        %exp3A = math.exp %mul3A_84 : vector<16xf32>
        %broadcast_in_dim3A_85 = arith.constant 0 : i32
        %broadcast_in_dim3A_86 = vector.broadcast %broadcast_in_dim3A_85 : i32 to vector<16xi32>
        tpu.vector_store_idx %arg28[%add3A_72, %broadcast_in_dim3A_86], %exp3A : memref<32x16xf32, #tpu.memory_space<vmem>>[vector<16xi32>, vector<16xi32>], vector<16xf32>,
        %mul3A_87 = arith.constant 2.500000e-01 : f32
        %mul3A_88 = vector.broadcast %mul3A_87 : f32 to vector<16xf32>
        %mul3A_89 = arith.mulf %scan3A_80#1, %mul3A_88 : vector<16xf32>
        %exp3A_90 = math.exp %mul3A_89 : vector<16xf32>
        %broadcast_in_dim3A_91 = arith.constant 1 : i32
        %broadcast_in_dim3A_92 = vector.broadcast %broadcast_in_dim3A_91 : i32 to vector<16xi32>
        tpu.vector_store_idx %arg28[%add3A_72, %broadcast_in_dim3A_92], %exp3A_90 : memref<32x16xf32, #tpu.memory_space<vmem>>[vector<16xi32>, vector<16xi32>], vector<16xf32>,
        %mul3A_93 = arith.constant 2.500000e-01 : f32
        %mul3A_94 = vector.broadcast %mul3A_93 : f32 to vector<16xf32>
        %mul3A_95 = arith.mulf %scan3A_80#2, %mul3A_94 : vector<16xf32>
        %exp3A_96 = math.exp %mul3A_95 : vector<16xf32>
        %broadcast_in_dim3A_97 = arith.constant 2 : i32
        %broadcast_in_dim3A_98 = vector.broadcast %broadcast_in_dim3A_97 : i32 to vector<16xi32>
        tpu.vector_store_idx %arg28[%add3A_72, %broadcast_in_dim3A_98], %exp3A_96 : memref<32x16xf32, #tpu.memory_space<vmem>>[vector<16xi32>, vector<16xi32>], vector<16xf32>,
        %mul3A_99 = arith.constant 2.500000e-01 : f32
        %mul3A_100 = vector.broadcast %mul3A_99 : f32 to vector<16xf32>
        %mul3A_101 = arith.mulf %scan3A_80#3, %mul3A_100 : vector<16xf32>
        %exp3A_102 = math.exp %mul3A_101 : vector<16xf32>
        %broadcast_in_dim3A_103 = arith.constant 3 : i32
        %broadcast_in_dim3A_104 = vector.broadcast %broadcast_in_dim3A_103 : i32 to vector<16xi32>
        tpu.vector_store_idx %arg28[%add3A_72, %broadcast_in_dim3A_104], %exp3A_102 : memref<32x16xf32, #tpu.memory_space<vmem>>[vector<16xi32>, vector<16xi32>], vector<16xf32>,
        %mul3A_105 = arith.constant 2.500000e-01 : f32
        %mul3A_106 = vector.broadcast %mul3A_105 : f32 to vector<16xf32>
        %mul3A_107 = arith.mulf %scan3A_80#4, %mul3A_106 : vector<16xf32>
        %exp3A_108 = math.exp %mul3A_107 : vector<16xf32>
        %broadcast_in_dim3A_109 = arith.constant 4 : i32
        %broadcast_in_dim3A_110 = vector.broadcast %broadcast_in_dim3A_109 : i32 to vector<16xi32>
        tpu.vector_store_idx %arg28[%add3A_72, %broadcast_in_dim3A_110], %exp3A_108 : memref<32x16xf32, #tpu.memory_space<vmem>>[vector<16xi32>, vector<16xi32>], vector<16xf32>,
        %mul3A_111 = arith.constant 2.500000e-01 : f32
        %mul3A_112 = vector.broadcast %mul3A_111 : f32 to vector<16xf32>
        %mul3A_113 = arith.mulf %scan3A_80#5, %mul3A_112 : vector<16xf32>
        %exp3A_114 = math.exp %mul3A_113 : vector<16xf32>
        %broadcast_in_dim3A_115 = arith.constant 5 : i32
        %broadcast_in_dim3A_116 = vector.broadcast %broadcast_in_dim3A_115 : i32 to vector<16xi32>
        tpu.vector_store_idx %arg28[%add3A_72, %broadcast_in_dim3A_116], %exp3A_114 : memref<32x16xf32, #tpu.memory_space<vmem>>[vector<16xi32>, vector<16xi32>], vector<16xf32>,
        %mul3A_117 = arith.constant 2.500000e-01 : f32
        %mul3A_118 = vector.broadcast %mul3A_117 : f32 to vector<16xf32>
        %mul3A_119 = arith.mulf %scan3A_80#6, %mul3A_118 : vector<16xf32>
        %exp3A_120 = math.exp %mul3A_119 : vector<16xf32>
        %broadcast_in_dim3A_121 = arith.constant 6 : i32
        %broadcast_in_dim3A_122 = vector.broadcast %broadcast_in_dim3A_121 : i32 to vector<16xi32>
        tpu.vector_store_idx %arg28[%add3A_72, %broadcast_in_dim3A_122], %exp3A_120 : memref<32x16xf32, #tpu.memory_space<vmem>>[vector<16xi32>, vector<16xi32>], vector<16xf32>,
        %mul3A_123 = arith.constant 2.500000e-01 : f32
        %mul3A_124 = vector.broadcast %mul3A_123 : f32 to vector<16xf32>
        %mul3A_125 = arith.mulf %scan3A_80#7, %mul3A_124 : vector<16xf32>
        %exp3A_126 = math.exp %mul3A_125 : vector<16xf32>
        %broadcast_in_dim3A_127 = arith.constant 7 : i32
        %broadcast_in_dim3A_128 = vector.broadcast %broadcast_in_dim3A_127 : i32 to vector<16xi32>
        tpu.vector_store_idx %arg28[%add3A_72, %broadcast_in_dim3A_128], %exp3A_126 : memref<32x16xf32, #tpu.memory_space<vmem>>[vector<16xi32>, vector<16xi32>], vector<16xf32>,
        %add3A_129 = arith.constant 16 : i32
        %add3A_130 = vector.broadcast %add3A_129 : i32 to vector<16xi32>
        %add3A_131 = arith.addi %add3A_130, %iota3A : vector<16xi32>
        %mul3A_132 = arith.constant 129 : i32
        %mul3A_133 = vector.broadcast %mul3A_132 : i32 to vector<16xi32>
        %mul3A_134 = arith.muli %add3A_131, %mul3A_133 : vector<16xi32>
        %scan3A_135 = arith.constant 0 : i32
        %scan3A_136 = arith.constant 16 : i32
        %scan3A_137 = arith.addi %scan3A_135, %scan3A_136 : i32
        %scan3A_138 = arith.constant 1 : i32
        %scan3A_139:8 = scf.for %scan3A_404 = %scan3A_135 to %scan3A_137 step %scan3A_138 iter_args(%scan3A_405 = %broadcast_in_dim3A_7, %scan3A_406 = %broadcast_in_dim3A_7, %scan3A_407 = %broadcast_in_dim3A_7, %scan3A_408 = %broadcast_in_dim3A_7, %scan3A_409 = %broadcast_in_dim3A_7, %scan3A_410 = %broadcast_in_dim3A_7, %scan3A_411 = %broadcast_in_dim3A_7, %scan3A_412 = %broadcast_in_dim3A_7) -> (vector<16xf32>, vector<16xf32>, vector<16xf32>, vector<16xf32>, vector<16xf32>, vector<16xf32>, vector<16xf32>, vector<16xf32>)  : i32 {
          %add3A_413 = arith.constant 0 : i32
          %add3A_414 = vector.broadcast %add3A_413 : i32 to vector<16xi32>
          %add3A_415 = arith.addi %mul3A_134, %add3A_414 : vector<16xi32>
          %add3A_416 = vector.broadcast %scan3A_404 : i32 to vector<16xi32>
          %add3A_417 = arith.addi %add3A_415, %add3A_416 : vector<16xi32>
          %gather3A = tpu.vector_load_idx %arg30[%add3A_417] : memref<4128xf32, #tpu.memory_space<vmem>>[vector<16xi32>], vector<16xf32>,
          %gather3A_418 = tpu.vector_load_idx %arg31[%add3A_417] : memref<4128xf32, #tpu.memory_space<vmem>>[vector<16xi32>], vector<16xf32>,
          %mul3A_419 = arith.mulf %gather3A, %gather3A_418 : vector<16xf32>
          %add3A_420 = arith.addf %scan3A_405, %mul3A_419 : vector<16xf32>
          %add3A_421 = arith.constant 16 : i32
          %add3A_422 = vector.broadcast %add3A_421 : i32 to vector<16xi32>
          %add3A_423 = arith.addi %mul3A_134, %add3A_422 : vector<16xi32>
          %add3A_424 = vector.broadcast %scan3A_404 : i32 to vector<16xi32>
          %add3A_425 = arith.addi %add3A_423, %add3A_424 : vector<16xi32>
          %gather3A_426 = tpu.vector_load_idx %arg30[%add3A_425] : memref<4128xf32, #tpu.memory_space<vmem>>[vector<16xi32>], vector<16xf32>,
          %gather3A_427 = tpu.vector_load_idx %arg31[%add3A_425] : memref<4128xf32, #tpu.memory_space<vmem>>[vector<16xi32>], vector<16xf32>,
          %mul3A_428 = arith.mulf %gather3A_426, %gather3A_427 : vector<16xf32>
          %add3A_429 = arith.addf %scan3A_406, %mul3A_428 : vector<16xf32>
          %add3A_430 = arith.constant 32 : i32
          %add3A_431 = vector.broadcast %add3A_430 : i32 to vector<16xi32>
          %add3A_432 = arith.addi %mul3A_134, %add3A_431 : vector<16xi32>
          %add3A_433 = vector.broadcast %scan3A_404 : i32 to vector<16xi32>
          %add3A_434 = arith.addi %add3A_432, %add3A_433 : vector<16xi32>
          %gather3A_435 = tpu.vector_load_idx %arg30[%add3A_434] : memref<4128xf32, #tpu.memory_space<vmem>>[vector<16xi32>], vector<16xf32>,
          %gather3A_436 = tpu.vector_load_idx %arg31[%add3A_434] : memref<4128xf32, #tpu.memory_space<vmem>>[vector<16xi32>], vector<16xf32>,
          %mul3A_437 = arith.mulf %gather3A_435, %gather3A_436 : vector<16xf32>
          %add3A_438 = arith.addf %scan3A_407, %mul3A_437 : vector<16xf32>
          %add3A_439 = arith.constant 48 : i32
          %add3A_440 = vector.broadcast %add3A_439 : i32 to vector<16xi32>
          %add3A_441 = arith.addi %mul3A_134, %add3A_440 : vector<16xi32>
          %add3A_442 = vector.broadcast %scan3A_404 : i32 to vector<16xi32>
          %add3A_443 = arith.addi %add3A_441, %add3A_442 : vector<16xi32>
          %gather3A_444 = tpu.vector_load_idx %arg30[%add3A_443] : memref<4128xf32, #tpu.memory_space<vmem>>[vector<16xi32>], vector<16xf32>,
          %gather3A_445 = tpu.vector_load_idx %arg31[%add3A_443] : memref<4128xf32, #tpu.memory_space<vmem>>[vector<16xi32>], vector<16xf32>,
          %mul3A_446 = arith.mulf %gather3A_444, %gather3A_445 : vector<16xf32>
          %add3A_447 = arith.addf %scan3A_408, %mul3A_446 : vector<16xf32>
          %add3A_448 = arith.constant 64 : i32
          %add3A_449 = vector.broadcast %add3A_448 : i32 to vector<16xi32>
          %add3A_450 = arith.addi %mul3A_134, %add3A_449 : vector<16xi32>
          %add3A_451 = vector.broadcast %scan3A_404 : i32 to vector<16xi32>
          %add3A_452 = arith.addi %add3A_450, %add3A_451 : vector<16xi32>
          %gather3A_453 = tpu.vector_load_idx %arg30[%add3A_452] : memref<4128xf32, #tpu.memory_space<vmem>>[vector<16xi32>], vector<16xf32>,
          %gather3A_454 = tpu.vector_load_idx %arg31[%add3A_452] : memref<4128xf32, #tpu.memory_space<vmem>>[vector<16xi32>], vector<16xf32>,
          %mul3A_455 = arith.mulf %gather3A_453, %gather3A_454 : vector<16xf32>
          %add3A_456 = arith.addf %scan3A_409, %mul3A_455 : vector<16xf32>
          %add3A_457 = arith.constant 80 : i32
          %add3A_458 = vector.broadcast %add3A_457 : i32 to vector<16xi32>
          %add3A_459 = arith.addi %mul3A_134, %add3A_458 : vector<16xi32>
          %add3A_460 = vector.broadcast %scan3A_404 : i32 to vector<16xi32>
          %add3A_461 = arith.addi %add3A_459, %add3A_460 : vector<16xi32>
          %gather3A_462 = tpu.vector_load_idx %arg30[%add3A_461] : memref<4128xf32, #tpu.memory_space<vmem>>[vector<16xi32>], vector<16xf32>,
          %gather3A_463 = tpu.vector_load_idx %arg31[%add3A_461] : memref<4128xf32, #tpu.memory_space<vmem>>[vector<16xi32>], vector<16xf32>,
          %mul3A_464 = arith.mulf %gather3A_462, %gather3A_463 : vector<16xf32>
          %add3A_465 = arith.addf %scan3A_410, %mul3A_464 : vector<16xf32>
          %add3A_466 = arith.constant 96 : i32
          %add3A_467 = vector.broadcast %add3A_466 : i32 to vector<16xi32>
          %add3A_468 = arith.addi %mul3A_134, %add3A_467 : vector<16xi32>
          %add3A_469 = vector.broadcast %scan3A_404 : i32 to vector<16xi32>
          %add3A_470 = arith.addi %add3A_468, %add3A_469 : vector<16xi32>
          %gather3A_471 = tpu.vector_load_idx %arg30[%add3A_470] : memref<4128xf32, #tpu.memory_space<vmem>>[vector<16xi32>], vector<16xf32>,
          %gather3A_472 = tpu.vector_load_idx %arg31[%add3A_470] : memref<4128xf32, #tpu.memory_space<vmem>>[vector<16xi32>], vector<16xf32>,
          %mul3A_473 = arith.mulf %gather3A_471, %gather3A_472 : vector<16xf32>
          %add3A_474 = arith.addf %scan3A_411, %mul3A_473 : vector<16xf32>
          %add3A_475 = arith.constant 112 : i32
          %add3A_476 = vector.broadcast %add3A_475 : i32 to vector<16xi32>
          %add3A_477 = arith.addi %mul3A_134, %add3A_476 : vector<16xi32>
          %add3A_478 = vector.broadcast %scan3A_404 : i32 to vector<16xi32>
          %add3A_479 = arith.addi %add3A_477, %add3A_478 : vector<16xi32>
          %gather3A_480 = tpu.vector_load_idx %arg30[%add3A_479] : memref<4128xf32, #tpu.memory_space<vmem>>[vector<16xi32>], vector<16xf32>,
          %gather3A_481 = tpu.vector_load_idx %arg31[%add3A_479] : memref<4128xf32, #tpu.memory_space<vmem>>[vector<16xi32>], vector<16xf32>,
          %mul3A_482 = arith.mulf %gather3A_480, %gather3A_481 : vector<16xf32>
          %add3A_483 = arith.addf %scan3A_412, %mul3A_482 : vector<16xf32>
          scf.yield %add3A_420, %add3A_429, %add3A_438, %add3A_447, %add3A_456, %add3A_465, %add3A_474, %add3A_483 : vector<16xf32>, vector<16xf32>, vector<16xf32>, vector<16xf32>, vector<16xf32>, vector<16xf32>, vector<16xf32>, vector<16xf32>
        }
        %scan3A_140 = arith.constant 16 : i32
        %mul3A_141 = arith.constant 2.500000e-01 : f32
        %mul3A_142 = vector.broadcast %mul3A_141 : f32 to vector<16xf32>
        %mul3A_143 = arith.mulf %scan3A_139#0, %mul3A_142 : vector<16xf32>
        %exp3A_144 = math.exp %mul3A_143 : vector<16xf32>
        %broadcast_in_dim3A_145 = arith.constant 0 : i32
        %broadcast_in_dim3A_146 = vector.broadcast %broadcast_in_dim3A_145 : i32 to vector<16xi32>
        tpu.vector_store_idx %arg28[%add3A_131, %broadcast_in_dim3A_146], %exp3A_144 : memref<32x16xf32, #tpu.memory_space<vmem>>[vector<16xi32>, vector<16xi32>], vector<16xf32>,
        %mul3A_147 = arith.constant 2.500000e-01 : f32
        %mul3A_148 = vector.broadcast %mul3A_147 : f32 to vector<16xf32>
        %mul3A_149 = arith.mulf %scan3A_139#1, %mul3A_148 : vector<16xf32>
        %exp3A_150 = math.exp %mul3A_149 : vector<16xf32>
        %broadcast_in_dim3A_151 = arith.constant 1 : i32
        %broadcast_in_dim3A_152 = vector.broadcast %broadcast_in_dim3A_151 : i32 to vector<16xi32>
        tpu.vector_store_idx %arg28[%add3A_131, %broadcast_in_dim3A_152], %exp3A_150 : memref<32x16xf32, #tpu.memory_space<vmem>>[vector<16xi32>, vector<16xi32>], vector<16xf32>,
        %mul3A_153 = arith.constant 2.500000e-01 : f32
        %mul3A_154 = vector.broadcast %mul3A_153 : f32 to vector<16xf32>
        %mul3A_155 = arith.mulf %scan3A_139#2, %mul3A_154 : vector<16xf32>
        %exp3A_156 = math.exp %mul3A_155 : vector<16xf32>
        %broadcast_in_dim3A_157 = arith.constant 2 : i32
        %broadcast_in_dim3A_158 = vector.broadcast %broadcast_in_dim3A_157 : i32 to vector<16xi32>
        tpu.vector_store_idx %arg28[%add3A_131, %broadcast_in_dim3A_158], %exp3A_156 : memref<32x16xf32, #tpu.memory_space<vmem>>[vector<16xi32>, vector<16xi32>], vector<16xf32>,
        %mul3A_159 = arith.constant 2.500000e-01 : f32
        %mul3A_160 = vector.broadcast %mul3A_159 : f32 to vector<16xf32>
        %mul3A_161 = arith.mulf %scan3A_139#3, %mul3A_160 : vector<16xf32>
        %exp3A_162 = math.exp %mul3A_161 : vector<16xf32>
        %broadcast_in_dim3A_163 = arith.constant 3 : i32
        %broadcast_in_dim3A_164 = vector.broadcast %broadcast_in_dim3A_163 : i32 to vector<16xi32>
        tpu.vector_store_idx %arg28[%add3A_131, %broadcast_in_dim3A_164], %exp3A_162 : memref<32x16xf32, #tpu.memory_space<vmem>>[vector<16xi32>, vector<16xi32>], vector<16xf32>,
        %mul3A_165 = arith.constant 2.500000e-01 : f32
        %mul3A_166 = vector.broadcast %mul3A_165 : f32 to vector<16xf32>
        %mul3A_167 = arith.mulf %scan3A_139#4, %mul3A_166 : vector<16xf32>
        %exp3A_168 = math.exp %mul3A_167 : vector<16xf32>
        %broadcast_in_dim3A_169 = arith.constant 4 : i32
        %broadcast_in_dim3A_170 = vector.broadcast %broadcast_in_dim3A_169 : i32 to vector<16xi32>
        tpu.vector_store_idx %arg28[%add3A_131, %broadcast_in_dim3A_170], %exp3A_168 : memref<32x16xf32, #tpu.memory_space<vmem>>[vector<16xi32>, vector<16xi32>], vector<16xf32>,
        %mul3A_171 = arith.constant 2.500000e-01 : f32
        %mul3A_172 = vector.broadcast %mul3A_171 : f32 to vector<16xf32>
        %mul3A_173 = arith.mulf %scan3A_139#5, %mul3A_172 : vector<16xf32>
        %exp3A_174 = math.exp %mul3A_173 : vector<16xf32>
        %broadcast_in_dim3A_175 = arith.constant 5 : i32
        %broadcast_in_dim3A_176 = vector.broadcast %broadcast_in_dim3A_175 : i32 to vector<16xi32>
        tpu.vector_store_idx %arg28[%add3A_131, %broadcast_in_dim3A_176], %exp3A_174 : memref<32x16xf32, #tpu.memory_space<vmem>>[vector<16xi32>, vector<16xi32>], vector<16xf32>,
        %mul3A_177 = arith.constant 2.500000e-01 : f32
        %mul3A_178 = vector.broadcast %mul3A_177 : f32 to vector<16xf32>
        %mul3A_179 = arith.mulf %scan3A_139#6, %mul3A_178 : vector<16xf32>
        %exp3A_180 = math.exp %mul3A_179 : vector<16xf32>
        %broadcast_in_dim3A_181 = arith.constant 6 : i32
        %broadcast_in_dim3A_182 = vector.broadcast %broadcast_in_dim3A_181 : i32 to vector<16xi32>
        tpu.vector_store_idx %arg28[%add3A_131, %broadcast_in_dim3A_182], %exp3A_180 : memref<32x16xf32, #tpu.memory_space<vmem>>[vector<16xi32>, vector<16xi32>], vector<16xf32>,
        %mul3A_183 = arith.constant 2.500000e-01 : f32
        %mul3A_184 = vector.broadcast %mul3A_183 : f32 to vector<16xf32>
        %mul3A_185 = arith.mulf %scan3A_139#7, %mul3A_184 : vector<16xf32>
        %exp3A_186 = math.exp %mul3A_185 : vector<16xf32>
        %broadcast_in_dim3A_187 = arith.constant 7 : i32
        %broadcast_in_dim3A_188 = vector.broadcast %broadcast_in_dim3A_187 : i32 to vector<16xi32>
        tpu.vector_store_idx %arg28[%add3A_131, %broadcast_in_dim3A_188], %exp3A_186 : memref<32x16xf32, #tpu.memory_space<vmem>>[vector<16xi32>, vector<16xi32>], vector<16xf32>,
        %ge3A = arith.constant 1 : i32
        %ge3A_189 = arith.cmpi sge, %add3A_54, %ge3A : i32
        %convert_element_type3A_190 = arith.extui %ge3A_189 : i1 to i32
        %cond3A_191 = arith.constant 0 : i32
        %cond3A_192 = arith.cmpi ne, %convert_element_type3A_190, %cond3A_191 : i32
        scf.if %cond3A_192 {
          %dma_wait3A_404 = arith.constant 0 : i32
          %dma_wait3A_405 = arith.constant 0 : i32
          %dma_wait3A_406 = tpu.memref_slice %arg14[%dma_wait3A_404, %dma_wait3A_405] : memref<10008x128xf32, #tpu.memory_space<vmem_shared>> -> memref<10008x128xf32, #tpu.memory_space<vmem_shared>>
          tpu.wait_indirect_dma semaphore(%arg37 : memref<!tpu.dma_semaphore, #tpu.memory_space<semaphore_mem>>) src(%arg27 : memref<32x128xf32, #tpu.memory_space<vmem>>) dst(%dma_wait3A_406 : memref<10008x128xf32, #tpu.memory_space<vmem_shared>>)
          %dma_wait3A_407 = arith.constant 0 : i32
          %dma_wait3A_408 = arith.constant 0 : i32
          %dma_wait3A_409 = tpu.memref_slice %arg15[%dma_wait3A_407, %dma_wait3A_408] : memref<10008x16xf32, #tpu.memory_space<vmem_shared>> -> memref<10008x16xf32, #tpu.memory_space<vmem_shared>>
          tpu.wait_indirect_dma semaphore(%arg37 : memref<!tpu.dma_semaphore, #tpu.memory_space<semaphore_mem>>) src(%arg29 : memref<32x16xf32, #tpu.memory_space<vmem>>) dst(%dma_wait3A_409 : memref<10008x16xf32, #tpu.memory_space<vmem_shared>>)
        } else {
        }
        %lt3A_193 = arith.constant 313 : i32
        %lt3A_194 = arith.cmpi slt, %add3A_54, %lt3A_193 : i32
        %convert_element_type3A_195 = arith.extui %lt3A_194 : i1 to i32
        %cond3A_196 = arith.constant 0 : i32
        %cond3A_197 = arith.cmpi ne, %convert_element_type3A_195, %cond3A_196 : i32
        scf.if %cond3A_197 {
          %dma_start3A_404 = arith.constant 0 : i32
          %dma_start3A_405 = arith.constant 0 : i32
          %dma_start3A_406 = tpu.memref_slice %arg7[%dma_start3A_404, %dma_start3A_405] : memref<10008x128xf32, #tpu.memory_space<hbm>> -> memref<10008x128xf32, #tpu.memory_space<hbm>>
          tpu.enqueue_indirect_dma source(%dma_start3A_406 : memref<10008x128xf32, #tpu.memory_space<hbm>>) target(%arg27 : memref<32x128xf32, #tpu.memory_space<vmem>>) offsets(%arg17 : memref<32xi32, #tpu.memory_space<vmem>>) semaphore(%arg35 : memref<!tpu.dma_semaphore, #tpu.memory_space<semaphore_mem>>)
        } else {
        }
        %dma_wait3A_198 = arith.constant 0 : i32
        %dma_wait3A_199 = arith.constant 0 : i32
        %dma_wait3A_200 = tpu.memref_slice %arg7[%dma_wait3A_198, %dma_wait3A_199] : memref<10008x128xf32, #tpu.memory_space<hbm>> -> memref<10008x128xf32, #tpu.memory_space<hbm>>
        tpu.wait_indirect_dma semaphore(%arg34 : memref<!tpu.dma_semaphore, #tpu.memory_space<semaphore_mem>>) src(%dma_wait3A_200 : memref<10008x128xf32, #tpu.memory_space<hbm>>) dst(%arg26 : memref<32x128xf32, #tpu.memory_space<vmem>>)
        %scan3A_201 = arith.constant 0 : i32
        %scan3A_202 = arith.constant 32 : i32
        %scan3A_203 = arith.addi %scan3A_201, %scan3A_202 : i32
        %scan3A_204 = arith.constant 1 : i32
        scf.for %scan3A_404 = %scan3A_201 to %scan3A_203 step %scan3A_204  : i32 {
          %get3A_405 = arith.index_cast %scan3A_404 : i32 to index
          %get3A_406 = arith.constant 0 : index
          %get3A_407 = tpu.vector_load %arg28[%get3A_405, %get3A_406] {strides = array<i32>} : memref<32x16xf32, #tpu.memory_space<vmem>>, vector<16xf32>,
          %slice3A = vector.extract_strided_slice %get3A_407 {offsets = [0], sizes = [1], strides = [1]} : vector<16xf32> to vector<1xf32>
          %squeeze3A = vector.extract %slice3A[0] : f32 from vector<1xf32>
          %get3A_408 = arith.index_cast %scan3A_404 : i32 to index
          %get3A_409 = arith.constant 0 : index
          %get3A_410 = tpu.vector_load %arg26[%get3A_408, %get3A_409] {strides = array<i32>} : memref<32x128xf32, #tpu.memory_space<vmem>>, vector<16xf32>,
          %mul3A_411 = vector.broadcast %squeeze3A : f32 to vector<16xf32>
          %mul3A_412 = arith.mulf %get3A_410, %mul3A_411 : vector<16xf32>
          %swap3A_413 = arith.index_cast %scan3A_404 : i32 to index
          %swap3A_414 = arith.constant 0 : index
          %swap3A_415 = tpu.vector_load %arg26[%swap3A_413, %swap3A_414] {strides = array<i32>} : memref<32x128xf32, #tpu.memory_space<vmem>>, vector<16xf32>,
          tpu.vector_store %arg26[%swap3A_413, %swap3A_414], %mul3A_412 {strides = array<i32>} : memref<32x128xf32, #tpu.memory_space<vmem>>, vector<16xf32>,
          %slice3A_416 = vector.extract_strided_slice %get3A_407 {offsets = [1], sizes = [1], strides = [1]} : vector<16xf32> to vector<1xf32>
          %squeeze3A_417 = vector.extract %slice3A_416[0] : f32 from vector<1xf32>
          %get3A_418 = arith.index_cast %scan3A_404 : i32 to index
          %get3A_419 = arith.constant 16 : index
          %get3A_420 = tpu.vector_load %arg26[%get3A_418, %get3A_419] {strides = array<i32>} : memref<32x128xf32, #tpu.memory_space<vmem>>, vector<16xf32>,
          %mul3A_421 = vector.broadcast %squeeze3A_417 : f32 to vector<16xf32>
          %mul3A_422 = arith.mulf %get3A_420, %mul3A_421 : vector<16xf32>
          %swap3A_423 = arith.index_cast %scan3A_404 : i32 to index
          %swap3A_424 = arith.constant 16 : index
          %swap3A_425 = tpu.vector_load %arg26[%swap3A_423, %swap3A_424] {strides = array<i32>} : memref<32x128xf32, #tpu.memory_space<vmem>>, vector<16xf32>,
          tpu.vector_store %arg26[%swap3A_423, %swap3A_424], %mul3A_422 {strides = array<i32>} : memref<32x128xf32, #tpu.memory_space<vmem>>, vector<16xf32>,
          %slice3A_426 = vector.extract_strided_slice %get3A_407 {offsets = [2], sizes = [1], strides = [1]} : vector<16xf32> to vector<1xf32>
          %squeeze3A_427 = vector.extract %slice3A_426[0] : f32 from vector<1xf32>
          %get3A_428 = arith.index_cast %scan3A_404 : i32 to index
          %get3A_429 = arith.constant 32 : index
          %get3A_430 = tpu.vector_load %arg26[%get3A_428, %get3A_429] {strides = array<i32>} : memref<32x128xf32, #tpu.memory_space<vmem>>, vector<16xf32>,
          %mul3A_431 = vector.broadcast %squeeze3A_427 : f32 to vector<16xf32>
          %mul3A_432 = arith.mulf %get3A_430, %mul3A_431 : vector<16xf32>
          %swap3A_433 = arith.index_cast %scan3A_404 : i32 to index
          %swap3A_434 = arith.constant 32 : index
          %swap3A_435 = tpu.vector_load %arg26[%swap3A_433, %swap3A_434] {strides = array<i32>} : memref<32x128xf32, #tpu.memory_space<vmem>>, vector<16xf32>,
          tpu.vector_store %arg26[%swap3A_433, %swap3A_434], %mul3A_432 {strides = array<i32>} : memref<32x128xf32, #tpu.memory_space<vmem>>, vector<16xf32>,
          %slice3A_436 = vector.extract_strided_slice %get3A_407 {offsets = [3], sizes = [1], strides = [1]} : vector<16xf32> to vector<1xf32>
          %squeeze3A_437 = vector.extract %slice3A_436[0] : f32 from vector<1xf32>
          %get3A_438 = arith.index_cast %scan3A_404 : i32 to index
          %get3A_439 = arith.constant 48 : index
          %get3A_440 = tpu.vector_load %arg26[%get3A_438, %get3A_439] {strides = array<i32>} : memref<32x128xf32, #tpu.memory_space<vmem>>, vector<16xf32>,
          %mul3A_441 = vector.broadcast %squeeze3A_437 : f32 to vector<16xf32>
          %mul3A_442 = arith.mulf %get3A_440, %mul3A_441 : vector<16xf32>
          %swap3A_443 = arith.index_cast %scan3A_404 : i32 to index
          %swap3A_444 = arith.constant 48 : index
          %swap3A_445 = tpu.vector_load %arg26[%swap3A_443, %swap3A_444] {strides = array<i32>} : memref<32x128xf32, #tpu.memory_space<vmem>>, vector<16xf32>,
          tpu.vector_store %arg26[%swap3A_443, %swap3A_444], %mul3A_442 {strides = array<i32>} : memref<32x128xf32, #tpu.memory_space<vmem>>, vector<16xf32>,
          %slice3A_446 = vector.extract_strided_slice %get3A_407 {offsets = [4], sizes = [1], strides = [1]} : vector<16xf32> to vector<1xf32>
          %squeeze3A_447 = vector.extract %slice3A_446[0] : f32 from vector<1xf32>
          %get3A_448 = arith.index_cast %scan3A_404 : i32 to index
          %get3A_449 = arith.constant 64 : index
          %get3A_450 = tpu.vector_load %arg26[%get3A_448, %get3A_449] {strides = array<i32>} : memref<32x128xf32, #tpu.memory_space<vmem>>, vector<16xf32>,
          %mul3A_451 = vector.broadcast %squeeze3A_447 : f32 to vector<16xf32>
          %mul3A_452 = arith.mulf %get3A_450, %mul3A_451 : vector<16xf32>
          %swap3A_453 = arith.index_cast %scan3A_404 : i32 to index
          %swap3A_454 = arith.constant 64 : index
          %swap3A_455 = tpu.vector_load %arg26[%swap3A_453, %swap3A_454] {strides = array<i32>} : memref<32x128xf32, #tpu.memory_space<vmem>>, vector<16xf32>,
          tpu.vector_store %arg26[%swap3A_453, %swap3A_454], %mul3A_452 {strides = array<i32>} : memref<32x128xf32, #tpu.memory_space<vmem>>, vector<16xf32>,
          %slice3A_456 = vector.extract_strided_slice %get3A_407 {offsets = [5], sizes = [1], strides = [1]} : vector<16xf32> to vector<1xf32>
          %squeeze3A_457 = vector.extract %slice3A_456[0] : f32 from vector<1xf32>
          %get3A_458 = arith.index_cast %scan3A_404 : i32 to index
          %get3A_459 = arith.constant 80 : index
          %get3A_460 = tpu.vector_load %arg26[%get3A_458, %get3A_459] {strides = array<i32>} : memref<32x128xf32, #tpu.memory_space<vmem>>, vector<16xf32>,
          %mul3A_461 = vector.broadcast %squeeze3A_457 : f32 to vector<16xf32>
          %mul3A_462 = arith.mulf %get3A_460, %mul3A_461 : vector<16xf32>
          %swap3A_463 = arith.index_cast %scan3A_404 : i32 to index
          %swap3A_464 = arith.constant 80 : index
          %swap3A_465 = tpu.vector_load %arg26[%swap3A_463, %swap3A_464] {strides = array<i32>} : memref<32x128xf32, #tpu.memory_space<vmem>>, vector<16xf32>,
          tpu.vector_store %arg26[%swap3A_463, %swap3A_464], %mul3A_462 {strides = array<i32>} : memref<32x128xf32, #tpu.memory_space<vmem>>, vector<16xf32>,
          %slice3A_466 = vector.extract_strided_slice %get3A_407 {offsets = [6], sizes = [1], strides = [1]} : vector<16xf32> to vector<1xf32>
          %squeeze3A_467 = vector.extract %slice3A_466[0] : f32 from vector<1xf32>
          %get3A_468 = arith.index_cast %scan3A_404 : i32 to index
          %get3A_469 = arith.constant 96 : index
          %get3A_470 = tpu.vector_load %arg26[%get3A_468, %get3A_469] {strides = array<i32>} : memref<32x128xf32, #tpu.memory_space<vmem>>, vector<16xf32>,
          %mul3A_471 = vector.broadcast %squeeze3A_467 : f32 to vector<16xf32>
          %mul3A_472 = arith.mulf %get3A_470, %mul3A_471 : vector<16xf32>
          %swap3A_473 = arith.index_cast %scan3A_404 : i32 to index
          %swap3A_474 = arith.constant 96 : index
          %swap3A_475 = tpu.vector_load %arg26[%swap3A_473, %swap3A_474] {strides = array<i32>} : memref<32x128xf32, #tpu.memory_space<vmem>>, vector<16xf32>,
          tpu.vector_store %arg26[%swap3A_473, %swap3A_474], %mul3A_472 {strides = array<i32>} : memref<32x128xf32, #tpu.memory_space<vmem>>, vector<16xf32>,
          %slice3A_476 = vector.extract_strided_slice %get3A_407 {offsets = [7], sizes = [1], strides = [1]} : vector<16xf32> to vector<1xf32>
          %squeeze3A_477 = vector.extract %slice3A_476[0] : f32 from vector<1xf32>
          %get3A_478 = arith.index_cast %scan3A_404 : i32 to index
          %get3A_479 = arith.constant 112 : index
          %get3A_480 = tpu.vector_load %arg26[%get3A_478, %get3A_479] {strides = array<i32>} : memref<32x128xf32, #tpu.memory_space<vmem>>, vector<16xf32>,
          %mul3A_481 = vector.broadcast %squeeze3A_477 : f32 to vector<16xf32>
          %mul3A_482 = arith.mulf %get3A_480, %mul3A_481 : vector<16xf32>
          %swap3A_483 = arith.index_cast %scan3A_404 : i32 to index
          %swap3A_484 = arith.constant 112 : index
          %swap3A_485 = tpu.vector_load %arg26[%swap3A_483, %swap3A_484] {strides = array<i32>} : memref<32x128xf32, #tpu.memory_space<vmem>>, vector<16xf32>,
          tpu.vector_store %arg26[%swap3A_483, %swap3A_484], %mul3A_482 {strides = array<i32>} : memref<32x128xf32, #tpu.memory_space<vmem>>, vector<16xf32>,
        }
        %scan3A_205 = arith.constant 32 : i32
        %get3A = arith.constant 0 : index
        %get3A_206 = tpu.vector_load %arg18[%get3A] {strides = array<i32>} : memref<32xi32, #tpu.memory_space<vmem>>, vector<16xi32>,
        %swap3A = arith.constant 0 : index
        %swap3A_207 = tpu.vector_load %arg20[%swap3A] {strides = array<i32>} : memref<32xi32, #tpu.memory_space<vmem>>, vector<16xi32>,
        tpu.vector_store %arg20[%swap3A], %get3A_206 {strides = array<i32>} : memref<32xi32, #tpu.memory_space<vmem>>, vector<16xi32>,
        %get3A_208 = arith.constant 16 : index
        %get3A_209 = tpu.vector_load %arg18[%get3A_208] {strides = array<i32>} : memref<32xi32, #tpu.memory_space<vmem>>, vector<16xi32>,
        %swap3A_210 = arith.constant 16 : index
        %swap3A_211 = tpu.vector_load %arg20[%swap3A_210] {strides = array<i32>} : memref<32xi32, #tpu.memory_space<vmem>>, vector<16xi32>,
        tpu.vector_store %arg20[%swap3A_210], %get3A_209 {strides = array<i32>} : memref<32xi32, #tpu.memory_space<vmem>>, vector<16xi32>,
        %dma_start3A_212 = arith.constant 0 : i32
        %dma_start3A_213 = arith.constant 0 : i32
        %dma_start3A_214 = tpu.memref_slice %arg14[%dma_start3A_212, %dma_start3A_213] : memref<10008x128xf32, #tpu.memory_space<vmem_shared>> -> memref<10008x128xf32, #tpu.memory_space<vmem_shared>>
        tpu.enqueue_indirect_dma source(%arg26 : memref<32x128xf32, #tpu.memory_space<vmem>>) target(%dma_start3A_214 : memref<10008x128xf32, #tpu.memory_space<vmem_shared>>) offsets(%arg20 : memref<32xi32, #tpu.memory_space<vmem>>) semaphore(%arg36 : memref<!tpu.dma_semaphore, #tpu.memory_space<semaphore_mem>>) {add = true}
        %dma_start3A_215 = arith.constant 0 : i32
        %dma_start3A_216 = arith.constant 0 : i32
        %dma_start3A_217 = tpu.memref_slice %arg15[%dma_start3A_215, %dma_start3A_216] : memref<10008x16xf32, #tpu.memory_space<vmem_shared>> -> memref<10008x16xf32, #tpu.memory_space<vmem_shared>>
        tpu.enqueue_indirect_dma source(%arg28 : memref<32x16xf32, #tpu.memory_space<vmem>>) target(%dma_start3A_217 : memref<10008x16xf32, #tpu.memory_space<vmem_shared>>) offsets(%arg20 : memref<32xi32, #tpu.memory_space<vmem>>) semaphore(%arg36 : memref<!tpu.dma_semaphore, #tpu.memory_space<semaphore_mem>>) {add = true}
        %add3A_218 = arith.constant 2 : i32
        %add3A_219 = arith.addi %add3A_54, %add3A_218 : i32
        %lt3A_220 = arith.constant 314 : i32
        %lt3A_221 = arith.cmpi slt, %add3A_219, %lt3A_220 : i32
        %convert_element_type3A_222 = arith.extui %lt3A_221 : i1 to i32
        %cond3A_223 = arith.constant 0 : i32
        %cond3A_224 = arith.cmpi ne, %convert_element_type3A_222, %cond3A_223 : i32
        scf.if %cond3A_224 {
          %add3A_404 = arith.constant 2 : i32
          %add3A_405 = arith.addi %add3A_54, %add3A_404 : i32
          %mul3A_406 = arith.constant 32 : i32
          %mul3A_407 = arith.muli %add3A_405, %mul3A_406 : i32
          %add3A_408 = arith.addi %mul3A_22, %mul3A_407 : i32
          %dma_start3A_409 = tpu.memref_slice %arg8[%add3A_408] : memref<160768xi32, #tpu.memory_space<hbm>> -> memref<32xi32, #tpu.memory_space<hbm>>
          %dma_start3A_410 = tpu.memref_slice %arg8[%add3A_408] : memref<160768xi32, #tpu.memory_space<hbm>> -> memref<32xi32, #tpu.memory_space<hbm>>
          tpu.enqueue_dma source(%dma_start3A_410 : memref<32xi32, #tpu.memory_space<hbm>>) target(%arg16 : memref<32xi32, #tpu.memory_space<vmem>>) target_semaphore(%arg38 : memref<!tpu.dma_semaphore, #tpu.memory_space<semaphore_mem>>)
          %dma_start3A_411 = tpu.memref_slice %arg9[%add3A_408] : memref<160768xi32, #tpu.memory_space<hbm>> -> memref<32xi32, #tpu.memory_space<hbm>>
          %dma_start3A_412 = tpu.memref_slice %arg9[%add3A_408] : memref<160768xi32, #tpu.memory_space<hbm>> -> memref<32xi32, #tpu.memory_space<hbm>>
          tpu.enqueue_dma source(%dma_start3A_412 : memref<32xi32, #tpu.memory_space<hbm>>) target(%arg18 : memref<32xi32, #tpu.memory_space<vmem>>) target_semaphore(%arg38 : memref<!tpu.dma_semaphore, #tpu.memory_space<semaphore_mem>>)
        } else {
        }
        %mul3A_225 = arith.constant 2 : i32
        %mul3A_226 = arith.muli %mul3A_225, %scan3A_50 : i32
        %add3A_227 = arith.constant 1 : i32
        %add3A_228 = arith.addi %mul3A_226, %add3A_227 : i32
        %lt3A_229 = arith.constant 313 : i32
        %lt3A_230 = arith.cmpi slt, %add3A_228, %lt3A_229 : i32
        %convert_element_type3A_231 = arith.extui %lt3A_230 : i1 to i32
        %cond3A_232 = arith.constant 0 : i32
        %cond3A_233 = arith.cmpi ne, %convert_element_type3A_231, %cond3A_232 : i32
        scf.if %cond3A_233 {
          %add3A_404 = arith.constant 1 : i32
          %add3A_405 = arith.addi %add3A_228, %add3A_404 : i32
          %mul3A_406 = arith.constant 32 : i32
          %mul3A_407 = arith.muli %add3A_405, %mul3A_406 : i32
          %add3A_408 = arith.addi %mul3A_22, %mul3A_407 : i32
          %dma_wait3A_409 = tpu.memref_slice %arg8[%add3A_408] : memref<160768xi32, #tpu.memory_space<hbm>> -> memref<32xi32, #tpu.memory_space<hbm>>
          %dma_wait3A_410 = tpu.memref_slice %arg8[%add3A_408] : memref<160768xi32, #tpu.memory_space<hbm>> -> memref<32xi32, #tpu.memory_space<hbm>>
          tpu.wait_dma2 semaphore(%arg38 : memref<!tpu.dma_semaphore, #tpu.memory_space<semaphore_mem>>) src(%dma_wait3A_410 : memref<32xi32, #tpu.memory_space<hbm>>) dst(%arg16 : memref<32xi32, #tpu.memory_space<vmem>>)
          %dma_wait3A_411 = tpu.memref_slice %arg9[%add3A_408] : memref<160768xi32, #tpu.memory_space<hbm>> -> memref<32xi32, #tpu.memory_space<hbm>>
          %dma_wait3A_412 = tpu.memref_slice %arg9[%add3A_408] : memref<160768xi32, #tpu.memory_space<hbm>> -> memref<32xi32, #tpu.memory_space<hbm>>
          tpu.wait_dma2 semaphore(%arg38 : memref<!tpu.dma_semaphore, #tpu.memory_space<semaphore_mem>>) src(%dma_wait3A_412 : memref<32xi32, #tpu.memory_space<hbm>>) dst(%arg18 : memref<32xi32, #tpu.memory_space<vmem>>)
          %dma_start3A_413 = arith.constant 0 : i32
          %dma_start3A_414 = arith.constant 0 : i32
          %dma_start3A_415 = tpu.memref_slice %arg5[%dma_start3A_413, %dma_start3A_414] : memref<10008x128xf32, #tpu.memory_space<hbm>> -> memref<10008x128xf32, #tpu.memory_space<hbm>>
          tpu.enqueue_indirect_dma source(%dma_start3A_415 : memref<10008x128xf32, #tpu.memory_space<hbm>>) target(%arg22 : memref<32x128xf32, #tpu.memory_space<vmem>>) offsets(%arg16 : memref<32xi32, #tpu.memory_space<vmem>>) semaphore(%arg32 : memref<!tpu.dma_semaphore, #tpu.memory_space<semaphore_mem>>)
          %dma_start3A_416 = arith.constant 0 : i32
          %dma_start3A_417 = arith.constant 0 : i32
          %dma_start3A_418 = tpu.memref_slice %arg6[%dma_start3A_416, %dma_start3A_417] : memref<10008x128xf32, #tpu.memory_space<hbm>> -> memref<10008x128xf32, #tpu.memory_space<hbm>>
          tpu.enqueue_indirect_dma source(%dma_start3A_418 : memref<10008x128xf32, #tpu.memory_space<hbm>>) target(%arg24 : memref<32x128xf32, #tpu.memory_space<vmem>>) offsets(%arg18 : memref<32xi32, #tpu.memory_space<vmem>>) semaphore(%arg32 : memref<!tpu.dma_semaphore, #tpu.memory_space<semaphore_mem>>)
        } else {
        }
        %dma_wait3A_234 = arith.constant 0 : i32
        %dma_wait3A_235 = arith.constant 0 : i32
        %dma_wait3A_236 = tpu.memref_slice %arg5[%dma_wait3A_234, %dma_wait3A_235] : memref<10008x128xf32, #tpu.memory_space<hbm>> -> memref<10008x128xf32, #tpu.memory_space<hbm>>
        tpu.wait_indirect_dma semaphore(%arg33 : memref<!tpu.dma_semaphore, #tpu.memory_space<semaphore_mem>>) src(%dma_wait3A_236 : memref<10008x128xf32, #tpu.memory_space<hbm>>) dst(%arg23 : memref<32x128xf32, #tpu.memory_space<vmem>>)
        %dma_wait3A_237 = arith.constant 0 : i32
        %dma_wait3A_238 = arith.constant 0 : i32
        %dma_wait3A_239 = tpu.memref_slice %arg6[%dma_wait3A_237, %dma_wait3A_238] : memref<10008x128xf32, #tpu.memory_space<hbm>> -> memref<10008x128xf32, #tpu.memory_space<hbm>>
        tpu.wait_indirect_dma semaphore(%arg33 : memref<!tpu.dma_semaphore, #tpu.memory_space<semaphore_mem>>) src(%dma_wait3A_239 : memref<10008x128xf32, #tpu.memory_space<hbm>>) dst(%arg25 : memref<32x128xf32, #tpu.memory_space<vmem>>)
        %scan3A_240 = arith.constant 0 : i32
        %scan3A_241 = arith.constant 32 : i32
        %scan3A_242 = arith.addi %scan3A_240, %scan3A_241 : i32
        %scan3A_243 = arith.constant 1 : i32
        scf.for %scan3A_404 = %scan3A_240 to %scan3A_242 step %scan3A_243  : i32 {
          %get3A_405 = arith.index_cast %scan3A_404 : i32 to index
          %get3A_406 = arith.constant 0 : index
          %get3A_407 = tpu.vector_load %arg23[%get3A_405, %get3A_406] {strides = array<i32>} : memref<32x128xf32, #tpu.memory_space<vmem>>, vector<16xf32>,
          %mul3A_408 = arith.constant 129 : i32
          %mul3A_409 = arith.muli %scan3A_404, %mul3A_408 : i32
          %add3A_410 = arith.constant 0 : i32
          %add3A_411 = arith.addi %mul3A_409, %add3A_410 : i32
          %swap3A_412 = arith.index_cast %add3A_411 : i32 to index
          %swap3A_413 = tpu.vector_load %arg30[%swap3A_412] {strides = array<i32>} : memref<4128xf32, #tpu.memory_space<vmem>>, vector<16xf32>,
          tpu.vector_store %arg30[%swap3A_412], %get3A_407 {strides = array<i32>} : memref<4128xf32, #tpu.memory_space<vmem>>, vector<16xf32>,
          %get3A_414 = arith.index_cast %scan3A_404 : i32 to index
          %get3A_415 = arith.constant 0 : index
          %get3A_416 = tpu.vector_load %arg25[%get3A_414, %get3A_415] {strides = array<i32>} : memref<32x128xf32, #tpu.memory_space<vmem>>, vector<16xf32>,
          %mul3A_417 = arith.constant 129 : i32
          %mul3A_418 = arith.muli %scan3A_404, %mul3A_417 : i32
          %add3A_419 = arith.constant 0 : i32
          %add3A_420 = arith.addi %mul3A_418, %add3A_419 : i32
          %swap3A_421 = arith.index_cast %add3A_420 : i32 to index
          %swap3A_422 = tpu.vector_load %arg31[%swap3A_421] {strides = array<i32>} : memref<4128xf32, #tpu.memory_space<vmem>>, vector<16xf32>,
          tpu.vector_store %arg31[%swap3A_421], %get3A_416 {strides = array<i32>} : memref<4128xf32, #tpu.memory_space<vmem>>, vector<16xf32>,
          %get3A_423 = arith.index_cast %scan3A_404 : i32 to index
          %get3A_424 = arith.constant 16 : index
          %get3A_425 = tpu.vector_load %arg23[%get3A_423, %get3A_424] {strides = array<i32>} : memref<32x128xf32, #tpu.memory_space<vmem>>, vector<16xf32>,
          %mul3A_426 = arith.constant 129 : i32
          %mul3A_427 = arith.muli %scan3A_404, %mul3A_426 : i32
          %add3A_428 = arith.constant 16 : i32
          %add3A_429 = arith.addi %mul3A_427, %add3A_428 : i32
          %swap3A_430 = arith.index_cast %add3A_429 : i32 to index
          %swap3A_431 = tpu.vector_load %arg30[%swap3A_430] {strides = array<i32>} : memref<4128xf32, #tpu.memory_space<vmem>>, vector<16xf32>,
          tpu.vector_store %arg30[%swap3A_430], %get3A_425 {strides = array<i32>} : memref<4128xf32, #tpu.memory_space<vmem>>, vector<16xf32>,
          %get3A_432 = arith.index_cast %scan3A_404 : i32 to index
          %get3A_433 = arith.constant 16 : index
          %get3A_434 = tpu.vector_load %arg25[%get3A_432, %get3A_433] {strides = array<i32>} : memref<32x128xf32, #tpu.memory_space<vmem>>, vector<16xf32>,
          %mul3A_435 = arith.constant 129 : i32
          %mul3A_436 = arith.muli %scan3A_404, %mul3A_435 : i32
          %add3A_437 = arith.constant 16 : i32
          %add3A_438 = arith.addi %mul3A_436, %add3A_437 : i32
          %swap3A_439 = arith.index_cast %add3A_438 : i32 to index
          %swap3A_440 = tpu.vector_load %arg31[%swap3A_439] {strides = array<i32>} : memref<4128xf32, #tpu.memory_space<vmem>>, vector<16xf32>,
          tpu.vector_store %arg31[%swap3A_439], %get3A_434 {strides = array<i32>} : memref<4128xf32, #tpu.memory_space<vmem>>, vector<16xf32>,
          %get3A_441 = arith.index_cast %scan3A_404 : i32 to index
          %get3A_442 = arith.constant 32 : index
          %get3A_443 = tpu.vector_load %arg23[%get3A_441, %get3A_442] {strides = array<i32>} : memref<32x128xf32, #tpu.memory_space<vmem>>, vector<16xf32>,
          %mul3A_444 = arith.constant 129 : i32
          %mul3A_445 = arith.muli %scan3A_404, %mul3A_444 : i32
          %add3A_446 = arith.constant 32 : i32
          %add3A_447 = arith.addi %mul3A_445, %add3A_446 : i32
          %swap3A_448 = arith.index_cast %add3A_447 : i32 to index
          %swap3A_449 = tpu.vector_load %arg30[%swap3A_448] {strides = array<i32>} : memref<4128xf32, #tpu.memory_space<vmem>>, vector<16xf32>,
          tpu.vector_store %arg30[%swap3A_448], %get3A_443 {strides = array<i32>} : memref<4128xf32, #tpu.memory_space<vmem>>, vector<16xf32>,
          %get3A_450 = arith.index_cast %scan3A_404 : i32 to index
          %get3A_451 = arith.constant 32 : index
          %get3A_452 = tpu.vector_load %arg25[%get3A_450, %get3A_451] {strides = array<i32>} : memref<32x128xf32, #tpu.memory_space<vmem>>, vector<16xf32>,
          %mul3A_453 = arith.constant 129 : i32
          %mul3A_454 = arith.muli %scan3A_404, %mul3A_453 : i32
          %add3A_455 = arith.constant 32 : i32
          %add3A_456 = arith.addi %mul3A_454, %add3A_455 : i32
          %swap3A_457 = arith.index_cast %add3A_456 : i32 to index
          %swap3A_458 = tpu.vector_load %arg31[%swap3A_457] {strides = array<i32>} : memref<4128xf32, #tpu.memory_space<vmem>>, vector<16xf32>,
          tpu.vector_store %arg31[%swap3A_457], %get3A_452 {strides = array<i32>} : memref<4128xf32, #tpu.memory_space<vmem>>, vector<16xf32>,
          %get3A_459 = arith.index_cast %scan3A_404 : i32 to index
          %get3A_460 = arith.constant 48 : index
          %get3A_461 = tpu.vector_load %arg23[%get3A_459, %get3A_460] {strides = array<i32>} : memref<32x128xf32, #tpu.memory_space<vmem>>, vector<16xf32>,
          %mul3A_462 = arith.constant 129 : i32
          %mul3A_463 = arith.muli %scan3A_404, %mul3A_462 : i32
          %add3A_464 = arith.constant 48 : i32
          %add3A_465 = arith.addi %mul3A_463, %add3A_464 : i32
          %swap3A_466 = arith.index_cast %add3A_465 : i32 to index
          %swap3A_467 = tpu.vector_load %arg30[%swap3A_466] {strides = array<i32>} : memref<4128xf32, #tpu.memory_space<vmem>>, vector<16xf32>,
          tpu.vector_store %arg30[%swap3A_466], %get3A_461 {strides = array<i32>} : memref<4128xf32, #tpu.memory_space<vmem>>, vector<16xf32>,
          %get3A_468 = arith.index_cast %scan3A_404 : i32 to index
          %get3A_469 = arith.constant 48 : index
          %get3A_470 = tpu.vector_load %arg25[%get3A_468, %get3A_469] {strides = array<i32>} : memref<32x128xf32, #tpu.memory_space<vmem>>, vector<16xf32>,
          %mul3A_471 = arith.constant 129 : i32
          %mul3A_472 = arith.muli %scan3A_404, %mul3A_471 : i32
          %add3A_473 = arith.constant 48 : i32
          %add3A_474 = arith.addi %mul3A_472, %add3A_473 : i32
          %swap3A_475 = arith.index_cast %add3A_474 : i32 to index
          %swap3A_476 = tpu.vector_load %arg31[%swap3A_475] {strides = array<i32>} : memref<4128xf32, #tpu.memory_space<vmem>>, vector<16xf32>,
          tpu.vector_store %arg31[%swap3A_475], %get3A_470 {strides = array<i32>} : memref<4128xf32, #tpu.memory_space<vmem>>, vector<16xf32>,
          %get3A_477 = arith.index_cast %scan3A_404 : i32 to index
          %get3A_478 = arith.constant 64 : index
          %get3A_479 = tpu.vector_load %arg23[%get3A_477, %get3A_478] {strides = array<i32>} : memref<32x128xf32, #tpu.memory_space<vmem>>, vector<16xf32>,
          %mul3A_480 = arith.constant 129 : i32
          %mul3A_481 = arith.muli %scan3A_404, %mul3A_480 : i32
          %add3A_482 = arith.constant 64 : i32
          %add3A_483 = arith.addi %mul3A_481, %add3A_482 : i32
          %swap3A_484 = arith.index_cast %add3A_483 : i32 to index
          %swap3A_485 = tpu.vector_load %arg30[%swap3A_484] {strides = array<i32>} : memref<4128xf32, #tpu.memory_space<vmem>>, vector<16xf32>,
          tpu.vector_store %arg30[%swap3A_484], %get3A_479 {strides = array<i32>} : memref<4128xf32, #tpu.memory_space<vmem>>, vector<16xf32>,
          %get3A_486 = arith.index_cast %scan3A_404 : i32 to index
          %get3A_487 = arith.constant 64 : index
          %get3A_488 = tpu.vector_load %arg25[%get3A_486, %get3A_487] {strides = array<i32>} : memref<32x128xf32, #tpu.memory_space<vmem>>, vector<16xf32>,
          %mul3A_489 = arith.constant 129 : i32
          %mul3A_490 = arith.muli %scan3A_404, %mul3A_489 : i32
          %add3A_491 = arith.constant 64 : i32
          %add3A_492 = arith.addi %mul3A_490, %add3A_491 : i32
          %swap3A_493 = arith.index_cast %add3A_492 : i32 to index
          %swap3A_494 = tpu.vector_load %arg31[%swap3A_493] {strides = array<i32>} : memref<4128xf32, #tpu.memory_space<vmem>>, vector<16xf32>,
          tpu.vector_store %arg31[%swap3A_493], %get3A_488 {strides = array<i32>} : memref<4128xf32, #tpu.memory_space<vmem>>, vector<16xf32>,
          %get3A_495 = arith.index_cast %scan3A_404 : i32 to index
          %get3A_496 = arith.constant 80 : index
          %get3A_497 = tpu.vector_load %arg23[%get3A_495, %get3A_496] {strides = array<i32>} : memref<32x128xf32, #tpu.memory_space<vmem>>, vector<16xf32>,
          %mul3A_498 = arith.constant 129 : i32
          %mul3A_499 = arith.muli %scan3A_404, %mul3A_498 : i32
          %add3A_500 = arith.constant 80 : i32
          %add3A_501 = arith.addi %mul3A_499, %add3A_500 : i32
          %swap3A_502 = arith.index_cast %add3A_501 : i32 to index
          %swap3A_503 = tpu.vector_load %arg30[%swap3A_502] {strides = array<i32>} : memref<4128xf32, #tpu.memory_space<vmem>>, vector<16xf32>,
          tpu.vector_store %arg30[%swap3A_502], %get3A_497 {strides = array<i32>} : memref<4128xf32, #tpu.memory_space<vmem>>, vector<16xf32>,
          %get3A_504 = arith.index_cast %scan3A_404 : i32 to index
          %get3A_505 = arith.constant 80 : index
          %get3A_506 = tpu.vector_load %arg25[%get3A_504, %get3A_505] {strides = array<i32>} : memref<32x128xf32, #tpu.memory_space<vmem>>, vector<16xf32>,
          %mul3A_507 = arith.constant 129 : i32
          %mul3A_508 = arith.muli %scan3A_404, %mul3A_507 : i32
          %add3A_509 = arith.constant 80 : i32
          %add3A_510 = arith.addi %mul3A_508, %add3A_509 : i32
          %swap3A_511 = arith.index_cast %add3A_510 : i32 to index
          %swap3A_512 = tpu.vector_load %arg31[%swap3A_511] {strides = array<i32>} : memref<4128xf32, #tpu.memory_space<vmem>>, vector<16xf32>,
          tpu.vector_store %arg31[%swap3A_511], %get3A_506 {strides = array<i32>} : memref<4128xf32, #tpu.memory_space<vmem>>, vector<16xf32>,
          %get3A_513 = arith.index_cast %scan3A_404 : i32 to index
          %get3A_514 = arith.constant 96 : index
          %get3A_515 = tpu.vector_load %arg23[%get3A_513, %get3A_514] {strides = array<i32>} : memref<32x128xf32, #tpu.memory_space<vmem>>, vector<16xf32>,
          %mul3A_516 = arith.constant 129 : i32
          %mul3A_517 = arith.muli %scan3A_404, %mul3A_516 : i32
          %add3A_518 = arith.constant 96 : i32
          %add3A_519 = arith.addi %mul3A_517, %add3A_518 : i32
          %swap3A_520 = arith.index_cast %add3A_519 : i32 to index
          %swap3A_521 = tpu.vector_load %arg30[%swap3A_520] {strides = array<i32>} : memref<4128xf32, #tpu.memory_space<vmem>>, vector<16xf32>,
          tpu.vector_store %arg30[%swap3A_520], %get3A_515 {strides = array<i32>} : memref<4128xf32, #tpu.memory_space<vmem>>, vector<16xf32>,
          %get3A_522 = arith.index_cast %scan3A_404 : i32 to index
          %get3A_523 = arith.constant 96 : index
          %get3A_524 = tpu.vector_load %arg25[%get3A_522, %get3A_523] {strides = array<i32>} : memref<32x128xf32, #tpu.memory_space<vmem>>, vector<16xf32>,
          %mul3A_525 = arith.constant 129 : i32
          %mul3A_526 = arith.muli %scan3A_404, %mul3A_525 : i32
          %add3A_527 = arith.constant 96 : i32
          %add3A_528 = arith.addi %mul3A_526, %add3A_527 : i32
          %swap3A_529 = arith.index_cast %add3A_528 : i32 to index
          %swap3A_530 = tpu.vector_load %arg31[%swap3A_529] {strides = array<i32>} : memref<4128xf32, #tpu.memory_space<vmem>>, vector<16xf32>,
          tpu.vector_store %arg31[%swap3A_529], %get3A_524 {strides = array<i32>} : memref<4128xf32, #tpu.memory_space<vmem>>, vector<16xf32>,
          %get3A_531 = arith.index_cast %scan3A_404 : i32 to index
          %get3A_532 = arith.constant 112 : index
          %get3A_533 = tpu.vector_load %arg23[%get3A_531, %get3A_532] {strides = array<i32>} : memref<32x128xf32, #tpu.memory_space<vmem>>, vector<16xf32>,
          %mul3A_534 = arith.constant 129 : i32
          %mul3A_535 = arith.muli %scan3A_404, %mul3A_534 : i32
          %add3A_536 = arith.constant 112 : i32
          %add3A_537 = arith.addi %mul3A_535, %add3A_536 : i32
          %swap3A_538 = arith.index_cast %add3A_537 : i32 to index
          %swap3A_539 = tpu.vector_load %arg30[%swap3A_538] {strides = array<i32>} : memref<4128xf32, #tpu.memory_space<vmem>>, vector<16xf32>,
          tpu.vector_store %arg30[%swap3A_538], %get3A_533 {strides = array<i32>} : memref<4128xf32, #tpu.memory_space<vmem>>, vector<16xf32>,
          %get3A_540 = arith.index_cast %scan3A_404 : i32 to index
          %get3A_541 = arith.constant 112 : index
          %get3A_542 = tpu.vector_load %arg25[%get3A_540, %get3A_541] {strides = array<i32>} : memref<32x128xf32, #tpu.memory_space<vmem>>, vector<16xf32>,
          %mul3A_543 = arith.constant 129 : i32
          %mul3A_544 = arith.muli %scan3A_404, %mul3A_543 : i32
          %add3A_545 = arith.constant 112 : i32
          %add3A_546 = arith.addi %mul3A_544, %add3A_545 : i32
          %swap3A_547 = arith.index_cast %add3A_546 : i32 to index
          %swap3A_548 = tpu.vector_load %arg31[%swap3A_547] {strides = array<i32>} : memref<4128xf32, #tpu.memory_space<vmem>>, vector<16xf32>,
          tpu.vector_store %arg31[%swap3A_547], %get3A_542 {strides = array<i32>} : memref<4128xf32, #tpu.memory_space<vmem>>, vector<16xf32>,
        }
        %scan3A_244 = arith.constant 32 : i32
        %add3A_245 = arith.constant 0 : i32
        %add3A_246 = vector.broadcast %add3A_245 : i32 to vector<16xi32>
        %add3A_247 = arith.addi %add3A_246, %iota3A : vector<16xi32>
        %mul3A_248 = arith.constant 129 : i32
        %mul3A_249 = vector.broadcast %mul3A_248 : i32 to vector<16xi32>
        %mul3A_250 = arith.muli %add3A_247, %mul3A_249 : vector<16xi32>
        %scan3A_251 = arith.constant 0 : i32
        %scan3A_252 = arith.constant 16 : i32
        %scan3A_253 = arith.addi %scan3A_251, %scan3A_252 : i32
        %scan3A_254 = arith.constant 1 : i32
        %scan3A_255:8 = scf.for %scan3A_404 = %scan3A_251 to %scan3A_253 step %scan3A_254 iter_args(%scan3A_405 = %broadcast_in_dim3A_7, %scan3A_406 = %broadcast_in_dim3A_7, %scan3A_407 = %broadcast_in_dim3A_7, %scan3A_408 = %broadcast_in_dim3A_7, %scan3A_409 = %broadcast_in_dim3A_7, %scan3A_410 = %broadcast_in_dim3A_7, %scan3A_411 = %broadcast_in_dim3A_7, %scan3A_412 = %broadcast_in_dim3A_7) -> (vector<16xf32>, vector<16xf32>, vector<16xf32>, vector<16xf32>, vector<16xf32>, vector<16xf32>, vector<16xf32>, vector<16xf32>)  : i32 {
          %add3A_413 = arith.constant 0 : i32
          %add3A_414 = vector.broadcast %add3A_413 : i32 to vector<16xi32>
          %add3A_415 = arith.addi %mul3A_250, %add3A_414 : vector<16xi32>
          %add3A_416 = vector.broadcast %scan3A_404 : i32 to vector<16xi32>
          %add3A_417 = arith.addi %add3A_415, %add3A_416 : vector<16xi32>
          %gather3A = tpu.vector_load_idx %arg30[%add3A_417] : memref<4128xf32, #tpu.memory_space<vmem>>[vector<16xi32>], vector<16xf32>,
          %gather3A_418 = tpu.vector_load_idx %arg31[%add3A_417] : memref<4128xf32, #tpu.memory_space<vmem>>[vector<16xi32>], vector<16xf32>,
          %mul3A_419 = arith.mulf %gather3A, %gather3A_418 : vector<16xf32>
          %add3A_420 = arith.addf %scan3A_405, %mul3A_419 : vector<16xf32>
          %add3A_421 = arith.constant 16 : i32
          %add3A_422 = vector.broadcast %add3A_421 : i32 to vector<16xi32>
          %add3A_423 = arith.addi %mul3A_250, %add3A_422 : vector<16xi32>
          %add3A_424 = vector.broadcast %scan3A_404 : i32 to vector<16xi32>
          %add3A_425 = arith.addi %add3A_423, %add3A_424 : vector<16xi32>
          %gather3A_426 = tpu.vector_load_idx %arg30[%add3A_425] : memref<4128xf32, #tpu.memory_space<vmem>>[vector<16xi32>], vector<16xf32>,
          %gather3A_427 = tpu.vector_load_idx %arg31[%add3A_425] : memref<4128xf32, #tpu.memory_space<vmem>>[vector<16xi32>], vector<16xf32>,
          %mul3A_428 = arith.mulf %gather3A_426, %gather3A_427 : vector<16xf32>
          %add3A_429 = arith.addf %scan3A_406, %mul3A_428 : vector<16xf32>
          %add3A_430 = arith.constant 32 : i32
          %add3A_431 = vector.broadcast %add3A_430 : i32 to vector<16xi32>
          %add3A_432 = arith.addi %mul3A_250, %add3A_431 : vector<16xi32>
          %add3A_433 = vector.broadcast %scan3A_404 : i32 to vector<16xi32>
          %add3A_434 = arith.addi %add3A_432, %add3A_433 : vector<16xi32>
          %gather3A_435 = tpu.vector_load_idx %arg30[%add3A_434] : memref<4128xf32, #tpu.memory_space<vmem>>[vector<16xi32>], vector<16xf32>,
          %gather3A_436 = tpu.vector_load_idx %arg31[%add3A_434] : memref<4128xf32, #tpu.memory_space<vmem>>[vector<16xi32>], vector<16xf32>,
          %mul3A_437 = arith.mulf %gather3A_435, %gather3A_436 : vector<16xf32>
          %add3A_438 = arith.addf %scan3A_407, %mul3A_437 : vector<16xf32>
          %add3A_439 = arith.constant 48 : i32
          %add3A_440 = vector.broadcast %add3A_439 : i32 to vector<16xi32>
          %add3A_441 = arith.addi %mul3A_250, %add3A_440 : vector<16xi32>
          %add3A_442 = vector.broadcast %scan3A_404 : i32 to vector<16xi32>
          %add3A_443 = arith.addi %add3A_441, %add3A_442 : vector<16xi32>
          %gather3A_444 = tpu.vector_load_idx %arg30[%add3A_443] : memref<4128xf32, #tpu.memory_space<vmem>>[vector<16xi32>], vector<16xf32>,
          %gather3A_445 = tpu.vector_load_idx %arg31[%add3A_443] : memref<4128xf32, #tpu.memory_space<vmem>>[vector<16xi32>], vector<16xf32>,
          %mul3A_446 = arith.mulf %gather3A_444, %gather3A_445 : vector<16xf32>
          %add3A_447 = arith.addf %scan3A_408, %mul3A_446 : vector<16xf32>
          %add3A_448 = arith.constant 64 : i32
          %add3A_449 = vector.broadcast %add3A_448 : i32 to vector<16xi32>
          %add3A_450 = arith.addi %mul3A_250, %add3A_449 : vector<16xi32>
          %add3A_451 = vector.broadcast %scan3A_404 : i32 to vector<16xi32>
          %add3A_452 = arith.addi %add3A_450, %add3A_451 : vector<16xi32>
          %gather3A_453 = tpu.vector_load_idx %arg30[%add3A_452] : memref<4128xf32, #tpu.memory_space<vmem>>[vector<16xi32>], vector<16xf32>,
          %gather3A_454 = tpu.vector_load_idx %arg31[%add3A_452] : memref<4128xf32, #tpu.memory_space<vmem>>[vector<16xi32>], vector<16xf32>,
          %mul3A_455 = arith.mulf %gather3A_453, %gather3A_454 : vector<16xf32>
          %add3A_456 = arith.addf %scan3A_409, %mul3A_455 : vector<16xf32>
          %add3A_457 = arith.constant 80 : i32
          %add3A_458 = vector.broadcast %add3A_457 : i32 to vector<16xi32>
          %add3A_459 = arith.addi %mul3A_250, %add3A_458 : vector<16xi32>
          %add3A_460 = vector.broadcast %scan3A_404 : i32 to vector<16xi32>
          %add3A_461 = arith.addi %add3A_459, %add3A_460 : vector<16xi32>
          %gather3A_462 = tpu.vector_load_idx %arg30[%add3A_461] : memref<4128xf32, #tpu.memory_space<vmem>>[vector<16xi32>], vector<16xf32>,
          %gather3A_463 = tpu.vector_load_idx %arg31[%add3A_461] : memref<4128xf32, #tpu.memory_space<vmem>>[vector<16xi32>], vector<16xf32>,
          %mul3A_464 = arith.mulf %gather3A_462, %gather3A_463 : vector<16xf32>
          %add3A_465 = arith.addf %scan3A_410, %mul3A_464 : vector<16xf32>
          %add3A_466 = arith.constant 96 : i32
          %add3A_467 = vector.broadcast %add3A_466 : i32 to vector<16xi32>
          %add3A_468 = arith.addi %mul3A_250, %add3A_467 : vector<16xi32>
          %add3A_469 = vector.broadcast %scan3A_404 : i32 to vector<16xi32>
          %add3A_470 = arith.addi %add3A_468, %add3A_469 : vector<16xi32>
          %gather3A_471 = tpu.vector_load_idx %arg30[%add3A_470] : memref<4128xf32, #tpu.memory_space<vmem>>[vector<16xi32>], vector<16xf32>,
          %gather3A_472 = tpu.vector_load_idx %arg31[%add3A_470] : memref<4128xf32, #tpu.memory_space<vmem>>[vector<16xi32>], vector<16xf32>,
          %mul3A_473 = arith.mulf %gather3A_471, %gather3A_472 : vector<16xf32>
          %add3A_474 = arith.addf %scan3A_411, %mul3A_473 : vector<16xf32>
          %add3A_475 = arith.constant 112 : i32
          %add3A_476 = vector.broadcast %add3A_475 : i32 to vector<16xi32>
          %add3A_477 = arith.addi %mul3A_250, %add3A_476 : vector<16xi32>
          %add3A_478 = vector.broadcast %scan3A_404 : i32 to vector<16xi32>
          %add3A_479 = arith.addi %add3A_477, %add3A_478 : vector<16xi32>
          %gather3A_480 = tpu.vector_load_idx %arg30[%add3A_479] : memref<4128xf32, #tpu.memory_space<vmem>>[vector<16xi32>], vector<16xf32>,
          %gather3A_481 = tpu.vector_load_idx %arg31[%add3A_479] : memref<4128xf32, #tpu.memory_space<vmem>>[vector<16xi32>], vector<16xf32>,
          %mul3A_482 = arith.mulf %gather3A_480, %gather3A_481 : vector<16xf32>
          %add3A_483 = arith.addf %scan3A_412, %mul3A_482 : vector<16xf32>
          scf.yield %add3A_420, %add3A_429, %add3A_438, %add3A_447, %add3A_456, %add3A_465, %add3A_474, %add3A_483 : vector<16xf32>, vector<16xf32>, vector<16xf32>, vector<16xf32>, vector<16xf32>, vector<16xf32>, vector<16xf32>, vector<16xf32>
        }
        %scan3A_256 = arith.constant 16 : i32
        %mul3A_257 = arith.constant 2.500000e-01 : f32
        %mul3A_258 = vector.broadcast %mul3A_257 : f32 to vector<16xf32>
        %mul3A_259 = arith.mulf %scan3A_255#0, %mul3A_258 : vector<16xf32>
        %exp3A_260 = math.exp %mul3A_259 : vector<16xf32>
        %broadcast_in_dim3A_261 = arith.constant 0 : i32
        %broadcast_in_dim3A_262 = vector.broadcast %broadcast_in_dim3A_261 : i32 to vector<16xi32>
        tpu.vector_store_idx %arg29[%add3A_247, %broadcast_in_dim3A_262], %exp3A_260 : memref<32x16xf32, #tpu.memory_space<vmem>>[vector<16xi32>, vector<16xi32>], vector<16xf32>,
        %mul3A_263 = arith.constant 2.500000e-01 : f32
        %mul3A_264 = vector.broadcast %mul3A_263 : f32 to vector<16xf32>
        %mul3A_265 = arith.mulf %scan3A_255#1, %mul3A_264 : vector<16xf32>
        %exp3A_266 = math.exp %mul3A_265 : vector<16xf32>
        %broadcast_in_dim3A_267 = arith.constant 1 : i32
        %broadcast_in_dim3A_268 = vector.broadcast %broadcast_in_dim3A_267 : i32 to vector<16xi32>
        tpu.vector_store_idx %arg29[%add3A_247, %broadcast_in_dim3A_268], %exp3A_266 : memref<32x16xf32, #tpu.memory_space<vmem>>[vector<16xi32>, vector<16xi32>], vector<16xf32>,
        %mul3A_269 = arith.constant 2.500000e-01 : f32
        %mul3A_270 = vector.broadcast %mul3A_269 : f32 to vector<16xf32>
        %mul3A_271 = arith.mulf %scan3A_255#2, %mul3A_270 : vector<16xf32>
        %exp3A_272 = math.exp %mul3A_271 : vector<16xf32>
        %broadcast_in_dim3A_273 = arith.constant 2 : i32
        %broadcast_in_dim3A_274 = vector.broadcast %broadcast_in_dim3A_273 : i32 to vector<16xi32>
        tpu.vector_store_idx %arg29[%add3A_247, %broadcast_in_dim3A_274], %exp3A_272 : memref<32x16xf32, #tpu.memory_space<vmem>>[vector<16xi32>, vector<16xi32>], vector<16xf32>,
        %mul3A_275 = arith.constant 2.500000e-01 : f32
        %mul3A_276 = vector.broadcast %mul3A_275 : f32 to vector<16xf32>
        %mul3A_277 = arith.mulf %scan3A_255#3, %mul3A_276 : vector<16xf32>
        %exp3A_278 = math.exp %mul3A_277 : vector<16xf32>
        %broadcast_in_dim3A_279 = arith.constant 3 : i32
        %broadcast_in_dim3A_280 = vector.broadcast %broadcast_in_dim3A_279 : i32 to vector<16xi32>
        tpu.vector_store_idx %arg29[%add3A_247, %broadcast_in_dim3A_280], %exp3A_278 : memref<32x16xf32, #tpu.memory_space<vmem>>[vector<16xi32>, vector<16xi32>], vector<16xf32>,
        %mul3A_281 = arith.constant 2.500000e-01 : f32
        %mul3A_282 = vector.broadcast %mul3A_281 : f32 to vector<16xf32>
        %mul3A_283 = arith.mulf %scan3A_255#4, %mul3A_282 : vector<16xf32>
        %exp3A_284 = math.exp %mul3A_283 : vector<16xf32>
        %broadcast_in_dim3A_285 = arith.constant 4 : i32
        %broadcast_in_dim3A_286 = vector.broadcast %broadcast_in_dim3A_285 : i32 to vector<16xi32>
        tpu.vector_store_idx %arg29[%add3A_247, %broadcast_in_dim3A_286], %exp3A_284 : memref<32x16xf32, #tpu.memory_space<vmem>>[vector<16xi32>, vector<16xi32>], vector<16xf32>,
        %mul3A_287 = arith.constant 2.500000e-01 : f32
        %mul3A_288 = vector.broadcast %mul3A_287 : f32 to vector<16xf32>
        %mul3A_289 = arith.mulf %scan3A_255#5, %mul3A_288 : vector<16xf32>
        %exp3A_290 = math.exp %mul3A_289 : vector<16xf32>
        %broadcast_in_dim3A_291 = arith.constant 5 : i32
        %broadcast_in_dim3A_292 = vector.broadcast %broadcast_in_dim3A_291 : i32 to vector<16xi32>
        tpu.vector_store_idx %arg29[%add3A_247, %broadcast_in_dim3A_292], %exp3A_290 : memref<32x16xf32, #tpu.memory_space<vmem>>[vector<16xi32>, vector<16xi32>], vector<16xf32>,
        %mul3A_293 = arith.constant 2.500000e-01 : f32
        %mul3A_294 = vector.broadcast %mul3A_293 : f32 to vector<16xf32>
        %mul3A_295 = arith.mulf %scan3A_255#6, %mul3A_294 : vector<16xf32>
        %exp3A_296 = math.exp %mul3A_295 : vector<16xf32>
        %broadcast_in_dim3A_297 = arith.constant 6 : i32
        %broadcast_in_dim3A_298 = vector.broadcast %broadcast_in_dim3A_297 : i32 to vector<16xi32>
        tpu.vector_store_idx %arg29[%add3A_247, %broadcast_in_dim3A_298], %exp3A_296 : memref<32x16xf32, #tpu.memory_space<vmem>>[vector<16xi32>, vector<16xi32>], vector<16xf32>,
        %mul3A_299 = arith.constant 2.500000e-01 : f32
        %mul3A_300 = vector.broadcast %mul3A_299 : f32 to vector<16xf32>
        %mul3A_301 = arith.mulf %scan3A_255#7, %mul3A_300 : vector<16xf32>
        %exp3A_302 = math.exp %mul3A_301 : vector<16xf32>
        %broadcast_in_dim3A_303 = arith.constant 7 : i32
        %broadcast_in_dim3A_304 = vector.broadcast %broadcast_in_dim3A_303 : i32 to vector<16xi32>
        tpu.vector_store_idx %arg29[%add3A_247, %broadcast_in_dim3A_304], %exp3A_302 : memref<32x16xf32, #tpu.memory_space<vmem>>[vector<16xi32>, vector<16xi32>], vector<16xf32>,
        %add3A_305 = arith.constant 16 : i32
        %add3A_306 = vector.broadcast %add3A_305 : i32 to vector<16xi32>
        %add3A_307 = arith.addi %add3A_306, %iota3A : vector<16xi32>
        %mul3A_308 = arith.constant 129 : i32
        %mul3A_309 = vector.broadcast %mul3A_308 : i32 to vector<16xi32>
        %mul3A_310 = arith.muli %add3A_307, %mul3A_309 : vector<16xi32>
        %scan3A_311 = arith.constant 0 : i32
        %scan3A_312 = arith.constant 16 : i32
        %scan3A_313 = arith.addi %scan3A_311, %scan3A_312 : i32
        %scan3A_314 = arith.constant 1 : i32
        %scan3A_315:8 = scf.for %scan3A_404 = %scan3A_311 to %scan3A_313 step %scan3A_314 iter_args(%scan3A_405 = %broadcast_in_dim3A_7, %scan3A_406 = %broadcast_in_dim3A_7, %scan3A_407 = %broadcast_in_dim3A_7, %scan3A_408 = %broadcast_in_dim3A_7, %scan3A_409 = %broadcast_in_dim3A_7, %scan3A_410 = %broadcast_in_dim3A_7, %scan3A_411 = %broadcast_in_dim3A_7, %scan3A_412 = %broadcast_in_dim3A_7) -> (vector<16xf32>, vector<16xf32>, vector<16xf32>, vector<16xf32>, vector<16xf32>, vector<16xf32>, vector<16xf32>, vector<16xf32>)  : i32 {
          %add3A_413 = arith.constant 0 : i32
          %add3A_414 = vector.broadcast %add3A_413 : i32 to vector<16xi32>
          %add3A_415 = arith.addi %mul3A_310, %add3A_414 : vector<16xi32>
          %add3A_416 = vector.broadcast %scan3A_404 : i32 to vector<16xi32>
          %add3A_417 = arith.addi %add3A_415, %add3A_416 : vector<16xi32>
          %gather3A = tpu.vector_load_idx %arg30[%add3A_417] : memref<4128xf32, #tpu.memory_space<vmem>>[vector<16xi32>], vector<16xf32>,
          %gather3A_418 = tpu.vector_load_idx %arg31[%add3A_417] : memref<4128xf32, #tpu.memory_space<vmem>>[vector<16xi32>], vector<16xf32>,
          %mul3A_419 = arith.mulf %gather3A, %gather3A_418 : vector<16xf32>
          %add3A_420 = arith.addf %scan3A_405, %mul3A_419 : vector<16xf32>
          %add3A_421 = arith.constant 16 : i32
          %add3A_422 = vector.broadcast %add3A_421 : i32 to vector<16xi32>
          %add3A_423 = arith.addi %mul3A_310, %add3A_422 : vector<16xi32>
          %add3A_424 = vector.broadcast %scan3A_404 : i32 to vector<16xi32>
          %add3A_425 = arith.addi %add3A_423, %add3A_424 : vector<16xi32>
          %gather3A_426 = tpu.vector_load_idx %arg30[%add3A_425] : memref<4128xf32, #tpu.memory_space<vmem>>[vector<16xi32>], vector<16xf32>,
          %gather3A_427 = tpu.vector_load_idx %arg31[%add3A_425] : memref<4128xf32, #tpu.memory_space<vmem>>[vector<16xi32>], vector<16xf32>,
          %mul3A_428 = arith.mulf %gather3A_426, %gather3A_427 : vector<16xf32>
          %add3A_429 = arith.addf %scan3A_406, %mul3A_428 : vector<16xf32>
          %add3A_430 = arith.constant 32 : i32
          %add3A_431 = vector.broadcast %add3A_430 : i32 to vector<16xi32>
          %add3A_432 = arith.addi %mul3A_310, %add3A_431 : vector<16xi32>
          %add3A_433 = vector.broadcast %scan3A_404 : i32 to vector<16xi32>
          %add3A_434 = arith.addi %add3A_432, %add3A_433 : vector<16xi32>
          %gather3A_435 = tpu.vector_load_idx %arg30[%add3A_434] : memref<4128xf32, #tpu.memory_space<vmem>>[vector<16xi32>], vector<16xf32>,
          %gather3A_436 = tpu.vector_load_idx %arg31[%add3A_434] : memref<4128xf32, #tpu.memory_space<vmem>>[vector<16xi32>], vector<16xf32>,
          %mul3A_437 = arith.mulf %gather3A_435, %gather3A_436 : vector<16xf32>
          %add3A_438 = arith.addf %scan3A_407, %mul3A_437 : vector<16xf32>
          %add3A_439 = arith.constant 48 : i32
          %add3A_440 = vector.broadcast %add3A_439 : i32 to vector<16xi32>
          %add3A_441 = arith.addi %mul3A_310, %add3A_440 : vector<16xi32>
          %add3A_442 = vector.broadcast %scan3A_404 : i32 to vector<16xi32>
          %add3A_443 = arith.addi %add3A_441, %add3A_442 : vector<16xi32>
          %gather3A_444 = tpu.vector_load_idx %arg30[%add3A_443] : memref<4128xf32, #tpu.memory_space<vmem>>[vector<16xi32>], vector<16xf32>,
          %gather3A_445 = tpu.vector_load_idx %arg31[%add3A_443] : memref<4128xf32, #tpu.memory_space<vmem>>[vector<16xi32>], vector<16xf32>,
          %mul3A_446 = arith.mulf %gather3A_444, %gather3A_445 : vector<16xf32>
          %add3A_447 = arith.addf %scan3A_408, %mul3A_446 : vector<16xf32>
          %add3A_448 = arith.constant 64 : i32
          %add3A_449 = vector.broadcast %add3A_448 : i32 to vector<16xi32>
          %add3A_450 = arith.addi %mul3A_310, %add3A_449 : vector<16xi32>
          %add3A_451 = vector.broadcast %scan3A_404 : i32 to vector<16xi32>
          %add3A_452 = arith.addi %add3A_450, %add3A_451 : vector<16xi32>
          %gather3A_453 = tpu.vector_load_idx %arg30[%add3A_452] : memref<4128xf32, #tpu.memory_space<vmem>>[vector<16xi32>], vector<16xf32>,
          %gather3A_454 = tpu.vector_load_idx %arg31[%add3A_452] : memref<4128xf32, #tpu.memory_space<vmem>>[vector<16xi32>], vector<16xf32>,
          %mul3A_455 = arith.mulf %gather3A_453, %gather3A_454 : vector<16xf32>
          %add3A_456 = arith.addf %scan3A_409, %mul3A_455 : vector<16xf32>
          %add3A_457 = arith.constant 80 : i32
          %add3A_458 = vector.broadcast %add3A_457 : i32 to vector<16xi32>
          %add3A_459 = arith.addi %mul3A_310, %add3A_458 : vector<16xi32>
          %add3A_460 = vector.broadcast %scan3A_404 : i32 to vector<16xi32>
          %add3A_461 = arith.addi %add3A_459, %add3A_460 : vector<16xi32>
          %gather3A_462 = tpu.vector_load_idx %arg30[%add3A_461] : memref<4128xf32, #tpu.memory_space<vmem>>[vector<16xi32>], vector<16xf32>,
          %gather3A_463 = tpu.vector_load_idx %arg31[%add3A_461] : memref<4128xf32, #tpu.memory_space<vmem>>[vector<16xi32>], vector<16xf32>,
          %mul3A_464 = arith.mulf %gather3A_462, %gather3A_463 : vector<16xf32>
          %add3A_465 = arith.addf %scan3A_410, %mul3A_464 : vector<16xf32>
          %add3A_466 = arith.constant 96 : i32
          %add3A_467 = vector.broadcast %add3A_466 : i32 to vector<16xi32>
          %add3A_468 = arith.addi %mul3A_310, %add3A_467 : vector<16xi32>
          %add3A_469 = vector.broadcast %scan3A_404 : i32 to vector<16xi32>
          %add3A_470 = arith.addi %add3A_468, %add3A_469 : vector<16xi32>
          %gather3A_471 = tpu.vector_load_idx %arg30[%add3A_470] : memref<4128xf32, #tpu.memory_space<vmem>>[vector<16xi32>], vector<16xf32>,
          %gather3A_472 = tpu.vector_load_idx %arg31[%add3A_470] : memref<4128xf32, #tpu.memory_space<vmem>>[vector<16xi32>], vector<16xf32>,
          %mul3A_473 = arith.mulf %gather3A_471, %gather3A_472 : vector<16xf32>
          %add3A_474 = arith.addf %scan3A_411, %mul3A_473 : vector<16xf32>
          %add3A_475 = arith.constant 112 : i32
          %add3A_476 = vector.broadcast %add3A_475 : i32 to vector<16xi32>
          %add3A_477 = arith.addi %mul3A_310, %add3A_476 : vector<16xi32>
          %add3A_478 = vector.broadcast %scan3A_404 : i32 to vector<16xi32>
          %add3A_479 = arith.addi %add3A_477, %add3A_478 : vector<16xi32>
          %gather3A_480 = tpu.vector_load_idx %arg30[%add3A_479] : memref<4128xf32, #tpu.memory_space<vmem>>[vector<16xi32>], vector<16xf32>,
          %gather3A_481 = tpu.vector_load_idx %arg31[%add3A_479] : memref<4128xf32, #tpu.memory_space<vmem>>[vector<16xi32>], vector<16xf32>,
          %mul3A_482 = arith.mulf %gather3A_480, %gather3A_481 : vector<16xf32>
          %add3A_483 = arith.addf %scan3A_412, %mul3A_482 : vector<16xf32>
          scf.yield %add3A_420, %add3A_429, %add3A_438, %add3A_447, %add3A_456, %add3A_465, %add3A_474, %add3A_483 : vector<16xf32>, vector<16xf32>, vector<16xf32>, vector<16xf32>, vector<16xf32>, vector<16xf32>, vector<16xf32>, vector<16xf32>
        }
        %scan3A_316 = arith.constant 16 : i32
        %mul3A_317 = arith.constant 2.500000e-01 : f32
        %mul3A_318 = vector.broadcast %mul3A_317 : f32 to vector<16xf32>
        %mul3A_319 = arith.mulf %scan3A_315#0, %mul3A_318 : vector<16xf32>
        %exp3A_320 = math.exp %mul3A_319 : vector<16xf32>
        %broadcast_in_dim3A_321 = arith.constant 0 : i32
        %broadcast_in_dim3A_322 = vector.broadcast %broadcast_in_dim3A_321 : i32 to vector<16xi32>
        tpu.vector_store_idx %arg29[%add3A_307, %broadcast_in_dim3A_322], %exp3A_320 : memref<32x16xf32, #tpu.memory_space<vmem>>[vector<16xi32>, vector<16xi32>], vector<16xf32>,
        %mul3A_323 = arith.constant 2.500000e-01 : f32
        %mul3A_324 = vector.broadcast %mul3A_323 : f32 to vector<16xf32>
        %mul3A_325 = arith.mulf %scan3A_315#1, %mul3A_324 : vector<16xf32>
        %exp3A_326 = math.exp %mul3A_325 : vector<16xf32>
        %broadcast_in_dim3A_327 = arith.constant 1 : i32
        %broadcast_in_dim3A_328 = vector.broadcast %broadcast_in_dim3A_327 : i32 to vector<16xi32>
        tpu.vector_store_idx %arg29[%add3A_307, %broadcast_in_dim3A_328], %exp3A_326 : memref<32x16xf32, #tpu.memory_space<vmem>>[vector<16xi32>, vector<16xi32>], vector<16xf32>,
        %mul3A_329 = arith.constant 2.500000e-01 : f32
        %mul3A_330 = vector.broadcast %mul3A_329 : f32 to vector<16xf32>
        %mul3A_331 = arith.mulf %scan3A_315#2, %mul3A_330 : vector<16xf32>
        %exp3A_332 = math.exp %mul3A_331 : vector<16xf32>
        %broadcast_in_dim3A_333 = arith.constant 2 : i32
        %broadcast_in_dim3A_334 = vector.broadcast %broadcast_in_dim3A_333 : i32 to vector<16xi32>
        tpu.vector_store_idx %arg29[%add3A_307, %broadcast_in_dim3A_334], %exp3A_332 : memref<32x16xf32, #tpu.memory_space<vmem>>[vector<16xi32>, vector<16xi32>], vector<16xf32>,
        %mul3A_335 = arith.constant 2.500000e-01 : f32
        %mul3A_336 = vector.broadcast %mul3A_335 : f32 to vector<16xf32>
        %mul3A_337 = arith.mulf %scan3A_315#3, %mul3A_336 : vector<16xf32>
        %exp3A_338 = math.exp %mul3A_337 : vector<16xf32>
        %broadcast_in_dim3A_339 = arith.constant 3 : i32
        %broadcast_in_dim3A_340 = vector.broadcast %broadcast_in_dim3A_339 : i32 to vector<16xi32>
        tpu.vector_store_idx %arg29[%add3A_307, %broadcast_in_dim3A_340], %exp3A_338 : memref<32x16xf32, #tpu.memory_space<vmem>>[vector<16xi32>, vector<16xi32>], vector<16xf32>,
        %mul3A_341 = arith.constant 2.500000e-01 : f32
        %mul3A_342 = vector.broadcast %mul3A_341 : f32 to vector<16xf32>
        %mul3A_343 = arith.mulf %scan3A_315#4, %mul3A_342 : vector<16xf32>
        %exp3A_344 = math.exp %mul3A_343 : vector<16xf32>
        %broadcast_in_dim3A_345 = arith.constant 4 : i32
        %broadcast_in_dim3A_346 = vector.broadcast %broadcast_in_dim3A_345 : i32 to vector<16xi32>
        tpu.vector_store_idx %arg29[%add3A_307, %broadcast_in_dim3A_346], %exp3A_344 : memref<32x16xf32, #tpu.memory_space<vmem>>[vector<16xi32>, vector<16xi32>], vector<16xf32>,
        %mul3A_347 = arith.constant 2.500000e-01 : f32
        %mul3A_348 = vector.broadcast %mul3A_347 : f32 to vector<16xf32>
        %mul3A_349 = arith.mulf %scan3A_315#5, %mul3A_348 : vector<16xf32>
        %exp3A_350 = math.exp %mul3A_349 : vector<16xf32>
        %broadcast_in_dim3A_351 = arith.constant 5 : i32
        %broadcast_in_dim3A_352 = vector.broadcast %broadcast_in_dim3A_351 : i32 to vector<16xi32>
        tpu.vector_store_idx %arg29[%add3A_307, %broadcast_in_dim3A_352], %exp3A_350 : memref<32x16xf32, #tpu.memory_space<vmem>>[vector<16xi32>, vector<16xi32>], vector<16xf32>,
        %mul3A_353 = arith.constant 2.500000e-01 : f32
        %mul3A_354 = vector.broadcast %mul3A_353 : f32 to vector<16xf32>
        %mul3A_355 = arith.mulf %scan3A_315#6, %mul3A_354 : vector<16xf32>
        %exp3A_356 = math.exp %mul3A_355 : vector<16xf32>
        %broadcast_in_dim3A_357 = arith.constant 6 : i32
        %broadcast_in_dim3A_358 = vector.broadcast %broadcast_in_dim3A_357 : i32 to vector<16xi32>
        tpu.vector_store_idx %arg29[%add3A_307, %broadcast_in_dim3A_358], %exp3A_356 : memref<32x16xf32, #tpu.memory_space<vmem>>[vector<16xi32>, vector<16xi32>], vector<16xf32>,
        %mul3A_359 = arith.constant 2.500000e-01 : f32
        %mul3A_360 = vector.broadcast %mul3A_359 : f32 to vector<16xf32>
        %mul3A_361 = arith.mulf %scan3A_315#7, %mul3A_360 : vector<16xf32>
        %exp3A_362 = math.exp %mul3A_361 : vector<16xf32>
        %broadcast_in_dim3A_363 = arith.constant 7 : i32
        %broadcast_in_dim3A_364 = vector.broadcast %broadcast_in_dim3A_363 : i32 to vector<16xi32>
        tpu.vector_store_idx %arg29[%add3A_307, %broadcast_in_dim3A_364], %exp3A_362 : memref<32x16xf32, #tpu.memory_space<vmem>>[vector<16xi32>, vector<16xi32>], vector<16xf32>,
        %ge3A_365 = arith.constant 1 : i32
        %ge3A_366 = arith.cmpi sge, %add3A_228, %ge3A_365 : i32
        %convert_element_type3A_367 = arith.extui %ge3A_366 : i1 to i32
        %cond3A_368 = arith.constant 0 : i32
        %cond3A_369 = arith.cmpi ne, %convert_element_type3A_367, %cond3A_368 : i32
        scf.if %cond3A_369 {
          %dma_wait3A_404 = arith.constant 0 : i32
          %dma_wait3A_405 = arith.constant 0 : i32
          %dma_wait3A_406 = tpu.memref_slice %arg14[%dma_wait3A_404, %dma_wait3A_405] : memref<10008x128xf32, #tpu.memory_space<vmem_shared>> -> memref<10008x128xf32, #tpu.memory_space<vmem_shared>>
          tpu.wait_indirect_dma semaphore(%arg36 : memref<!tpu.dma_semaphore, #tpu.memory_space<semaphore_mem>>) src(%arg26 : memref<32x128xf32, #tpu.memory_space<vmem>>) dst(%dma_wait3A_406 : memref<10008x128xf32, #tpu.memory_space<vmem_shared>>)
          %dma_wait3A_407 = arith.constant 0 : i32
          %dma_wait3A_408 = arith.constant 0 : i32
          %dma_wait3A_409 = tpu.memref_slice %arg15[%dma_wait3A_407, %dma_wait3A_408] : memref<10008x16xf32, #tpu.memory_space<vmem_shared>> -> memref<10008x16xf32, #tpu.memory_space<vmem_shared>>
          tpu.wait_indirect_dma semaphore(%arg36 : memref<!tpu.dma_semaphore, #tpu.memory_space<semaphore_mem>>) src(%arg28 : memref<32x16xf32, #tpu.memory_space<vmem>>) dst(%dma_wait3A_409 : memref<10008x16xf32, #tpu.memory_space<vmem_shared>>)
        } else {
        }
        %lt3A_370 = arith.constant 313 : i32
        %lt3A_371 = arith.cmpi slt, %add3A_228, %lt3A_370 : i32
        %convert_element_type3A_372 = arith.extui %lt3A_371 : i1 to i32
        %cond3A_373 = arith.constant 0 : i32
        %cond3A_374 = arith.cmpi ne, %convert_element_type3A_372, %cond3A_373 : i32
        scf.if %cond3A_374 {
          %dma_start3A_404 = arith.constant 0 : i32
          %dma_start3A_405 = arith.constant 0 : i32
          %dma_start3A_406 = tpu.memref_slice %arg7[%dma_start3A_404, %dma_start3A_405] : memref<10008x128xf32, #tpu.memory_space<hbm>> -> memref<10008x128xf32, #tpu.memory_space<hbm>>
          tpu.enqueue_indirect_dma source(%dma_start3A_406 : memref<10008x128xf32, #tpu.memory_space<hbm>>) target(%arg26 : memref<32x128xf32, #tpu.memory_space<vmem>>) offsets(%arg16 : memref<32xi32, #tpu.memory_space<vmem>>) semaphore(%arg34 : memref<!tpu.dma_semaphore, #tpu.memory_space<semaphore_mem>>)
        } else {
        }
        %dma_wait3A_375 = arith.constant 0 : i32
        %dma_wait3A_376 = arith.constant 0 : i32
        %dma_wait3A_377 = tpu.memref_slice %arg7[%dma_wait3A_375, %dma_wait3A_376] : memref<10008x128xf32, #tpu.memory_space<hbm>> -> memref<10008x128xf32, #tpu.memory_space<hbm>>
        tpu.wait_indirect_dma semaphore(%arg35 : memref<!tpu.dma_semaphore, #tpu.memory_space<semaphore_mem>>) src(%dma_wait3A_377 : memref<10008x128xf32, #tpu.memory_space<hbm>>) dst(%arg27 : memref<32x128xf32, #tpu.memory_space<vmem>>)
        %scan3A_378 = arith.constant 0 : i32
        %scan3A_379 = arith.constant 32 : i32
        %scan3A_380 = arith.addi %scan3A_378, %scan3A_379 : i32
        %scan3A_381 = arith.constant 1 : i32
        scf.for %scan3A_404 = %scan3A_378 to %scan3A_380 step %scan3A_381  : i32 {
          %get3A_405 = arith.index_cast %scan3A_404 : i32 to index
          %get3A_406 = arith.constant 0 : index
          %get3A_407 = tpu.vector_load %arg29[%get3A_405, %get3A_406] {strides = array<i32>} : memref<32x16xf32, #tpu.memory_space<vmem>>, vector<16xf32>,
          %slice3A = vector.extract_strided_slice %get3A_407 {offsets = [0], sizes = [1], strides = [1]} : vector<16xf32> to vector<1xf32>
          %squeeze3A = vector.extract %slice3A[0] : f32 from vector<1xf32>
          %get3A_408 = arith.index_cast %scan3A_404 : i32 to index
          %get3A_409 = arith.constant 0 : index
          %get3A_410 = tpu.vector_load %arg27[%get3A_408, %get3A_409] {strides = array<i32>} : memref<32x128xf32, #tpu.memory_space<vmem>>, vector<16xf32>,
          %mul3A_411 = vector.broadcast %squeeze3A : f32 to vector<16xf32>
          %mul3A_412 = arith.mulf %get3A_410, %mul3A_411 : vector<16xf32>
          %swap3A_413 = arith.index_cast %scan3A_404 : i32 to index
          %swap3A_414 = arith.constant 0 : index
          %swap3A_415 = tpu.vector_load %arg27[%swap3A_413, %swap3A_414] {strides = array<i32>} : memref<32x128xf32, #tpu.memory_space<vmem>>, vector<16xf32>,
          tpu.vector_store %arg27[%swap3A_413, %swap3A_414], %mul3A_412 {strides = array<i32>} : memref<32x128xf32, #tpu.memory_space<vmem>>, vector<16xf32>,
          %slice3A_416 = vector.extract_strided_slice %get3A_407 {offsets = [1], sizes = [1], strides = [1]} : vector<16xf32> to vector<1xf32>
          %squeeze3A_417 = vector.extract %slice3A_416[0] : f32 from vector<1xf32>
          %get3A_418 = arith.index_cast %scan3A_404 : i32 to index
          %get3A_419 = arith.constant 16 : index
          %get3A_420 = tpu.vector_load %arg27[%get3A_418, %get3A_419] {strides = array<i32>} : memref<32x128xf32, #tpu.memory_space<vmem>>, vector<16xf32>,
          %mul3A_421 = vector.broadcast %squeeze3A_417 : f32 to vector<16xf32>
          %mul3A_422 = arith.mulf %get3A_420, %mul3A_421 : vector<16xf32>
          %swap3A_423 = arith.index_cast %scan3A_404 : i32 to index
          %swap3A_424 = arith.constant 16 : index
          %swap3A_425 = tpu.vector_load %arg27[%swap3A_423, %swap3A_424] {strides = array<i32>} : memref<32x128xf32, #tpu.memory_space<vmem>>, vector<16xf32>,
          tpu.vector_store %arg27[%swap3A_423, %swap3A_424], %mul3A_422 {strides = array<i32>} : memref<32x128xf32, #tpu.memory_space<vmem>>, vector<16xf32>,
          %slice3A_426 = vector.extract_strided_slice %get3A_407 {offsets = [2], sizes = [1], strides = [1]} : vector<16xf32> to vector<1xf32>
          %squeeze3A_427 = vector.extract %slice3A_426[0] : f32 from vector<1xf32>
          %get3A_428 = arith.index_cast %scan3A_404 : i32 to index
          %get3A_429 = arith.constant 32 : index
          %get3A_430 = tpu.vector_load %arg27[%get3A_428, %get3A_429] {strides = array<i32>} : memref<32x128xf32, #tpu.memory_space<vmem>>, vector<16xf32>,
          %mul3A_431 = vector.broadcast %squeeze3A_427 : f32 to vector<16xf32>
          %mul3A_432 = arith.mulf %get3A_430, %mul3A_431 : vector<16xf32>
          %swap3A_433 = arith.index_cast %scan3A_404 : i32 to index
          %swap3A_434 = arith.constant 32 : index
          %swap3A_435 = tpu.vector_load %arg27[%swap3A_433, %swap3A_434] {strides = array<i32>} : memref<32x128xf32, #tpu.memory_space<vmem>>, vector<16xf32>,
          tpu.vector_store %arg27[%swap3A_433, %swap3A_434], %mul3A_432 {strides = array<i32>} : memref<32x128xf32, #tpu.memory_space<vmem>>, vector<16xf32>,
          %slice3A_436 = vector.extract_strided_slice %get3A_407 {offsets = [3], sizes = [1], strides = [1]} : vector<16xf32> to vector<1xf32>
          %squeeze3A_437 = vector.extract %slice3A_436[0] : f32 from vector<1xf32>
          %get3A_438 = arith.index_cast %scan3A_404 : i32 to index
          %get3A_439 = arith.constant 48 : index
          %get3A_440 = tpu.vector_load %arg27[%get3A_438, %get3A_439] {strides = array<i32>} : memref<32x128xf32, #tpu.memory_space<vmem>>, vector<16xf32>,
          %mul3A_441 = vector.broadcast %squeeze3A_437 : f32 to vector<16xf32>
          %mul3A_442 = arith.mulf %get3A_440, %mul3A_441 : vector<16xf32>
          %swap3A_443 = arith.index_cast %scan3A_404 : i32 to index
          %swap3A_444 = arith.constant 48 : index
          %swap3A_445 = tpu.vector_load %arg27[%swap3A_443, %swap3A_444] {strides = array<i32>} : memref<32x128xf32, #tpu.memory_space<vmem>>, vector<16xf32>,
          tpu.vector_store %arg27[%swap3A_443, %swap3A_444], %mul3A_442 {strides = array<i32>} : memref<32x128xf32, #tpu.memory_space<vmem>>, vector<16xf32>,
          %slice3A_446 = vector.extract_strided_slice %get3A_407 {offsets = [4], sizes = [1], strides = [1]} : vector<16xf32> to vector<1xf32>
          %squeeze3A_447 = vector.extract %slice3A_446[0] : f32 from vector<1xf32>
          %get3A_448 = arith.index_cast %scan3A_404 : i32 to index
          %get3A_449 = arith.constant 64 : index
          %get3A_450 = tpu.vector_load %arg27[%get3A_448, %get3A_449] {strides = array<i32>} : memref<32x128xf32, #tpu.memory_space<vmem>>, vector<16xf32>,
          %mul3A_451 = vector.broadcast %squeeze3A_447 : f32 to vector<16xf32>
          %mul3A_452 = arith.mulf %get3A_450, %mul3A_451 : vector<16xf32>
          %swap3A_453 = arith.index_cast %scan3A_404 : i32 to index
          %swap3A_454 = arith.constant 64 : index
          %swap3A_455 = tpu.vector_load %arg27[%swap3A_453, %swap3A_454] {strides = array<i32>} : memref<32x128xf32, #tpu.memory_space<vmem>>, vector<16xf32>,
          tpu.vector_store %arg27[%swap3A_453, %swap3A_454], %mul3A_452 {strides = array<i32>} : memref<32x128xf32, #tpu.memory_space<vmem>>, vector<16xf32>,
          %slice3A_456 = vector.extract_strided_slice %get3A_407 {offsets = [5], sizes = [1], strides = [1]} : vector<16xf32> to vector<1xf32>
          %squeeze3A_457 = vector.extract %slice3A_456[0] : f32 from vector<1xf32>
          %get3A_458 = arith.index_cast %scan3A_404 : i32 to index
          %get3A_459 = arith.constant 80 : index
          %get3A_460 = tpu.vector_load %arg27[%get3A_458, %get3A_459] {strides = array<i32>} : memref<32x128xf32, #tpu.memory_space<vmem>>, vector<16xf32>,
          %mul3A_461 = vector.broadcast %squeeze3A_457 : f32 to vector<16xf32>
          %mul3A_462 = arith.mulf %get3A_460, %mul3A_461 : vector<16xf32>
          %swap3A_463 = arith.index_cast %scan3A_404 : i32 to index
          %swap3A_464 = arith.constant 80 : index
          %swap3A_465 = tpu.vector_load %arg27[%swap3A_463, %swap3A_464] {strides = array<i32>} : memref<32x128xf32, #tpu.memory_space<vmem>>, vector<16xf32>,
          tpu.vector_store %arg27[%swap3A_463, %swap3A_464], %mul3A_462 {strides = array<i32>} : memref<32x128xf32, #tpu.memory_space<vmem>>, vector<16xf32>,
          %slice3A_466 = vector.extract_strided_slice %get3A_407 {offsets = [6], sizes = [1], strides = [1]} : vector<16xf32> to vector<1xf32>
          %squeeze3A_467 = vector.extract %slice3A_466[0] : f32 from vector<1xf32>
          %get3A_468 = arith.index_cast %scan3A_404 : i32 to index
          %get3A_469 = arith.constant 96 : index
          %get3A_470 = tpu.vector_load %arg27[%get3A_468, %get3A_469] {strides = array<i32>} : memref<32x128xf32, #tpu.memory_space<vmem>>, vector<16xf32>,
          %mul3A_471 = vector.broadcast %squeeze3A_467 : f32 to vector<16xf32>
          %mul3A_472 = arith.mulf %get3A_470, %mul3A_471 : vector<16xf32>
          %swap3A_473 = arith.index_cast %scan3A_404 : i32 to index
          %swap3A_474 = arith.constant 96 : index
          %swap3A_475 = tpu.vector_load %arg27[%swap3A_473, %swap3A_474] {strides = array<i32>} : memref<32x128xf32, #tpu.memory_space<vmem>>, vector<16xf32>,
          tpu.vector_store %arg27[%swap3A_473, %swap3A_474], %mul3A_472 {strides = array<i32>} : memref<32x128xf32, #tpu.memory_space<vmem>>, vector<16xf32>,
          %slice3A_476 = vector.extract_strided_slice %get3A_407 {offsets = [7], sizes = [1], strides = [1]} : vector<16xf32> to vector<1xf32>
          %squeeze3A_477 = vector.extract %slice3A_476[0] : f32 from vector<1xf32>
          %get3A_478 = arith.index_cast %scan3A_404 : i32 to index
          %get3A_479 = arith.constant 112 : index
          %get3A_480 = tpu.vector_load %arg27[%get3A_478, %get3A_479] {strides = array<i32>} : memref<32x128xf32, #tpu.memory_space<vmem>>, vector<16xf32>,
          %mul3A_481 = vector.broadcast %squeeze3A_477 : f32 to vector<16xf32>
          %mul3A_482 = arith.mulf %get3A_480, %mul3A_481 : vector<16xf32>
          %swap3A_483 = arith.index_cast %scan3A_404 : i32 to index
          %swap3A_484 = arith.constant 112 : index
          %swap3A_485 = tpu.vector_load %arg27[%swap3A_483, %swap3A_484] {strides = array<i32>} : memref<32x128xf32, #tpu.memory_space<vmem>>, vector<16xf32>,
          tpu.vector_store %arg27[%swap3A_483, %swap3A_484], %mul3A_482 {strides = array<i32>} : memref<32x128xf32, #tpu.memory_space<vmem>>, vector<16xf32>,
        }
        %scan3A_382 = arith.constant 32 : i32
        %get3A_383 = arith.constant 0 : index
        %get3A_384 = tpu.vector_load %arg19[%get3A_383] {strides = array<i32>} : memref<32xi32, #tpu.memory_space<vmem>>, vector<16xi32>,
        %swap3A_385 = arith.constant 0 : index
        %swap3A_386 = tpu.vector_load %arg21[%swap3A_385] {strides = array<i32>} : memref<32xi32, #tpu.memory_space<vmem>>, vector<16xi32>,
        tpu.vector_store %arg21[%swap3A_385], %get3A_384 {strides = array<i32>} : memref<32xi32, #tpu.memory_space<vmem>>, vector<16xi32>,
        %get3A_387 = arith.constant 16 : index
        %get3A_388 = tpu.vector_load %arg19[%get3A_387] {strides = array<i32>} : memref<32xi32, #tpu.memory_space<vmem>>, vector<16xi32>,
        %swap3A_389 = arith.constant 16 : index
        %swap3A_390 = tpu.vector_load %arg21[%swap3A_389] {strides = array<i32>} : memref<32xi32, #tpu.memory_space<vmem>>, vector<16xi32>,
        tpu.vector_store %arg21[%swap3A_389], %get3A_388 {strides = array<i32>} : memref<32xi32, #tpu.memory_space<vmem>>, vector<16xi32>,
        %dma_start3A_391 = arith.constant 0 : i32
        %dma_start3A_392 = arith.constant 0 : i32
        %dma_start3A_393 = tpu.memref_slice %arg14[%dma_start3A_391, %dma_start3A_392] : memref<10008x128xf32, #tpu.memory_space<vmem_shared>> -> memref<10008x128xf32, #tpu.memory_space<vmem_shared>>
        tpu.enqueue_indirect_dma source(%arg27 : memref<32x128xf32, #tpu.memory_space<vmem>>) target(%dma_start3A_393 : memref<10008x128xf32, #tpu.memory_space<vmem_shared>>) offsets(%arg21 : memref<32xi32, #tpu.memory_space<vmem>>) semaphore(%arg37 : memref<!tpu.dma_semaphore, #tpu.memory_space<semaphore_mem>>) {add = true}
        %dma_start3A_394 = arith.constant 0 : i32
        %dma_start3A_395 = arith.constant 0 : i32
        %dma_start3A_396 = tpu.memref_slice %arg15[%dma_start3A_394, %dma_start3A_395] : memref<10008x16xf32, #tpu.memory_space<vmem_shared>> -> memref<10008x16xf32, #tpu.memory_space<vmem_shared>>
        tpu.enqueue_indirect_dma source(%arg29 : memref<32x16xf32, #tpu.memory_space<vmem>>) target(%dma_start3A_396 : memref<10008x16xf32, #tpu.memory_space<vmem_shared>>) offsets(%arg21 : memref<32xi32, #tpu.memory_space<vmem>>) semaphore(%arg37 : memref<!tpu.dma_semaphore, #tpu.memory_space<semaphore_mem>>) {add = true}
        %add3A_397 = arith.constant 2 : i32
        %add3A_398 = arith.addi %add3A_228, %add3A_397 : i32
        %lt3A_399 = arith.constant 314 : i32
        %lt3A_400 = arith.cmpi slt, %add3A_398, %lt3A_399 : i32
        %convert_element_type3A_401 = arith.extui %lt3A_400 : i1 to i32
        %cond3A_402 = arith.constant 0 : i32
        %cond3A_403 = arith.cmpi ne, %convert_element_type3A_401, %cond3A_402 : i32
        scf.if %cond3A_403 {
          %add3A_404 = arith.constant 2 : i32
          %add3A_405 = arith.addi %add3A_228, %add3A_404 : i32
          %mul3A_406 = arith.constant 32 : i32
          %mul3A_407 = arith.muli %add3A_405, %mul3A_406 : i32
          %add3A_408 = arith.addi %mul3A_22, %mul3A_407 : i32
          %dma_start3A_409 = tpu.memref_slice %arg8[%add3A_408] : memref<160768xi32, #tpu.memory_space<hbm>> -> memref<32xi32, #tpu.memory_space<hbm>>
          %dma_start3A_410 = tpu.memref_slice %arg8[%add3A_408] : memref<160768xi32, #tpu.memory_space<hbm>> -> memref<32xi32, #tpu.memory_space<hbm>>
          tpu.enqueue_dma source(%dma_start3A_410 : memref<32xi32, #tpu.memory_space<hbm>>) target(%arg17 : memref<32xi32, #tpu.memory_space<vmem>>) target_semaphore(%arg39 : memref<!tpu.dma_semaphore, #tpu.memory_space<semaphore_mem>>)
          %dma_start3A_411 = tpu.memref_slice %arg9[%add3A_408] : memref<160768xi32, #tpu.memory_space<hbm>> -> memref<32xi32, #tpu.memory_space<hbm>>
          %dma_start3A_412 = tpu.memref_slice %arg9[%add3A_408] : memref<160768xi32, #tpu.memory_space<hbm>> -> memref<32xi32, #tpu.memory_space<hbm>>
          tpu.enqueue_dma source(%dma_start3A_412 : memref<32xi32, #tpu.memory_space<hbm>>) target(%arg19 : memref<32xi32, #tpu.memory_space<vmem>>) target_semaphore(%arg39 : memref<!tpu.dma_semaphore, #tpu.memory_space<semaphore_mem>>)
        } else {
        }
      }
      %scan3A_43 = arith.constant 157 : i32
      %dma_wait3A = arith.constant 0 : i32
      %dma_wait3A_44 = arith.constant 0 : i32
      %dma_wait3A_45 = tpu.memref_slice %arg14[%dma_wait3A, %dma_wait3A_44] : memref<10008x128xf32, #tpu.memory_space<vmem_shared>> -> memref<10008x128xf32, #tpu.memory_space<vmem_shared>>
      tpu.wait_indirect_dma semaphore(%arg37 : memref<!tpu.dma_semaphore, #tpu.memory_space<semaphore_mem>>) src(%arg27 : memref<32x128xf32, #tpu.memory_space<vmem>>) dst(%dma_wait3A_45 : memref<10008x128xf32, #tpu.memory_space<vmem_shared>>)
      %dma_wait3A_46 = arith.constant 0 : i32
      %dma_wait3A_47 = arith.constant 0 : i32
      %dma_wait3A_48 = tpu.memref_slice %arg15[%dma_wait3A_46, %dma_wait3A_47] : memref<10008x16xf32, #tpu.memory_space<vmem_shared>> -> memref<10008x16xf32, #tpu.memory_space<vmem_shared>>
      tpu.wait_indirect_dma semaphore(%arg37 : memref<!tpu.dma_semaphore, #tpu.memory_space<semaphore_mem>>) src(%arg29 : memref<32x16xf32, #tpu.memory_space<vmem>>) dst(%dma_wait3A_48 : memref<10008x16xf32, #tpu.memory_space<vmem_shared>>)
      %barrier3A_49 = arith.constant 0 : index
      tpu.barrier barrier_id(%barrier3A_49)
      "tpu.region"() ({
        %run_scoped3A = tpu.sem_alloc : memref<!tpu.dma_semaphore, #tpu.memory_space<semaphore_mem>>
        %dma_start3A_50 = arith.constant 0 : i32
        %dma_start3A_51 = tpu.memref_slice %arg12[%mul3A_12, %dma_start3A_50] : memref<10000x128xf32, #tpu.memory_space<hbm>> -> memref<625x128xf32, #tpu.memory_space<hbm>>
        %dma_start3A_52 = arith.constant 0 : i32
        %dma_start3A_53 = tpu.memref_slice %arg14[%mul3A_12, %dma_start3A_52] : memref<10008x128xf32, #tpu.memory_space<vmem_shared>> -> memref<625x128xf32, #tpu.memory_space<vmem_shared>>
        tpu.enqueue_dma source(%dma_start3A_53 : memref<625x128xf32, #tpu.memory_space<vmem_shared>>) target(%dma_start3A_51 : memref<625x128xf32, #tpu.memory_space<hbm>>) target_semaphore(%run_scoped3A : memref<!tpu.dma_semaphore, #tpu.memory_space<semaphore_mem>>)
        %dma_wait3A_54 = arith.constant 0 : i32
        %dma_wait3A_55 = tpu.memref_slice %arg12[%mul3A_12, %dma_wait3A_54] : memref<10000x128xf32, #tpu.memory_space<hbm>> -> memref<625x128xf32, #tpu.memory_space<hbm>>
        %dma_wait3A_56 = arith.constant 0 : i32
        %dma_wait3A_57 = tpu.memref_slice %arg14[%mul3A_12, %dma_wait3A_56] : memref<10008x128xf32, #tpu.memory_space<vmem_shared>> -> memref<625x128xf32, #tpu.memory_space<vmem_shared>>
        tpu.wait_dma2 semaphore(%run_scoped3A : memref<!tpu.dma_semaphore, #tpu.memory_space<semaphore_mem>>) src(%dma_wait3A_57 : memref<625x128xf32, #tpu.memory_space<vmem_shared>>) dst(%dma_wait3A_55 : memref<625x128xf32, #tpu.memory_space<hbm>>)
        tpu.yield
      }) : () -> ()
      "tpu.region"() ({
        %run_scoped3A = tpu.sem_alloc : memref<!tpu.dma_semaphore, #tpu.memory_space<semaphore_mem>>
        %dma_start3A_50 = arith.constant 0 : i32
        %dma_start3A_51 = tpu.memref_slice %arg13[%mul3A_12, %dma_start3A_50] : memref<10000x16xf32, #tpu.memory_space<hbm>> -> memref<625x16xf32, #tpu.memory_space<hbm>>
        %dma_start3A_52 = arith.constant 0 : i32
        %dma_start3A_53 = tpu.memref_slice %arg15[%mul3A_12, %dma_start3A_52] : memref<10008x16xf32, #tpu.memory_space<vmem_shared>> -> memref<625x16xf32, #tpu.memory_space<vmem_shared>>
        tpu.enqueue_dma source(%dma_start3A_53 : memref<625x16xf32, #tpu.memory_space<vmem_shared>>) target(%dma_start3A_51 : memref<625x16xf32, #tpu.memory_space<hbm>>) target_semaphore(%run_scoped3A : memref<!tpu.dma_semaphore, #tpu.memory_space<semaphore_mem>>)
        %dma_wait3A_54 = arith.constant 0 : i32
        %dma_wait3A_55 = tpu.memref_slice %arg13[%mul3A_12, %dma_wait3A_54] : memref<10000x16xf32, #tpu.memory_space<hbm>> -> memref<625x16xf32, #tpu.memory_space<hbm>>
        %dma_wait3A_56 = arith.constant 0 : i32
        %dma_wait3A_57 = tpu.memref_slice %arg15[%mul3A_12, %dma_wait3A_56] : memref<10008x16xf32, #tpu.memory_space<vmem_shared>> -> memref<625x16xf32, #tpu.memory_space<vmem_shared>>
        tpu.wait_dma2 semaphore(%run_scoped3A : memref<!tpu.dma_semaphore, #tpu.memory_space<semaphore_mem>>) src(%dma_wait3A_57 : memref<625x16xf32, #tpu.memory_space<vmem_shared>>) dst(%dma_wait3A_55 : memref<625x16xf32, #tpu.memory_space<hbm>>)
        tpu.yield
      }) : () -> ()
    } else {
    }
    return
  }
}

module attributes {stable_mosaic.version = 14 : i64} {
  func.func @_proj_body(%arg0: i32, %arg1: memref<1000x256xf32, #tpu.memory_space<vmem>>, %arg2: memref<256x256xf32, #tpu.memory_space<vmem>>, %arg3: memref<1x256xf32, #tpu.memory_space<vmem>>, %arg4: memref<256x256xf32, #tpu.memory_space<vmem>>, %arg5: memref<1x256xf32, #tpu.memory_space<vmem>>, %arg6: memref<256x256xf32, #tpu.memory_space<vmem>>, %arg7: memref<1x256xf32, #tpu.memory_space<vmem>>, %arg8: memref<256x256xf32, #tpu.memory_space<vmem>>, %arg9: memref<1x256xf32, #tpu.memory_space<vmem>>, %arg10: memref<256x256xf32, #tpu.memory_space<vmem>>, %arg11: memref<1x256xf32, #tpu.memory_space<vmem>>, %arg12: memref<1000x128xf32, #tpu.memory_space<vmem>>, %arg13: memref<1000x128xf32, #tpu.memory_space<vmem>>, %arg14: memref<1000x128xf32, #tpu.memory_space<vmem>>, %arg15: memref<1000x128xf32, #tpu.memory_space<vmem>>, %arg16: memref<1000x128xf32, #tpu.memory_space<vmem>>, %arg17: memref<1000x128xf32, #tpu.memory_space<vmem>>) attributes {dimension_semantics = [#tpu.dimension_semantics<arbitrary>], iteration_bounds = array<i64: 10>, scalar_prefetch = 0 : i64, scratch_operands = 0 : i64, tpu.core_type = #tpu.core_type<tc>, window_params = [{transform_indices = @transform_0, window_bounds = array<i64: 1000, 256>}, {pipeline_mode = #tpu.pipeline_mode<synchronous>, transform_indices = @transform_1, window_bounds = array<i64: 256, 256>}, {pipeline_mode = #tpu.pipeline_mode<synchronous>, transform_indices = @transform_2, window_bounds = array<i64: 1, 256>}, {pipeline_mode = #tpu.pipeline_mode<synchronous>, transform_indices = @transform_3, window_bounds = array<i64: 256, 256>}, {pipeline_mode = #tpu.pipeline_mode<synchronous>, transform_indices = @transform_4, window_bounds = array<i64: 1, 256>}, {pipeline_mode = #tpu.pipeline_mode<synchronous>, transform_indices = @transform_5, window_bounds = array<i64: 256, 256>}, {pipeline_mode = #tpu.pipeline_mode<synchronous>, transform_indices = @transform_6, window_bounds = array<i64: 1, 256>}, {pipeline_mode = #tpu.pipeline_mode<synchronous>, transform_indices = @transform_7, window_bounds = array<i64: 256, 256>}, {pipeline_mode = #tpu.pipeline_mode<synchronous>, transform_indices = @transform_8, window_bounds = array<i64: 1, 256>}, {pipeline_mode = #tpu.pipeline_mode<synchronous>, transform_indices = @transform_9, window_bounds = array<i64: 256, 256>}, {pipeline_mode = #tpu.pipeline_mode<synchronous>, transform_indices = @transform_10, window_bounds = array<i64: 1, 256>}, {transform_indices = @transform_11, window_bounds = array<i64: 1000, 128>}, {transform_indices = @transform_12, window_bounds = array<i64: 1000, 128>}, {transform_indices = @transform_13, window_bounds = array<i64: 1000, 128>}, {transform_indices = @transform_14, window_bounds = array<i64: 1000, 128>}, {transform_indices = @transform_15, window_bounds = array<i64: 1000, 128>}, {transform_indices = @transform_16, window_bounds = array<i64: 1000, 128>}]} {
    %get3A = arith.constant 0 : index
    %get3A_0 = arith.constant 0 : index
    %get3A_1 = vector.load %arg1[%get3A, %get3A_0] : memref<1000x256xf32, #tpu.memory_space<vmem>>, vector<1000x256xf32>
    %get3A_2 = arith.constant 0 : index
    %get3A_3 = arith.constant 0 : index
    %get3A_4 = vector.load %arg2[%get3A_2, %get3A_3] : memref<256x256xf32, #tpu.memory_space<vmem>>, vector<256x256xf32>
    %dot_general3A = arith.constant dense<0.000000e+00> : vector<1000x256xf32>
    %dot_general3A_5 = tpu.matmul %get3A_1, %get3A_4, %dot_general3A {dimension_numbers = #tpu.dot_dimension_numbers<[1], [0], [0], [1], [0, 0, 1, 1], [], []>, transpose_lhs_hint = false} : vector<1000x256xf32>, vector<256x256xf32>, vector<1000x256xf32> -> vector<1000x256xf32>
    %get3A_6 = arith.constant 0 : index
    %get3A_7 = arith.constant 0 : index
    %get3A_8 = vector.load %arg3[%get3A_6, %get3A_7] : memref<1x256xf32, #tpu.memory_space<vmem>>, vector<1x256xf32>
    %add3A = vector.broadcast %get3A_8 : vector<1x256xf32> to vector<1000x256xf32>
    %add3A_9 = arith.addf %dot_general3A_5, %add3A : vector<1000x256xf32>
    %get3A_10 = arith.constant 0 : index
    %get3A_11 = arith.constant 0 : index
    %get3A_12 = vector.load %arg4[%get3A_10, %get3A_11] : memref<256x256xf32, #tpu.memory_space<vmem>>, vector<256x256xf32>
    %dot_general3A_13 = arith.constant dense<0.000000e+00> : vector<1000x256xf32>
    %dot_general3A_14 = tpu.matmul %get3A_1, %get3A_12, %dot_general3A_13 {dimension_numbers = #tpu.dot_dimension_numbers<[1], [0], [0], [1], [0, 0, 1, 1], [], []>, transpose_lhs_hint = false} : vector<1000x256xf32>, vector<256x256xf32>, vector<1000x256xf32> -> vector<1000x256xf32>
    %get3A_15 = arith.constant 0 : index
    %get3A_16 = arith.constant 0 : index
    %get3A_17 = vector.load %arg5[%get3A_15, %get3A_16] : memref<1x256xf32, #tpu.memory_space<vmem>>, vector<1x256xf32>
    %add3A_18 = vector.broadcast %get3A_17 : vector<1x256xf32> to vector<1000x256xf32>
    %add3A_19 = arith.addf %dot_general3A_14, %add3A_18 : vector<1000x256xf32>
    %get3A_20 = arith.constant 0 : index
    %get3A_21 = arith.constant 0 : index
    %get3A_22 = vector.load %arg10[%get3A_20, %get3A_21] : memref<256x256xf32, #tpu.memory_space<vmem>>, vector<256x256xf32>
    %dot_general3A_23 = arith.constant dense<0.000000e+00> : vector<1000x256xf32>
    %dot_general3A_24 = tpu.matmul %add3A_19, %get3A_22, %dot_general3A_23 {dimension_numbers = #tpu.dot_dimension_numbers<[1], [0], [0], [1], [0, 0, 1, 1], [], []>, transpose_lhs_hint = false} : vector<1000x256xf32>, vector<256x256xf32>, vector<1000x256xf32> -> vector<1000x256xf32>
    %get3A_25 = arith.constant 0 : index
    %get3A_26 = arith.constant 0 : index
    %get3A_27 = vector.load %arg11[%get3A_25, %get3A_26] : memref<1x256xf32, #tpu.memory_space<vmem>>, vector<1x256xf32>
    %add3A_28 = vector.broadcast %get3A_27 : vector<1x256xf32> to vector<1000x256xf32>
    %add3A_29 = arith.addf %dot_general3A_24, %add3A_28 : vector<1000x256xf32>
    %get3A_30 = arith.constant 0 : index
    %get3A_31 = arith.constant 0 : index
    %get3A_32 = vector.load %arg6[%get3A_30, %get3A_31] : memref<256x256xf32, #tpu.memory_space<vmem>>, vector<256x256xf32>
    %dot_general3A_33 = arith.constant dense<0.000000e+00> : vector<1000x256xf32>
    %dot_general3A_34 = tpu.matmul %get3A_1, %get3A_32, %dot_general3A_33 {dimension_numbers = #tpu.dot_dimension_numbers<[1], [0], [0], [1], [0, 0, 1, 1], [], []>, transpose_lhs_hint = false} : vector<1000x256xf32>, vector<256x256xf32>, vector<1000x256xf32> -> vector<1000x256xf32>
    %get3A_35 = arith.constant 0 : index
    %get3A_36 = arith.constant 0 : index
    %get3A_37 = vector.load %arg7[%get3A_35, %get3A_36] : memref<1x256xf32, #tpu.memory_space<vmem>>, vector<1x256xf32>
    %add3A_38 = vector.broadcast %get3A_37 : vector<1x256xf32> to vector<1000x256xf32>
    %add3A_39 = arith.addf %dot_general3A_34, %add3A_38 : vector<1000x256xf32>
    %get3A_40 = arith.constant 0 : index
    %get3A_41 = arith.constant 0 : index
    %get3A_42 = vector.load %arg8[%get3A_40, %get3A_41] : memref<256x256xf32, #tpu.memory_space<vmem>>, vector<256x256xf32>
    %dot_general3A_43 = arith.constant dense<0.000000e+00> : vector<1000x256xf32>
    %dot_general3A_44 = tpu.matmul %add3A_39, %get3A_42, %dot_general3A_43 {dimension_numbers = #tpu.dot_dimension_numbers<[1], [0], [0], [1], [0, 0, 1, 1], [], []>, transpose_lhs_hint = false} : vector<1000x256xf32>, vector<256x256xf32>, vector<1000x256xf32> -> vector<1000x256xf32>
    %get3A_45 = arith.constant 0 : index
    %get3A_46 = arith.constant 0 : index
    %get3A_47 = vector.load %arg9[%get3A_45, %get3A_46] : memref<1x256xf32, #tpu.memory_space<vmem>>, vector<1x256xf32>
    %add3A_48 = vector.broadcast %get3A_47 : vector<1x256xf32> to vector<1000x256xf32>
    %add3A_49 = arith.addf %dot_general3A_44, %add3A_48 : vector<1000x256xf32>
    %slice3A = vector.extract_strided_slice %add3A_9 {offsets = [0, 0], sizes = [1000, 128], strides = [1, 1]} : vector<1000x256xf32> to vector<1000x128xf32>
    %swap3A = arith.constant 0 : index
    %swap3A_50 = arith.constant 0 : index
    %swap3A_51 = vector.load %arg12[%swap3A, %swap3A_50] : memref<1000x128xf32, #tpu.memory_space<vmem>>, vector<1000x128xf32>
    tpu.vector_store %arg12[%swap3A, %swap3A_50], %slice3A {strides = array<i32>} : memref<1000x128xf32, #tpu.memory_space<vmem>>, vector<1000x128xf32>,
    %slice3A_52 = vector.extract_strided_slice %add3A_9 {offsets = [0, 128], sizes = [1000, 128], strides = [1, 1]} : vector<1000x256xf32> to vector<1000x128xf32>
    %swap3A_53 = arith.constant 0 : index
    %swap3A_54 = arith.constant 0 : index
    %swap3A_55 = vector.load %arg13[%swap3A_53, %swap3A_54] : memref<1000x128xf32, #tpu.memory_space<vmem>>, vector<1000x128xf32>
    tpu.vector_store %arg13[%swap3A_53, %swap3A_54], %slice3A_52 {strides = array<i32>} : memref<1000x128xf32, #tpu.memory_space<vmem>>, vector<1000x128xf32>,
    %slice3A_56 = vector.extract_strided_slice %add3A_29 {offsets = [0, 0], sizes = [1000, 128], strides = [1, 1]} : vector<1000x256xf32> to vector<1000x128xf32>
    %swap3A_57 = arith.constant 0 : index
    %swap3A_58 = arith.constant 0 : index
    %swap3A_59 = vector.load %arg14[%swap3A_57, %swap3A_58] : memref<1000x128xf32, #tpu.memory_space<vmem>>, vector<1000x128xf32>
    tpu.vector_store %arg14[%swap3A_57, %swap3A_58], %slice3A_56 {strides = array<i32>} : memref<1000x128xf32, #tpu.memory_space<vmem>>, vector<1000x128xf32>,
    %slice3A_60 = vector.extract_strided_slice %add3A_29 {offsets = [0, 128], sizes = [1000, 128], strides = [1, 1]} : vector<1000x256xf32> to vector<1000x128xf32>
    %swap3A_61 = arith.constant 0 : index
    %swap3A_62 = arith.constant 0 : index
    %swap3A_63 = vector.load %arg15[%swap3A_61, %swap3A_62] : memref<1000x128xf32, #tpu.memory_space<vmem>>, vector<1000x128xf32>
    tpu.vector_store %arg15[%swap3A_61, %swap3A_62], %slice3A_60 {strides = array<i32>} : memref<1000x128xf32, #tpu.memory_space<vmem>>, vector<1000x128xf32>,
    %slice3A_64 = vector.extract_strided_slice %add3A_49 {offsets = [0, 0], sizes = [1000, 128], strides = [1, 1]} : vector<1000x256xf32> to vector<1000x128xf32>
    %swap3A_65 = arith.constant 0 : index
    %swap3A_66 = arith.constant 0 : index
    %swap3A_67 = vector.load %arg16[%swap3A_65, %swap3A_66] : memref<1000x128xf32, #tpu.memory_space<vmem>>, vector<1000x128xf32>
    tpu.vector_store %arg16[%swap3A_65, %swap3A_66], %slice3A_64 {strides = array<i32>} : memref<1000x128xf32, #tpu.memory_space<vmem>>, vector<1000x128xf32>,
    %slice3A_68 = vector.extract_strided_slice %add3A_49 {offsets = [0, 128], sizes = [1000, 128], strides = [1, 1]} : vector<1000x256xf32> to vector<1000x128xf32>
    %swap3A_69 = arith.constant 0 : index
    %swap3A_70 = arith.constant 0 : index
    %swap3A_71 = vector.load %arg17[%swap3A_69, %swap3A_70] : memref<1000x128xf32, #tpu.memory_space<vmem>>, vector<1000x128xf32>
    tpu.vector_store %arg17[%swap3A_69, %swap3A_70], %slice3A_68 {strides = array<i32>} : memref<1000x128xf32, #tpu.memory_space<vmem>>, vector<1000x128xf32>,
    return
  }
  func.func @transform_0(%arg0: i32) -> (i32, i32) {
    %c0_i32 = arith.constant 0 : i32
    %c0_i32_0 = arith.constant 0 : i32
    return %arg0, %c0_i32 : i32, i32
  }
  func.func @transform_1(%arg0: i32) -> (i32, i32) {
    %c0_i32 = arith.constant 0 : i32
    %c0_i32_0 = arith.constant 0 : i32
    %c0_i32_1 = arith.constant 0 : i32
    return %c0_i32, %c0_i32_0 : i32, i32
  }
  func.func @transform_2(%arg0: i32) -> (i32, i32) {
    %c0_i32 = arith.constant 0 : i32
    %c0_i32_0 = arith.constant 0 : i32
    %c0_i32_1 = arith.constant 0 : i32
    return %c0_i32, %c0_i32_0 : i32, i32
  }
  func.func @transform_3(%arg0: i32) -> (i32, i32) {
    %c0_i32 = arith.constant 0 : i32
    %c0_i32_0 = arith.constant 0 : i32
    %c0_i32_1 = arith.constant 0 : i32
    return %c0_i32, %c0_i32_0 : i32, i32
  }
  func.func @transform_4(%arg0: i32) -> (i32, i32) {
    %c0_i32 = arith.constant 0 : i32
    %c0_i32_0 = arith.constant 0 : i32
    %c0_i32_1 = arith.constant 0 : i32
    return %c0_i32, %c0_i32_0 : i32, i32
  }
  func.func @transform_5(%arg0: i32) -> (i32, i32) {
    %c0_i32 = arith.constant 0 : i32
    %c0_i32_0 = arith.constant 0 : i32
    %c0_i32_1 = arith.constant 0 : i32
    return %c0_i32, %c0_i32_0 : i32, i32
  }
  func.func @transform_6(%arg0: i32) -> (i32, i32) {
    %c0_i32 = arith.constant 0 : i32
    %c0_i32_0 = arith.constant 0 : i32
    %c0_i32_1 = arith.constant 0 : i32
    return %c0_i32, %c0_i32_0 : i32, i32
  }
  func.func @transform_7(%arg0: i32) -> (i32, i32) {
    %c0_i32 = arith.constant 0 : i32
    %c0_i32_0 = arith.constant 0 : i32
    %c0_i32_1 = arith.constant 0 : i32
    return %c0_i32, %c0_i32_0 : i32, i32
  }
  func.func @transform_8(%arg0: i32) -> (i32, i32) {
    %c0_i32 = arith.constant 0 : i32
    %c0_i32_0 = arith.constant 0 : i32
    %c0_i32_1 = arith.constant 0 : i32
    return %c0_i32, %c0_i32_0 : i32, i32
  }
  func.func @transform_9(%arg0: i32) -> (i32, i32) {
    %c0_i32 = arith.constant 0 : i32
    %c0_i32_0 = arith.constant 0 : i32
    %c0_i32_1 = arith.constant 0 : i32
    return %c0_i32, %c0_i32_0 : i32, i32
  }
  func.func @transform_10(%arg0: i32) -> (i32, i32) {
    %c0_i32 = arith.constant 0 : i32
    %c0_i32_0 = arith.constant 0 : i32
    %c0_i32_1 = arith.constant 0 : i32
    return %c0_i32, %c0_i32_0 : i32, i32
  }
  func.func @transform_11(%arg0: i32) -> (i32, i32) {
    %c0_i32 = arith.constant 0 : i32
    %c0_i32_0 = arith.constant 0 : i32
    return %arg0, %c0_i32 : i32, i32
  }
  func.func @transform_12(%arg0: i32) -> (i32, i32) {
    %c0_i32 = arith.constant 0 : i32
    %c0_i32_0 = arith.constant 0 : i32
    return %arg0, %c0_i32 : i32, i32
  }
  func.func @transform_13(%arg0: i32) -> (i32, i32) {
    %c0_i32 = arith.constant 0 : i32
    %c0_i32_0 = arith.constant 0 : i32
    return %arg0, %c0_i32 : i32, i32
  }
  func.func @transform_14(%arg0: i32) -> (i32, i32) {
    %c0_i32 = arith.constant 0 : i32
    %c0_i32_0 = arith.constant 0 : i32
    return %arg0, %c0_i32 : i32, i32
  }
  func.func @transform_15(%arg0: i32) -> (i32, i32) {
    %c0_i32 = arith.constant 0 : i32
    %c0_i32_0 = arith.constant 0 : i32
    return %arg0, %c0_i32 : i32, i32
  }
  func.func @transform_16(%arg0: i32) -> (i32, i32) {
    %c0_i32 = arith.constant 0 : i32
    %c0_i32_0 = arith.constant 0 : i32
    return %arg0, %c0_i32 : i32, i32
  }
}

module attributes {stable_mosaic.version = 14 : i64} {
  func.func @_out_body(%arg0: i32, %arg1: memref<1000x128xf32, #tpu.memory_space<vmem>>, %arg2: memref<1000x16xf32, #tpu.memory_space<vmem>>, %arg3: memref<1000x128xf32, #tpu.memory_space<vmem>>, %arg4: memref<1000x16xf32, #tpu.memory_space<vmem>>, %arg5: memref<256x256xf32, #tpu.memory_space<vmem>>, %arg6: memref<1x256xf32, #tpu.memory_space<vmem>>, %arg7: memref<1000x256xf32, #tpu.memory_space<vmem>>) attributes {dimension_semantics = [#tpu.dimension_semantics<arbitrary>], iteration_bounds = array<i64: 10>, scalar_prefetch = 0 : i64, scratch_operands = 0 : i64, tpu.core_type = #tpu.core_type<tc>, window_params = [{transform_indices = @transform_0, window_bounds = array<i64: 1000, 128>}, {transform_indices = @transform_1, window_bounds = array<i64: 1000, 16>}, {transform_indices = @transform_2, window_bounds = array<i64: 1000, 128>}, {transform_indices = @transform_3, window_bounds = array<i64: 1000, 16>}, {pipeline_mode = #tpu.pipeline_mode<synchronous>, transform_indices = @transform_4, window_bounds = array<i64: 256, 256>}, {pipeline_mode = #tpu.pipeline_mode<synchronous>, transform_indices = @transform_5, window_bounds = array<i64: 1, 256>}, {transform_indices = @transform_6, window_bounds = array<i64: 1000, 256>}]} {
    %iota3A = tpu.iota {dimensions = array<i32: 0>} : vector<8x128xi32>
    %iota3A_0 = tpu.iota {dimensions = array<i32: 1>} : vector<8x128xi32>
    %jit3A = arith.constant 16 : i32
    %div3A = vector.broadcast %jit3A : i32 to vector<8x128xi32>
    %div3A_1 = arith.divsi %iota3A_0, %div3A : vector<8x128xi32>
    %sign3A = arith.constant 0 : i32
    %sign3A_2 = vector.broadcast %sign3A : i32 to vector<8x128xi32>
    %sign3A_3 = arith.cmpi sgt, %iota3A_0, %sign3A_2 : vector<8x128xi32>
    %sign3A_4 = arith.extui %sign3A_3 : vector<8x128xi1> to vector<8x128xi32>
    %sign3A_5 = arith.constant 0 : i32
    %sign3A_6 = vector.broadcast %sign3A_5 : i32 to vector<8x128xi32>
    %sign3A_7 = arith.cmpi slt, %iota3A_0, %sign3A_6 : vector<8x128xi32>
    %sign3A_8 = arith.extui %sign3A_7 : vector<8x128xi1> to vector<8x128xi32>
    %sign3A_9 = arith.subi %sign3A_4, %sign3A_8 : vector<8x128xi32>
    %sign3A_10 = arith.constant 0 : i32
    %sign3A_11 = arith.cmpi sgt, %jit3A, %sign3A_10 : i32
    %sign3A_12 = arith.extui %sign3A_11 : i1 to i32
    %sign3A_13 = arith.constant 0 : i32
    %sign3A_14 = arith.cmpi slt, %jit3A, %sign3A_13 : i32
    %sign3A_15 = arith.extui %sign3A_14 : i1 to i32
    %sign3A_16 = arith.subi %sign3A_12, %sign3A_15 : i32
    %ne3A = vector.broadcast %sign3A_16 : i32 to vector<8x128xi32>
    %ne3A_17 = arith.cmpi ne, %sign3A_9, %ne3A : vector<8x128xi32>
    %rem3A = vector.broadcast %jit3A : i32 to vector<8x128xi32>
    %rem3A_18 = arith.remsi %iota3A_0, %rem3A : vector<8x128xi32>
    %ne3A_19 = arith.constant 0 : i32
    %ne3A_20 = vector.broadcast %ne3A_19 : i32 to vector<8x128xi32>
    %ne3A_21 = arith.cmpi ne, %rem3A_18, %ne3A_20 : vector<8x128xi32>
    %and3A = arith.andi %ne3A_17, %ne3A_21 : vector<8x128xi1>
    %sub3A = arith.constant 1 : i32
    %sub3A_22 = vector.broadcast %sub3A : i32 to vector<8x128xi32>
    %sub3A_23 = arith.subi %div3A_1, %sub3A_22 : vector<8x128xi32>
    %select_n3A = arith.select %and3A, %sub3A_23, %div3A_1 : vector<8x128xi1>, vector<8x128xi32>
    %eq3A = arith.cmpi eq, %select_n3A, %iota3A : vector<8x128xi32>
    %convert_element_type3A = arith.extui %eq3A : vector<8x128xi1> to vector<8x128xi32>
    %convert_element_type3A_24 = arith.sitofp %convert_element_type3A : vector<8x128xi32> to vector<8x128xf32>
    %get3A = arith.constant 0 : index
    %get3A_25 = arith.constant 0 : index
    %get3A_26 = vector.load %arg2[%get3A, %get3A_25] : memref<1000x16xf32, #tpu.memory_space<vmem>>, vector<1000x8xf32>
    %max3A = arith.constant 1.000000e-30 : f32
    %max3A_27 = vector.broadcast %max3A : f32 to vector<1000x8xf32>
    %max3A_28 = arith.maximumf %get3A_26, %max3A_27 : vector<1000x8xf32>
    %div3A_29 = arith.constant 1.000000e+00 : f32
    %div3A_30 = vector.broadcast %div3A_29 : f32 to vector<1000x8xf32>
    %div3A_31 = arith.divf %div3A_30, %max3A_28 : vector<1000x8xf32>
    %get3A_32 = arith.constant 0 : index
    %get3A_33 = arith.constant 0 : index
    %get3A_34 = vector.load %arg4[%get3A_32, %get3A_33] : memref<1000x16xf32, #tpu.memory_space<vmem>>, vector<1000x8xf32>
    %max3A_35 = arith.constant 1.000000e-30 : f32
    %max3A_36 = vector.broadcast %max3A_35 : f32 to vector<1000x8xf32>
    %max3A_37 = arith.maximumf %get3A_34, %max3A_36 : vector<1000x8xf32>
    %div3A_38 = arith.constant 1.000000e+00 : f32
    %div3A_39 = vector.broadcast %div3A_38 : f32 to vector<1000x8xf32>
    %div3A_40 = arith.divf %div3A_39, %max3A_37 : vector<1000x8xf32>
    %get3A_41 = arith.constant 0 : index
    %get3A_42 = arith.constant 0 : index
    %get3A_43 = vector.load %arg1[%get3A_41, %get3A_42] : memref<1000x128xf32, #tpu.memory_space<vmem>>, vector<1000x128xf32>
    %dot_general3A = arith.constant dense<0.000000e+00> : vector<1000x128xf32>
    %dot_general3A_44 = tpu.matmul %div3A_31, %convert_element_type3A_24, %dot_general3A {dimension_numbers = #tpu.dot_dimension_numbers<[1], [0], [0], [1], [0, 0, 1, 1], [], []>, transpose_lhs_hint = false} : vector<1000x8xf32>, vector<8x128xf32>, vector<1000x128xf32> -> vector<1000x128xf32>
    %mul3A = arith.mulf %get3A_43, %dot_general3A_44 : vector<1000x128xf32>
    %get3A_45 = arith.constant 0 : index
    %get3A_46 = arith.constant 0 : index
    %get3A_47 = vector.load %arg3[%get3A_45, %get3A_46] : memref<1000x128xf32, #tpu.memory_space<vmem>>, vector<1000x128xf32>
    %dot_general3A_48 = arith.constant dense<0.000000e+00> : vector<1000x128xf32>
    %dot_general3A_49 = tpu.matmul %div3A_40, %convert_element_type3A_24, %dot_general3A_48 {dimension_numbers = #tpu.dot_dimension_numbers<[1], [0], [0], [1], [0, 0, 1, 1], [], []>, transpose_lhs_hint = false} : vector<1000x8xf32>, vector<8x128xf32>, vector<1000x128xf32> -> vector<1000x128xf32>
    %mul3A_50 = arith.mulf %get3A_47, %dot_general3A_49 : vector<1000x128xf32>
    %get3A_51 = arith.constant 0 : index
    %get3A_52 = arith.constant 0 : index
    %get3A_53 = vector.load %arg5[%get3A_51, %get3A_52] : memref<256x256xf32, #tpu.memory_space<vmem>>, vector<128x256xf32>
    %dot_general3A_54 = arith.constant dense<0.000000e+00> : vector<1000x256xf32>
    %dot_general3A_55 = tpu.matmul %mul3A, %get3A_53, %dot_general3A_54 {dimension_numbers = #tpu.dot_dimension_numbers<[1], [0], [0], [1], [0, 0, 1, 1], [], []>, transpose_lhs_hint = false} : vector<1000x128xf32>, vector<128x256xf32>, vector<1000x256xf32> -> vector<1000x256xf32>
    %get3A_56 = arith.constant 128 : index
    %get3A_57 = arith.constant 0 : index
    %get3A_58 = vector.load %arg5[%get3A_56, %get3A_57] : memref<256x256xf32, #tpu.memory_space<vmem>>, vector<128x256xf32>
    %dot_general3A_59 = arith.constant dense<0.000000e+00> : vector<1000x256xf32>
    %dot_general3A_60 = tpu.matmul %mul3A_50, %get3A_58, %dot_general3A_59 {dimension_numbers = #tpu.dot_dimension_numbers<[1], [0], [0], [1], [0, 0, 1, 1], [], []>, transpose_lhs_hint = false} : vector<1000x128xf32>, vector<128x256xf32>, vector<1000x256xf32> -> vector<1000x256xf32>
    %add3A = arith.addf %dot_general3A_55, %dot_general3A_60 : vector<1000x256xf32>
    %get3A_61 = arith.constant 0 : index
    %get3A_62 = arith.constant 0 : index
    %get3A_63 = vector.load %arg6[%get3A_61, %get3A_62] : memref<1x256xf32, #tpu.memory_space<vmem>>, vector<1x256xf32>
    %add3A_64 = vector.broadcast %get3A_63 : vector<1x256xf32> to vector<1000x256xf32>
    %add3A_65 = arith.addf %add3A, %add3A_64 : vector<1000x256xf32>
    %swap3A = arith.constant 0 : index
    %swap3A_66 = arith.constant 0 : index
    %swap3A_67 = vector.load %arg7[%swap3A, %swap3A_66] : memref<1000x256xf32, #tpu.memory_space<vmem>>, vector<1000x256xf32>
    tpu.vector_store %arg7[%swap3A, %swap3A_66], %add3A_65 {strides = array<i32>} : memref<1000x256xf32, #tpu.memory_space<vmem>>, vector<1000x256xf32>,
    return
  }
  func.func @transform_0(%arg0: i32) -> (i32, i32) {
    %c0_i32 = arith.constant 0 : i32
    %c0_i32_0 = arith.constant 0 : i32
    return %arg0, %c0_i32 : i32, i32
  }
  func.func @transform_1(%arg0: i32) -> (i32, i32) {
    %c0_i32 = arith.constant 0 : i32
    %c0_i32_0 = arith.constant 0 : i32
    return %arg0, %c0_i32 : i32, i32
  }
  func.func @transform_2(%arg0: i32) -> (i32, i32) {
    %c0_i32 = arith.constant 0 : i32
    %c0_i32_0 = arith.constant 0 : i32
    return %arg0, %c0_i32 : i32, i32
  }
  func.func @transform_3(%arg0: i32) -> (i32, i32) {
    %c0_i32 = arith.constant 0 : i32
    %c0_i32_0 = arith.constant 0 : i32
    return %arg0, %c0_i32 : i32, i32
  }
  func.func @transform_4(%arg0: i32) -> (i32, i32) {
    %c0_i32 = arith.constant 0 : i32
    %c0_i32_0 = arith.constant 0 : i32
    %c0_i32_1 = arith.constant 0 : i32
    return %c0_i32, %c0_i32_0 : i32, i32
  }
  func.func @transform_5(%arg0: i32) -> (i32, i32) {
    %c0_i32 = arith.constant 0 : i32
    %c0_i32_0 = arith.constant 0 : i32
    %c0_i32_1 = arith.constant 0 : i32
    return %c0_i32, %c0_i32_0 : i32, i32
  }
  func.func @transform_6(%arg0: i32) -> (i32, i32) {
    %c0_i32 = arith.constant 0 : i32
    %c0_i32_0 = arith.constant 0 : i32
    return %arg0, %c0_i32 : i32, i32
  }
}

</mosaic_0001>

<sc_bundles>
// kernel: kernel.5.cloned.1.call-start
scs
__scs_entry_jumppad:
0x0: {  	(pc) =	sbr.rel $0x88, $3  }
0x1: {  	(tag) =	ssettag $0x0;
	lr =	simm.s32 $0x1  }
0x2: {  	[smem:$0x3F93] =	sst lr;
	_ =	strace $0xD0000000  }
0x3: {  	_ = 	snop  }
0x4: {  	_ = 	snop  }
0x5: {  	_ = 	snop  }
0x6: {  	_ = 	snop  }
0x7: {  	_ = 	snop  }
__scs_overlays_trampoline_lowered:
0x8: {  	[smem:$0x3FA2] =	sst s0  }
0x9: {  	[smem:$0x3FA3] =	sst s1  }
0xa: {  	[smem:$0x3FA4] =	sst s2  }
0xb: {  	[smem:$0x3FA5] =	sst s3  }
0xc: {  	[smem:$0x3FA6] =	sst s4  }
0xd: {  	[smem:$0x3FA7] =	sst s5  }
0xe: {  	[smem:$0x3FA8] =	sst s6  }
0xf: {  	[smem:$0x3FA9] =	sst s7  }
0x10: {  	[smem:$0x3FAA] =	sst s8  }
0x11: {  	[smem:$0x3FAB] =	sst s9;
	s0 =	simm.s32 @!p0 $0x0  }
0x12: {  	s1 =	sld [smem:$0x3F91];
	s0 =	simm.s32 @p0 $0x1  }
0x13: {  	[smem:$0x3FAC] =	sst s0;
	s0 =	simm.s32 @!p1 $0x0  }
0x14: {  	s2 =	sld [smem:$0x3F90];
	s0 =	simm.s32 @p1 $0x1  }
0x15: {  	[smem:$0x3FAD] =	sst s0;
	s0 =	simm.s32 @!p2 $0x0  }
0x16: {  	s3 =	sld [smem:$0x3FDB];
	s0 =	simm.s32 @p2 $0x1  }
0x17: {  	s4 =	simm.s32 $0x1BF5;
	[smem:$0x3FAF] =	sst s0  }
0x18: {  	s0 =	sld [smem:$0x3F92];
	_ =	swait.ge [sflag:s4], $0x0  }
0x19: {  	s7 =	sld [smem:$0x3F93]  }
0x1a: {  	s8 =	sadd.s32 $0xFFFFE003, lr  }
0x1b: {  	s9 =	sadd.s32 $0xFFFFFEF7, lr;
	s5 =	simm.s32 $0xFFFFFFFF;
	p2 =	slt.u32 s8, $0xFFFFF086  }
0x1c: {  	p1 =	slt.u32 s9, $0xF7A;
	s5 =	simm.s32 @!p2 $0x0  }
0x1d: {  	s5 =	simm.s32 @p1 $0x1;
	p0 =	seq.s32 s7, s2  }
0x1e: {  	s7 =	smul.u32 @!p0 $0xF7A, s2;
	p2 =	seq.s32 @!p0 s5, $0x0  }
0x1f: {  	s9 =	smul.u32 $0xF7A, s1;
	s8 =	simm.s32 @!p0 $0x1BF5;
	p2 =	por !p2, p0  }
0x20: {  	[sflag:s8] =	ssyncset.s32 @!p0 $0xFFFFF086;
	s6 =	sadd.s32 @!p0 s3, s7;
	s7 =	simm.s32 @!p0 $0x108  }
0x21: {  	s3 =	sadd.s32 s3, s9;
	s6 =	sadd.s32 @!p0 $0x88, s6;
	s7 =	simm.s32 @p2 $0x1082  }
0x22: {  	[simem:s7], [sflag:s8] =	dma.local @!p0 [hbm:s6], $0xF7A  }
0x23: {  	s9 =	sor.u32 $0xD0000000, s2;
	s6 =	simm.s32 $0x108;
	_ =	swait.ge @!p0 [sflag:s8], $0x0  }
0x24: {  	s3 =	sadd.s32 $0x88, s3;
	s6 =	simm.s32 @!p1 $0x1082;
	[sflag:s4] =	ssyncset.s32 $0xFFFFF086  }
0x25: {  	[simem:s6], [sflag:s4] =	dma.local [hbm:s3], $0xF7A  }
0x26: {  	[smem:$0x3F93] =	sst s1;
	(tag) =	ssettag s2;
	_ =	strace s9  }
0x27: {  	s1 =	sld [smem:$0x3FA3]  }
0x28: {  	s2 =	sld [smem:$0x3FA4]  }
0x29: {  	s4 =	sld [smem:$0x3FA6]  }
0x2a: {  	p0 =	seq.s32 s5, $0x0;
	s5 =	sld [smem:$0x3FA7]  }
0x2b: {  	s6 =	sld [smem:$0x3FA8]  }
0x2c: {  	s7 =	sld [smem:$0x3FA9]  }
0x2d: {  	s3 =	simm.s32 $0x108;
	s8 =	sld [smem:$0x3FAA]  }
0x2e: {  	s3 =	simm.s32 @!p0 $0x1082;
	s9 =	sld [smem:$0x3FAB]  }
0x2f: {  	lr =	sadd.s32 s0, s3;
	s0 =	sld [smem:$0x3FA2]  }
0x30: {  	s3 =	sld [smem:$0x3FA5]  }
0x31: {  	[smem:$0x3FAE] =	sst s10  }
0x32: {  	s10 =	sld [smem:$0x3FAC];
	_ =	sdelay $0x3  }
0x33: {  	p0 =	seq.s32 s10, $0x1;
	s10 =	sld [smem:$0x3FAE];
	_ =	sdelay $0x3  }
0x34: {  	[smem:$0x3FAE] =	sst s10  }
0x35: {  	s10 =	sld [smem:$0x3FAD];
	_ =	sdelay $0x3  }
0x36: {  	p1 =	seq.s32 s10, $0x1;
	s10 =	sld [smem:$0x3FAE];
	_ =	sdelay $0x3  }
0x37: {  	[smem:$0x3FAE] =	sst s10  }
0x38: {  	s10 =	sld [smem:$0x3FAF]  }
0x39: {  	_ = 	snop;
	(pc) =	sbr.ind lr, $3  }
0x3a: {  	_ = 	snop  }
0x3b: {  	_ = 	snop  }
0x3c: {  	p2 =	seq.s32 s10, $0x1;
	s10 =	sld [smem:$0x3FAE]  }
0x3d: {  	_ =	shalt  }
0x3e: {  	_ =	shalt  }
0x3f: {  	_ =	shalt  }
0x40: {  	_ =	shalt  }
0x41: {  	_ =	shalt  }
0x42: {  	_ =	shalt  }
0x43: {  	_ =	shalt  }
0x44: {  	_ =	shalt  }
0x45: {  	_ =	shalt  }
0x46: {  	_ =	shalt  }
0x47: {  	_ =	shalt  }
0x48: {  	_ =	shalt  }
0x49: {  	_ =	shalt  }
0x4a: {  	_ =	shalt  }
0x4b: {  	_ =	shalt  }
0x4c: {  	_ =	shalt  }
0x4d: {  	_ =	shalt  }
0x4e: {  	_ =	shalt  }
0x4f: {  	_ =	shalt  }
0x50: {  	_ =	shalt  }
0x51: {  	_ =	shalt  }
0x52: {  	_ =	shalt  }
0x53: {  	_ =	shalt  }
0x54: {  	_ =	shalt  }
0x55: {  	_ =	shalt  }
0x56: {  	_ =	shalt  }
0x57: {  	_ =	shalt  }
0x58: {  	_ =	shalt  }
0x59: {  	_ =	shalt  }
0x5a: {  	_ =	shalt  }
0x5b: {  	_ =	shalt  }
0x5c: {  	_ =	shalt  }
0x5d: {  	_ =	shalt  }
0x5e: {  	_ =	shalt  }
0x5f: {  	_ =	shalt  }
0x60: {  	_ =	shalt  }
0x61: {  	_ =	shalt  }
0x62: {  	_ =	shalt  }
0x63: {  	_ =	shalt  }
0x64: {  	_ =	shalt  }
0x65: {  	_ =	shalt  }
0x66: {  	_ =	shalt  }
0x67: {  	_ =	shalt  }
0x68: {  	_ =	shalt  }
0x69: {  	_ =	shalt  }
0x6a: {  	_ =	shalt  }
0x6b: {  	_ =	shalt  }
0x6c: {  	_ =	shalt  }
0x6d: {  	_ =	shalt  }
0x6e: {  	_ =	shalt  }
0x6f: {  	_ =	shalt  }
0x70: {  	_ =	shalt  }
0x71: {  	_ =	shalt  }
0x72: {  	_ =	shalt  }
0x73: {  	_ =	shalt  }
0x74: {  	_ =	shalt  }
0x75: {  	_ =	shalt  }
0x76: {  	_ =	shalt  }
0x77: {  	_ =	shalt  }
0x78: {  	_ =	shalt  }
0x79: {  	_ =	shalt  }
0x7a: {  	_ =	shalt  }
0x7b: {  	_ =	shalt  }
0x7c: {  	_ =	shalt  }
0x7d: {  	_ =	shalt  }
0x7e: {  	_ =	shalt  }
0x7f: {  	_ =	shalt  }
0x80: {  	_ =	shalt  }
0x81: {  	_ =	shalt  }
0x82: {  	_ =	shalt  }
0x83: {  	_ =	shalt  }
0x84: {  	_ =	shalt  }
0x85: {  	_ =	shalt  }
0x86: {  	_ =	shalt  }
0x87: {  	_ =	shalt  }
.Lfunc_end0:
.L_simem_size_0:
called_computation_lowered:
.L_overlay_start_0:
0x88: {  	s2 =	sld [smem:$0x3FD9]  }
0x89: {  	s3 =	sld [smem:$0x3FFE];
	_ =	sdelay $0x1  }
0x8a: {  	s1 =	srdreg.scid  }
0x8b: {  	s0 =	sand.u32 $0x1, s1  }
0x8c: {  	s17 =	sshll.u32 s0, $0xA;
	s2 =	sadd.s32 s3, s2  }
0x8d: {  	s2 =	sadd.s32 s2, s17  }
0x8e: {  	[smem:$0x3FBA] =	sst s2  }
0x8f: {  	_ = 	snop  }
0x90: {  	s2 =	sld [smem:$0x3FD0];
	(tm) =	ssettm $0x1  }
0x91: {  	s18 =	sld [smem:$0x3FFB];
	_ =	sdelay $0x3  }
0x92: {  	_ =	strace s18  }
0x93: {  	s3 =	sld [smem:$0x3FFC];
	_ =	sdelay $0x3  }
0x94: {  	_ =	strace s3  }
0x95: {  	s3 =	sld [smem:$0x3FFD];
	_ =	sdelay $0x3  }
0x96: {  	_ =	strace s3  }
0x97: {  	_ =	strace $0x8FFFFFFF  }
0x98: {  	s19 =	sld [smem:$0x3FDB];
	_ =	sdelay $0x1  }
0x99: {  	s4 =	simm.s32 $_scs_section_size  }
0x9a: {  	s5 =	simm.s32 $_size__tile_overlayer_lowered;
	s6 =	simm.s32 $_tile_overlayer_lowered  }
0x9b: {  	s22 =	simm.s32 $0x1BFF;
	s21 =	sshll.u32 s6, $0x1;
	s3 =	sadd.s32 s4, s19  }
0x9c: {  	s7 =	simm.s32 $0x0;
	s20 =	sshll.u32 s5, $0x1;
	s5 =	sadd.s32 s21, s3  }
0x9d: {  	[timem:s7], [sflag:s22] =	dma.local [hbm:s5], s20  }
0x9e: {  	_ =	swait.ge [sflag:s22], s20  }
0x9f: {  	s4 =	ssub.s32 $0x0, s20;
	[sflag:s22] =	ssyncset.done $0x0  }
0xa0: {  	[sflag:s22] =	ssyncadd.s32 s4;
	_ =	sdelay $0x1  }
0xa1: {  	s23 =	simm.s32 $0x1B8B  }
0xa2: {  	_ =	swait.ge [sflag:s23], $0x1  }
0xa3: {  	[sflag:s23] =	ssyncset.done $0x0  }
0xa4: {  	s25 =	simm.s32 $0x1B8E;
	s24 =	sld [smem:$0x3FFE];
	[sflag:s23] =	ssyncadd.s32 $0xFFFFFFFF  }
0xa5: {  	s26 =	simm.s32 $execute0_lowered;
	[smem:$0x3FD2] =	sst s25  }
0xa6: {  	s5 =	sshll.u32 s26, $0x1;
	_ =	strace $0x80000046;
	[dreg:$0x1] =	wrdreg $0xFFFFFFFF  }
0xa7: {  	s28 =	simm.s32 $_size_execute0_lowered;
	s3 =	sadd.s32 s3, s5;
	[dreg:$0x0] =	wrdreg $0x0  }
0xa8: {  	s5 =	sshll.u32 s28, $0x1;
	[dreg:$0x2] =	wrdreg s3  }
0xa9: {  	[dreg:$0x3] =	wrdreg s5  }
0xaa: {  	[dreg:$0x4] =	wrdreg $0xC0  }
0xab: {  	_ =	task [dreg:s7], $0x5FFFF  }
0xac: {  	[dreg:$0x1] =	wrdreg $0xFFFFFFFF  }
0xad: {  	[dreg:$0x0] =	wrdreg $0x60  }
0xae: {  	[dreg:$0x2] =	wrdreg s2  }
0xaf: {  	[dreg:$0x3] =	wrdreg s24  }
0xb0: {  	[dreg:$0x4] =	wrdreg $0x0  }
0xb1: {  	[dreg:$0x5] =	wrdreg $0x138C00  }
0xb2: {  	[dreg:$0x6] =	wrdreg $0x9  }
0xb3: {  	_ =	task.clear_ibuf [dreg:s7], $0x7FFFF;
	_ =	strace $0x90000046  }
0xb4: {  	s29 =	simm.s32 $0x9;
	_ =	strace $0x80000048  }
0xb5: {  	_ =	swait.ge [sflag:s29], $0x1  }
0xb6: {  	[sflag:s29] =	ssyncadd.s32 $0xFFFFFFFF  }
0xb7: {  	_ =	strace $0x90000048  }
0xb8: {  	_ =	sfence  }
0xb9: {  	s30 =	sld [smem:$0x0];
	_ =	sdelay $0x2  }
0xba: {  	s31 =	sshll.u32 s1, $0xD;
	s1 =	sshrl.u32 s1, $0x2  }
0xbb: {  	s3 =	sand.u32 $0x4000, s31;
	s1 =	sadd.s32 s1, s30  }
0xbc: {  	s0 =	sor.u32 s3, s0;
	s1 =	sshll.u32 s1, $0x11  }
0xbd: {  	s0 =	sor.u32 s1, s0  }
0xbe: {  	s0 =	sadd.s32 $0x8F2B, s0  }
0xbf: {  	[sflag:s0] =	ssyncadd.remote.s32 $0x1  }
0xc0: {  	_ =	sfence.sel $0xFFFF  }
0xc1: {  	[dreg:$0x0] =	wrdreg $0xFFFFFFFF;
	(pc) =	sbr.abs _section_cstart, $3  }
0xc2: {  	[dreg:$0x1] =	wrdreg $0xFFFFFFFF  }
0xc3: {  	_ =	task.clear_ibuf [dreg:s7], $0x2FFFF;
	_ =	strace $0x9FFFFFFF  }
0xc4: {  	(tm) =	ssettm $0x7FFFFFFF  }
0xc5: {  	_ =	shalt  }
tec
execute0_lowered:
.L_overlay_start_1:
0x0: {  	(tag) =	ssettag $0x1  }
0x1: {  	s0 =	rddreg [dreg:$0x1]  }
0x2: {  	s5 =	rddreg [dreg:$0x2]  }
0x3: {  	s6 =	rddreg [dreg:$0x3]  }
0x4: {  	s1 =	simm.s32 $0x0;
	s21 =	srdreg.scid;
	s7 =	stileid.u32  }
0x5: {  	s28 =	simm.s32 $0x1B098;
	s31 =	simm.s32 $0x3;
	s30 =	simm.s32 $0x1C298  }
0x6: {  	[smem:$0x7FF] =	sst s1;
	s16 =	sadd.s32 $0x5B400, s0;
	s17 =	sadd.s32 $0x82600, s0  }
0x7: {  	s18 =	sadd.s32 $0xA9800, s0;
	_ =	strace $0x80000047;
	[dreg:$0x5] =	wrdreg s16  }
0x8: {  	s19 =	sadd.s32 $0xD0A00, s0;
	s20 =	sadd.s32 $0xD000, s0;
	[dreg:$0x6] =	wrdreg s17  }
0x9: {  	s11 =	sadd.s32 $0x8000, s0;
	s12 =	sadd.s32 $0x3000, s0;
	[dreg:$0x7] =	wrdreg s18  }
0xa: {  	s2 =	sadd.s32 $0xF7C00, s0;
	s1 =	sand.u32 $0x1, s21;
	[dreg:$0x8] =	wrdreg s19  }
0xb: {  	s22 =	sadd.s32 $0x34200, s0;
	s3 =	smul.u32 $0x271, s7;
	[dreg:$0x9] =	wrdreg s20  }
0xc: {  	s4 =	sadd.s32 $0x11EE00, s0;
	s26 =	smul.u32 $0x2740, s7;
	[dreg:$0xa] =	wrdreg s2  }
0xd: {  	s0 =	sadd.s32 $0x39200, s0;
	s14 =	smul.u32 $0x13880, s7;
	[dreg:$0xb] =	wrdreg s22  }
0xe: {  	s23 =	ssub.s32 $0x2, s1;
	[dreg:$0xc] =	wrdreg s4;
	s16 =	smul.u32 $0x2710, s7  }
0xf: {  	[dreg:$0xd] =	wrdreg s0;
	p0 =	seq.s32 s1, $0x1;
	s18 =	smul.u32 $0x9C40, s7  }
0x10: {  	s20 =	smul.u32 $0x4E200, s7;
	s7 =	simm.s32 $0x0;
	s24 =	sshrl.u32 s23, $0x1  }
0x11: {  	s25 =	sadd.s32 $0x260, s3;
	s9 =	sshrl.u32 s26, $0x3;
	s17 =	sadd.s32 $0x40, s26  }
0x12: {  	s3 =	sadd.s32 $0x60, s26;
	s19 =	sshrl.u32 s14, $0x3;
	s0 =	ssub.s32 s23, s24  }
0x13: {  	s4 =	sshll.u32 s25, $0x7;
	s2 =	sshll.u32 s25, $0x4;
	[dreg:$0x14] =	wrdreg s17  }
0x14: {  	s10 =	sadd.s32 s11, s9;
	s13 =	sor.u32 $0x4, s9;
	[dreg:$0x15] =	wrdreg s3  }
0x15: {  	[dreg:$0x16] =	wrdreg s19;
	s21 =	sshrl.u32 s16, $0x3;
	s22 =	sshrl.u32 s18, $0x2  }
0x16: {  	s23 =	sshrl.u32 s20, $0x2;
	s18 =	smov.u32 s6;
	s17 =	simm.s32 $0x15FF8  }
0x17: {  	v5 =	vlaneseq.u32;
	s19 =	simm.s32 $0x8;
	s20 =	simm.s32 $0x4;
	s1 =	sadd.s32 s4, s5  }
0x18: {  	v0 =	vmul.u32 $0x81, v5;
	s8 =	sadd.s32 s2, s6;
	[dreg:$0x10] =	wrdreg s10;
	s15 =	sadd.s32 s11, s13  }
0x19: {  	v1 =	vimm.f32 $0.0e+00;
	v5 =	vmul.u32 $0x10, v5;
	s2 =	sadd.s32 s12, s13;
	s4 =	sadd.s32 s14, s5;
	[dreg:$0x17] =	wrdreg s21  }
0x1a: {  	v2 =	vadd.s32 $0x10, v0;
	v3 =	vadd.s32 $0x20, v0;
	v4 =	vadd.s32 $0x30, v0;
	s0 =	smax.u32 s0, $0x1;
	s29 =	sadd.s32 s22, s6;
	[dreg:$0xe] =	wrdreg s1  }
0x1b: {  	v6 =	vadd.s32 $0x40, v0;
	v7 =	vadd.s32 $0x50, v0;
	v8 =	vadd.s32 $0x60, v0;
	s24 =	sadd.s32 s23, s5;
	s13 =	simm.s32 $0x1A098;
	[dreg:$0xf] =	wrdreg s8  }
0x1c: {  	v9 =	vadd.s32 $0x70, v0;
	v10 =	vor.u32 $0x1, v5;
	v11 =	vor.u32 $0x2, v5;
	s14 =	simm.s32 $0x9;
	s10 =	simm.s32 $0x20;
	[dreg:$0x12] =	wrdreg s15  }
0x1d: {  	v12 =	vor.u32 $0x3, v5;
	v13 =	vor.u32 $0x4, v5;
	v14 =	vor.u32 $0x5, v5;
	s22 =	simm.s32 $0x1;
	s21 =	simm.s32 $0x16078;
	[dreg:$0x13] =	wrdreg s2  }
0x1e: {  	v15 =	vor.u32 $0x6, v5;
	v16 =	vor.u32 $0x7, v5;
	v17 =	vadd.s32 $0x810, v0;
	s1 =	sadd.s32 s12, s9;
	[dreg:$0x18] =	wrdreg s0;
	s9 =	smov.u32 s5  }
.Ltmp0:
0x1f: {  	v18 =	vadd.s32 $0x820, v0;
	v19 =	vadd.s32 $0x830, v0;
	v20 =	vadd.s32 $0x840, v0;
	[dreg:$0x19] =	wrdreg s24;
	s25 =	sshrl.u32 s4, $0x3;
	(pc) =	sbr.rel .LBB2_1-.Ltmp0, $4  }
0x20: {  	v21 =	vadd.s32 $0x850, v0;
	v22 =	vadd.s32 $0x860, v0;
	v23 =	vadd.s32 $0x870, v0;
	s15 =	simm.s32 $0x1C098;
	s0 =	simm.s32 $0x16058;
	[dreg:$0x11] =	wrdreg s1  }
0x21: {  	v24 =	vadd.s32 $0x880, v0;
	v25 =	vor.u32 $0x100, v5;
	v26 =	vor.u32 $0x101, v5;
	s1 =	sadd.s32 s16, s6;
	[dreg:$0x1a] =	wrdreg s25;
	s6 =	simm.s32 $0x16038  }
0x22: {  	v27 =	vor.u32 $0x102, v5;
	v28 =	vor.u32 $0x103, v5;
	v29 =	vor.u32 $0x104, v5;
	s25 =	simm.s32 $0x1C498;
	s16 =	simm.s32 $0x2;
	s26 =	sshrl.u32 s1, $0x3  }
0x23: {  	v30 =	vor.u32 $0x105, v5;
	v31 =	vor.u32 $0x106, v5;
	v32 =	vor.u32 $0x107, v5;
	s1 =	simm.s32 $0x5;
	[dreg:$0x1b] =	wrdreg s26;
	s26 =	simm.s32 $0x1D4B8  }
.LBB2_48:
0x24: {  	s3 =	rddreg [dreg:$0xc]  }
0x25: {  	s2 =	rddreg [dreg:$0xd]  }
0x26: {  	s7 =	rddreg [dreg:$0x1c]  }
.LBB2_49:
0x27: {  	s4 =	simm.s32 $0x6  }
0x28: {  	_ =	swait.ge [sflag:s4], $0x1000  }
0x29: {  	[sflag:s4] =	ssyncset.done $0x0  }
0x2a: {  	[sflag:s4] =	ssyncadd.s32 $0xFFFFF000  }
0x2b: {  	_ =	swait.ge [sflag:s4], $0x200  }
0x2c: {  	[sflag:s4] =	ssyncset.done $0x0  }
0x2d: {  	s23 =	stileid.u32;
	[sflag:s4] =	ssyncadd.s32 $0xFFFFFE00  }
0x2e: {  	s5 =	rddreg [dreg:$0x16];
	s4 =	sshll.u32 s23, $0x6;
	[bflag:$0x0] =	sbarrier.arrive $0xFFFF  }
0x2f: {  	s3 =	sadd.s32 s3, s5;
	s4 =	sor.u32 $0x1C09, s4;
	s24 =	rddreg [dreg:$0x1a]  }
0x30: {  	[hbm:s3], [sflag:s4] =	dma.local [spmem:s24], $0x2710  }
0x31: {  	_ =	swait.ge [sflag:s14], $0x2710  }
0x32: {  	[sflag:s14] =	ssyncset.done $0x0;
	s8 =	rddreg [dreg:$0x17]  }
0x33: {  	s23 =	rddreg [dreg:$0x1b];
	s2 =	sadd.s32 s2, s8;
	[sflag:s14] =	ssyncadd.s32 $0xFFFFD8F0  }
0x34: {  	[hbm:s2], [sflag:s4] =	dma.local [spmem:s23], $0x4E2  }
0x35: {  	_ =	swait.ge [sflag:s14], $0x4E2  }
0x36: {  	s7 =	sadd.s32 $0x1, s7;
	s24 =	rddreg [dreg:$0x18]  }
0x37: {  	p1 =	sne.s32 s7, s24  }
.Ltmp1:
0x38: {  	_ = 	snop;
	(pc) =	sbr.rel @!p1 .LBB2_50-.Ltmp1, $3  }
0x39: {  	_ =	sdelay $0x1  }
0x3a: {  	[sflag:s14] =	ssyncset.done $0x0  }
0x3b: {  	[sflag:s14] =	ssyncadd.s32 $0xFFFFFB1E  }
.LBB2_1:
.Ltmp2:
0x3c: {  	(pc) =	sbr.rel @!p0 .LBB2_2-.Ltmp2, $2  }
0x3d: {  	_ =	sdelay $0x2  }
0x3e: {  	[dreg:$0x1c] =	wrdreg s7;
	s2 =	simm.s32 $0x1A0D8  }
0x3f: {  	[tilespmem:s2+$0xFFFFFFD0] =	vst v1  }
0x40: {  	[tilespmem:s2+$0xFFFFFFE0] =	vst v1  }
0x41: {  	[tilespmem:s2+$0xFFFFFFF0] =	vst v1  }
0x42: {  	[tilespmem:s2+$0x0] =	vst v1  }
0x43: {  	[tilespmem:s2+$0x10] =	vst v1  }
0x44: {  	[tilespmem:s2+$0x20] =	vst v1  }
0x45: {  	[tilespmem:s2+$0x30] =	vst v1;
	s3 =	simm.s32 $0x0  }
0x46: {  	[tilespmem:s2+$0xFFFFFFC0] =	vst v1;
	s4 =	sshra.s32 s3, $0x2;
	s3 =	sadd.s32 $0x40, s3  }
.LBB2_27:
0x47: {  	p1 =	sne.s32 s3, $0x7C0;
	[tilespmem:s4+$0x1C098] =	vst v1;
	s2 =	sadd.s32 $0x80, s2  }
0x48: {  	[tilespmem:s2+$0xFFFFFFD0] =	vst v1  }
0x49: {  	[tilespmem:s2+$0xFFFFFFE0] =	vst v1  }
0x4a: {  	[tilespmem:s2+$0xFFFFFFF0] =	vst v1  }
.Ltmp3:
0x4b: {  	[tilespmem:s2+$0x0] =	vst v1;
	(pc) =	sbr.rel @p1 .LBB2_27-.Ltmp3, $4  }
0x4c: {  	[tilespmem:s2+$0x10] =	vst v1  }
0x4d: {  	[tilespmem:s2+$0x20] =	vst v1  }
0x4e: {  	[tilespmem:s2+$0x30] =	vst v1  }
0x4f: {  	s4 =	sshra.s32 s3, $0x2;
	s3 =	sadd.s32 $0x40, s3;
	[tilespmem:s2+$0xFFFFFFC0] =	vst v1  }
0x50: {  	[tilespmem:s4+$0x1C098] =	vst v1;
	s3 =	rddreg [dreg:$0x19]  }
0x51: {  	[spmem:s3] =	stream.linear.scatter [tilespmem:s13], [sflag:$0x9], $0x1000, $0x38;
	[tilespmem:$0x1E4D8] =	vst v63  }
0x52: {  	_ =	swait.ge [sflag:s14], $0x1000  }
0x53: {  	[sflag:s14] =	ssyncset.done $0x0  }
0x54: {  	s2 =	sadd.s32 $0x0, s29;
	[sflag:s14] =	ssyncadd.s32 $0xFFFFF000  }
0x55: {  	[spmem:s2] =	stream.linear.scatter [tilespmem:s15], [sflag:$0x9], $0x200, $0x38;
	[tilespmem:$0x1E4D8] =	vst v63  }
0x56: {  	_ =	swait.ge [sflag:s14], $0x200  }
0x57: {  	s2 =	simm.s32 $0x800;
	[sflag:s14] =	ssyncset.done $0x0  }
.LBB2_29:
0x58: {  	p1 =	sne.s32 s2, $0x9000;
	[sflag:s14] =	ssyncadd.s32 $0xFFFFFE00;
	s3 =	sadd.s32 $0x1000, s3  }
0x59: {  	[spmem:s3] =	stream.linear.scatter [tilespmem:s13], [sflag:$0x9], $0x1000, $0x38;
	[tilespmem:$0x1E4D8] =	vst v63  }
0x5a: {  	s4 =	smov.u32 s2;
	s2 =	sadd.s32 $0x800, s2;
	_ =	swait.ge [sflag:s14], $0x1000  }
.Ltmp4:
0x5b: {  	s4 =	sshra.s32 s4, $0x2;
	[sflag:s14] =	ssyncset.done $0x0;
	(pc) =	sbr.rel @p1 .LBB2_29-.Ltmp4, $4  }
0x5c: {  	s4 =	sadd.s32 s4, s29;
	[sflag:s14] =	ssyncadd.s32 $0xFFFFF000  }
0x5d: {  	[spmem:s4] =	stream.linear.scatter [tilespmem:s15], [sflag:$0x9], $0x200, $0x38;
	[tilespmem:$0x1E4D8] =	vst v63  }
0x5e: {  	_ =	swait.ge [sflag:s14], $0x200  }
0x5f: {  	[sflag:s14] =	ssyncset.done $0x0  }
0x60: {  	[sflag:s14] =	ssyncadd.s32 $0xFFFFFE00;
	s2 =	rddreg [dreg:$0xe]  }
0x61: {  	[spmem:s2] =	stream.linear.scatter [tilespmem:s13], [sflag:$0x9], $0x880, $0x38;
	[tilespmem:$0x1E4D8] =	vst v63  }
0x62: {  	_ =	swait.ge [sflag:s14], $0x880  }
0x63: {  	[sflag:s14] =	ssyncset.done $0x0  }
0x64: {  	s3 =	rddreg [dreg:$0xf];
	[sflag:s14] =	ssyncadd.s32 $0xFFFFF780  }
0x65: {  	[spmem:s3] =	stream.linear.scatter [tilespmem:s15], [sflag:$0x9], $0x110, $0x38;
	[tilespmem:$0x1E4D8] =	vst v63  }
0x66: {  	_ =	swait.ge [sflag:s14], $0x110  }
0x67: {  	s7 =	simm.s32 $0x0;
	[sflag:s14] =	ssyncset.done $0x0  }
0x68: {  	s3 =	simm.s32 $0x15FD8;
	s4 =	rddreg [dreg:$0x10];
	[sflag:s14] =	ssyncadd.s32 $0xFFFFFEF0  }
0x69: {  	[tilespmem:s3], [sflag:$0x9] =	stream.linear.gather [hbm4b:s4+s7], $0x20, $0x38;
	[tilespmem:$0x1E4D8] =	vst v63  }
0x6a: {  	_ =	swait.ge [sflag:s14], $0x20  }
0x6b: {  	[sflag:s14] =	ssyncset.done $0x0  }
0x6c: {  	s4 =	simm.s32 $0x16018;
	s5 =	rddreg [dreg:$0x11];
	[sflag:s14] =	ssyncadd.s32 $0xFFFFFFE0  }
0x6d: {  	[tilespmem:s4], [sflag:$0x9] =	stream.linear.gather [hbm4b:s5+s7], $0x20, $0x38;
	[tilespmem:$0x1E4D8] =	vst v63  }
0x6e: {  	_ =	swait.ge [sflag:s14], $0x20  }
0x6f: {  	[sflag:s14] =	ssyncset.done $0x0  }
0x70: {  	s5 =	simm.s32 $0x16098;
	s8 =	rddreg [dreg:$0x7];
	[sflag:s14] =	ssyncadd.s32 $0xFFFFFFE0  }
0x71: {  	[tilespmem:s5], [sflag:$0x1] =	stream.indirect.gather [hbm4b:s8+s10], $0x80, s3, s10, $0xb8;
	[tilespmem:$0x1E4D8] =	vst v63  }
0x72: {  	s24 =	simm.s32 $0x18098;
	s23 =	rddreg [dreg:$0x8]  }
0x73: {  	[tilespmem:s24], [sflag:$0x1] =	stream.indirect.gather [hbm4b:s23+s10], $0x80, s4, s10, $0xb8;
	[tilespmem:$0x1E4D8] =	vst v63  }
0x74: {  	s8 =	rddreg [dreg:$0x9]  }
0x75: {  	[tilespmem:s13], [sflag:$0x3] =	stream.indirect.gather [hbm4b:s8+s10], $0x80, s3, s10, $0xb8;
	[tilespmem:$0x1E4D8] =	vst v63  }
0x76: {  	s23 =	rddreg [dreg:$0x12]  }
0x77: {  	[tilespmem:s17], [sflag:$0x8] =	stream.linear.gather [hbm4b:s23+s7], $0x20, $0x38;
	[tilespmem:$0x1E4D8] =	vst v63  }
0x78: {  	s24 =	rddreg [dreg:$0x13]  }
0x79: {  	[tilespmem:s6], [sflag:$0x8] =	stream.linear.gather [hbm4b:s24+s7], $0x20, $0x38;
	[tilespmem:$0x1E4D8] =	vst v63  }
0x7a: {  	s24 =	simm.s32 $0x0;
	[bflag:$0x0] =	sbarrier.arrive $0xFFFF  }
.LBB2_31:
0x7b: {  	_ =	swait.ge [sflag:s19], $0x20  }
0x7c: {  	[sflag:s19] =	ssyncset.done $0x0  }
0x7d: {  	[sflag:s19] =	ssyncadd.s32 $0xFFFFFFE0  }
0x7e: {  	_ =	swait.ge [sflag:s19], $0x20  }
0x7f: {  	[sflag:s19] =	ssyncset.done $0x0  }
0x80: {  	s3 =	simm.s32 $0x17098;
	s2 =	rddreg [dreg:$0x7];
	[sflag:s19] =	ssyncadd.s32 $0xFFFFFFE0  }
0x81: {  	[tilespmem:s3], [sflag:$0x2] =	stream.indirect.gather [hbm4b:s2+s10], $0x80, s17, s10, $0xb8;
	[tilespmem:$0x1E4D8] =	vst v63  }
0x82: {  	s8 =	simm.s32 $0x19098;
	s7 =	rddreg [dreg:$0x8]  }
0x83: {  	[tilespmem:s8], [sflag:$0x2] =	stream.indirect.gather [hbm4b:s7+s10], $0x80, s6, s10, $0xb8;
	[tilespmem:$0x1E4D8] =	vst v63  }
0x84: {  	_ =	swait.ge [sflag:s22], $0x1000  }
0x85: {  	[sflag:s22] =	ssyncset.done $0x0  }
0x86: {  	[sflag:s22] =	ssyncadd.s32 $0xFFFFF000  }
0x87: {  	_ =	swait.ge [sflag:s22], $0x1000  }
0x88: {  	[sflag:s22] =	ssyncset.done $0x0  }
0x89: {  	s5 =	simm.s32 $0x160D8;
	[sflag:s22] =	ssyncadd.s32 $0xFFFFF000  }
0x8a: {  	v33 =	vld [tilespmem:s5+$0xFFFFFFC0];
	_ =	sdelay $0x3  }
0x8b: {  	s3 =	simm.s32 $0x1C498  }
0x8c: {  	s2 =	simm.s32 $0x180D8;
	[tilespmem:s3+$0x0] =	vst v33  }
0x8d: {  	v33 =	vld [tilespmem:s2+$0xFFFFFFC0];
	_ =	sdelay $0x3  }
0x8e: {  	s4 =	simm.s32 $0x1D4B8  }
0x8f: {  	[tilespmem:s4+$0x0] =	vst v33  }
0x90: {  	v33 =	vld [tilespmem:s5+$0xFFFFFFD0];
	_ =	sdelay $0x2  }
0x91: {  	s23 =	simm.s32 $0x0  }
0x92: {  	s6 =	sand.u32 $0xFFF, s23  }
0x93: {  	[tilespmem:s6+$0x1C4A8] =	vst v33  }
0x94: {  	v33 =	vld [tilespmem:s2+$0xFFFFFFD0];
	_ =	sdelay $0x4  }
0x95: {  	[tilespmem:s6+$0x1D4C8] =	vst v33  }
0x96: {  	v33 =	vld [tilespmem:s5+$0xFFFFFFE0];
	_ =	sdelay $0x4  }
0x97: {  	[tilespmem:s6+$0x1C4B8] =	vst v33  }
0x98: {  	v33 =	vld [tilespmem:s2+$0xFFFFFFE0];
	_ =	sdelay $0x4  }
0x99: {  	[tilespmem:s6+$0x1D4D8] =	vst v33  }
0x9a: {  	v33 =	vld [tilespmem:s5+$0xFFFFFFF0];
	_ =	sdelay $0x4  }
0x9b: {  	[tilespmem:s6+$0x1C4C8] =	vst v33  }
0x9c: {  	v33 =	vld [tilespmem:s2+$0xFFFFFFF0];
	_ =	sdelay $0x4  }
0x9d: {  	[tilespmem:s6+$0x1D4E8] =	vst v33  }
0x9e: {  	v33 =	vld [tilespmem:s5+$0x0];
	_ =	sdelay $0x4  }
0x9f: {  	[tilespmem:s6+$0x1C4D8] =	vst v33  }
0xa0: {  	v33 =	vld [tilespmem:s2+$0x0];
	_ =	sdelay $0x4  }
0xa1: {  	[tilespmem:s6+$0x1D4F8] =	vst v33  }
0xa2: {  	v33 =	vld [tilespmem:s5+$0x10];
	_ =	sdelay $0x4  }
0xa3: {  	[tilespmem:s6+$0x1C4E8] =	vst v33  }
0xa4: {  	v33 =	vld [tilespmem:s2+$0x10];
	_ =	sdelay $0x4  }
0xa5: {  	[tilespmem:s6+$0x1D508] =	vst v33  }
0xa6: {  	v33 =	vld [tilespmem:s5+$0x20];
	_ =	sdelay $0x4  }
0xa7: {  	[tilespmem:s6+$0x1C4F8] =	vst v33  }
0xa8: {  	v33 =	vld [tilespmem:s2+$0x20];
	_ =	sdelay $0x4  }
0xa9: {  	[tilespmem:s6+$0x1D518] =	vst v33  }
0xaa: {  	v33 =	vld [tilespmem:s5+$0x30];
	_ =	sdelay $0x4  }
0xab: {  	[tilespmem:s6+$0x1C508] =	vst v33  }
0xac: {  	v33 =	vld [tilespmem:s2+$0x30];
	_ =	sdelay $0x4  }
0xad: {  	s5 =	simm.s32 $0x16158;
	[tilespmem:s6+$0x1D528] =	vst v33  }
0xae: {  	s7 =	simm.s32 $0x102;
	s6 =	simm.s32 $0x81;
	v33 =	vld [tilespmem:s5+$0xFFFFFFC0]  }
.LBB2_32:
0xaf: {  	p1 =	sne.s32 s7, $0xF9F;
	_ =	sdelay $0x2  }
0xb0: {  	s3 =	sadd.s32 $0x81, s3  }
0xb1: {  	s2 =	sadd.s32 $0x80, s2;
	[tilespmem:s3+$0x0] =	vst v33  }
0xb2: {  	v33 =	vld [tilespmem:s2+$0xFFFFFFC0];
	_ =	sdelay $0x3  }
0xb3: {  	s4 =	sadd.s32 $0x81, s4  }
0xb4: {  	[tilespmem:s4+$0x0] =	vst v33  }
0xb5: {  	v33 =	vld [tilespmem:s5+$0xFFFFFFD0];
	_ =	sdelay $0x3  }
0xb6: {  	s8 =	sand.u32 $0xFFF, s6;
	s6 =	smov.u32 s7  }
0xb7: {  	[tilespmem:s8+$0x1C4A8] =	vst v33  }
0xb8: {  	v33 =	vld [tilespmem:s2+$0xFFFFFFD0];
	_ =	sdelay $0x4  }
0xb9: {  	[tilespmem:s8+$0x1D4C8] =	vst v33  }
0xba: {  	v33 =	vld [tilespmem:s5+$0xFFFFFFE0];
	_ =	sdelay $0x4  }
0xbb: {  	[tilespmem:s8+$0x1C4B8] =	vst v33  }
0xbc: {  	v33 =	vld [tilespmem:s2+$0xFFFFFFE0];
	_ =	sdelay $0x4  }
0xbd: {  	[tilespmem:s8+$0x1D4D8] =	vst v33  }
0xbe: {  	v33 =	vld [tilespmem:s5+$0xFFFFFFF0];
	_ =	sdelay $0x4  }
0xbf: {  	[tilespmem:s8+$0x1C4C8] =	vst v33  }
0xc0: {  	v33 =	vld [tilespmem:s2+$0xFFFFFFF0];
	_ =	sdelay $0x4  }
0xc1: {  	[tilespmem:s8+$0x1D4E8] =	vst v33  }
0xc2: {  	v33 =	vld [tilespmem:s5+$0x0];
	_ =	sdelay $0x4  }
0xc3: {  	[tilespmem:s8+$0x1C4D8] =	vst v33  }
0xc4: {  	v33 =	vld [tilespmem:s2+$0x0];
	_ =	sdelay $0x4  }
0xc5: {  	[tilespmem:s8+$0x1D4F8] =	vst v33  }
0xc6: {  	v33 =	vld [tilespmem:s5+$0x10];
	_ =	sdelay $0x4  }
0xc7: {  	[tilespmem:s8+$0x1C4E8] =	vst v33  }
0xc8: {  	v33 =	vld [tilespmem:s2+$0x10];
	_ =	sdelay $0x4  }
0xc9: {  	[tilespmem:s8+$0x1D508] =	vst v33  }
0xca: {  	v33 =	vld [tilespmem:s5+$0x20];
	_ =	sdelay $0x4  }
0xcb: {  	[tilespmem:s8+$0x1C4F8] =	vst v33  }
0xcc: {  	v33 =	vld [tilespmem:s2+$0x20];
	_ =	sdelay $0x4  }
0xcd: {  	[tilespmem:s8+$0x1D518] =	vst v33  }
0xce: {  	v33 =	vld [tilespmem:s5+$0x30];
	_ =	sdelay $0x4  }
0xcf: {  	[tilespmem:s8+$0x1C508] =	vst v33  }
0xd0: {  	v33 =	vld [tilespmem:s2+$0x30];
	_ =	sdelay $0x1  }
.Ltmp5:
0xd1: {  	(pc) =	sbr.rel @p1 .LBB2_32-.Ltmp5, $3  }
0xd2: {  	_ =	sdelay $0x1  }
0xd3: {  	s5 =	sadd.s32 $0x80, s5;
	[tilespmem:s8+$0x1D528] =	vst v33  }
0xd4: {  	s7 =	sadd.s32 $0x81, s7;
	v33 =	vld [tilespmem:s5+$0xFFFFFFC0]  }
0xd5: {  	_ =	sdelay $0x2  }
0xd6: {  	s3 =	sadd.s32 $0x81, s3  }
0xd7: {  	s2 =	sadd.s32 $0x80, s2;
	[tilespmem:s3+$0x0] =	vst v33  }
0xd8: {  	v33 =	vld [tilespmem:s2+$0xFFFFFFC0];
	_ =	sdelay $0x3  }
0xd9: {  	s7 =	sadd.s32 $0x81, s4  }
0xda: {  	[tilespmem:s7+$0x0] =	vst v33  }
0xdb: {  	v33 =	vld [tilespmem:s5+$0xFFFFFFD0];
	_ =	sdelay $0x3  }
0xdc: {  	s8 =	sand.u32 $0xFFF, s6  }
0xdd: {  	[tilespmem:s8+$0x1C4A8] =	vst v33  }
0xde: {  	v33 =	vld [tilespmem:s2+$0xFFFFFFD0];
	_ =	sdelay $0x4  }
0xdf: {  	[tilespmem:s8+$0x1D4C8] =	vst v33  }
0xe0: {  	v33 =	vld [tilespmem:s5+$0xFFFFFFE0];
	_ =	sdelay $0x4  }
0xe1: {  	[tilespmem:s8+$0x1C4B8] =	vst v33  }
0xe2: {  	v33 =	vld [tilespmem:s2+$0xFFFFFFE0];
	_ =	sdelay $0x4  }
0xe3: {  	[tilespmem:s8+$0x1D4D8] =	vst v33  }
0xe4: {  	v33 =	vld [tilespmem:s5+$0xFFFFFFF0];
	_ =	sdelay $0x4  }
0xe5: {  	[tilespmem:s8+$0x1C4C8] =	vst v33  }
0xe6: {  	v33 =	vld [tilespmem:s2+$0xFFFFFFF0];
	_ =	sdelay $0x4  }
0xe7: {  	[tilespmem:s8+$0x1D4E8] =	vst v33  }
0xe8: {  	v33 =	vld [tilespmem:s5+$0x0];
	_ =	sdelay $0x4  }
0xe9: {  	[tilespmem:s8+$0x1C4D8] =	vst v33  }
0xea: {  	v33 =	vld [tilespmem:s2+$0x0];
	_ =	sdelay $0x4  }
0xeb: {  	[tilespmem:s8+$0x1D4F8] =	vst v33  }
0xec: {  	v33 =	vld [tilespmem:s5+$0x10];
	_ =	sdelay $0x4  }
0xed: {  	[tilespmem:s8+$0x1C4E8] =	vst v33  }
0xee: {  	v33 =	vld [tilespmem:s2+$0x10];
	_ =	sdelay $0x4  }
0xef: {  	[tilespmem:s8+$0x1D508] =	vst v33  }
0xf0: {  	v33 =	vld [tilespmem:s5+$0x20];
	_ =	sdelay $0x4  }
0xf1: {  	[tilespmem:s8+$0x1C4F8] =	vst v33  }
0xf2: {  	v33 =	vld [tilespmem:s2+$0x20];
	_ =	sdelay $0x4  }
0xf3: {  	[tilespmem:s8+$0x1D518] =	vst v33  }
0xf4: {  	v33 =	vld [tilespmem:s5+$0x30];
	_ =	sdelay $0x4  }
0xf5: {  	[tilespmem:s8+$0x1C508] =	vst v33  }
0xf6: {  	s23 =	simm.s32 $0x0;
	v33 =	vld [tilespmem:s2+$0x30]  }
0xf7: {  	v34 =	vadd.s32 s23, v9;
	_ =	sdelay $0x1  }
0xf8: {  	v35 =	vadd.s32 s23, v8;
	_ =	sdelay $0x1  }
0xf9: {  	v62 =	vadd.s32 s23, v7;
	[tilespmem:s8+$0x1D528] =	vst v33  }
0xfa: {  	v37 =	vld.idx.msk [tilespmem:v34+s25+$0x0], $0xffff  }
0xfb: {  	v38 =	vadd.s32 s23, v6;
	v39 =	vld.idx.msk [tilespmem:v34+s26+$0x0], $0xffff  }
0xfc: {  	v36 =	vld.idx.msk [tilespmem:v35+s25+$0x0], $0xffff  }
0xfd: {  	v63 =	vadd.s32 s23, v4;
	v40 =	vld.idx.msk [tilespmem:v35+s26+$0x0], $0xffff  }
0xfe: {  	v43 =	vld.idx.msk [tilespmem:v62+s25+$0x0], $0xffff  }
0xff: {  	v52 =	vadd.s32 s23, v3;
	v47 =	vld.idx.msk [tilespmem:v62+s26+$0x0], $0xffff  }
0x100: {  	v44 =	vld.idx.msk [tilespmem:v38+s25+$0x0], $0xffff  }
0x101: {  	v53 =	vadd.s32 s23, v2;
	v48 =	vld.idx.msk [tilespmem:v38+s26+$0x0], $0xffff  }
0x102: {  	v41 =	vimm.f32 $0.0e+00;
	v42 =	vimm.f32 $0.0e+00;
	v46 =	vimm.f32 $0.0e+00;
	v49 =	vld.idx.msk [tilespmem:v63+s25+$0x0], $0xffff  }
0x103: {  	v45 =	vimm.f32 $0.0e+00;
	v54 =	vadd.s32 s23, v0;
	v33 =	vimm.f32 $0.0e+00;
	v50 =	vld.idx.msk [tilespmem:v63+s26+$0x0], $0xffff  }
0x104: {  	s2 =	simm.s32 $0x1;
	v35 =	vimm.f32 $0.0e+00;
	v34 =	vimm.f32 $0.0e+00;
	v38 =	vimm.f32 $0.0e+00;
	v51 =	vld.idx.msk [tilespmem:v52+s25+$0x0], $0xffff  }
.LBB2_34:
0x105: {  	v55 =	vadd.s32 s2, v9;
	p1 =	sne.s32 s2, $0xF;
	v52 =	vld.idx.msk [tilespmem:v52+s26+$0x0], $0xffff  }
0x106: {  	v56 =	vld.idx.msk [tilespmem:v53+s25+$0x0], $0xffff  }
0x107: {  	v57 =	vadd.s32 s2, v8;
	v53 =	vld.idx.msk [tilespmem:v53+s26+$0x0], $0xffff  }
0x108: {  	v58 =	vld.idx.msk [tilespmem:v54+s25+$0x0], $0xffff  }
0x109: {  	v59 =	vadd.s32 s2, v7;
	v54 =	vld.idx.msk [tilespmem:v54+s26+$0x0], $0xffff  }
0x10a: {  	v60 =	vmul.f32 v39, v37;
	v37 =	vld.idx.msk [tilespmem:v55+s25+$0x0], $0xffff  }
0x10b: {  	v61 =	vadd.s32 s2, v6;
	v43 =	vmul.f32 v47, v43;
	v47 =	vmul.f32 v40, v36;
	v39 =	vld.idx.msk [tilespmem:v55+s26+$0x0], $0xffff  }
0x10c: {  	v44 =	vmul.f32 v48, v44;
	v33 =	vadd.f32 v60, v33;
	v36 =	vld.idx.msk [tilespmem:v57+s25+$0x0], $0xffff  }
0x10d: {  	v35 =	vadd.f32 v43, v35;
	v34 =	vadd.f32 v47, v34;
	v55 =	vadd.s32 s2, v4;
	v40 =	vld.idx.msk [tilespmem:v57+s26+$0x0], $0xffff  }
0x10e: {  	v49 =	vmul.f32 v50, v49;
	v38 =	vadd.f32 v44, v38;
	v48 =	vmul.f32 v52, v51;
	v43 =	vld.idx.msk [tilespmem:v59+s25+$0x0], $0xffff  }
0x10f: {  	v52 =	vadd.s32 s2, v3;
	v51 =	vmul.f32 v53, v56;
	v50 =	vmul.f32 v54, v58;
	v47 =	vld.idx.msk [tilespmem:v59+s26+$0x0], $0xffff  }
.Ltmp6:
0x110: {  	v42 =	vadd.f32 v49, v42;
	v41 =	vadd.f32 v48, v41;
	v44 =	vld.idx.msk [tilespmem:v61+s25+$0x0], $0xffff;
	(pc) =	sbr.rel @p1 .LBB2_34-.Ltmp6, $4  }
0x111: {  	v53 =	vadd.s32 s2, v2;
	v45 =	vadd.f32 v51, v45;
	v46 =	vadd.f32 v50, v46;
	v48 =	vld.idx.msk [tilespmem:v61+s26+$0x0], $0xffff  }
0x112: {  	v49 =	vld.idx.msk [tilespmem:v55+s25+$0x0], $0xffff  }
0x113: {  	v54 =	vadd.s32 s2, v0;
	v50 =	vld.idx.msk [tilespmem:v55+s26+$0x0], $0xffff  }
0x114: {  	s2 =	sadd.s32 $0x1, s2;
	v51 =	vld.idx.msk [tilespmem:v52+s25+$0x0], $0xffff  }
0x115: {  	_ =	sdelay $0x3  }
0x116: {  	v55 =	vld.idx.msk [tilespmem:v53+s25+$0x0], $0xffff  }
0x117: {  	v56 =	vld.idx.msk [tilespmem:v54+s25+$0x0], $0xffff  }
0x118: {  	v59 =	vld.idx.msk [tilespmem:v54+s26+$0x0], $0xffff  }
0x119: {  	v60 =	vld.idx.msk [tilespmem:v53+s26+$0x0], $0xffff  }
0x11a: {  	v52 =	vld.idx.msk [tilespmem:v52+s26+$0x0], $0xffff  }
0x11b: {  	v43 =	vmul.f32 v47, v43;
	v36 =	vmul.f32 v40, v36  }
0x11c: {  	v37 =	vmul.f32 v39, v37;
	v48 =	vmul.f32 v48, v44  }
0x11d: {  	v35 =	vadd.f32 v43, v35;
	v34 =	vadd.f32 v36, v34;
	v54 =	vmul.f32 v59, v56  }
0x11e: {  	v33 =	vadd.f32 v37, v33;
	v62 =	vmul.f32 v50, v49;
	v53 =	vmul.f32 v60, v55  }
0x11f: {  	v38 =	vadd.f32 v48, v38;
	v61 =	vmul.f32 v52, v51;
	v46 =	vadd.f32 v54, v46  }
0x120: {  	v35 =	vmul.f32 $2.500000000e-01, v35;
	v34 =	vmul.f32 $2.500000000e-01, v34;
	v45 =	vadd.f32 v53, v45  }
0x121: {  	v33 =	vmul.f32 $2.500000000e-01, v33;
	v39 =	vadd.f32 v61, v41;
	v63 =	vmul.f32 $2.500000000e-01, v46  }
0x122: {  	v42 =	vadd.f32 v62, v42;
	v51 =	vmul.f32 $2.500000000e-01, v38;
	v49 =	vmul.f32 $2.500000000e-01, v45  }
0x123: {  	v39 =	vmul.f32 $2.500000000e-01, v39;
	v40 =	vmul.f32 $1.442695020e+00, v63  }
0x124: {  	v42 =	vmul.f32 $2.500000000e-01, v42;
	v44 =	vmul.f32 $1.442695020e+00, v49  }
0x125: {  	v39 =	vmul.f32 $1.442695020e+00, v39;
	(erf) = vpow2.f32 v40  }
0x126: {  	v50 =	vmul.f32 $1.442695020e+00, v42;
	(erf) = vpow2.f32 v44  }
0x127: {  	v36 =	vmul.f32 $1.442695020e+00, v51;
	(erf) = vpow2.f32 v39  }
0x128: {  	v35 =	vmul.f32 $1.442695020e+00, v35;
	(erf) = vpow2.f32 v50  }
0x129: {  	v34 =	vmul.f32 $1.442695020e+00, v34;
	(erf) = vpow2.f32 v36  }
0x12a: {  	v33 =	vmul.f32 $1.442695020e+00, v33;
	(erf) = vpow2.f32 v35  }
0x12b: {  	(erf) = vpow2.f32 v34  }
0x12c: {  	(erf) = vpow2.f32 v33;
	_ =	sdelay $0x1  }
0x12d: {  	v52 =	vpop (erf)  }
0x12e: {  	v53 =	vpop (erf);
	[tilespmem:v5+s15+$0x0] =	vst.idx.msk $0xffff, v52  }
0x12f: {  	v54 =	vpop (erf);
	[tilespmem:v10+s15+$0x0] =	vst.idx.msk $0xffff, v53  }
0x130: {  	s2 =	simm.s32 $0x0;
	v55 =	vpop (erf);
	[tilespmem:v11+s15+$0x0] =	vst.idx.msk $0xffff, v54  }
0x131: {  	v57 =	vadd.s32 s2, v24;
	v56 =	vpop (erf);
	[tilespmem:v12+s15+$0x0] =	vst.idx.msk $0xffff, v55  }
0x132: {  	v35 =	vpop (erf);
	[tilespmem:v13+s15+$0x0] =	vst.idx.msk $0xffff, v56  }
0x133: {  	v59 =	vadd.s32 s2, v23;
	v58 =	vpop (erf);
	[tilespmem:v14+s15+$0x0] =	vst.idx.msk $0xffff, v35  }
0x134: {  	[tilespmem:v15+s15+$0x0] =	vst.idx.msk $0xffff, v58;
	v60 =	vpop (erf)  }
0x135: {  	v61 =	vadd.s32 s2, v22;
	[tilespmem:v16+s15+$0x0] =	vst.idx.msk $0xffff, v60  }
0x136: {  	v37 =	vld.idx.msk [tilespmem:v57+s25+$0x0], $0xffff  }
0x137: {  	v62 =	vadd.s32 s2, v21;
	v39 =	vld.idx.msk [tilespmem:v57+s26+$0x0], $0xffff  }
0x138: {  	v36 =	vld.idx.msk [tilespmem:v59+s25+$0x0], $0xffff  }
0x139: {  	v63 =	vadd.s32 s2, v20;
	v40 =	vld.idx.msk [tilespmem:v59+s26+$0x0], $0xffff  }
0x13a: {  	v43 =	vld.idx.msk [tilespmem:v61+s25+$0x0], $0xffff  }
0x13b: {  	v52 =	vadd.s32 s2, v19;
	v47 =	vld.idx.msk [tilespmem:v61+s26+$0x0], $0xffff  }
0x13c: {  	v44 =	vld.idx.msk [tilespmem:v62+s25+$0x0], $0xffff  }
0x13d: {  	v53 =	vadd.s32 s2, v18;
	v48 =	vld.idx.msk [tilespmem:v62+s26+$0x0], $0xffff  }
0x13e: {  	v38 =	vimm.f32 $0.0e+00;
	v41 =	vimm.f32 $0.0e+00;
	v42 =	vimm.f32 $0.0e+00;
	v49 =	vld.idx.msk [tilespmem:v63+s25+$0x0], $0xffff  }
0x13f: {  	v46 =	vimm.f32 $0.0e+00;
	v45 =	vimm.f32 $0.0e+00;
	v54 =	vadd.s32 s2, v17;
	v50 =	vld.idx.msk [tilespmem:v63+s26+$0x0], $0xffff  }
0x140: {  	v34 =	vimm.f32 $0.0e+00;
	v33 =	vimm.f32 $0.0e+00;
	s2 =	simm.s32 $0x1;
	v35 =	vimm.f32 $0.0e+00;
	v51 =	vld.idx.msk [tilespmem:v52+s25+$0x0], $0xffff  }
.LBB2_36:
0x141: {  	v55 =	vadd.s32 s2, v24;
	p1 =	sne.s32 s2, $0xF;
	v52 =	vld.idx.msk [tilespmem:v52+s26+$0x0], $0xffff  }
0x142: {  	v56 =	vld.idx.msk [tilespmem:v53+s25+$0x0], $0xffff  }
0x143: {  	v57 =	vadd.s32 s2, v23;
	v53 =	vld.idx.msk [tilespmem:v53+s26+$0x0], $0xffff  }
0x144: {  	v58 =	vld.idx.msk [tilespmem:v54+s25+$0x0], $0xffff  }
0x145: {  	v59 =	vadd.s32 s2, v22;
	v54 =	vld.idx.msk [tilespmem:v54+s26+$0x0], $0xffff  }
0x146: {  	v60 =	vmul.f32 v39, v37;
	v37 =	vld.idx.msk [tilespmem:v55+s25+$0x0], $0xffff  }
0x147: {  	v61 =	vadd.s32 s2, v21;
	v43 =	vmul.f32 v47, v43;
	v47 =	vmul.f32 v40, v36;
	v39 =	vld.idx.msk [tilespmem:v55+s26+$0x0], $0xffff  }
0x148: {  	v44 =	vmul.f32 v48, v44;
	v33 =	vadd.f32 v60, v33;
	v36 =	vld.idx.msk [tilespmem:v57+s25+$0x0], $0xffff  }
0x149: {  	v35 =	vadd.f32 v43, v35;
	v34 =	vadd.f32 v47, v34;
	v55 =	vadd.s32 s2, v20;
	v40 =	vld.idx.msk [tilespmem:v57+s26+$0x0], $0xffff  }
0x14a: {  	v49 =	vmul.f32 v50, v49;
	v38 =	vadd.f32 v44, v38;
	v48 =	vmul.f32 v52, v51;
	v43 =	vld.idx.msk [tilespmem:v59+s25+$0x0], $0xffff  }
0x14b: {  	v52 =	vadd.s32 s2, v19;
	v51 =	vmul.f32 v53, v56;
	v50 =	vmul.f32 v54, v58;
	v47 =	vld.idx.msk [tilespmem:v59+s26+$0x0], $0xffff  }
.Ltmp7:
0x14c: {  	v42 =	vadd.f32 v49, v42;
	v41 =	vadd.f32 v48, v41;
	v44 =	vld.idx.msk [tilespmem:v61+s25+$0x0], $0xffff;
	(pc) =	sbr.rel @p1 .LBB2_36-.Ltmp7, $4  }
0x14d: {  	v53 =	vadd.s32 s2, v18;
	v45 =	vadd.f32 v51, v45;
	v46 =	vadd.f32 v50, v46;
	v48 =	vld.idx.msk [tilespmem:v61+s26+$0x0], $0xffff  }
0x14e: {  	v49 =	vld.idx.msk [tilespmem:v55+s25+$0x0], $0xffff  }
0x14f: {  	v54 =	vadd.s32 s2, v17;
	v50 =	vld.idx.msk [tilespmem:v55+s26+$0x0], $0xffff  }
0x150: {  	s2 =	sadd.s32 $0x1, s2;
	v51 =	vld.idx.msk [tilespmem:v52+s25+$0x0], $0xffff  }
0x151: {  	_ =	sdelay $0x3  }
0x152: {  	v55 =	vld.idx.msk [tilespmem:v53+s25+$0x0], $0xffff  }
0x153: {  	v56 =	vld.idx.msk [tilespmem:v54+s25+$0x0], $0xffff  }
0x154: {  	v61 =	vld.idx.msk [tilespmem:v54+s26+$0x0], $0xffff  }
0x155: {  	v62 =	vld.idx.msk [tilespmem:v53+s26+$0x0], $0xffff  }
0x156: {  	v52 =	vld.idx.msk [tilespmem:v52+s26+$0x0], $0xffff;
	v43 =	vmul.f32 v47, v43  }
0x157: {  	v36 =	vmul.f32 v40, v36  }
0x158: {  	v37 =	vmul.f32 v39, v37;
	v35 =	vadd.f32 v43, v35  }
0x159: {  	v34 =	vadd.f32 v36, v34;
	v50 =	vmul.f32 v50, v49;
	v54 =	vmul.f32 v61, v56  }
0x15a: {  	v33 =	vadd.f32 v37, v33;
	v35 =	vmul.f32 $2.500000000e-01, v35;
	v53 =	vmul.f32 v62, v55  }
0x15b: {  	v34 =	vmul.f32 $2.500000000e-01, v34;
	v63 =	vmul.f32 v52, v51;
	v46 =	vadd.f32 v54, v46  }
0x15c: {  	v52 =	vmul.f32 v48, v44;
	v42 =	vadd.f32 v50, v42;
	v45 =	vadd.f32 v53, v45  }
0x15d: {  	v33 =	vmul.f32 $2.500000000e-01, v33;
	v39 =	vadd.f32 v63, v41;
	v51 =	vmul.f32 $2.500000000e-01, v46  }
0x15e: {  	v42 =	vmul.f32 $2.500000000e-01, v42;
	v38 =	vadd.f32 v52, v38;
	v53 =	vmul.f32 $2.500000000e-01, v45  }
0x15f: {  	v39 =	vmul.f32 $2.500000000e-01, v39;
	v40 =	vmul.f32 $1.442695020e+00, v51  }
0x160: {  	v55 =	vmul.f32 $2.500000000e-01, v38;
	v44 =	vmul.f32 $1.442695020e+00, v53  }
0x161: {  	v39 =	vmul.f32 $1.442695020e+00, v39;
	(erf) = vpow2.f32 v40  }
0x162: {  	v54 =	vmul.f32 $1.442695020e+00, v42;
	(erf) = vpow2.f32 v44  }
0x163: {  	v36 =	vmul.f32 $1.442695020e+00, v55;
	(erf) = vpow2.f32 v39  }
0x164: {  	v35 =	vmul.f32 $1.442695020e+00, v35;
	(erf) = vpow2.f32 v54  }
0x165: {  	v34 =	vmul.f32 $1.442695020e+00, v34;
	(erf) = vpow2.f32 v36  }
0x166: {  	v33 =	vmul.f32 $1.442695020e+00, v33;
	(erf) = vpow2.f32 v35  }
0x167: {  	(erf) = vpow2.f32 v34  }
0x168: {  	(erf) = vpow2.f32 v33;
	_ =	sdelay $0x1  }
0x169: {  	v56 =	vpop (erf)  }
0x16a: {  	v57 =	vpop (erf);
	[tilespmem:v25+s15+$0x0] =	vst.idx.msk $0xffff, v56  }
0x16b: {  	v58 =	vpop (erf);
	[tilespmem:v26+s15+$0x0] =	vst.idx.msk $0xffff, v57  }
0x16c: {  	v59 =	vpop (erf);
	[tilespmem:v27+s15+$0x0] =	vst.idx.msk $0xffff, v58  }
0x16d: {  	v60 =	vpop (erf);
	[tilespmem:v28+s15+$0x0] =	vst.idx.msk $0xffff, v59  }
0x16e: {  	v61 =	vpop (erf);
	[tilespmem:v29+s15+$0x0] =	vst.idx.msk $0xffff, v60  }
0x16f: {  	v62 =	vpop (erf);
	[tilespmem:v30+s15+$0x0] =	vst.idx.msk $0xffff, v61  }
0x170: {  	p1 =	seq.s32 s24, $0x0;
	[tilespmem:v31+s15+$0x0] =	vst.idx.msk $0xffff, v62;
	v63 =	vpop (erf)  }
0x171: {  	s2 =	simm.s32 @!p1 $0x6;
	[tilespmem:v32+s15+$0x0] =	vst.idx.msk $0xffff, v63  }
0x172: {  	_ =	swait.ge @!p1 [sflag:s2], $0x1000  }
0x173: {  	[sflag:s2] =	ssyncset.done @!p1 $0x0  }
0x174: {  	[sflag:s2] =	ssyncadd.s32 @!p1 $0xFFFFF000  }
0x175: {  	_ =	swait.ge @!p1 [sflag:s2], $0x200  }
0x176: {  	[sflag:s2] =	ssyncset.done @!p1 $0x0  }
0x177: {  	s23 =	rddreg [dreg:$0x9];
	[sflag:s2] =	ssyncadd.s32 @!p1 $0xFFFFFE00  }
0x178: {  	[tilespmem:s28], [sflag:$0x4] =	stream.indirect.gather [hbm4b:s23+s10], $0x80, s17, s10, $0xb8;
	[tilespmem:$0x1E4D8] =	vst v63  }
0x179: {  	_ =	swait.ge [sflag:s31], $0x1000  }
0x17a: {  	[sflag:s31] =	ssyncset.done $0x0  }
0x17b: {  	s2 =	simm.s32 $0x1A0D8;
	[sflag:s31] =	ssyncadd.s32 $0xFFFFF000  }
0x17c: {  	s5 =	simm.s32 $0x0;
	s4 =	simm.s32 $0x40;
	s3 =	simm.s32 $0x1A0D8;
	v33 =	vld [tilespmem:s2+$0xFFFFFFF0]  }
.LBB2_38:
0x17d: {  	p1 =	sne.s32 s4, $0x7C0;
	v34 =	vld [tilespmem:s5+$0x1C098]  }
0x17e: {  	v35 =	vld [tilespmem:s2+$0xFFFFFFD0]  }
0x17f: {  	v36 =	vld [tilespmem:s2+$0xFFFFFFC0]  }
0x180: {  	v37 =	vld [tilespmem:s2+$0xFFFFFFE0]  }
0x181: {  	v38 =	vld [tilespmem:s2+$0x30]  }
0x182: {  	v39 =	vbroadcast v34, $0x0;
	v40 =	vbroadcast v34, $0x1;
	v41 =	vld [tilespmem:s2+$0x10]  }
0x183: {  	v42 =	vbroadcast v34, $0x2;
	v43 =	vbroadcast v34, $0x3;
	v44 =	vld [tilespmem:s2+$0x0]  }
0x184: {  	v36 =	vmul.f32 v39, v36;
	v35 =	vmul.f32 v35, v40;
	v39 =	vld [tilespmem:s2+$0x20]  }
0x185: {  	v33 =	vmul.f32 v33, v43;
	v37 =	vmul.f32 v37, v42  }
0x186: {  	v40 =	vbroadcast v34, $0x5;
	[tilespmem:s2+$0xFFFFFFC0] =	vst v36;
	v36 =	vbroadcast v34, $0x4  }
0x187: {  	[tilespmem:s2+$0xFFFFFFD0] =	vst v35;
	v35 =	vbroadcast v34, $0x6;
	v34 =	vbroadcast v34, $0x7  }
0x188: {  	[tilespmem:s2+$0xFFFFFFE0] =	vst v37;
	v36 =	vmul.f32 v44, v36;
	v37 =	vmul.f32 v41, v40  }
.Ltmp8:
0x189: {  	[tilespmem:s2+$0xFFFFFFF0] =	vst v33;
	v33 =	vmul.f32 v39, v35;
	v34 =	vmul.f32 v38, v34;
	(pc) =	sbr.rel @p1 .LBB2_38-.Ltmp8, $4  }
0x18a: {  	[tilespmem:s2+$0x0] =	vst v36  }
0x18b: {  	[tilespmem:s2+$0x10] =	vst v37  }
0x18c: {  	s2 =	sadd.s32 $0x80, s2;
	[tilespmem:s3+$0x20] =	vst v33  }
0x18d: {  	s5 =	sshra.s32 s4, $0x2;
	s4 =	sadd.s32 $0x40, s4;
	v33 =	vld [tilespmem:s2+$0xFFFFFFF0];
	[tilespmem:s3+$0x30] =	vst v34;
	s3 =	smov.u32 s2  }
0x18e: {  	v34 =	vld [tilespmem:s5+$0x1C098];
	_ =	sdelay $0x1  }
0x18f: {  	v35 =	vld [tilespmem:s2+$0xFFFFFFC0]  }
0x190: {  	v36 =	vld [tilespmem:s2+$0xFFFFFFD0]  }
0x191: {  	v37 =	vld [tilespmem:s2+$0xFFFFFFE0]  }
0x192: {  	v38 =	vbroadcast v34, $0x0  }
0x193: {  	v41 =	vld [tilespmem:s2+$0x10];
	v39 =	vbroadcast v34, $0x1  }
0x194: {  	v40 =	vld [tilespmem:s2+$0x0];
	v42 =	vbroadcast v34, $0x2;
	v35 =	vmul.f32 v38, v35  }
0x195: {  	v57 =	vld [tilespmem:s2+$0x20];
	v56 =	vbroadcast v34, $0x3;
	v36 =	vmul.f32 v36, v39  }
0x196: {  	v43 =	vld [tilespmem:s2+$0x30];
	v59 =	vbroadcast v34, $0x5;
	v37 =	vmul.f32 v37, v42;
	[tilespmem:s2+$0xFFFFFFC0] =	vst v35  }
0x197: {  	v58 =	vbroadcast v34, $0x4;
	v33 =	vmul.f32 v33, v56;
	[tilespmem:s2+$0xFFFFFFD0] =	vst v36  }
0x198: {  	v60 =	vbroadcast v34, $0x6;
	v61 =	vmul.f32 v41, v59;
	[tilespmem:s2+$0xFFFFFFE0] =	vst v37  }
0x199: {  	v34 =	vbroadcast v34, $0x7;
	v35 =	vmul.f32 v40, v58;
	[tilespmem:s2+$0xFFFFFFF0] =	vst v33  }
0x19a: {  	v62 =	vmul.f32 v57, v60;
	[tilespmem:s2+$0x10] =	vst v61  }
0x19b: {  	v34 =	vmul.f32 v43, v34;
	[tilespmem:s2+$0x0] =	vst v35  }
0x19c: {  	[tilespmem:s3+$0x20] =	vst v62  }
0x19d: {  	[tilespmem:s3+$0x30] =	vst v34  }
0x19e: {  	v33 =	vld [tilespmem:$0x16018]  }
0x19f: {  	v34 =	vld [tilespmem:$0x16028];
	_ =	sdelay $0x2  }
0x1a0: {  	p1 =	seq.s32 s24, $0x9C  }
0x1a1: {  	s2 =	sshll.u32 @!p1 s24, $0x6;
	s3 =	rddreg [dreg:$0x14];
	[tilespmem:$0x16058] =	vst v33  }
0x1a2: {  	s2 =	sadd.s32 @!p1 s2, s3;
	[tilespmem:$0x16068] =	vst v34  }
0x1a3: {  	[spmem:s9] =	stream.indirect.scatter.add.f32 [tilespmem:s13], [sflag:$0x5], $0x80, s0, s10, $0xb8;
	[tilespmem:$0x1E4D8] =	vst v63  }
0x1a4: {  	s2 =	sshrl.u32 @!p1 s2, $0x3  }
0x1a5: {  	[spmem:s18] =	stream.indirect.scatter.add.f32 [tilespmem:s15], [sflag:$0x5], $0x10, s0, s10, $0xb8;
	[tilespmem:$0x1E4D8] =	vst v63  }
0x1a6: {  	s4 =	simm.s32 @!p1 $0x0;
	s5 =	simm.s32 @!p1 $0x15FD8;
	s3 =	sadd.s32 @!p1 s11, s2  }
0x1a7: {  	[tilespmem:s5], [sflag:$0x7] =	stream.linear.gather @!p1 [hbm4b:s3+s4], $0x20, $0x38;
	[tilespmem:$0x1E4D8] =	vst v63  }
0x1a8: {  	s2 =	sadd.s32 @!p1 s12, s2;
	s3 =	simm.s32 @!p1 $0x16018  }
0x1a9: {  	[tilespmem:s3], [sflag:$0x7] =	stream.linear.gather @!p1 [hbm4b:s2+s4], $0x20, $0x38;
	[tilespmem:$0x1E4D8] =	vst v63  }
0x1aa: {  	s2 =	simm.s32 @!p1 $0x7  }
0x1ab: {  	_ =	swait.ge @!p1 [sflag:s2], $0x20  }
0x1ac: {  	[sflag:s2] =	ssyncset.done @!p1 $0x0  }
0x1ad: {  	[sflag:s2] =	ssyncadd.s32 @!p1 $0xFFFFFFE0  }
0x1ae: {  	_ =	swait.ge @!p1 [sflag:s2], $0x20  }
0x1af: {  	s4 =	simm.s32 @!p1 $0x16098;
	[sflag:s2] =	ssyncset.done @!p1 $0x0  }
0x1b0: {  	s6 =	rddreg [dreg:$0x7];
	[sflag:s2] =	ssyncadd.s32 @!p1 $0xFFFFFFE0;
	s2 =	simm.s32 @!p1 $0x20  }
0x1b1: {  	[tilespmem:s4], [sflag:$0x1] =	stream.indirect.gather @!p1 [hbm4b:s6+s2], $0x80, s5, s2, $0xb8;
	[tilespmem:$0x1E4D8] =	vst v63  }
0x1b2: {  	s4 =	simm.s32 @!p1 $0x18098;
	s5 =	rddreg [dreg:$0x8]  }
0x1b3: {  	[tilespmem:s4], [sflag:$0x1] =	stream.indirect.gather @!p1 [hbm4b:s5+s2], $0x80, s3, s2, $0xb8;
	[tilespmem:$0x1E4D8] =	vst v63  }
0x1b4: {  	_ =	swait.ge [sflag:s16], $0x1000  }
0x1b5: {  	[sflag:s16] =	ssyncset.done $0x0  }
0x1b6: {  	[sflag:s16] =	ssyncadd.s32 $0xFFFFF000  }
0x1b7: {  	_ =	swait.ge [sflag:s16], $0x1000  }
0x1b8: {  	[sflag:s16] =	ssyncset.done $0x0  }
0x1b9: {  	s7 =	simm.s32 $0x170D8;
	[sflag:s16] =	ssyncadd.s32 $0xFFFFF000  }
0x1ba: {  	v63 =	vld [tilespmem:s7+$0xFFFFFFC0];
	_ =	sdelay $0x3  }
0x1bb: {  	s3 =	simm.s32 $0x1C498  }
0x1bc: {  	s4 =	simm.s32 $0x190D8;
	[tilespmem:s3+$0x0] =	vst v63  }
0x1bd: {  	v33 =	vld [tilespmem:s4+$0xFFFFFFC0];
	_ =	sdelay $0x3  }
0x1be: {  	s23 =	simm.s32 $0x1D4B8  }
0x1bf: {  	[tilespmem:s23+$0x0] =	vst v33  }
0x1c0: {  	v33 =	vld [tilespmem:s7+$0xFFFFFFD0];
	_ =	sdelay $0x2  }
0x1c1: {  	s2 =	simm.s32 $0x0  }
0x1c2: {  	s8 =	sand.u32 $0xFFF, s2  }
0x1c3: {  	[tilespmem:s8+$0x1C4A8] =	vst v33  }
0x1c4: {  	v33 =	vld [tilespmem:s4+$0xFFFFFFD0];
	_ =	sdelay $0x4  }
0x1c5: {  	[tilespmem:s8+$0x1D4C8] =	vst v33  }
0x1c6: {  	v33 =	vld [tilespmem:s7+$0xFFFFFFE0];
	_ =	sdelay $0x4  }
0x1c7: {  	[tilespmem:s8+$0x1C4B8] =	vst v33  }
0x1c8: {  	v33 =	vld [tilespmem:s4+$0xFFFFFFE0];
	_ =	sdelay $0x4  }
0x1c9: {  	[tilespmem:s8+$0x1D4D8] =	vst v33  }
0x1ca: {  	v33 =	vld [tilespmem:s7+$0xFFFFFFF0];
	_ =	sdelay $0x4  }
0x1cb: {  	[tilespmem:s8+$0x1C4C8] =	vst v33  }
0x1cc: {  	v33 =	vld [tilespmem:s4+$0xFFFFFFF0];
	_ =	sdelay $0x4  }
0x1cd: {  	[tilespmem:s8+$0x1D4E8] =	vst v33  }
0x1ce: {  	v33 =	vld [tilespmem:s7+$0x0];
	_ =	sdelay $0x4  }
0x1cf: {  	[tilespmem:s8+$0x1C4D8] =	vst v33  }
0x1d0: {  	v33 =	vld [tilespmem:s4+$0x0];
	_ =	sdelay $0x4  }
0x1d1: {  	[tilespmem:s8+$0x1D4F8] =	vst v33  }
0x1d2: {  	v33 =	vld [tilespmem:s7+$0x10];
	_ =	sdelay $0x4  }
0x1d3: {  	[tilespmem:s8+$0x1C4E8] =	vst v33  }
0x1d4: {  	v33 =	vld [tilespmem:s4+$0x10];
	_ =	sdelay $0x4  }
0x1d5: {  	[tilespmem:s8+$0x1D508] =	vst v33  }
0x1d6: {  	v33 =	vld [tilespmem:s7+$0x20];
	_ =	sdelay $0x4  }
0x1d7: {  	[tilespmem:s8+$0x1C4F8] =	vst v33  }
0x1d8: {  	v33 =	vld [tilespmem:s4+$0x20];
	_ =	sdelay $0x4  }
0x1d9: {  	[tilespmem:s8+$0x1D518] =	vst v33  }
0x1da: {  	v33 =	vld [tilespmem:s7+$0x30];
	_ =	sdelay $0x4  }
0x1db: {  	[tilespmem:s8+$0x1C508] =	vst v33  }
0x1dc: {  	v33 =	vld [tilespmem:s4+$0x30];
	_ =	sdelay $0x4  }
0x1dd: {  	s5 =	simm.s32 $0x17158;
	[tilespmem:s8+$0x1D528] =	vst v33  }
0x1de: {  	s6 =	simm.s32 $0x81;
	s7 =	simm.s32 $0x102;
	v33 =	vld [tilespmem:s5+$0xFFFFFFC0]  }
.LBB2_40:
0x1df: {  	p2 =	sne.s32 s7, $0xF9F;
	_ =	sdelay $0x2  }
0x1e0: {  	s3 =	sadd.s32 $0x81, s3  }
0x1e1: {  	s4 =	sadd.s32 $0x80, s4;
	[tilespmem:s3+$0x0] =	vst v33  }
0x1e2: {  	v33 =	vld [tilespmem:s4+$0xFFFFFFC0];
	_ =	sdelay $0x3  }
0x1e3: {  	s23 =	sadd.s32 $0x81, s23  }
0x1e4: {  	[tilespmem:s23+$0x0] =	vst v33  }
0x1e5: {  	v33 =	vld [tilespmem:s5+$0xFFFFFFD0];
	_ =	sdelay $0x3  }
0x1e6: {  	s8 =	sand.u32 $0xFFF, s6;
	s6 =	smov.u32 s7  }
0x1e7: {  	[tilespmem:s8+$0x1C4A8] =	vst v33  }
0x1e8: {  	v33 =	vld [tilespmem:s4+$0xFFFFFFD0];
	_ =	sdelay $0x4  }
0x1e9: {  	[tilespmem:s8+$0x1D4C8] =	vst v33  }
0x1ea: {  	v33 =	vld [tilespmem:s5+$0xFFFFFFE0];
	_ =	sdelay $0x4  }
0x1eb: {  	[tilespmem:s8+$0x1C4B8] =	vst v33  }
0x1ec: {  	v33 =	vld [tilespmem:s4+$0xFFFFFFE0];
	_ =	sdelay $0x4  }
0x1ed: {  	[tilespmem:s8+$0x1D4D8] =	vst v33  }
0x1ee: {  	v33 =	vld [tilespmem:s5+$0xFFFFFFF0];
	_ =	sdelay $0x4  }
0x1ef: {  	[tilespmem:s8+$0x1C4C8] =	vst v33  }
0x1f0: {  	v33 =	vld [tilespmem:s4+$0xFFFFFFF0];
	_ =	sdelay $0x4  }
0x1f1: {  	[tilespmem:s8+$0x1D4E8] =	vst v33  }
0x1f2: {  	v33 =	vld [tilespmem:s5+$0x0];
	_ =	sdelay $0x4  }
0x1f3: {  	[tilespmem:s8+$0x1C4D8] =	vst v33  }
0x1f4: {  	v33 =	vld [tilespmem:s4+$0x0];
	_ =	sdelay $0x4  }
0x1f5: {  	[tilespmem:s8+$0x1D4F8] =	vst v33  }
0x1f6: {  	v33 =	vld [tilespmem:s5+$0x10];
	_ =	sdelay $0x4  }
0x1f7: {  	[tilespmem:s8+$0x1C4E8] =	vst v33  }
0x1f8: {  	v33 =	vld [tilespmem:s4+$0x10];
	_ =	sdelay $0x4  }
0x1f9: {  	[tilespmem:s8+$0x1D508] =	vst v33  }
0x1fa: {  	v33 =	vld [tilespmem:s5+$0x20];
	_ =	sdelay $0x4  }
0x1fb: {  	[tilespmem:s8+$0x1C4F8] =	vst v33  }
0x1fc: {  	v33 =	vld [tilespmem:s4+$0x20];
	_ =	sdelay $0x4  }
0x1fd: {  	[tilespmem:s8+$0x1D518] =	vst v33  }
0x1fe: {  	v33 =	vld [tilespmem:s5+$0x30];
	_ =	sdelay $0x4  }
0x1ff: {  	[tilespmem:s8+$0x1C508] =	vst v33  }
0x200: {  	v33 =	vld [tilespmem:s4+$0x30];
	_ =	sdelay $0x1  }
.Ltmp9:
0x201: {  	(pc) =	sbr.rel @p2 .LBB2_40-.Ltmp9, $3  }
0x202: {  	_ =	sdelay $0x1  }
0x203: {  	s5 =	sadd.s32 $0x80, s5;
	[tilespmem:s8+$0x1D528] =	vst v33  }
0x204: {  	s7 =	sadd.s32 $0x81, s7;
	v33 =	vld [tilespmem:s5+$0xFFFFFFC0]  }
0x205: {  	_ =	sdelay $0x2  }
0x206: {  	s3 =	sadd.s32 $0x81, s3  }
0x207: {  	s7 =	sadd.s32 $0x80, s4;
	[tilespmem:s3+$0x0] =	vst v33  }
0x208: {  	v33 =	vld [tilespmem:s7+$0xFFFFFFC0];
	_ =	sdelay $0x3  }
0x209: {  	s8 =	sadd.s32 $0x81, s23  }
0x20a: {  	[tilespmem:s8+$0x0] =	vst v33  }
0x20b: {  	v33 =	vld [tilespmem:s5+$0xFFFFFFD0];
	_ =	sdelay $0x3  }
0x20c: {  	s23 =	sand.u32 $0xFFF, s6  }
0x20d: {  	[tilespmem:s23+$0x1C4A8] =	vst v33  }
0x20e: {  	v33 =	vld [tilespmem:s7+$0xFFFFFFD0];
	_ =	sdelay $0x4  }
0x20f: {  	[tilespmem:s23+$0x1D4C8] =	vst v33  }
0x210: {  	v33 =	vld [tilespmem:s5+$0xFFFFFFE0];
	_ =	sdelay $0x4  }
0x211: {  	[tilespmem:s23+$0x1C4B8] =	vst v33  }
0x212: {  	v33 =	vld [tilespmem:s7+$0xFFFFFFE0];
	_ =	sdelay $0x4  }
0x213: {  	[tilespmem:s23+$0x1D4D8] =	vst v33  }
0x214: {  	v33 =	vld [tilespmem:s5+$0xFFFFFFF0];
	_ =	sdelay $0x4  }
0x215: {  	[tilespmem:s23+$0x1C4C8] =	vst v33  }
0x216: {  	v33 =	vld [tilespmem:s7+$0xFFFFFFF0];
	_ =	sdelay $0x4  }
0x217: {  	[tilespmem:s23+$0x1D4E8] =	vst v33  }
0x218: {  	v33 =	vld [tilespmem:s5+$0x0];
	_ =	sdelay $0x4  }
0x219: {  	[tilespmem:s23+$0x1C4D8] =	vst v33  }
0x21a: {  	v33 =	vld [tilespmem:s7+$0x0];
	_ =	sdelay $0x4  }
0x21b: {  	[tilespmem:s23+$0x1D4F8] =	vst v33  }
0x21c: {  	v33 =	vld [tilespmem:s5+$0x10];
	_ =	sdelay $0x4  }
0x21d: {  	[tilespmem:s23+$0x1C4E8] =	vst v33  }
0x21e: {  	v33 =	vld [tilespmem:s7+$0x10];
	_ =	sdelay $0x4  }
0x21f: {  	[tilespmem:s23+$0x1D508] =	vst v33  }
0x220: {  	v33 =	vld [tilespmem:s5+$0x20];
	_ =	sdelay $0x4  }
0x221: {  	[tilespmem:s23+$0x1C4F8] =	vst v33  }
0x222: {  	v33 =	vld [tilespmem:s7+$0x20];
	_ =	sdelay $0x4  }
0x223: {  	[tilespmem:s23+$0x1D518] =	vst v33  }
0x224: {  	v33 =	vld [tilespmem:s5+$0x30];
	_ =	sdelay $0x4  }
0x225: {  	[tilespmem:s23+$0x1C508] =	vst v33  }
0x226: {  	v33 =	vld [tilespmem:s7+$0x30]  }
0x227: {  	v34 =	vadd.s32 s2, v9;
	_ =	sdelay $0x1  }
0x228: {  	v35 =	vadd.s32 s2, v8;
	_ =	sdelay $0x1  }
0x229: {  	v62 =	vadd.s32 s2, v7;
	[tilespmem:s23+$0x1D528] =	vst v33  }
0x22a: {  	v37 =	vld.idx.msk [tilespmem:v34+s25+$0x0], $0xffff  }
0x22b: {  	v38 =	vadd.s32 s2, v6;
	v39 =	vld.idx.msk [tilespmem:v34+s26+$0x0], $0xffff  }
0x22c: {  	v36 =	vld.idx.msk [tilespmem:v35+s25+$0x0], $0xffff  }
0x22d: {  	v63 =	vadd.s32 s2, v4;
	v40 =	vld.idx.msk [tilespmem:v35+s26+$0x0], $0xffff  }
0x22e: {  	v43 =	vld.idx.msk [tilespmem:v62+s25+$0x0], $0xffff  }
0x22f: {  	v52 =	vadd.s32 s2, v3;
	v47 =	vld.idx.msk [tilespmem:v62+s26+$0x0], $0xffff  }
0x230: {  	v44 =	vld.idx.msk [tilespmem:v38+s25+$0x0], $0xffff  }
0x231: {  	v53 =	vadd.s32 s2, v2;
	v48 =	vld.idx.msk [tilespmem:v38+s26+$0x0], $0xffff  }
0x232: {  	v54 =	vadd.s32 s2, v0;
	v41 =	vimm.f32 $0.0e+00;
	v42 =	vimm.f32 $0.0e+00;
	v49 =	vld.idx.msk [tilespmem:v63+s25+$0x0], $0xffff  }
0x233: {  	v46 =	vimm.f32 $0.0e+00;
	v45 =	vimm.f32 $0.0e+00;
	v33 =	vimm.f32 $0.0e+00;
	v50 =	vld.idx.msk [tilespmem:v63+s26+$0x0], $0xffff  }
0x234: {  	s2 =	simm.s32 $0x1;
	v35 =	vimm.f32 $0.0e+00;
	v34 =	vimm.f32 $0.0e+00;
	v38 =	vimm.f32 $0.0e+00;
	v51 =	vld.idx.msk [tilespmem:v52+s25+$0x0], $0xffff  }
.LBB2_42:
0x235: {  	v55 =	vadd.s32 s2, v9;
	p2 =	sne.s32 s2, $0xF;
	v52 =	vld.idx.msk [tilespmem:v52+s26+$0x0], $0xffff  }
0x236: {  	v56 =	vld.idx.msk [tilespmem:v53+s25+$0x0], $0xffff  }
0x237: {  	v57 =	vadd.s32 s2, v8;
	v53 =	vld.idx.msk [tilespmem:v53+s26+$0x0], $0xffff  }
0x238: {  	v58 =	vld.idx.msk [tilespmem:v54+s25+$0x0], $0xffff  }
0x239: {  	v59 =	vadd.s32 s2, v7;
	v54 =	vld.idx.msk [tilespmem:v54+s26+$0x0], $0xffff  }
0x23a: {  	v60 =	vmul.f32 v39, v37;
	v37 =	vld.idx.msk [tilespmem:v55+s25+$0x0], $0xffff  }
0x23b: {  	v61 =	vadd.s32 s2, v6;
	v43 =	vmul.f32 v47, v43;
	v47 =	vmul.f32 v40, v36;
	v39 =	vld.idx.msk [tilespmem:v55+s26+$0x0], $0xffff  }
0x23c: {  	v44 =	vmul.f32 v48, v44;
	v33 =	vadd.f32 v60, v33;
	v36 =	vld.idx.msk [tilespmem:v57+s25+$0x0], $0xffff  }
0x23d: {  	v35 =	vadd.f32 v43, v35;
	v34 =	vadd.f32 v47, v34;
	v55 =	vadd.s32 s2, v4;
	v40 =	vld.idx.msk [tilespmem:v57+s26+$0x0], $0xffff  }
0x23e: {  	v49 =	vmul.f32 v50, v49;
	v38 =	vadd.f32 v44, v38;
	v48 =	vmul.f32 v52, v51;
	v43 =	vld.idx.msk [tilespmem:v59+s25+$0x0], $0xffff  }
0x23f: {  	v52 =	vadd.s32 s2, v3;
	v51 =	vmul.f32 v53, v56;
	v50 =	vmul.f32 v54, v58;
	v47 =	vld.idx.msk [tilespmem:v59+s26+$0x0], $0xffff  }
.Ltmp10:
0x240: {  	v42 =	vadd.f32 v49, v42;
	v41 =	vadd.f32 v48, v41;
	v44 =	vld.idx.msk [tilespmem:v61+s25+$0x0], $0xffff;
	(pc) =	sbr.rel @p2 .LBB2_42-.Ltmp10, $4  }
0x241: {  	v53 =	vadd.s32 s2, v2;
	v45 =	vadd.f32 v51, v45;
	v46 =	vadd.f32 v50, v46;
	v48 =	vld.idx.msk [tilespmem:v61+s26+$0x0], $0xffff  }
0x242: {  	v49 =	vld.idx.msk [tilespmem:v55+s25+$0x0], $0xffff  }
0x243: {  	v54 =	vadd.s32 s2, v0;
	v50 =	vld.idx.msk [tilespmem:v55+s26+$0x0], $0xffff  }
0x244: {  	s2 =	sadd.s32 $0x1, s2;
	v51 =	vld.idx.msk [tilespmem:v52+s25+$0x0], $0xffff  }
0x245: {  	_ =	sdelay $0x3  }
0x246: {  	v55 =	vld.idx.msk [tilespmem:v53+s25+$0x0], $0xffff  }
0x247: {  	v56 =	vld.idx.msk [tilespmem:v54+s25+$0x0], $0xffff  }
0x248: {  	v59 =	vld.idx.msk [tilespmem:v54+s26+$0x0], $0xffff  }
0x249: {  	v60 =	vld.idx.msk [tilespmem:v53+s26+$0x0], $0xffff  }
0x24a: {  	v52 =	vld.idx.msk [tilespmem:v52+s26+$0x0], $0xffff  }
0x24b: {  	v43 =	vmul.f32 v47, v43;
	v36 =	vmul.f32 v40, v36  }
0x24c: {  	v37 =	vmul.f32 v39, v37;
	v48 =	vmul.f32 v48, v44  }
0x24d: {  	v35 =	vadd.f32 v43, v35;
	v34 =	vadd.f32 v36, v34;
	v54 =	vmul.f32 v59, v56  }
0x24e: {  	v33 =	vadd.f32 v37, v33;
	v62 =	vmul.f32 v50, v49;
	v53 =	vmul.f32 v60, v55  }
0x24f: {  	v38 =	vadd.f32 v48, v38;
	v61 =	vmul.f32 v52, v51;
	v46 =	vadd.f32 v54, v46  }
0x250: {  	v35 =	vmul.f32 $2.500000000e-01, v35;
	v34 =	vmul.f32 $2.500000000e-01, v34;
	v45 =	vadd.f32 v53, v45  }
0x251: {  	v33 =	vmul.f32 $2.500000000e-01, v33;
	v39 =	vadd.f32 v61, v41;
	v63 =	vmul.f32 $2.500000000e-01, v46  }
0x252: {  	v42 =	vadd.f32 v62, v42;
	v51 =	vmul.f32 $2.500000000e-01, v38;
	v49 =	vmul.f32 $2.500000000e-01, v45  }
0x253: {  	v39 =	vmul.f32 $2.500000000e-01, v39;
	v40 =	vmul.f32 $1.442695020e+00, v63  }
0x254: {  	v42 =	vmul.f32 $2.500000000e-01, v42;
	v44 =	vmul.f32 $1.442695020e+00, v49  }
0x255: {  	v39 =	vmul.f32 $1.442695020e+00, v39;
	(erf) = vpow2.f32 v40  }
0x256: {  	v50 =	vmul.f32 $1.442695020e+00, v42;
	(erf) = vpow2.f32 v44  }
0x257: {  	v36 =	vmul.f32 $1.442695020e+00, v51;
	(erf) = vpow2.f32 v39  }
0x258: {  	v35 =	vmul.f32 $1.442695020e+00, v35;
	(erf) = vpow2.f32 v50  }
0x259: {  	v34 =	vmul.f32 $1.442695020e+00, v34;
	(erf) = vpow2.f32 v36  }
0x25a: {  	v33 =	vmul.f32 $1.442695020e+00, v33;
	(erf) = vpow2.f32 v35  }
0x25b: {  	(erf) = vpow2.f32 v34  }
0x25c: {  	(erf) = vpow2.f32 v33;
	_ =	sdelay $0x1  }
0x25d: {  	v52 =	vpop (erf)  }
0x25e: {  	v53 =	vpop (erf);
	[tilespmem:v5+s30+$0x0] =	vst.idx.msk $0xffff, v52  }
0x25f: {  	v54 =	vpop (erf);
	[tilespmem:v10+s30+$0x0] =	vst.idx.msk $0xffff, v53  }
0x260: {  	s2 =	simm.s32 $0x0;
	v55 =	vpop (erf);
	[tilespmem:v11+s30+$0x0] =	vst.idx.msk $0xffff, v54  }
0x261: {  	v57 =	vadd.s32 s2, v24;
	v56 =	vpop (erf);
	[tilespmem:v12+s30+$0x0] =	vst.idx.msk $0xffff, v55  }
0x262: {  	v35 =	vpop (erf);
	[tilespmem:v13+s30+$0x0] =	vst.idx.msk $0xffff, v56  }
0x263: {  	v59 =	vadd.s32 s2, v23;
	v58 =	vpop (erf);
	[tilespmem:v14+s30+$0x0] =	vst.idx.msk $0xffff, v35  }
0x264: {  	[tilespmem:v15+s30+$0x0] =	vst.idx.msk $0xffff, v58;
	v60 =	vpop (erf)  }
0x265: {  	v61 =	vadd.s32 s2, v22;
	[tilespmem:v16+s30+$0x0] =	vst.idx.msk $0xffff, v60  }
0x266: {  	v37 =	vld.idx.msk [tilespmem:v57+s25+$0x0], $0xffff  }
0x267: {  	v62 =	vadd.s32 s2, v21;
	v39 =	vld.idx.msk [tilespmem:v57+s26+$0x0], $0xffff  }
0x268: {  	v36 =	vld.idx.msk [tilespmem:v59+s25+$0x0], $0xffff  }
0x269: {  	v63 =	vadd.s32 s2, v20;
	v40 =	vld.idx.msk [tilespmem:v59+s26+$0x0], $0xffff  }
0x26a: {  	v43 =	vld.idx.msk [tilespmem:v61+s25+$0x0], $0xffff  }
0x26b: {  	v52 =	vadd.s32 s2, v19;
	v47 =	vld.idx.msk [tilespmem:v61+s26+$0x0], $0xffff  }
0x26c: {  	v44 =	vld.idx.msk [tilespmem:v62+s25+$0x0], $0xffff  }
0x26d: {  	v53 =	vadd.s32 s2, v18;
	v48 =	vld.idx.msk [tilespmem:v62+s26+$0x0], $0xffff  }
0x26e: {  	v38 =	vimm.f32 $0.0e+00;
	v41 =	vimm.f32 $0.0e+00;
	v42 =	vimm.f32 $0.0e+00;
	v49 =	vld.idx.msk [tilespmem:v63+s25+$0x0], $0xffff  }
0x26f: {  	v46 =	vimm.f32 $0.0e+00;
	v45 =	vimm.f32 $0.0e+00;
	v54 =	vadd.s32 s2, v17;
	v50 =	vld.idx.msk [tilespmem:v63+s26+$0x0], $0xffff  }
0x270: {  	s6 =	simm.s32 $0x16038;
	v34 =	vimm.f32 $0.0e+00;
	v33 =	vimm.f32 $0.0e+00;
	s2 =	simm.s32 $0x1;
	v35 =	vimm.f32 $0.0e+00;
	v51 =	vld.idx.msk [tilespmem:v52+s25+$0x0], $0xffff  }
.LBB2_44:
0x271: {  	v55 =	vadd.s32 s2, v24;
	p2 =	sne.s32 s2, $0xF;
	v52 =	vld.idx.msk [tilespmem:v52+s26+$0x0], $0xffff  }
0x272: {  	v56 =	vld.idx.msk [tilespmem:v53+s25+$0x0], $0xffff  }
0x273: {  	v57 =	vadd.s32 s2, v23;
	v53 =	vld.idx.msk [tilespmem:v53+s26+$0x0], $0xffff  }
0x274: {  	v58 =	vld.idx.msk [tilespmem:v54+s25+$0x0], $0xffff  }
0x275: {  	v59 =	vadd.s32 s2, v22;
	v54 =	vld.idx.msk [tilespmem:v54+s26+$0x0], $0xffff  }
0x276: {  	v60 =	vmul.f32 v39, v37;
	v37 =	vld.idx.msk [tilespmem:v55+s25+$0x0], $0xffff  }
0x277: {  	v61 =	vadd.s32 s2, v21;
	v43 =	vmul.f32 v47, v43;
	v47 =	vmul.f32 v40, v36;
	v39 =	vld.idx.msk [tilespmem:v55+s26+$0x0], $0xffff  }
0x278: {  	v44 =	vmul.f32 v48, v44;
	v33 =	vadd.f32 v60, v33;
	v36 =	vld.idx.msk [tilespmem:v57+s25+$0x0], $0xffff  }
0x279: {  	v35 =	vadd.f32 v43, v35;
	v34 =	vadd.f32 v47, v34;
	v55 =	vadd.s32 s2, v20;
	v40 =	vld.idx.msk [tilespmem:v57+s26+$0x0], $0xffff  }
0x27a: {  	v49 =	vmul.f32 v50, v49;
	v38 =	vadd.f32 v44, v38;
	v48 =	vmul.f32 v52, v51;
	v43 =	vld.idx.msk [tilespmem:v59+s25+$0x0], $0xffff  }
0x27b: {  	v52 =	vadd.s32 s2, v19;
	v51 =	vmul.f32 v53, v56;
	v50 =	vmul.f32 v54, v58;
	v47 =	vld.idx.msk [tilespmem:v59+s26+$0x0], $0xffff  }
.Ltmp11:
0x27c: {  	v42 =	vadd.f32 v49, v42;
	v41 =	vadd.f32 v48, v41;
	v44 =	vld.idx.msk [tilespmem:v61+s25+$0x0], $0xffff;
	(pc) =	sbr.rel @p2 .LBB2_44-.Ltmp11, $4  }
0x27d: {  	v53 =	vadd.s32 s2, v18;
	v45 =	vadd.f32 v51, v45;
	v46 =	vadd.f32 v50, v46;
	v48 =	vld.idx.msk [tilespmem:v61+s26+$0x0], $0xffff  }
0x27e: {  	v49 =	vld.idx.msk [tilespmem:v55+s25+$0x0], $0xffff  }
0x27f: {  	v54 =	vadd.s32 s2, v17;
	v50 =	vld.idx.msk [tilespmem:v55+s26+$0x0], $0xffff  }
0x280: {  	s2 =	sadd.s32 $0x1, s2;
	v51 =	vld.idx.msk [tilespmem:v52+s25+$0x0], $0xffff  }
0x281: {  	_ =	sdelay $0x3  }
0x282: {  	v55 =	vld.idx.msk [tilespmem:v53+s25+$0x0], $0xffff  }
0x283: {  	v56 =	vld.idx.msk [tilespmem:v54+s25+$0x0], $0xffff  }
0x284: {  	v61 =	vld.idx.msk [tilespmem:v54+s26+$0x0], $0xffff  }
0x285: {  	v62 =	vld.idx.msk [tilespmem:v53+s26+$0x0], $0xffff  }
0x286: {  	v52 =	vld.idx.msk [tilespmem:v52+s26+$0x0], $0xffff;
	v43 =	vmul.f32 v47, v43  }
0x287: {  	v36 =	vmul.f32 v40, v36  }
0x288: {  	v37 =	vmul.f32 v39, v37;
	v35 =	vadd.f32 v43, v35  }
0x289: {  	v34 =	vadd.f32 v36, v34;
	v50 =	vmul.f32 v50, v49;
	v54 =	vmul.f32 v61, v56  }
0x28a: {  	v33 =	vadd.f32 v37, v33;
	v35 =	vmul.f32 $2.500000000e-01, v35;
	v53 =	vmul.f32 v62, v55  }
0x28b: {  	v34 =	vmul.f32 $2.500000000e-01, v34;
	v63 =	vmul.f32 v52, v51;
	v46 =	vadd.f32 v54, v46  }
0x28c: {  	v52 =	vmul.f32 v48, v44;
	v42 =	vadd.f32 v50, v42;
	v45 =	vadd.f32 v53, v45  }
0x28d: {  	v33 =	vmul.f32 $2.500000000e-01, v33;
	v39 =	vadd.f32 v63, v41;
	v51 =	vmul.f32 $2.500000000e-01, v46  }
0x28e: {  	v42 =	vmul.f32 $2.500000000e-01, v42;
	v38 =	vadd.f32 v52, v38;
	v53 =	vmul.f32 $2.500000000e-01, v45  }
0x28f: {  	v39 =	vmul.f32 $2.500000000e-01, v39;
	v40 =	vmul.f32 $1.442695020e+00, v51  }
0x290: {  	v55 =	vmul.f32 $2.500000000e-01, v38;
	v44 =	vmul.f32 $1.442695020e+00, v53  }
0x291: {  	v39 =	vmul.f32 $1.442695020e+00, v39;
	(erf) = vpow2.f32 v40  }
0x292: {  	v54 =	vmul.f32 $1.442695020e+00, v42;
	(erf) = vpow2.f32 v44  }
0x293: {  	v36 =	vmul.f32 $1.442695020e+00, v55;
	(erf) = vpow2.f32 v39  }
0x294: {  	v35 =	vmul.f32 $1.442695020e+00, v35;
	(erf) = vpow2.f32 v54  }
0x295: {  	v34 =	vmul.f32 $1.442695020e+00, v34;
	(erf) = vpow2.f32 v36  }
0x296: {  	v33 =	vmul.f32 $1.442695020e+00, v33;
	(erf) = vpow2.f32 v35  }
0x297: {  	(erf) = vpow2.f32 v34  }
0x298: {  	(erf) = vpow2.f32 v33;
	_ =	sdelay $0x1  }
0x299: {  	v56 =	vpop (erf)  }
0x29a: {  	v57 =	vpop (erf);
	[tilespmem:v25+s30+$0x0] =	vst.idx.msk $0xffff, v56  }
0x29b: {  	v58 =	vpop (erf);
	[tilespmem:v26+s30+$0x0] =	vst.idx.msk $0xffff, v57  }
0x29c: {  	v59 =	vpop (erf);
	[tilespmem:v27+s30+$0x0] =	vst.idx.msk $0xffff, v58  }
0x29d: {  	v60 =	vpop (erf);
	[tilespmem:v28+s30+$0x0] =	vst.idx.msk $0xffff, v59  }
0x29e: {  	v61 =	vpop (erf);
	[tilespmem:v29+s30+$0x0] =	vst.idx.msk $0xffff, v60  }
0x29f: {  	v62 =	vpop (erf);
	[tilespmem:v30+s30+$0x0] =	vst.idx.msk $0xffff, v61  }
0x2a0: {  	[tilespmem:v31+s30+$0x0] =	vst.idx.msk $0xffff, v62;
	v63 =	vpop (erf)  }
0x2a1: {  	[tilespmem:v32+s30+$0x0] =	vst.idx.msk $0xffff, v63  }
0x2a2: {  	_ =	swait.ge [sflag:s1], $0x1000  }
0x2a3: {  	[sflag:s1] =	ssyncset.done $0x0  }
0x2a4: {  	[sflag:s1] =	ssyncadd.s32 $0xFFFFF000  }
0x2a5: {  	_ =	swait.ge [sflag:s1], $0x200  }
0x2a6: {  	s2 =	simm.s32 @!p1 $0x20;
	s3 =	simm.s32 @!p1 $0x15FD8;
	[sflag:s1] =	ssyncset.done $0x0  }
0x2a7: {  	s4 =	simm.s32 @!p1 $0x1A098;
	s5 =	rddreg [dreg:$0x9];
	[sflag:s1] =	ssyncadd.s32 $0xFFFFFE00  }
0x2a8: {  	[tilespmem:s4], [sflag:$0x3] =	stream.indirect.gather @!p1 [hbm4b:s5+s2], $0x80, s3, s2, $0xb8;
	[tilespmem:$0x1E4D8] =	vst v63  }
0x2a9: {  	_ =	swait.ge [sflag:s20], $0x1000  }
0x2aa: {  	[sflag:s20] =	ssyncset.done $0x0  }
0x2ab: {  	s2 =	simm.s32 $0x1B0D8;
	[sflag:s20] =	ssyncadd.s32 $0xFFFFF000  }
0x2ac: {  	s5 =	simm.s32 $0x0;
	s4 =	simm.s32 $0x40;
	s3 =	simm.s32 $0x1B0D8;
	v33 =	vld [tilespmem:s2+$0xFFFFFFF0]  }
.LBB2_46:
0x2ad: {  	p2 =	sne.s32 s4, $0x7C0;
	v34 =	vld [tilespmem:s5+$0x1C298]  }
0x2ae: {  	v35 =	vld [tilespmem:s2+$0xFFFFFFD0]  }
0x2af: {  	v36 =	vld [tilespmem:s2+$0xFFFFFFC0]  }
0x2b0: {  	v37 =	vld [tilespmem:s2+$0xFFFFFFE0]  }
0x2b1: {  	v38 =	vld [tilespmem:s2+$0x30]  }
0x2b2: {  	v39 =	vbroadcast v34, $0x0;
	v40 =	vbroadcast v34, $0x1;
	v41 =	vld [tilespmem:s2+$0x10]  }
0x2b3: {  	v42 =	vbroadcast v34, $0x2;
	v43 =	vbroadcast v34, $0x3;
	v44 =	vld [tilespmem:s2+$0x0]  }
0x2b4: {  	v36 =	vmul.f32 v39, v36;
	v35 =	vmul.f32 v35, v40;
	v39 =	vld [tilespmem:s2+$0x20]  }
0x2b5: {  	v33 =	vmul.f32 v33, v43;
	v37 =	vmul.f32 v37, v42  }
0x2b6: {  	v40 =	vbroadcast v34, $0x5;
	[tilespmem:s2+$0xFFFFFFC0] =	vst v36;
	v36 =	vbroadcast v34, $0x4  }
0x2b7: {  	[tilespmem:s2+$0xFFFFFFD0] =	vst v35;
	v35 =	vbroadcast v34, $0x6;
	v34 =	vbroadcast v34, $0x7  }
0x2b8: {  	[tilespmem:s2+$0xFFFFFFE0] =	vst v37;
	v36 =	vmul.f32 v44, v36;
	v37 =	vmul.f32 v41, v40  }
.Ltmp12:
0x2b9: {  	[tilespmem:s2+$0xFFFFFFF0] =	vst v33;
	v33 =	vmul.f32 v39, v35;
	v34 =	vmul.f32 v38, v34;
	(pc) =	sbr.rel @p2 .LBB2_46-.Ltmp12, $4  }
0x2ba: {  	[tilespmem:s2+$0x0] =	vst v36  }
0x2bb: {  	[tilespmem:s2+$0x10] =	vst v37  }
0x2bc: {  	s2 =	sadd.s32 $0x80, s2;
	[tilespmem:s3+$0x20] =	vst v33  }
0x2bd: {  	s5 =	sshra.s32 s4, $0x2;
	s4 =	sadd.s32 $0x40, s4;
	v33 =	vld [tilespmem:s2+$0xFFFFFFF0];
	[tilespmem:s3+$0x30] =	vst v34;
	s3 =	smov.u32 s2  }
0x2be: {  	v34 =	vld [tilespmem:s5+$0x1C298];
	_ =	sdelay $0x1  }
0x2bf: {  	v35 =	vld [tilespmem:s2+$0xFFFFFFC0]  }
0x2c0: {  	v36 =	vld [tilespmem:s2+$0xFFFFFFD0]  }
0x2c1: {  	v37 =	vld [tilespmem:s2+$0xFFFFFFE0]  }
0x2c2: {  	v38 =	vbroadcast v34, $0x0  }
0x2c3: {  	v41 =	vld [tilespmem:s2+$0x10];
	v39 =	vbroadcast v34, $0x1  }
0x2c4: {  	v40 =	vld [tilespmem:s2+$0x0];
	v42 =	vbroadcast v34, $0x2;
	v35 =	vmul.f32 v38, v35  }
0x2c5: {  	v58 =	vld [tilespmem:s2+$0x20];
	v57 =	vbroadcast v34, $0x3;
	v36 =	vmul.f32 v36, v39  }
0x2c6: {  	v43 =	vld [tilespmem:s2+$0x30];
	v60 =	vbroadcast v34, $0x5;
	v37 =	vmul.f32 v37, v42;
	[tilespmem:s2+$0xFFFFFFC0] =	vst v35  }
0x2c7: {  	v59 =	vbroadcast v34, $0x4;
	v33 =	vmul.f32 v33, v57;
	[tilespmem:s2+$0xFFFFFFD0] =	vst v36  }
0x2c8: {  	v61 =	vbroadcast v34, $0x6;
	v62 =	vmul.f32 v41, v60;
	[tilespmem:s2+$0xFFFFFFE0] =	vst v37  }
0x2c9: {  	v34 =	vbroadcast v34, $0x7;
	v35 =	vmul.f32 v40, v59;
	[tilespmem:s2+$0xFFFFFFF0] =	vst v33  }
0x2ca: {  	v63 =	vmul.f32 v58, v61;
	[tilespmem:s2+$0x10] =	vst v62  }
0x2cb: {  	v34 =	vmul.f32 v43, v34;
	[tilespmem:s2+$0x0] =	vst v35  }
0x2cc: {  	[tilespmem:s3+$0x20] =	vst v63  }
0x2cd: {  	[tilespmem:s3+$0x30] =	vst v34  }
0x2ce: {  	v33 =	vld [tilespmem:$0x16038]  }
0x2cf: {  	v34 =	vld [tilespmem:$0x16048];
	_ =	sdelay $0x3  }
.Ltmp13:
0x2d0: {  	[tilespmem:$0x16078] =	vst v33;
	(pc) =	sbr.rel @p1 .LBB2_48-.Ltmp13, $4  }
0x2d1: {  	[tilespmem:$0x16088] =	vst v34  }
0x2d2: {  	[spmem:s9] =	stream.indirect.scatter.add.f32 [tilespmem:s28], [sflag:$0x6], $0x80, s21, s10, $0xb8;
	[tilespmem:$0x1E4D8] =	vst v63  }
0x2d3: {  	_ = 	snop  }
0x2d4: {  	[spmem:s18] =	stream.indirect.scatter.add.f32 [tilespmem:s30], [sflag:$0x6], $0x10, s21, s10, $0xb8;
	[tilespmem:$0x1E4D8] =	vst v63  }
0x2d5: {  	s2 =	sshll.u32 s24, $0x6;
	s3 =	rddreg [dreg:$0x15]  }
0x2d6: {  	s2 =	sadd.s32 s2, s3  }
.Ltmp14:
0x2d7: {  	s2 =	sshrl.u32 s2, $0x3;
	(pc) =	sbr.rel .LBB2_31-.Ltmp14, $4  }
0x2d8: {  	s4 =	simm.s32 $0x0;
	s23 =	sadd.s32 s11, s2  }
0x2d9: {  	[tilespmem:s17], [sflag:$0x8] =	stream.linear.gather [hbm4b:s23+s4], $0x20, $0x38;
	[tilespmem:$0x1E4D8] =	vst v63  }
0x2da: {  	s24 =	sadd.s32 $0x1, s24;
	s2 =	sadd.s32 s12, s2  }
0x2db: {  	[tilespmem:s6], [sflag:$0x8] =	stream.linear.gather [hbm4b:s2+s4], $0x20, $0x38;
	[tilespmem:$0x1E4D8] =	vst v63  }
.LBB2_2:
0x2dc: {  	[tilespmem:s2+$0xFFFFFFD0] =	vst v1  }
0x2dd: {  	[tilespmem:s2+$0xFFFFFFE0] =	vst v1  }
0x2de: {  	[tilespmem:s2+$0xFFFFFFF0] =	vst v1  }
0x2df: {  	[tilespmem:s2+$0x0] =	vst v1  }
0x2e0: {  	[tilespmem:s2+$0x10] =	vst v1  }
0x2e1: {  	[tilespmem:s2+$0x20] =	vst v1  }
0x2e2: {  	[tilespmem:s2+$0x30] =	vst v1;
	s3 =	simm.s32 $0x0  }
0x2e3: {  	[tilespmem:s2+$0xFFFFFFC0] =	vst v1;
	s4 =	sshra.s32 s3, $0x2;
	s3 =	sadd.s32 $0x40, s3  }
.LBB2_3:
0x2e4: {  	p1 =	sne.s32 s3, $0x7C0;
	[tilespmem:s4+$0x1C098] =	vst v1;
	s2 =	sadd.s32 $0x80, s2  }
0x2e5: {  	[tilespmem:s2+$0xFFFFFFD0] =	vst v1  }
0x2e6: {  	[tilespmem:s2+$0xFFFFFFE0] =	vst v1  }
0x2e7: {  	[tilespmem:s2+$0xFFFFFFF0] =	vst v1  }
.Ltmp15:
0x2e8: {  	[tilespmem:s2+$0x0] =	vst v1;
	(pc) =	sbr.rel @p1 .LBB2_3-.Ltmp15, $4  }
0x2e9: {  	[tilespmem:s2+$0x10] =	vst v1  }
0x2ea: {  	[tilespmem:s2+$0x20] =	vst v1  }
0x2eb: {  	[tilespmem:s2+$0x30] =	vst v1  }
0x2ec: {  	s4 =	sshra.s32 s3, $0x2;
	s3 =	sadd.s32 $0x40, s3;
	[tilespmem:s2+$0xFFFFFFC0] =	vst v1  }
0x2ed: {  	[tilespmem:s4+$0x1C098] =	vst v1;
	s3 =	rddreg [dreg:$0x19]  }
0x2ee: {  	[spmem:s3] =	stream.linear.scatter [tilespmem:s13], [sflag:$0x9], $0x1000, $0x38;
	[tilespmem:$0x1E4D8] =	vst v63  }
0x2ef: {  	_ =	swait.ge [sflag:s14], $0x1000  }
0x2f0: {  	[sflag:s14] =	ssyncset.done $0x0  }
0x2f1: {  	s2 =	sadd.s32 $0x0, s29;
	[sflag:s14] =	ssyncadd.s32 $0xFFFFF000  }
0x2f2: {  	[spmem:s2] =	stream.linear.scatter [tilespmem:s15], [sflag:$0x9], $0x200, $0x38;
	[tilespmem:$0x1E4D8] =	vst v63  }
0x2f3: {  	_ =	swait.ge [sflag:s14], $0x200  }
0x2f4: {  	s2 =	simm.s32 $0x800;
	[sflag:s14] =	ssyncset.done $0x0  }
.LBB2_5:
0x2f5: {  	p1 =	sne.s32 s2, $0x9000;
	[sflag:s14] =	ssyncadd.s32 $0xFFFFFE00;
	s3 =	sadd.s32 $0x1000, s3  }
0x2f6: {  	[spmem:s3] =	stream.linear.scatter [tilespmem:s13], [sflag:$0x9], $0x1000, $0x38;
	[tilespmem:$0x1E4D8] =	vst v63  }
0x2f7: {  	s4 =	smov.u32 s2;
	s2 =	sadd.s32 $0x800, s2;
	_ =	swait.ge [sflag:s14], $0x1000  }
.Ltmp16:
0x2f8: {  	s4 =	sshra.s32 s4, $0x2;
	[sflag:s14] =	ssyncset.done $0x0;
	(pc) =	sbr.rel @p1 .LBB2_5-.Ltmp16, $4  }
0x2f9: {  	s4 =	sadd.s32 s4, s29;
	[sflag:s14] =	ssyncadd.s32 $0xFFFFF000  }
0x2fa: {  	[spmem:s4] =	stream.linear.scatter [tilespmem:s15], [sflag:$0x9], $0x200, $0x38;
	[tilespmem:$0x1E4D8] =	vst v63  }
0x2fb: {  	_ =	swait.ge [sflag:s14], $0x200  }
0x2fc: {  	[sflag:s14] =	ssyncset.done $0x0  }
0x2fd: {  	[sflag:s14] =	ssyncadd.s32 $0xFFFFFE00;
	s2 =	rddreg [dreg:$0xe]  }
0x2fe: {  	[spmem:s2] =	stream.linear.scatter [tilespmem:s13], [sflag:$0x9], $0x880, $0x38;
	[tilespmem:$0x1E4D8] =	vst v63  }
0x2ff: {  	_ =	swait.ge [sflag:s14], $0x880  }
0x300: {  	[sflag:s14] =	ssyncset.done $0x0  }
0x301: {  	s3 =	rddreg [dreg:$0xf];
	[sflag:s14] =	ssyncadd.s32 $0xFFFFF780  }
0x302: {  	[spmem:s3] =	stream.linear.scatter [tilespmem:s15], [sflag:$0x9], $0x110, $0x38;
	[tilespmem:$0x1E4D8] =	vst v63  }
0x303: {  	_ =	swait.ge [sflag:s14], $0x110  }
0x304: {  	s7 =	simm.s32 $0x0;
	[sflag:s14] =	ssyncset.done $0x0  }
0x305: {  	s3 =	simm.s32 $0x15FD8;
	s4 =	rddreg [dreg:$0x10];
	[sflag:s14] =	ssyncadd.s32 $0xFFFFFEF0  }
0x306: {  	[tilespmem:s3], [sflag:$0x9] =	stream.linear.gather [hbm4b:s4+s7], $0x20, $0x38;
	[tilespmem:$0x1E4D8] =	vst v63  }
0x307: {  	_ =	swait.ge [sflag:s14], $0x20  }
0x308: {  	[sflag:s14] =	ssyncset.done $0x0  }
0x309: {  	s4 =	simm.s32 $0x16018;
	s5 =	rddreg [dreg:$0x11];
	[sflag:s14] =	ssyncadd.s32 $0xFFFFFFE0  }
0x30a: {  	[tilespmem:s4], [sflag:$0x9] =	stream.linear.gather [hbm4b:s5+s7], $0x20, $0x38;
	[tilespmem:$0x1E4D8] =	vst v63  }
0x30b: {  	_ =	swait.ge [sflag:s14], $0x20  }
0x30c: {  	[sflag:s14] =	ssyncset.done $0x0  }
0x30d: {  	[sflag:s14] =	ssyncadd.s32 $0xFFFFFFE0  }
0x30e: {  	s5 =	simm.s32 $0x16098;
	s8 =	rddreg [dreg:$0x0]  }
0x30f: {  	[tilespmem:s5], [sflag:$0x1] =	stream.indirect.gather [hbm4b:s8+s10], $0x80, s3, s10, $0xb8;
	[tilespmem:$0x1E4D8] =	vst v63  }
0x310: {  	s24 =	simm.s32 $0x18098;
	s23 =	rddreg [dreg:$0x5]  }
0x311: {  	[tilespmem:s24], [sflag:$0x1] =	stream.indirect.gather [hbm4b:s23+s10], $0x80, s4, s10, $0xb8;
	[tilespmem:$0x1E4D8] =	vst v63  }
0x312: {  	s8 =	rddreg [dreg:$0x6]  }
0x313: {  	[tilespmem:s13], [sflag:$0x3] =	stream.indirect.gather [hbm4b:s8+s10], $0x80, s3, s10, $0xb8;
	[tilespmem:$0x1E4D8] =	vst v63  }
0x314: {  	s23 =	rddreg [dreg:$0x12]  }
0x315: {  	[tilespmem:s17], [sflag:$0x8] =	stream.linear.gather [hbm4b:s23+s7], $0x20, $0x38;
	[tilespmem:$0x1E4D8] =	vst v63  }
0x316: {  	s24 =	rddreg [dreg:$0x13]  }
0x317: {  	[tilespmem:s6], [sflag:$0x8] =	stream.linear.gather [hbm4b:s24+s7], $0x20, $0x38;
	[tilespmem:$0x1E4D8] =	vst v63  }
0x318: {  	s24 =	simm.s32 $0x0;
	[bflag:$0x0] =	sbarrier.arrive $0xFFFF  }
.LBB2_7:
0x319: {  	_ =	swait.ge [sflag:s19], $0x20  }
0x31a: {  	[sflag:s19] =	ssyncset.done $0x0  }
0x31b: {  	[sflag:s19] =	ssyncadd.s32 $0xFFFFFFE0  }
0x31c: {  	_ =	swait.ge [sflag:s19], $0x20  }
0x31d: {  	[sflag:s19] =	ssyncset.done $0x0  }
0x31e: {  	[sflag:s19] =	ssyncadd.s32 $0xFFFFFFE0  }
0x31f: {  	s3 =	simm.s32 $0x17098;
	s2 =	rddreg [dreg:$0x0]  }
0x320: {  	[tilespmem:s3], [sflag:$0x2] =	stream.indirect.gather [hbm4b:s2+s10], $0x80, s17, s10, $0xb8;
	[tilespmem:$0x1E4D8] =	vst v63  }
0x321: {  	s8 =	simm.s32 $0x19098;
	s7 =	rddreg [dreg:$0x5]  }
0x322: {  	[tilespmem:s8], [sflag:$0x2] =	stream.indirect.gather [hbm4b:s7+s10], $0x80, s6, s10, $0xb8;
	[tilespmem:$0x1E4D8] =	vst v63  }
0x323: {  	_ =	swait.ge [sflag:s22], $0x1000  }
0x324: {  	[sflag:s22] =	ssyncset.done $0x0  }
0x325: {  	[sflag:s22] =	ssyncadd.s32 $0xFFFFF000  }
0x326: {  	_ =	swait.ge [sflag:s22], $0x1000  }
0x327: {  	[sflag:s22] =	ssyncset.done $0x0  }
0x328: {  	s5 =	simm.s32 $0x160D8;
	[sflag:s22] =	ssyncadd.s32 $0xFFFFF000  }
0x329: {  	v33 =	vld [tilespmem:s5+$0xFFFFFFC0];
	_ =	sdelay $0x3  }
0x32a: {  	s3 =	simm.s32 $0x1C498  }
0x32b: {  	s2 =	simm.s32 $0x180D8;
	[tilespmem:s3+$0x0] =	vst v33  }
0x32c: {  	v33 =	vld [tilespmem:s2+$0xFFFFFFC0];
	_ =	sdelay $0x3  }
0x32d: {  	s4 =	simm.s32 $0x1D4B8  }
0x32e: {  	[tilespmem:s4+$0x0] =	vst v33  }
0x32f: {  	v33 =	vld [tilespmem:s5+$0xFFFFFFD0];
	_ =	sdelay $0x2  }
0x330: {  	s23 =	simm.s32 $0x0  }
0x331: {  	s6 =	sand.u32 $0xFFF, s23  }
0x332: {  	[tilespmem:s6+$0x1C4A8] =	vst v33  }
0x333: {  	v33 =	vld [tilespmem:s2+$0xFFFFFFD0];
	_ =	sdelay $0x4  }
0x334: {  	[tilespmem:s6+$0x1D4C8] =	vst v33  }
0x335: {  	v33 =	vld [tilespmem:s5+$0xFFFFFFE0];
	_ =	sdelay $0x4  }
0x336: {  	[tilespmem:s6+$0x1C4B8] =	vst v33  }
0x337: {  	v33 =	vld [tilespmem:s2+$0xFFFFFFE0];
	_ =	sdelay $0x4  }
0x338: {  	[tilespmem:s6+$0x1D4D8] =	vst v33  }
0x339: {  	v33 =	vld [tilespmem:s5+$0xFFFFFFF0];
	_ =	sdelay $0x4  }
0x33a: {  	[tilespmem:s6+$0x1C4C8] =	vst v33  }
0x33b: {  	v33 =	vld [tilespmem:s2+$0xFFFFFFF0];
	_ =	sdelay $0x4  }
0x33c: {  	[tilespmem:s6+$0x1D4E8] =	vst v33  }
0x33d: {  	v33 =	vld [tilespmem:s5+$0x0];
	_ =	sdelay $0x4  }
0x33e: {  	[tilespmem:s6+$0x1C4D8] =	vst v33  }
0x33f: {  	v33 =	vld [tilespmem:s2+$0x0];
	_ =	sdelay $0x4  }
0x340: {  	[tilespmem:s6+$0x1D4F8] =	vst v33  }
0x341: {  	v33 =	vld [tilespmem:s5+$0x10];
	_ =	sdelay $0x4  }
0x342: {  	[tilespmem:s6+$0x1C4E8] =	vst v33  }
0x343: {  	v33 =	vld [tilespmem:s2+$0x10];
	_ =	sdelay $0x4  }
0x344: {  	[tilespmem:s6+$0x1D508] =	vst v33  }
0x345: {  	v33 =	vld [tilespmem:s5+$0x20];
	_ =	sdelay $0x4  }
0x346: {  	[tilespmem:s6+$0x1C4F8] =	vst v33  }
0x347: {  	v33 =	vld [tilespmem:s2+$0x20];
	_ =	sdelay $0x4  }
0x348: {  	[tilespmem:s6+$0x1D518] =	vst v33  }
0x349: {  	v33 =	vld [tilespmem:s5+$0x30];
	_ =	sdelay $0x4  }
0x34a: {  	[tilespmem:s6+$0x1C508] =	vst v33  }
0x34b: {  	v33 =	vld [tilespmem:s2+$0x30];
	_ =	sdelay $0x4  }
0x34c: {  	s23 =	simm.s32 $0x16158;
	[tilespmem:s6+$0x1D528] =	vst v33  }
0x34d: {  	s5 =	simm.s32 $0x81;
	s6 =	simm.s32 $0x102;
	v33 =	vld [tilespmem:s23+$0xFFFFFFC0]  }
.LBB2_8:
0x34e: {  	p1 =	sne.s32 s6, $0xF9F;
	_ =	sdelay $0x2  }
0x34f: {  	s3 =	sadd.s32 $0x81, s3  }
0x350: {  	s2 =	sadd.s32 $0x80, s2;
	[tilespmem:s3+$0x0] =	vst v33  }
0x351: {  	v33 =	vld [tilespmem:s2+$0xFFFFFFC0];
	_ =	sdelay $0x3  }
0x352: {  	s4 =	sadd.s32 $0x81, s4  }
0x353: {  	[tilespmem:s4+$0x0] =	vst v33  }
0x354: {  	v33 =	vld [tilespmem:s23+$0xFFFFFFD0];
	_ =	sdelay $0x3  }
0x355: {  	s7 =	sand.u32 $0xFFF, s5;
	s5 =	smov.u32 s6  }
0x356: {  	[tilespmem:s7+$0x1C4A8] =	vst v33  }
0x357: {  	v33 =	vld [tilespmem:s2+$0xFFFFFFD0];
	_ =	sdelay $0x4  }
0x358: {  	[tilespmem:s7+$0x1D4C8] =	vst v33  }
0x359: {  	v33 =	vld [tilespmem:s23+$0xFFFFFFE0];
	_ =	sdelay $0x4  }
0x35a: {  	[tilespmem:s7+$0x1C4B8] =	vst v33  }
0x35b: {  	v33 =	vld [tilespmem:s2+$0xFFFFFFE0];
	_ =	sdelay $0x4  }
0x35c: {  	[tilespmem:s7+$0x1D4D8] =	vst v33  }
0x35d: {  	v33 =	vld [tilespmem:s23+$0xFFFFFFF0];
	_ =	sdelay $0x4  }
0x35e: {  	[tilespmem:s7+$0x1C4C8] =	vst v33  }
0x35f: {  	v33 =	vld [tilespmem:s2+$0xFFFFFFF0];
	_ =	sdelay $0x4  }
0x360: {  	[tilespmem:s7+$0x1D4E8] =	vst v33  }
0x361: {  	v33 =	vld [tilespmem:s23+$0x0];
	_ =	sdelay $0x4  }
0x362: {  	[tilespmem:s7+$0x1C4D8] =	vst v33  }
0x363: {  	v33 =	vld [tilespmem:s2+$0x0];
	_ =	sdelay $0x4  }
0x364: {  	[tilespmem:s7+$0x1D4F8] =	vst v33  }
0x365: {  	v33 =	vld [tilespmem:s23+$0x10];
	_ =	sdelay $0x4  }
0x366: {  	[tilespmem:s7+$0x1C4E8] =	vst v33  }
0x367: {  	v33 =	vld [tilespmem:s2+$0x10];
	_ =	sdelay $0x4  }
0x368: {  	[tilespmem:s7+$0x1D508] =	vst v33  }
0x369: {  	v33 =	vld [tilespmem:s23+$0x20];
	_ =	sdelay $0x4  }
0x36a: {  	[tilespmem:s7+$0x1C4F8] =	vst v33  }
0x36b: {  	v33 =	vld [tilespmem:s2+$0x20];
	_ =	sdelay $0x4  }
0x36c: {  	[tilespmem:s7+$0x1D518] =	vst v33  }
0x36d: {  	v33 =	vld [tilespmem:s23+$0x30];
	_ =	sdelay $0x4  }
0x36e: {  	[tilespmem:s7+$0x1C508] =	vst v33  }
0x36f: {  	v33 =	vld [tilespmem:s2+$0x30];
	_ =	sdelay $0x1  }
.Ltmp17:
0x370: {  	(pc) =	sbr.rel @p1 .LBB2_8-.Ltmp17, $3  }
0x371: {  	_ =	sdelay $0x1  }
0x372: {  	s23 =	sadd.s32 $0x80, s23;
	[tilespmem:s7+$0x1D528] =	vst v33  }
0x373: {  	s6 =	sadd.s32 $0x81, s6;
	v33 =	vld [tilespmem:s23+$0xFFFFFFC0]  }
0x374: {  	_ =	sdelay $0x2  }
0x375: {  	s3 =	sadd.s32 $0x81, s3  }
0x376: {  	s2 =	sadd.s32 $0x80, s2;
	[tilespmem:s3+$0x0] =	vst v33  }
0x377: {  	v33 =	vld [tilespmem:s2+$0xFFFFFFC0];
	_ =	sdelay $0x3  }
0x378: {  	s7 =	sadd.s32 $0x81, s4  }
0x379: {  	[tilespmem:s7+$0x0] =	vst v33  }
0x37a: {  	v33 =	vld [tilespmem:s23+$0xFFFFFFD0];
	_ =	sdelay $0x3  }
0x37b: {  	s8 =	sand.u32 $0xFFF, s5  }
0x37c: {  	[tilespmem:s8+$0x1C4A8] =	vst v33  }
0x37d: {  	v33 =	vld [tilespmem:s2+$0xFFFFFFD0];
	_ =	sdelay $0x4  }
0x37e: {  	[tilespmem:s8+$0x1D4C8] =	vst v33  }
0x37f: {  	v33 =	vld [tilespmem:s23+$0xFFFFFFE0];
	_ =	sdelay $0x4  }
0x380: {  	[tilespmem:s8+$0x1C4B8] =	vst v33  }
0x381: {  	v33 =	vld [tilespmem:s2+$0xFFFFFFE0];
	_ =	sdelay $0x4  }
0x382: {  	[tilespmem:s8+$0x1D4D8] =	vst v33  }
0x383: {  	v33 =	vld [tilespmem:s23+$0xFFFFFFF0];
	_ =	sdelay $0x4  }
0x384: {  	[tilespmem:s8+$0x1C4C8] =	vst v33  }
0x385: {  	v33 =	vld [tilespmem:s2+$0xFFFFFFF0];
	_ =	sdelay $0x4  }
0x386: {  	[tilespmem:s8+$0x1D4E8] =	vst v33  }
0x387: {  	v33 =	vld [tilespmem:s23+$0x0];
	_ =	sdelay $0x4  }
0x388: {  	[tilespmem:s8+$0x1C4D8] =	vst v33  }
0x389: {  	v33 =	vld [tilespmem:s2+$0x0];
	_ =	sdelay $0x4  }
0x38a: {  	[tilespmem:s8+$0x1D4F8] =	vst v33  }
0x38b: {  	v33 =	vld [tilespmem:s23+$0x10];
	_ =	sdelay $0x4  }
0x38c: {  	[tilespmem:s8+$0x1C4E8] =	vst v33  }
0x38d: {  	v33 =	vld [tilespmem:s2+$0x10];
	_ =	sdelay $0x4  }
0x38e: {  	[tilespmem:s8+$0x1D508] =	vst v33  }
0x38f: {  	v33 =	vld [tilespmem:s23+$0x20];
	_ =	sdelay $0x4  }
0x390: {  	[tilespmem:s8+$0x1C4F8] =	vst v33  }
0x391: {  	v33 =	vld [tilespmem:s2+$0x20];
	_ =	sdelay $0x4  }
0x392: {  	[tilespmem:s8+$0x1D518] =	vst v33  }
0x393: {  	v33 =	vld [tilespmem:s23+$0x30];
	_ =	sdelay $0x4  }
0x394: {  	[tilespmem:s8+$0x1C508] =	vst v33  }
0x395: {  	s23 =	simm.s32 $0x0;
	v33 =	vld [tilespmem:s2+$0x30]  }
0x396: {  	v34 =	vadd.s32 s23, v9;
	_ =	sdelay $0x1  }
0x397: {  	v35 =	vadd.s32 s23, v8;
	_ =	sdelay $0x1  }
0x398: {  	v62 =	vadd.s32 s23, v7;
	[tilespmem:s8+$0x1D528] =	vst v33  }
0x399: {  	v37 =	vld.idx.msk [tilespmem:v34+s25+$0x0], $0xffff  }
0x39a: {  	v38 =	vadd.s32 s23, v6;
	v39 =	vld.idx.msk [tilespmem:v34+s26+$0x0], $0xffff  }
0x39b: {  	v36 =	vld.idx.msk [tilespmem:v35+s25+$0x0], $0xffff  }
0x39c: {  	v63 =	vadd.s32 s23, v4;
	v40 =	vld.idx.msk [tilespmem:v35+s26+$0x0], $0xffff  }
0x39d: {  	v43 =	vld.idx.msk [tilespmem:v62+s25+$0x0], $0xffff  }
0x39e: {  	v52 =	vadd.s32 s23, v3;
	v47 =	vld.idx.msk [tilespmem:v62+s26+$0x0], $0xffff  }
0x39f: {  	v44 =	vld.idx.msk [tilespmem:v38+s25+$0x0], $0xffff  }
0x3a0: {  	v53 =	vadd.s32 s23, v2;
	v48 =	vld.idx.msk [tilespmem:v38+s26+$0x0], $0xffff  }
0x3a1: {  	v41 =	vimm.f32 $0.0e+00;
	v42 =	vimm.f32 $0.0e+00;
	v46 =	vimm.f32 $0.0e+00;
	v49 =	vld.idx.msk [tilespmem:v63+s25+$0x0], $0xffff  }
0x3a2: {  	v45 =	vimm.f32 $0.0e+00;
	v54 =	vadd.s32 s23, v0;
	v33 =	vimm.f32 $0.0e+00;
	v50 =	vld.idx.msk [tilespmem:v63+s26+$0x0], $0xffff  }
0x3a3: {  	s2 =	simm.s32 $0x1;
	v35 =	vimm.f32 $0.0e+00;
	v34 =	vimm.f32 $0.0e+00;
	v38 =	vimm.f32 $0.0e+00;
	v51 =	vld.idx.msk [tilespmem:v52+s25+$0x0], $0xffff  }
.LBB2_10:
0x3a4: {  	v55 =	vadd.s32 s2, v9;
	p1 =	sne.s32 s2, $0xF;
	v52 =	vld.idx.msk [tilespmem:v52+s26+$0x0], $0xffff  }
0x3a5: {  	v56 =	vld.idx.msk [tilespmem:v53+s25+$0x0], $0xffff  }
0x3a6: {  	v57 =	vadd.s32 s2, v8;
	v53 =	vld.idx.msk [tilespmem:v53+s26+$0x0], $0xffff  }
0x3a7: {  	v58 =	vld.idx.msk [tilespmem:v54+s25+$0x0], $0xffff  }
0x3a8: {  	v59 =	vadd.s32 s2, v7;
	v54 =	vld.idx.msk [tilespmem:v54+s26+$0x0], $0xffff  }
0x3a9: {  	v60 =	vmul.f32 v39, v37;
	v37 =	vld.idx.msk [tilespmem:v55+s25+$0x0], $0xffff  }
0x3aa: {  	v61 =	vadd.s32 s2, v6;
	v43 =	vmul.f32 v47, v43;
	v47 =	vmul.f32 v40, v36;
	v39 =	vld.idx.msk [tilespmem:v55+s26+$0x0], $0xffff  }
0x3ab: {  	v44 =	vmul.f32 v48, v44;
	v33 =	vadd.f32 v60, v33;
	v36 =	vld.idx.msk [tilespmem:v57+s25+$0x0], $0xffff  }
0x3ac: {  	v35 =	vadd.f32 v43, v35;
	v34 =	vadd.f32 v47, v34;
	v55 =	vadd.s32 s2, v4;
	v40 =	vld.idx.msk [tilespmem:v57+s26+$0x0], $0xffff  }
0x3ad: {  	v49 =	vmul.f32 v50, v49;
	v38 =	vadd.f32 v44, v38;
	v48 =	vmul.f32 v52, v51;
	v43 =	vld.idx.msk [tilespmem:v59+s25+$0x0], $0xffff  }
0x3ae: {  	v52 =	vadd.s32 s2, v3;
	v51 =	vmul.f32 v53, v56;
	v50 =	vmul.f32 v54, v58;
	v47 =	vld.idx.msk [tilespmem:v59+s26+$0x0], $0xffff  }
.Ltmp18:
0x3af: {  	v42 =	vadd.f32 v49, v42;
	v41 =	vadd.f32 v48, v41;
	v44 =	vld.idx.msk [tilespmem:v61+s25+$0x0], $0xffff;
	(pc) =	sbr.rel @p1 .LBB2_10-.Ltmp18, $4  }
0x3b0: {  	v53 =	vadd.s32 s2, v2;
	v45 =	vadd.f32 v51, v45;
	v46 =	vadd.f32 v50, v46;
	v48 =	vld.idx.msk [tilespmem:v61+s26+$0x0], $0xffff  }
0x3b1: {  	v49 =	vld.idx.msk [tilespmem:v55+s25+$0x0], $0xffff  }
0x3b2: {  	v54 =	vadd.s32 s2, v0;
	v50 =	vld.idx.msk [tilespmem:v55+s26+$0x0], $0xffff  }
0x3b3: {  	s2 =	sadd.s32 $0x1, s2;
	v51 =	vld.idx.msk [tilespmem:v52+s25+$0x0], $0xffff  }
0x3b4: {  	_ =	sdelay $0x3  }
0x3b5: {  	v55 =	vld.idx.msk [tilespmem:v53+s25+$0x0], $0xffff  }
0x3b6: {  	v56 =	vld.idx.msk [tilespmem:v54+s25+$0x0], $0xffff  }
0x3b7: {  	v59 =	vld.idx.msk [tilespmem:v54+s26+$0x0], $0xffff  }
0x3b8: {  	v60 =	vld.idx.msk [tilespmem:v53+s26+$0x0], $0xffff  }
0x3b9: {  	v52 =	vld.idx.msk [tilespmem:v52+s26+$0x0], $0xffff  }
0x3ba: {  	v43 =	vmul.f32 v47, v43;
	v36 =	vmul.f32 v40, v36  }
0x3bb: {  	v37 =	vmul.f32 v39, v37;
	v48 =	vmul.f32 v48, v44  }
0x3bc: {  	v35 =	vadd.f32 v43, v35;
	v34 =	vadd.f32 v36, v34;
	v54 =	vmul.f32 v59, v56  }
0x3bd: {  	v33 =	vadd.f32 v37, v33;
	v62 =	vmul.f32 v50, v49;
	v53 =	vmul.f32 v60, v55  }
0x3be: {  	v38 =	vadd.f32 v48, v38;
	v61 =	vmul.f32 v52, v51;
	v46 =	vadd.f32 v54, v46  }
0x3bf: {  	v35 =	vmul.f32 $2.500000000e-01, v35;
	v34 =	vmul.f32 $2.500000000e-01, v34;
	v45 =	vadd.f32 v53, v45  }
0x3c0: {  	v33 =	vmul.f32 $2.500000000e-01, v33;
	v39 =	vadd.f32 v61, v41;
	v63 =	vmul.f32 $2.500000000e-01, v46  }
0x3c1: {  	v42 =	vadd.f32 v62, v42;
	v51 =	vmul.f32 $2.500000000e-01, v38;
	v49 =	vmul.f32 $2.500000000e-01, v45  }
0x3c2: {  	v39 =	vmul.f32 $2.500000000e-01, v39;
	v40 =	vmul.f32 $1.442695020e+00, v63  }
0x3c3: {  	v42 =	vmul.f32 $2.500000000e-01, v42;
	v44 =	vmul.f32 $1.442695020e+00, v49  }
0x3c4: {  	v39 =	vmul.f32 $1.442695020e+00, v39;
	(erf) = vpow2.f32 v40  }
0x3c5: {  	v50 =	vmul.f32 $1.442695020e+00, v42;
	(erf) = vpow2.f32 v44  }
0x3c6: {  	v36 =	vmul.f32 $1.442695020e+00, v51;
	(erf) = vpow2.f32 v39  }
0x3c7: {  	v35 =	vmul.f32 $1.442695020e+00, v35;
	(erf) = vpow2.f32 v50  }
0x3c8: {  	v34 =	vmul.f32 $1.442695020e+00, v34;
	(erf) = vpow2.f32 v36  }
0x3c9: {  	v33 =	vmul.f32 $1.442695020e+00, v33;
	(erf) = vpow2.f32 v35  }
0x3ca: {  	(erf) = vpow2.f32 v34  }
0x3cb: {  	(erf) = vpow2.f32 v33;
	_ =	sdelay $0x1  }
0x3cc: {  	v52 =	vpop (erf)  }
0x3cd: {  	v53 =	vpop (erf);
	[tilespmem:v5+s15+$0x0] =	vst.idx.msk $0xffff, v52  }
0x3ce: {  	v54 =	vpop (erf);
	[tilespmem:v10+s15+$0x0] =	vst.idx.msk $0xffff, v53  }
0x3cf: {  	s2 =	simm.s32 $0x0;
	v55 =	vpop (erf);
	[tilespmem:v11+s15+$0x0] =	vst.idx.msk $0xffff, v54  }
0x3d0: {  	v57 =	vadd.s32 s2, v24;
	v56 =	vpop (erf);
	[tilespmem:v12+s15+$0x0] =	vst.idx.msk $0xffff, v55  }
0x3d1: {  	v35 =	vpop (erf);
	[tilespmem:v13+s15+$0x0] =	vst.idx.msk $0xffff, v56  }
0x3d2: {  	v59 =	vadd.s32 s2, v23;
	v58 =	vpop (erf);
	[tilespmem:v14+s15+$0x0] =	vst.idx.msk $0xffff, v35  }
0x3d3: {  	[tilespmem:v15+s15+$0x0] =	vst.idx.msk $0xffff, v58;
	v60 =	vpop (erf)  }
0x3d4: {  	v61 =	vadd.s32 s2, v22;
	[tilespmem:v16+s15+$0x0] =	vst.idx.msk $0xffff, v60  }
0x3d5: {  	v37 =	vld.idx.msk [tilespmem:v57+s25+$0x0], $0xffff  }
0x3d6: {  	v62 =	vadd.s32 s2, v21;
	v39 =	vld.idx.msk [tilespmem:v57+s26+$0x0], $0xffff  }
0x3d7: {  	v36 =	vld.idx.msk [tilespmem:v59+s25+$0x0], $0xffff  }
0x3d8: {  	v63 =	vadd.s32 s2, v20;
	v40 =	vld.idx.msk [tilespmem:v59+s26+$0x0], $0xffff  }
0x3d9: {  	v43 =	vld.idx.msk [tilespmem:v61+s25+$0x0], $0xffff  }
0x3da: {  	v52 =	vadd.s32 s2, v19;
	v47 =	vld.idx.msk [tilespmem:v61+s26+$0x0], $0xffff  }
0x3db: {  	v44 =	vld.idx.msk [tilespmem:v62+s25+$0x0], $0xffff  }
0x3dc: {  	v53 =	vadd.s32 s2, v18;
	v48 =	vld.idx.msk [tilespmem:v62+s26+$0x0], $0xffff  }
0x3dd: {  	v38 =	vimm.f32 $0.0e+00;
	v41 =	vimm.f32 $0.0e+00;
	v42 =	vimm.f32 $0.0e+00;
	v49 =	vld.idx.msk [tilespmem:v63+s25+$0x0], $0xffff  }
0x3de: {  	v46 =	vimm.f32 $0.0e+00;
	v45 =	vimm.f32 $0.0e+00;
	v54 =	vadd.s32 s2, v17;
	v50 =	vld.idx.msk [tilespmem:v63+s26+$0x0], $0xffff  }
0x3df: {  	v34 =	vimm.f32 $0.0e+00;
	v33 =	vimm.f32 $0.0e+00;
	s2 =	simm.s32 $0x1;
	v35 =	vimm.f32 $0.0e+00;
	v51 =	vld.idx.msk [tilespmem:v52+s25+$0x0], $0xffff  }
.LBB2_12:
0x3e0: {  	v55 =	vadd.s32 s2, v24;
	p1 =	sne.s32 s2, $0xF;
	v52 =	vld.idx.msk [tilespmem:v52+s26+$0x0], $0xffff  }
0x3e1: {  	v56 =	vld.idx.msk [tilespmem:v53+s25+$0x0], $0xffff  }
0x3e2: {  	v57 =	vadd.s32 s2, v23;
	v53 =	vld.idx.msk [tilespmem:v53+s26+$0x0], $0xffff  }
0x3e3: {  	v58 =	vld.idx.msk [tilespmem:v54+s25+$0x0], $0xffff  }
0x3e4: {  	v59 =	vadd.s32 s2, v22;
	v54 =	vld.idx.msk [tilespmem:v54+s26+$0x0], $0xffff  }
0x3e5: {  	v60 =	vmul.f32 v39, v37;
	v37 =	vld.idx.msk [tilespmem:v55+s25+$0x0], $0xffff  }
0x3e6: {  	v61 =	vadd.s32 s2, v21;
	v43 =	vmul.f32 v47, v43;
	v47 =	vmul.f32 v40, v36;
	v39 =	vld.idx.msk [tilespmem:v55+s26+$0x0], $0xffff  }
0x3e7: {  	v44 =	vmul.f32 v48, v44;
	v33 =	vadd.f32 v60, v33;
	v36 =	vld.idx.msk [tilespmem:v57+s25+$0x0], $0xffff  }
0x3e8: {  	v35 =	vadd.f32 v43, v35;
	v34 =	vadd.f32 v47, v34;
	v55 =	vadd.s32 s2, v20;
	v40 =	vld.idx.msk [tilespmem:v57+s26+$0x0], $0xffff  }
0x3e9: {  	v49 =	vmul.f32 v50, v49;
	v38 =	vadd.f32 v44, v38;
	v48 =	vmul.f32 v52, v51;
	v43 =	vld.idx.msk [tilespmem:v59+s25+$0x0], $0xffff  }
0x3ea: {  	v52 =	vadd.s32 s2, v19;
	v51 =	vmul.f32 v53, v56;
	v50 =	vmul.f32 v54, v58;
	v47 =	vld.idx.msk [tilespmem:v59+s26+$0x0], $0xffff  }
.Ltmp19:
0x3eb: {  	v42 =	vadd.f32 v49, v42;
	v41 =	vadd.f32 v48, v41;
	v44 =	vld.idx.msk [tilespmem:v61+s25+$0x0], $0xffff;
	(pc) =	sbr.rel @p1 .LBB2_12-.Ltmp19, $4  }
0x3ec: {  	v53 =	vadd.s32 s2, v18;
	v45 =	vadd.f32 v51, v45;
	v46 =	vadd.f32 v50, v46;
	v48 =	vld.idx.msk [tilespmem:v61+s26+$0x0], $0xffff  }
0x3ed: {  	v49 =	vld.idx.msk [tilespmem:v55+s25+$0x0], $0xffff  }
0x3ee: {  	v54 =	vadd.s32 s2, v17;
	v50 =	vld.idx.msk [tilespmem:v55+s26+$0x0], $0xffff  }
0x3ef: {  	s2 =	sadd.s32 $0x1, s2;
	v51 =	vld.idx.msk [tilespmem:v52+s25+$0x0], $0xffff  }
0x3f0: {  	_ =	sdelay $0x3  }
0x3f1: {  	v55 =	vld.idx.msk [tilespmem:v53+s25+$0x0], $0xffff  }
0x3f2: {  	v56 =	vld.idx.msk [tilespmem:v54+s25+$0x0], $0xffff  }
0x3f3: {  	v61 =	vld.idx.msk [tilespmem:v54+s26+$0x0], $0xffff  }
0x3f4: {  	v62 =	vld.idx.msk [tilespmem:v53+s26+$0x0], $0xffff  }
0x3f5: {  	v52 =	vld.idx.msk [tilespmem:v52+s26+$0x0], $0xffff;
	v43 =	vmul.f32 v47, v43  }
0x3f6: {  	v36 =	vmul.f32 v40, v36  }
0x3f7: {  	v37 =	vmul.f32 v39, v37;
	v35 =	vadd.f32 v43, v35  }
0x3f8: {  	v34 =	vadd.f32 v36, v34;
	v50 =	vmul.f32 v50, v49;
	v54 =	vmul.f32 v61, v56  }
0x3f9: {  	v33 =	vadd.f32 v37, v33;
	v35 =	vmul.f32 $2.500000000e-01, v35;
	v53 =	vmul.f32 v62, v55  }
0x3fa: {  	v34 =	vmul.f32 $2.500000000e-01, v34;
	v63 =	vmul.f32 v52, v51;
	v46 =	vadd.f32 v54, v46  }
0x3fb: {  	v52 =	vmul.f32 v48, v44;
	v42 =	vadd.f32 v50, v42;
	v45 =	vadd.f32 v53, v45  }
0x3fc: {  	v33 =	vmul.f32 $2.500000000e-01, v33;
	v39 =	vadd.f32 v63, v41;
	v51 =	vmul.f32 $2.500000000e-01, v46  }
0x3fd: {  	v42 =	vmul.f32 $2.500000000e-01, v42;
	v38 =	vadd.f32 v52, v38;
	v53 =	vmul.f32 $2.500000000e-01, v45  }
0x3fe: {  	v39 =	vmul.f32 $2.500000000e-01, v39;
	v40 =	vmul.f32 $1.442695020e+00, v51  }
0x3ff: {  	v55 =	vmul.f32 $2.500000000e-01, v38;
	v44 =	vmul.f32 $1.442695020e+00, v53  }
0x400: {  	v39 =	vmul.f32 $1.442695020e+00, v39;
	(erf) = vpow2.f32 v40  }
0x401: {  	v54 =	vmul.f32 $1.442695020e+00, v42;
	(erf) = vpow2.f32 v44  }
0x402: {  	v36 =	vmul.f32 $1.442695020e+00, v55;
	(erf) = vpow2.f32 v39  }
0x403: {  	v35 =	vmul.f32 $1.442695020e+00, v35;
	(erf) = vpow2.f32 v54  }
0x404: {  	v34 =	vmul.f32 $1.442695020e+00, v34;
	(erf) = vpow2.f32 v36  }
0x405: {  	v33 =	vmul.f32 $1.442695020e+00, v33;
	(erf) = vpow2.f32 v35  }
0x406: {  	(erf) = vpow2.f32 v34  }
0x407: {  	(erf) = vpow2.f32 v33;
	_ =	sdelay $0x1  }
0x408: {  	v56 =	vpop (erf)  }
0x409: {  	v57 =	vpop (erf);
	[tilespmem:v25+s15+$0x0] =	vst.idx.msk $0xffff, v56  }
0x40a: {  	v58 =	vpop (erf);
	[tilespmem:v26+s15+$0x0] =	vst.idx.msk $0xffff, v57  }
0x40b: {  	v59 =	vpop (erf);
	[tilespmem:v27+s15+$0x0] =	vst.idx.msk $0xffff, v58  }
0x40c: {  	v60 =	vpop (erf);
	[tilespmem:v28+s15+$0x0] =	vst.idx.msk $0xffff, v59  }
0x40d: {  	v61 =	vpop (erf);
	[tilespmem:v29+s15+$0x0] =	vst.idx.msk $0xffff, v60  }
0x40e: {  	v62 =	vpop (erf);
	[tilespmem:v30+s15+$0x0] =	vst.idx.msk $0xffff, v61  }
0x40f: {  	p1 =	seq.s32 s24, $0x0;
	[tilespmem:v31+s15+$0x0] =	vst.idx.msk $0xffff, v62;
	v63 =	vpop (erf)  }
0x410: {  	s2 =	simm.s32 @!p1 $0x6;
	[tilespmem:v32+s15+$0x0] =	vst.idx.msk $0xffff, v63  }
0x411: {  	_ =	swait.ge @!p1 [sflag:s2], $0x1000  }
0x412: {  	[sflag:s2] =	ssyncset.done @!p1 $0x0  }
0x413: {  	[sflag:s2] =	ssyncadd.s32 @!p1 $0xFFFFF000  }
0x414: {  	_ =	swait.ge @!p1 [sflag:s2], $0x200  }
0x415: {  	[sflag:s2] =	ssyncset.done @!p1 $0x0  }
0x416: {  	s23 =	rddreg [dreg:$0x6];
	[sflag:s2] =	ssyncadd.s32 @!p1 $0xFFFFFE00  }
0x417: {  	[tilespmem:s28], [sflag:$0x4] =	stream.indirect.gather [hbm4b:s23+s10], $0x80, s17, s10, $0xb8;
	[tilespmem:$0x1E4D8] =	vst v63  }
0x418: {  	_ =	swait.ge [sflag:s31], $0x1000  }
0x419: {  	[sflag:s31] =	ssyncset.done $0x0  }
0x41a: {  	s2 =	simm.s32 $0x1A0D8;
	[sflag:s31] =	ssyncadd.s32 $0xFFFFF000  }
0x41b: {  	s5 =	simm.s32 $0x0;
	s4 =	simm.s32 $0x40;
	s3 =	simm.s32 $0x1A0D8;
	v33 =	vld [tilespmem:s2+$0xFFFFFFF0]  }
.LBB2_14:
0x41c: {  	p1 =	sne.s32 s4, $0x7C0;
	v34 =	vld [tilespmem:s5+$0x1C098]  }
0x41d: {  	v35 =	vld [tilespmem:s2+$0xFFFFFFD0]  }
0x41e: {  	v36 =	vld [tilespmem:s2+$0xFFFFFFC0]  }
0x41f: {  	v37 =	vld [tilespmem:s2+$0xFFFFFFE0]  }
0x420: {  	v38 =	vld [tilespmem:s2+$0x30]  }
0x421: {  	v39 =	vbroadcast v34, $0x0;
	v40 =	vbroadcast v34, $0x1;
	v41 =	vld [tilespmem:s2+$0x10]  }
0x422: {  	v42 =	vbroadcast v34, $0x2;
	v43 =	vbroadcast v34, $0x3;
	v44 =	vld [tilespmem:s2+$0x0]  }
0x423: {  	v36 =	vmul.f32 v39, v36;
	v35 =	vmul.f32 v35, v40;
	v39 =	vld [tilespmem:s2+$0x20]  }
0x424: {  	v33 =	vmul.f32 v33, v43;
	v37 =	vmul.f32 v37, v42  }
0x425: {  	v40 =	vbroadcast v34, $0x5;
	[tilespmem:s2+$0xFFFFFFC0] =	vst v36;
	v36 =	vbroadcast v34, $0x4  }
0x426: {  	[tilespmem:s2+$0xFFFFFFD0] =	vst v35;
	v35 =	vbroadcast v34, $0x6;
	v34 =	vbroadcast v34, $0x7  }
0x427: {  	[tilespmem:s2+$0xFFFFFFE0] =	vst v37;
	v36 =	vmul.f32 v44, v36;
	v37 =	vmul.f32 v41, v40  }
.Ltmp20:
0x428: {  	[tilespmem:s2+$0xFFFFFFF0] =	vst v33;
	v33 =	vmul.f32 v39, v35;
	v34 =	vmul.f32 v38, v34;
	(pc) =	sbr.rel @p1 .LBB2_14-.Ltmp20, $4  }
0x429: {  	[tilespmem:s2+$0x0] =	vst v36  }
0x42a: {  	[tilespmem:s2+$0x10] =	vst v37  }
0x42b: {  	s2 =	sadd.s32 $0x80, s2;
	[tilespmem:s3+$0x20] =	vst v33  }
0x42c: {  	s5 =	sshra.s32 s4, $0x2;
	s4 =	sadd.s32 $0x40, s4;
	v33 =	vld [tilespmem:s2+$0xFFFFFFF0];
	[tilespmem:s3+$0x30] =	vst v34;
	s3 =	smov.u32 s2  }
0x42d: {  	v34 =	vld [tilespmem:s5+$0x1C098];
	_ =	sdelay $0x1  }
0x42e: {  	v35 =	vld [tilespmem:s2+$0xFFFFFFC0]  }
0x42f: {  	v36 =	vld [tilespmem:s2+$0xFFFFFFD0]  }
0x430: {  	v37 =	vld [tilespmem:s2+$0xFFFFFFE0]  }
0x431: {  	v38 =	vbroadcast v34, $0x0  }
0x432: {  	v41 =	vld [tilespmem:s2+$0x10];
	v39 =	vbroadcast v34, $0x1  }
0x433: {  	v40 =	vld [tilespmem:s2+$0x0];
	v42 =	vbroadcast v34, $0x2;
	v35 =	vmul.f32 v38, v35  }
0x434: {  	v57 =	vld [tilespmem:s2+$0x20];
	v56 =	vbroadcast v34, $0x3;
	v36 =	vmul.f32 v36, v39  }
0x435: {  	v43 =	vld [tilespmem:s2+$0x30];
	v59 =	vbroadcast v34, $0x5;
	v37 =	vmul.f32 v37, v42;
	[tilespmem:s2+$0xFFFFFFC0] =	vst v35  }
0x436: {  	v58 =	vbroadcast v34, $0x4;
	v33 =	vmul.f32 v33, v56;
	[tilespmem:s2+$0xFFFFFFD0] =	vst v36  }
0x437: {  	v60 =	vbroadcast v34, $0x6;
	v61 =	vmul.f32 v41, v59;
	[tilespmem:s2+$0xFFFFFFE0] =	vst v37  }
0x438: {  	v34 =	vbroadcast v34, $0x7;
	v35 =	vmul.f32 v40, v58;
	[tilespmem:s2+$0xFFFFFFF0] =	vst v33  }
0x439: {  	v62 =	vmul.f32 v57, v60;
	[tilespmem:s2+$0x10] =	vst v61  }
0x43a: {  	v34 =	vmul.f32 v43, v34;
	[tilespmem:s2+$0x0] =	vst v35  }
0x43b: {  	[tilespmem:s3+$0x20] =	vst v62  }
0x43c: {  	[tilespmem:s3+$0x30] =	vst v34  }
0x43d: {  	v33 =	vld [tilespmem:$0x16018]  }
0x43e: {  	v34 =	vld [tilespmem:$0x16028];
	_ =	sdelay $0x2  }
0x43f: {  	p1 =	seq.s32 s24, $0x9C  }
0x440: {  	s2 =	sshll.u32 @!p1 s24, $0x6;
	s3 =	rddreg [dreg:$0x14];
	[tilespmem:$0x16058] =	vst v33  }
0x441: {  	s2 =	sadd.s32 @!p1 s2, s3;
	[tilespmem:$0x16068] =	vst v34  }
0x442: {  	[spmem:s9] =	stream.indirect.scatter.add.f32 [tilespmem:s13], [sflag:$0x5], $0x80, s0, s10, $0xb8;
	[tilespmem:$0x1E4D8] =	vst v63  }
0x443: {  	s2 =	sshrl.u32 @!p1 s2, $0x3  }
0x444: {  	[spmem:s18] =	stream.indirect.scatter.add.f32 [tilespmem:s15], [sflag:$0x5], $0x10, s0, s10, $0xb8;
	[tilespmem:$0x1E4D8] =	vst v63  }
0x445: {  	s4 =	simm.s32 @!p1 $0x0;
	s5 =	simm.s32 @!p1 $0x15FD8;
	s3 =	sadd.s32 @!p1 s11, s2  }
0x446: {  	[tilespmem:s5], [sflag:$0x7] =	stream.linear.gather @!p1 [hbm4b:s3+s4], $0x20, $0x38;
	[tilespmem:$0x1E4D8] =	vst v63  }
0x447: {  	s2 =	sadd.s32 @!p1 s12, s2;
	s3 =	simm.s32 @!p1 $0x16018  }
0x448: {  	[tilespmem:s3], [sflag:$0x7] =	stream.linear.gather @!p1 [hbm4b:s2+s4], $0x20, $0x38;
	[tilespmem:$0x1E4D8] =	vst v63  }
0x449: {  	s2 =	simm.s32 @!p1 $0x7  }
0x44a: {  	_ =	swait.ge @!p1 [sflag:s2], $0x20  }
0x44b: {  	[sflag:s2] =	ssyncset.done @!p1 $0x0  }
0x44c: {  	[sflag:s2] =	ssyncadd.s32 @!p1 $0xFFFFFFE0  }
0x44d: {  	_ =	swait.ge @!p1 [sflag:s2], $0x20  }
0x44e: {  	[sflag:s2] =	ssyncset.done @!p1 $0x0  }
0x44f: {  	[sflag:s2] =	ssyncadd.s32 @!p1 $0xFFFFFFE0  }
0x450: {  	s4 =	simm.s32 @!p1 $0x16098;
	s2 =	simm.s32 @!p1 $0x20;
	s6 =	rddreg [dreg:$0x0]  }
0x451: {  	[tilespmem:s4], [sflag:$0x1] =	stream.indirect.gather @!p1 [hbm4b:s6+s2], $0x80, s5, s2, $0xb8;
	[tilespmem:$0x1E4D8] =	vst v63  }
0x452: {  	s4 =	simm.s32 @!p1 $0x18098;
	s5 =	rddreg [dreg:$0x5]  }
0x453: {  	[tilespmem:s4], [sflag:$0x1] =	stream.indirect.gather @!p1 [hbm4b:s5+s2], $0x80, s3, s2, $0xb8;
	[tilespmem:$0x1E4D8] =	vst v63  }
0x454: {  	_ =	swait.ge [sflag:s16], $0x1000  }
0x455: {  	[sflag:s16] =	ssyncset.done $0x0  }
0x456: {  	[sflag:s16] =	ssyncadd.s32 $0xFFFFF000  }
0x457: {  	_ =	swait.ge [sflag:s16], $0x1000  }
0x458: {  	[sflag:s16] =	ssyncset.done $0x0  }
0x459: {  	s7 =	simm.s32 $0x170D8;
	[sflag:s16] =	ssyncadd.s32 $0xFFFFF000  }
0x45a: {  	v63 =	vld [tilespmem:s7+$0xFFFFFFC0];
	_ =	sdelay $0x3  }
0x45b: {  	s3 =	simm.s32 $0x1C498  }
0x45c: {  	s4 =	simm.s32 $0x190D8;
	[tilespmem:s3+$0x0] =	vst v63  }
0x45d: {  	v33 =	vld [tilespmem:s4+$0xFFFFFFC0];
	_ =	sdelay $0x3  }
0x45e: {  	s23 =	simm.s32 $0x1D4B8  }
0x45f: {  	[tilespmem:s23+$0x0] =	vst v33  }
0x460: {  	v33 =	vld [tilespmem:s7+$0xFFFFFFD0];
	_ =	sdelay $0x2  }
0x461: {  	s2 =	simm.s32 $0x0  }
0x462: {  	s8 =	sand.u32 $0xFFF, s2  }
0x463: {  	[tilespmem:s8+$0x1C4A8] =	vst v33  }
0x464: {  	v33 =	vld [tilespmem:s4+$0xFFFFFFD0];
	_ =	sdelay $0x4  }
0x465: {  	[tilespmem:s8+$0x1D4C8] =	vst v33  }
0x466: {  	v33 =	vld [tilespmem:s7+$0xFFFFFFE0];
	_ =	sdelay $0x4  }
0x467: {  	[tilespmem:s8+$0x1C4B8] =	vst v33  }
0x468: {  	v33 =	vld [tilespmem:s4+$0xFFFFFFE0];
	_ =	sdelay $0x4  }
0x469: {  	[tilespmem:s8+$0x1D4D8] =	vst v33  }
0x46a: {  	v33 =	vld [tilespmem:s7+$0xFFFFFFF0];
	_ =	sdelay $0x4  }
0x46b: {  	[tilespmem:s8+$0x1C4C8] =	vst v33  }
0x46c: {  	v33 =	vld [tilespmem:s4+$0xFFFFFFF0];
	_ =	sdelay $0x4  }
0x46d: {  	[tilespmem:s8+$0x1D4E8] =	vst v33  }
0x46e: {  	v33 =	vld [tilespmem:s7+$0x0];
	_ =	sdelay $0x4  }
0x46f: {  	[tilespmem:s8+$0x1C4D8] =	vst v33  }
0x470: {  	v33 =	vld [tilespmem:s4+$0x0];
	_ =	sdelay $0x4  }
0x471: {  	[tilespmem:s8+$0x1D4F8] =	vst v33  }
0x472: {  	v33 =	vld [tilespmem:s7+$0x10];
	_ =	sdelay $0x4  }
0x473: {  	[tilespmem:s8+$0x1C4E8] =	vst v33  }
0x474: {  	v33 =	vld [tilespmem:s4+$0x10];
	_ =	sdelay $0x4  }
0x475: {  	[tilespmem:s8+$0x1D508] =	vst v33  }
0x476: {  	v33 =	vld [tilespmem:s7+$0x20];
	_ =	sdelay $0x4  }
0x477: {  	[tilespmem:s8+$0x1C4F8] =	vst v33  }
0x478: {  	v33 =	vld [tilespmem:s4+$0x20];
	_ =	sdelay $0x4  }
0x479: {  	[tilespmem:s8+$0x1D518] =	vst v33  }
0x47a: {  	v33 =	vld [tilespmem:s7+$0x30];
	_ =	sdelay $0x4  }
0x47b: {  	[tilespmem:s8+$0x1C508] =	vst v33  }
0x47c: {  	v33 =	vld [tilespmem:s4+$0x30];
	_ =	sdelay $0x4  }
0x47d: {  	s5 =	simm.s32 $0x17158;
	[tilespmem:s8+$0x1D528] =	vst v33  }
0x47e: {  	s6 =	simm.s32 $0x81;
	s7 =	simm.s32 $0x102;
	v33 =	vld [tilespmem:s5+$0xFFFFFFC0]  }
.LBB2_16:
0x47f: {  	p2 =	sne.s32 s7, $0xF9F;
	_ =	sdelay $0x2  }
0x480: {  	s3 =	sadd.s32 $0x81, s3  }
0x481: {  	s4 =	sadd.s32 $0x80, s4;
	[tilespmem:s3+$0x0] =	vst v33  }
0x482: {  	v33 =	vld [tilespmem:s4+$0xFFFFFFC0];
	_ =	sdelay $0x3  }
0x483: {  	s23 =	sadd.s32 $0x81, s23  }
0x484: {  	[tilespmem:s23+$0x0] =	vst v33  }
0x485: {  	v33 =	vld [tilespmem:s5+$0xFFFFFFD0];
	_ =	sdelay $0x3  }
0x486: {  	s8 =	sand.u32 $0xFFF, s6;
	s6 =	smov.u32 s7  }
0x487: {  	[tilespmem:s8+$0x1C4A8] =	vst v33  }
0x488: {  	v33 =	vld [tilespmem:s4+$0xFFFFFFD0];
	_ =	sdelay $0x4  }
0x489: {  	[tilespmem:s8+$0x1D4C8] =	vst v33  }
0x48a: {  	v33 =	vld [tilespmem:s5+$0xFFFFFFE0];
	_ =	sdelay $0x4  }
0x48b: {  	[tilespmem:s8+$0x1C4B8] =	vst v33  }
0x48c: {  	v33 =	vld [tilespmem:s4+$0xFFFFFFE0];
	_ =	sdelay $0x4  }
0x48d: {  	[tilespmem:s8+$0x1D4D8] =	vst v33  }
0x48e: {  	v33 =	vld [tilespmem:s5+$0xFFFFFFF0];
	_ =	sdelay $0x4  }
0x48f: {  	[tilespmem:s8+$0x1C4C8] =	vst v33  }
0x490: {  	v33 =	vld [tilespmem:s4+$0xFFFFFFF0];
	_ =	sdelay $0x4  }
0x491: {  	[tilespmem:s8+$0x1D4E8] =	vst v33  }
0x492: {  	v33 =	vld [tilespmem:s5+$0x0];
	_ =	sdelay $0x4  }
0x493: {  	[tilespmem:s8+$0x1C4D8] =	vst v33  }
0x494: {  	v33 =	vld [tilespmem:s4+$0x0];
	_ =	sdelay $0x4  }
0x495: {  	[tilespmem:s8+$0x1D4F8] =	vst v33  }
0x496: {  	v33 =	vld [tilespmem:s5+$0x10];
	_ =	sdelay $0x4  }
0x497: {  	[tilespmem:s8+$0x1C4E8] =	vst v33  }
0x498: {  	v33 =	vld [tilespmem:s4+$0x10];
	_ =	sdelay $0x4  }
0x499: {  	[tilespmem:s8+$0x1D508] =	vst v33  }
0x49a: {  	v33 =	vld [tilespmem:s5+$0x20];
	_ =	sdelay $0x4  }
0x49b: {  	[tilespmem:s8+$0x1C4F8] =	vst v33  }
0x49c: {  	v33 =	vld [tilespmem:s4+$0x20];
	_ =	sdelay $0x4  }
0x49d: {  	[tilespmem:s8+$0x1D518] =	vst v33  }
0x49e: {  	v33 =	vld [tilespmem:s5+$0x30];
	_ =	sdelay $0x4  }
0x49f: {  	[tilespmem:s8+$0x1C508] =	vst v33  }
0x4a0: {  	v33 =	vld [tilespmem:s4+$0x30];
	_ =	sdelay $0x1  }
.Ltmp21:
0x4a1: {  	(pc) =	sbr.rel @p2 .LBB2_16-.Ltmp21, $3  }
0x4a2: {  	_ =	sdelay $0x1  }
0x4a3: {  	s5 =	sadd.s32 $0x80, s5;
	[tilespmem:s8+$0x1D528] =	vst v33  }
0x4a4: {  	s7 =	sadd.s32 $0x81, s7;
	v33 =	vld [tilespmem:s5+$0xFFFFFFC0]  }
0x4a5: {  	_ =	sdelay $0x2  }
0x4a6: {  	s3 =	sadd.s32 $0x81, s3  }
0x4a7: {  	s7 =	sadd.s32 $0x80, s4;
	[tilespmem:s3+$0x0] =	vst v33  }
0x4a8: {  	v33 =	vld [tilespmem:s7+$0xFFFFFFC0];
	_ =	sdelay $0x3  }
0x4a9: {  	s8 =	sadd.s32 $0x81, s23  }
0x4aa: {  	[tilespmem:s8+$0x0] =	vst v33  }
0x4ab: {  	v33 =	vld [tilespmem:s5+$0xFFFFFFD0];
	_ =	sdelay $0x3  }
0x4ac: {  	s23 =	sand.u32 $0xFFF, s6  }
0x4ad: {  	[tilespmem:s23+$0x1C4A8] =	vst v33  }
0x4ae: {  	v33 =	vld [tilespmem:s7+$0xFFFFFFD0];
	_ =	sdelay $0x4  }
0x4af: {  	[tilespmem:s23+$0x1D4C8] =	vst v33  }
0x4b0: {  	v33 =	vld [tilespmem:s5+$0xFFFFFFE0];
	_ =	sdelay $0x4  }
0x4b1: {  	[tilespmem:s23+$0x1C4B8] =	vst v33  }
0x4b2: {  	v33 =	vld [tilespmem:s7+$0xFFFFFFE0];
	_ =	sdelay $0x4  }
0x4b3: {  	[tilespmem:s23+$0x1D4D8] =	vst v33  }
0x4b4: {  	v33 =	vld [tilespmem:s5+$0xFFFFFFF0];
	_ =	sdelay $0x4  }
0x4b5: {  	[tilespmem:s23+$0x1C4C8] =	vst v33  }
0x4b6: {  	v33 =	vld [tilespmem:s7+$0xFFFFFFF0];
	_ =	sdelay $0x4  }
0x4b7: {  	[tilespmem:s23+$0x1D4E8] =	vst v33  }
0x4b8: {  	v33 =	vld [tilespmem:s5+$0x0];
	_ =	sdelay $0x4  }
0x4b9: {  	[tilespmem:s23+$0x1C4D8] =	vst v33  }
0x4ba: {  	v33 =	vld [tilespmem:s7+$0x0];
	_ =	sdelay $0x4  }
0x4bb: {  	[tilespmem:s23+$0x1D4F8] =	vst v33  }
0x4bc: {  	v33 =	vld [tilespmem:s5+$0x10];
	_ =	sdelay $0x4  }
0x4bd: {  	[tilespmem:s23+$0x1C4E8] =	vst v33  }
0x4be: {  	v33 =	vld [tilespmem:s7+$0x10];
	_ =	sdelay $0x4  }
0x4bf: {  	[tilespmem:s23+$0x1D508] =	vst v33  }
0x4c0: {  	v33 =	vld [tilespmem:s5+$0x20];
	_ =	sdelay $0x4  }
0x4c1: {  	[tilespmem:s23+$0x1C4F8] =	vst v33  }
0x4c2: {  	v33 =	vld [tilespmem:s7+$0x20];
	_ =	sdelay $0x4  }
0x4c3: {  	[tilespmem:s23+$0x1D518] =	vst v33  }
0x4c4: {  	v33 =	vld [tilespmem:s5+$0x30];
	_ =	sdelay $0x4  }
0x4c5: {  	[tilespmem:s23+$0x1C508] =	vst v33  }
0x4c6: {  	v33 =	vld [tilespmem:s7+$0x30]  }
0x4c7: {  	v34 =	vadd.s32 s2, v9;
	_ =	sdelay $0x1  }
0x4c8: {  	v35 =	vadd.s32 s2, v8;
	_ =	sdelay $0x1  }
0x4c9: {  	v62 =	vadd.s32 s2, v7;
	[tilespmem:s23+$0x1D528] =	vst v33  }
0x4ca: {  	v37 =	vld.idx.msk [tilespmem:v34+s25+$0x0], $0xffff  }
0x4cb: {  	v38 =	vadd.s32 s2, v6;
	v39 =	vld.idx.msk [tilespmem:v34+s26+$0x0], $0xffff  }
0x4cc: {  	v36 =	vld.idx.msk [tilespmem:v35+s25+$0x0], $0xffff  }
0x4cd: {  	v63 =	vadd.s32 s2, v4;
	v40 =	vld.idx.msk [tilespmem:v35+s26+$0x0], $0xffff  }
0x4ce: {  	v43 =	vld.idx.msk [tilespmem:v62+s25+$0x0], $0xffff  }
0x4cf: {  	v52 =	vadd.s32 s2, v3;
	v47 =	vld.idx.msk [tilespmem:v62+s26+$0x0], $0xffff  }
0x4d0: {  	v44 =	vld.idx.msk [tilespmem:v38+s25+$0x0], $0xffff  }
0x4d1: {  	v53 =	vadd.s32 s2, v2;
	v48 =	vld.idx.msk [tilespmem:v38+s26+$0x0], $0xffff  }
0x4d2: {  	v54 =	vadd.s32 s2, v0;
	v41 =	vimm.f32 $0.0e+00;
	v42 =	vimm.f32 $0.0e+00;
	v49 =	vld.idx.msk [tilespmem:v63+s25+$0x0], $0xffff  }
0x4d3: {  	v46 =	vimm.f32 $0.0e+00;
	v45 =	vimm.f32 $0.0e+00;
	v33 =	vimm.f32 $0.0e+00;
	v50 =	vld.idx.msk [tilespmem:v63+s26+$0x0], $0xffff  }
0x4d4: {  	s2 =	simm.s32 $0x1;
	v35 =	vimm.f32 $0.0e+00;
	v34 =	vimm.f32 $0.0e+00;
	v38 =	vimm.f32 $0.0e+00;
	v51 =	vld.idx.msk [tilespmem:v52+s25+$0x0], $0xffff  }
.LBB2_18:
0x4d5: {  	v55 =	vadd.s32 s2, v9;
	p2 =	sne.s32 s2, $0xF;
	v52 =	vld.idx.msk [tilespmem:v52+s26+$0x0], $0xffff  }
0x4d6: {  	v56 =	vld.idx.msk [tilespmem:v53+s25+$0x0], $0xffff  }
0x4d7: {  	v57 =	vadd.s32 s2, v8;
	v53 =	vld.idx.msk [tilespmem:v53+s26+$0x0], $0xffff  }
0x4d8: {  	v58 =	vld.idx.msk [tilespmem:v54+s25+$0x0], $0xffff  }
0x4d9: {  	v59 =	vadd.s32 s2, v7;
	v54 =	vld.idx.msk [tilespmem:v54+s26+$0x0], $0xffff  }
0x4da: {  	v60 =	vmul.f32 v39, v37;
	v37 =	vld.idx.msk [tilespmem:v55+s25+$0x0], $0xffff  }
0x4db: {  	v61 =	vadd.s32 s2, v6;
	v43 =	vmul.f32 v47, v43;
	v47 =	vmul.f32 v40, v36;
	v39 =	vld.idx.msk [tilespmem:v55+s26+$0x0], $0xffff  }
0x4dc: {  	v44 =	vmul.f32 v48, v44;
	v33 =	vadd.f32 v60, v33;
	v36 =	vld.idx.msk [tilespmem:v57+s25+$0x0], $0xffff  }
0x4dd: {  	v35 =	vadd.f32 v43, v35;
	v34 =	vadd.f32 v47, v34;
	v55 =	vadd.s32 s2, v4;
	v40 =	vld.idx.msk [tilespmem:v57+s26+$0x0], $0xffff  }
0x4de: {  	v49 =	vmul.f32 v50, v49;
	v38 =	vadd.f32 v44, v38;
	v48 =	vmul.f32 v52, v51;
	v43 =	vld.idx.msk [tilespmem:v59+s25+$0x0], $0xffff  }
0x4df: {  	v52 =	vadd.s32 s2, v3;
	v51 =	vmul.f32 v53, v56;
	v50 =	vmul.f32 v54, v58;
	v47 =	vld.idx.msk [tilespmem:v59+s26+$0x0], $0xffff  }
.Ltmp22:
0x4e0: {  	v42 =	vadd.f32 v49, v42;
	v41 =	vadd.f32 v48, v41;
	v44 =	vld.idx.msk [tilespmem:v61+s25+$0x0], $0xffff;
	(pc) =	sbr.rel @p2 .LBB2_18-.Ltmp22, $4  }
0x4e1: {  	v53 =	vadd.s32 s2, v2;
	v45 =	vadd.f32 v51, v45;
	v46 =	vadd.f32 v50, v46;
	v48 =	vld.idx.msk [tilespmem:v61+s26+$0x0], $0xffff  }
0x4e2: {  	v49 =	vld.idx.msk [tilespmem:v55+s25+$0x0], $0xffff  }
0x4e3: {  	v54 =	vadd.s32 s2, v0;
	v50 =	vld.idx.msk [tilespmem:v55+s26+$0x0], $0xffff  }
0x4e4: {  	s2 =	sadd.s32 $0x1, s2;
	v51 =	vld.idx.msk [tilespmem:v52+s25+$0x0], $0xffff  }
0x4e5: {  	_ =	sdelay $0x3  }
0x4e6: {  	v55 =	vld.idx.msk [tilespmem:v53+s25+$0x0], $0xffff  }
0x4e7: {  	v56 =	vld.idx.msk [tilespmem:v54+s25+$0x0], $0xffff  }
0x4e8: {  	v59 =	vld.idx.msk [tilespmem:v54+s26+$0x0], $0xffff  }
0x4e9: {  	v60 =	vld.idx.msk [tilespmem:v53+s26+$0x0], $0xffff  }
0x4ea: {  	v52 =	vld.idx.msk [tilespmem:v52+s26+$0x0], $0xffff  }
0x4eb: {  	v43 =	vmul.f32 v47, v43;
	v36 =	vmul.f32 v40, v36  }
0x4ec: {  	v37 =	vmul.f32 v39, v37;
	v48 =	vmul.f32 v48, v44  }
0x4ed: {  	v35 =	vadd.f32 v43, v35;
	v34 =	vadd.f32 v36, v34;
	v54 =	vmul.f32 v59, v56  }
0x4ee: {  	v33 =	vadd.f32 v37, v33;
	v62 =	vmul.f32 v50, v49;
	v53 =	vmul.f32 v60, v55  }
0x4ef: {  	v38 =	vadd.f32 v48, v38;
	v61 =	vmul.f32 v52, v51;
	v46 =	vadd.f32 v54, v46  }
0x4f0: {  	v35 =	vmul.f32 $2.500000000e-01, v35;
	v34 =	vmul.f32 $2.500000000e-01, v34;
	v45 =	vadd.f32 v53, v45  }
0x4f1: {  	v33 =	vmul.f32 $2.500000000e-01, v33;
	v39 =	vadd.f32 v61, v41;
	v63 =	vmul.f32 $2.500000000e-01, v46  }
0x4f2: {  	v42 =	vadd.f32 v62, v42;
	v51 =	vmul.f32 $2.500000000e-01, v38;
	v49 =	vmul.f32 $2.500000000e-01, v45  }
0x4f3: {  	v39 =	vmul.f32 $2.500000000e-01, v39;
	v40 =	vmul.f32 $1.442695020e+00, v63  }
0x4f4: {  	v42 =	vmul.f32 $2.500000000e-01, v42;
	v44 =	vmul.f32 $1.442695020e+00, v49  }
0x4f5: {  	v39 =	vmul.f32 $1.442695020e+00, v39;
	(erf) = vpow2.f32 v40  }
0x4f6: {  	v50 =	vmul.f32 $1.442695020e+00, v42;
	(erf) = vpow2.f32 v44  }
0x4f7: {  	v36 =	vmul.f32 $1.442695020e+00, v51;
	(erf) = vpow2.f32 v39  }
0x4f8: {  	v35 =	vmul.f32 $1.442695020e+00, v35;
	(erf) = vpow2.f32 v50  }
0x4f9: {  	v34 =	vmul.f32 $1.442695020e+00, v34;
	(erf) = vpow2.f32 v36  }
0x4fa: {  	v33 =	vmul.f32 $1.442695020e+00, v33;
	(erf) = vpow2.f32 v35  }
0x4fb: {  	(erf) = vpow2.f32 v34  }
0x4fc: {  	(erf) = vpow2.f32 v33;
	_ =	sdelay $0x1  }
0x4fd: {  	v52 =	vpop (erf)  }
0x4fe: {  	v53 =	vpop (erf);
	[tilespmem:v5+s30+$0x0] =	vst.idx.msk $0xffff, v52  }
0x4ff: {  	v54 =	vpop (erf);
	[tilespmem:v10+s30+$0x0] =	vst.idx.msk $0xffff, v53  }
0x500: {  	s2 =	simm.s32 $0x0;
	v55 =	vpop (erf);
	[tilespmem:v11+s30+$0x0] =	vst.idx.msk $0xffff, v54  }
0x501: {  	v57 =	vadd.s32 s2, v24;
	v56 =	vpop (erf);
	[tilespmem:v12+s30+$0x0] =	vst.idx.msk $0xffff, v55  }
0x502: {  	v35 =	vpop (erf);
	[tilespmem:v13+s30+$0x0] =	vst.idx.msk $0xffff, v56  }
0x503: {  	v59 =	vadd.s32 s2, v23;
	v58 =	vpop (erf);
	[tilespmem:v14+s30+$0x0] =	vst.idx.msk $0xffff, v35  }
0x504: {  	[tilespmem:v15+s30+$0x0] =	vst.idx.msk $0xffff, v58;
	v60 =	vpop (erf)  }
0x505: {  	v61 =	vadd.s32 s2, v22;
	[tilespmem:v16+s30+$0x0] =	vst.idx.msk $0xffff, v60  }
0x506: {  	v37 =	vld.idx.msk [tilespmem:v57+s25+$0x0], $0xffff  }
0x507: {  	v62 =	vadd.s32 s2, v21;
	v39 =	vld.idx.msk [tilespmem:v57+s26+$0x0], $0xffff  }
0x508: {  	v36 =	vld.idx.msk [tilespmem:v59+s25+$0x0], $0xffff  }
0x509: {  	v63 =	vadd.s32 s2, v20;
	v40 =	vld.idx.msk [tilespmem:v59+s26+$0x0], $0xffff  }
0x50a: {  	v43 =	vld.idx.msk [tilespmem:v61+s25+$0x0], $0xffff  }
0x50b: {  	v52 =	vadd.s32 s2, v19;
	v47 =	vld.idx.msk [tilespmem:v61+s26+$0x0], $0xffff  }
0x50c: {  	v44 =	vld.idx.msk [tilespmem:v62+s25+$0x0], $0xffff  }
0x50d: {  	v53 =	vadd.s32 s2, v18;
	v48 =	vld.idx.msk [tilespmem:v62+s26+$0x0], $0xffff  }
0x50e: {  	v38 =	vimm.f32 $0.0e+00;
	v41 =	vimm.f32 $0.0e+00;
	v42 =	vimm.f32 $0.0e+00;
	v49 =	vld.idx.msk [tilespmem:v63+s25+$0x0], $0xffff  }
0x50f: {  	v46 =	vimm.f32 $0.0e+00;
	v45 =	vimm.f32 $0.0e+00;
	v54 =	vadd.s32 s2, v17;
	v50 =	vld.idx.msk [tilespmem:v63+s26+$0x0], $0xffff  }
0x510: {  	s6 =	simm.s32 $0x16038;
	v34 =	vimm.f32 $0.0e+00;
	v33 =	vimm.f32 $0.0e+00;
	s2 =	simm.s32 $0x1;
	v35 =	vimm.f32 $0.0e+00;
	v51 =	vld.idx.msk [tilespmem:v52+s25+$0x0], $0xffff  }
.LBB2_20:
0x511: {  	v55 =	vadd.s32 s2, v24;
	p2 =	sne.s32 s2, $0xF;
	v52 =	vld.idx.msk [tilespmem:v52+s26+$0x0], $0xffff  }
0x512: {  	v56 =	vld.idx.msk [tilespmem:v53+s25+$0x0], $0xffff  }
0x513: {  	v57 =	vadd.s32 s2, v23;
	v53 =	vld.idx.msk [tilespmem:v53+s26+$0x0], $0xffff  }
0x514: {  	v58 =	vld.idx.msk [tilespmem:v54+s25+$0x0], $0xffff  }
0x515: {  	v59 =	vadd.s32 s2, v22;
	v54 =	vld.idx.msk [tilespmem:v54+s26+$0x0], $0xffff  }
0x516: {  	v60 =	vmul.f32 v39, v37;
	v37 =	vld.idx.msk [tilespmem:v55+s25+$0x0], $0xffff  }
0x517: {  	v61 =	vadd.s32 s2, v21;
	v43 =	vmul.f32 v47, v43;
	v47 =	vmul.f32 v40, v36;
	v39 =	vld.idx.msk [tilespmem:v55+s26+$0x0], $0xffff  }
0x518: {  	v44 =	vmul.f32 v48, v44;
	v33 =	vadd.f32 v60, v33;
	v36 =	vld.idx.msk [tilespmem:v57+s25+$0x0], $0xffff  }
0x519: {  	v35 =	vadd.f32 v43, v35;
	v34 =	vadd.f32 v47, v34;
	v55 =	vadd.s32 s2, v20;
	v40 =	vld.idx.msk [tilespmem:v57+s26+$0x0], $0xffff  }
0x51a: {  	v49 =	vmul.f32 v50, v49;
	v38 =	vadd.f32 v44, v38;
	v48 =	vmul.f32 v52, v51;
	v43 =	vld.idx.msk [tilespmem:v59+s25+$0x0], $0xffff  }
0x51b: {  	v52 =	vadd.s32 s2, v19;
	v51 =	vmul.f32 v53, v56;
	v50 =	vmul.f32 v54, v58;
	v47 =	vld.idx.msk [tilespmem:v59+s26+$0x0], $0xffff  }
.Ltmp23:
0x51c: {  	v42 =	vadd.f32 v49, v42;
	v41 =	vadd.f32 v48, v41;
	v44 =	vld.idx.msk [tilespmem:v61+s25+$0x0], $0xffff;
	(pc) =	sbr.rel @p2 .LBB2_20-.Ltmp23, $4  }
0x51d: {  	v53 =	vadd.s32 s2, v18;
	v45 =	vadd.f32 v51, v45;
	v46 =	vadd.f32 v50, v46;
	v48 =	vld.idx.msk [tilespmem:v61+s26+$0x0], $0xffff  }
0x51e: {  	v49 =	vld.idx.msk [tilespmem:v55+s25+$0x0], $0xffff  }
0x51f: {  	v54 =	vadd.s32 s2, v17;
	v50 =	vld.idx.msk [tilespmem:v55+s26+$0x0], $0xffff  }
0x520: {  	s2 =	sadd.s32 $0x1, s2;
	v51 =	vld.idx.msk [tilespmem:v52+s25+$0x0], $0xffff  }
0x521: {  	_ =	sdelay $0x3  }
0x522: {  	v55 =	vld.idx.msk [tilespmem:v53+s25+$0x0], $0xffff  }
0x523: {  	v56 =	vld.idx.msk [tilespmem:v54+s25+$0x0], $0xffff  }
0x524: {  	v61 =	vld.idx.msk [tilespmem:v54+s26+$0x0], $0xffff  }
0x525: {  	v62 =	vld.idx.msk [tilespmem:v53+s26+$0x0], $0xffff  }
0x526: {  	v52 =	vld.idx.msk [tilespmem:v52+s26+$0x0], $0xffff;
	v43 =	vmul.f32 v47, v43  }
0x527: {  	v36 =	vmul.f32 v40, v36  }
0x528: {  	v37 =	vmul.f32 v39, v37;
	v35 =	vadd.f32 v43, v35  }
0x529: {  	v34 =	vadd.f32 v36, v34;
	v50 =	vmul.f32 v50, v49;
	v54 =	vmul.f32 v61, v56  }
0x52a: {  	v33 =	vadd.f32 v37, v33;
	v35 =	vmul.f32 $2.500000000e-01, v35;
	v53 =	vmul.f32 v62, v55  }
0x52b: {  	v34 =	vmul.f32 $2.500000000e-01, v34;
	v63 =	vmul.f32 v52, v51;
	v46 =	vadd.f32 v54, v46  }
0x52c: {  	v52 =	vmul.f32 v48, v44;
	v42 =	vadd.f32 v50, v42;
	v45 =	vadd.f32 v53, v45  }
0x52d: {  	v33 =	vmul.f32 $2.500000000e-01, v33;
	v39 =	vadd.f32 v63, v41;
	v51 =	vmul.f32 $2.500000000e-01, v46  }
0x52e: {  	v42 =	vmul.f32 $2.500000000e-01, v42;
	v38 =	vadd.f32 v52, v38;
	v53 =	vmul.f32 $2.500000000e-01, v45  }
0x52f: {  	v39 =	vmul.f32 $2.500000000e-01, v39;
	v40 =	vmul.f32 $1.442695020e+00, v51  }
0x530: {  	v55 =	vmul.f32 $2.500000000e-01, v38;
	v44 =	vmul.f32 $1.442695020e+00, v53  }
0x531: {  	v39 =	vmul.f32 $1.442695020e+00, v39;
	(erf) = vpow2.f32 v40  }
0x532: {  	v54 =	vmul.f32 $1.442695020e+00, v42;
	(erf) = vpow2.f32 v44  }
0x533: {  	v36 =	vmul.f32 $1.442695020e+00, v55;
	(erf) = vpow2.f32 v39  }
0x534: {  	v35 =	vmul.f32 $1.442695020e+00, v35;
	(erf) = vpow2.f32 v54  }
0x535: {  	v34 =	vmul.f32 $1.442695020e+00, v34;
	(erf) = vpow2.f32 v36  }
0x536: {  	v33 =	vmul.f32 $1.442695020e+00, v33;
	(erf) = vpow2.f32 v35  }
0x537: {  	(erf) = vpow2.f32 v34  }
0x538: {  	(erf) = vpow2.f32 v33;
	_ =	sdelay $0x1  }
0x539: {  	v56 =	vpop (erf)  }
0x53a: {  	v57 =	vpop (erf);
	[tilespmem:v25+s30+$0x0] =	vst.idx.msk $0xffff, v56  }
0x53b: {  	v58 =	vpop (erf);
	[tilespmem:v26+s30+$0x0] =	vst.idx.msk $0xffff, v57  }
0x53c: {  	v59 =	vpop (erf);
	[tilespmem:v27+s30+$0x0] =	vst.idx.msk $0xffff, v58  }
0x53d: {  	v60 =	vpop (erf);
	[tilespmem:v28+s30+$0x0] =	vst.idx.msk $0xffff, v59  }
0x53e: {  	v61 =	vpop (erf);
	[tilespmem:v29+s30+$0x0] =	vst.idx.msk $0xffff, v60  }
0x53f: {  	v62 =	vpop (erf);
	[tilespmem:v30+s30+$0x0] =	vst.idx.msk $0xffff, v61  }
0x540: {  	[tilespmem:v31+s30+$0x0] =	vst.idx.msk $0xffff, v62;
	v63 =	vpop (erf)  }
0x541: {  	[tilespmem:v32+s30+$0x0] =	vst.idx.msk $0xffff, v63  }
0x542: {  	_ =	swait.ge [sflag:s1], $0x1000  }
0x543: {  	[sflag:s1] =	ssyncset.done $0x0  }
0x544: {  	[sflag:s1] =	ssyncadd.s32 $0xFFFFF000  }
0x545: {  	_ =	swait.ge [sflag:s1], $0x200  }
0x546: {  	s2 =	simm.s32 @!p1 $0x20;
	s3 =	simm.s32 @!p1 $0x15FD8;
	[sflag:s1] =	ssyncset.done $0x0  }
0x547: {  	s4 =	simm.s32 @!p1 $0x1A098;
	s5 =	rddreg [dreg:$0x6];
	[sflag:s1] =	ssyncadd.s32 $0xFFFFFE00  }
0x548: {  	[tilespmem:s4], [sflag:$0x3] =	stream.indirect.gather @!p1 [hbm4b:s5+s2], $0x80, s3, s2, $0xb8;
	[tilespmem:$0x1E4D8] =	vst v63  }
0x549: {  	_ =	swait.ge [sflag:s20], $0x1000  }
0x54a: {  	[sflag:s20] =	ssyncset.done $0x0  }
0x54b: {  	s2 =	simm.s32 $0x1B0D8;
	[sflag:s20] =	ssyncadd.s32 $0xFFFFF000  }
0x54c: {  	s5 =	simm.s32 $0x0;
	s4 =	simm.s32 $0x40;
	s3 =	simm.s32 $0x1B0D8;
	v33 =	vld [tilespmem:s2+$0xFFFFFFF0]  }
.LBB2_22:
0x54d: {  	p2 =	sne.s32 s4, $0x7C0;
	v34 =	vld [tilespmem:s5+$0x1C298]  }
0x54e: {  	v35 =	vld [tilespmem:s2+$0xFFFFFFD0]  }
0x54f: {  	v36 =	vld [tilespmem:s2+$0xFFFFFFC0]  }
0x550: {  	v37 =	vld [tilespmem:s2+$0xFFFFFFE0]  }
0x551: {  	v38 =	vld [tilespmem:s2+$0x30]  }
0x552: {  	v39 =	vbroadcast v34, $0x0;
	v40 =	vbroadcast v34, $0x1;
	v41 =	vld [tilespmem:s2+$0x10]  }
0x553: {  	v42 =	vbroadcast v34, $0x2;
	v43 =	vbroadcast v34, $0x3;
	v44 =	vld [tilespmem:s2+$0x0]  }
0x554: {  	v36 =	vmul.f32 v39, v36;
	v35 =	vmul.f32 v35, v40;
	v39 =	vld [tilespmem:s2+$0x20]  }
0x555: {  	v33 =	vmul.f32 v33, v43;
	v37 =	vmul.f32 v37, v42  }
0x556: {  	v40 =	vbroadcast v34, $0x5;
	[tilespmem:s2+$0xFFFFFFC0] =	vst v36;
	v36 =	vbroadcast v34, $0x4  }
0x557: {  	[tilespmem:s2+$0xFFFFFFD0] =	vst v35;
	v35 =	vbroadcast v34, $0x6;
	v34 =	vbroadcast v34, $0x7  }
0x558: {  	[tilespmem:s2+$0xFFFFFFE0] =	vst v37;
	v36 =	vmul.f32 v44, v36;
	v37 =	vmul.f32 v41, v40  }
.Ltmp24:
0x559: {  	[tilespmem:s2+$0xFFFFFFF0] =	vst v33;
	v33 =	vmul.f32 v39, v35;
	v34 =	vmul.f32 v38, v34;
	(pc) =	sbr.rel @p2 .LBB2_22-.Ltmp24, $4  }
0x55a: {  	[tilespmem:s2+$0x0] =	vst v36  }
0x55b: {  	[tilespmem:s2+$0x10] =	vst v37  }
0x55c: {  	s2 =	sadd.s32 $0x80, s2;
	[tilespmem:s3+$0x20] =	vst v33  }
0x55d: {  	s5 =	sshra.s32 s4, $0x2;
	s4 =	sadd.s32 $0x40, s4;
	v33 =	vld [tilespmem:s2+$0xFFFFFFF0];
	[tilespmem:s3+$0x30] =	vst v34;
	s3 =	smov.u32 s2  }
0x55e: {  	v34 =	vld [tilespmem:s5+$0x1C298];
	_ =	sdelay $0x1  }
0x55f: {  	v35 =	vld [tilespmem:s2+$0xFFFFFFC0]  }
0x560: {  	v36 =	vld [tilespmem:s2+$0xFFFFFFD0]  }
0x561: {  	v37 =	vld [tilespmem:s2+$0xFFFFFFE0]  }
0x562: {  	v38 =	vbroadcast v34, $0x0  }
0x563: {  	v41 =	vld [tilespmem:s2+$0x10];
	v39 =	vbroadcast v34, $0x1  }
0x564: {  	v40 =	vld [tilespmem:s2+$0x0];
	v42 =	vbroadcast v34, $0x2;
	v35 =	vmul.f32 v38, v35  }
0x565: {  	v58 =	vld [tilespmem:s2+$0x20];
	v57 =	vbroadcast v34, $0x3;
	v36 =	vmul.f32 v36, v39  }
0x566: {  	v43 =	vld [tilespmem:s2+$0x30];
	v60 =	vbroadcast v34, $0x5;
	v37 =	vmul.f32 v37, v42;
	[tilespmem:s2+$0xFFFFFFC0] =	vst v35  }
0x567: {  	v59 =	vbroadcast v34, $0x4;
	v33 =	vmul.f32 v33, v57;
	[tilespmem:s2+$0xFFFFFFD0] =	vst v36  }
0x568: {  	v61 =	vbroadcast v34, $0x6;
	v62 =	vmul.f32 v41, v60;
	[tilespmem:s2+$0xFFFFFFE0] =	vst v37  }
0x569: {  	v34 =	vbroadcast v34, $0x7;
	v35 =	vmul.f32 v40, v59;
	[tilespmem:s2+$0xFFFFFFF0] =	vst v33  }
0x56a: {  	v63 =	vmul.f32 v58, v61;
	[tilespmem:s2+$0x10] =	vst v62  }
0x56b: {  	v34 =	vmul.f32 v43, v34;
	[tilespmem:s2+$0x0] =	vst v35  }
0x56c: {  	[tilespmem:s3+$0x20] =	vst v63  }
0x56d: {  	[tilespmem:s3+$0x30] =	vst v34  }
0x56e: {  	v33 =	vld [tilespmem:$0x16038]  }
0x56f: {  	v34 =	vld [tilespmem:$0x16048];
	_ =	sdelay $0x3  }
.Ltmp25:
0x570: {  	[tilespmem:$0x16078] =	vst v33;
	(pc) =	sbr.rel @p1 .LBB2_24-.Ltmp25, $4  }
0x571: {  	[tilespmem:$0x16088] =	vst v34  }
0x572: {  	[spmem:s9] =	stream.indirect.scatter.add.f32 [tilespmem:s28], [sflag:$0x6], $0x80, s21, s10, $0xb8;
	[tilespmem:$0x1E4D8] =	vst v63  }
0x573: {  	_ = 	snop  }
0x574: {  	[spmem:s18] =	stream.indirect.scatter.add.f32 [tilespmem:s30], [sflag:$0x6], $0x10, s21, s10, $0xb8;
	[tilespmem:$0x1E4D8] =	vst v63  }
0x575: {  	s2 =	sshll.u32 s24, $0x6;
	s3 =	rddreg [dreg:$0x15]  }
0x576: {  	s2 =	sadd.s32 s2, s3  }
.Ltmp26:
0x577: {  	s2 =	sshrl.u32 s2, $0x3;
	(pc) =	sbr.rel .LBB2_7-.Ltmp26, $4  }
0x578: {  	s4 =	simm.s32 $0x0;
	s23 =	sadd.s32 s11, s2  }
0x579: {  	[tilespmem:s17], [sflag:$0x8] =	stream.linear.gather [hbm4b:s23+s4], $0x20, $0x38;
	[tilespmem:$0x1E4D8] =	vst v63  }
0x57a: {  	s24 =	sadd.s32 $0x1, s24;
	s2 =	sadd.s32 s12, s2  }
0x57b: {  	[tilespmem:s6], [sflag:$0x8] =	stream.linear.gather [hbm4b:s2+s4], $0x20, $0x38;
	[tilespmem:$0x1E4D8] =	vst v63  }
.LBB2_24:
.Ltmp27:
0x57c: {  	(pc) =	sbr.rel .LBB2_49-.Ltmp27, $4  }
0x57d: {  	_ = 	snop  }
0x57e: {  	s3 =	rddreg [dreg:$0xa]  }
0x57f: {  	s2 =	rddreg [dreg:$0xb]  }
0x580: {  	s7 =	rddreg [dreg:$0x1c]  }
.LBB2_50:
0x581: {  	_ =	sfence.sel $0x180000  }
0x582: {  	[bflag:$0x0] =	sbarrier.arrive $0xFFFF  }
0x583: {  	_ =	strace $0x90000047  }
0x584: {  	s0 =	stileid.u32;
	[bflag:$0x2] =	sbarrier.arrive $0xFFFF  }
0x585: {  	p0 =	sne.s32 s0, $0x0;
	s0 =	rddreg [dreg:$0x4]  }
0x586: {  	s0 =	sadd.s32 @!p0 $0x100000, s0  }
0x587: {  	[sflag:s0] =	ssyncadd.tile.s32 @!p0 $0x1;
	_ =	shalt  }
.Lfunc_end2:
_tile_overlayer_lowered:
.L_overlay_start_2:
0x588: {  	(tag) =	ssettag $0x2  }
0x589: {  	s0 =	rddreg [dreg:$0x0];
	s2 =	stileid.u32  }
0x58a: {  	s1 =	rddreg [dreg:$0x1];
	p0 =	sne.s32 s2, $0x0  }
0x58b: {  	s3 =	rddreg [dreg:$0x2];
	[bflag:$0x3] =	sbarrier.arrive $0xFFFF;
	s2 =	simm.s32 @!p0 $0x1C09  }
0x58c: {  	[timem:s3], [sflag:s2] =	dma.local @!p0 [hbm:s0], s1  }
0x58d: {  	s0 =	simm.s32 @!p0 $0x9  }
0x58e: {  	_ =	swait.ge @!p0 [sflag:s0], s1  }
0x58f: {  	s1 =	ssub.s32 @!p0 $0x0, s1;
	[sflag:s0] =	ssyncset.done @!p0 $0x0  }
0x590: {  	[sflag:s0] =	ssyncadd.s32 @!p0 s1  }
0x591: {  	[bflag:$0x3] =	sbarrier.arrive $0xFFFF  }
0x592: {  	_ =	shalt  }

</sc_bundles>
